<compile_context>
chip_gen: v7x
topology: tpu7x:2x2x1
jax: 0.10.2.dev20260603
libtpu: 0.0.44.dev20260713+nightly
codegen_flags: <defaults>
</compile_context>

<pallas_src>
import functools

import jax
import jax.numpy as jnp
from jax import lax
from jax.experimental import pallas as pl
from jax.experimental.pallas import tpu as pltpu
from jax.experimental.pallas import tpu_sc as plsc

NSC = 2
NTILE = 16
CH = 128
DCH = 128


def _iota16():
    return lax.iota(jnp.int32, 16)


def _sc_deg_body(E_pad, N, rows_hbm, zeros_hbm, ones_hbm, deg_hbm,
                 acc, ib, ones_v):
    cid = lax.axis_index("c")
    sid = lax.axis_index("s")
    half = N // 2
    base = cid * half
    acc_rows = acc.shape[0]
    zch = acc_rows // NTILE

    pltpu.sync_copy(zeros_hbm.at[pl.ds(0, zch)],
                    acc.at[pl.ds(sid * zch, zch)])
    pltpu.sync_copy(ones_hbm, ones_v)
    plsc.subcore_barrier()

    per_tile = E_pad // NTILE
    nch = per_tile // DCH
    tbase = sid * per_tile

    @pl.loop(0, nch)
    def _(k):
        off = tbase + k * DCH
        pltpu.sync_copy(rows_hbm.at[pl.ds(off, DCH)], ib)
        for j in range(DCH // 16):
            sl = pl.ds(j * 16, 16)
            r = ib[sl]
            keep = (r >= base) & (r < base + half)
            ib[sl] = jnp.where(keep, r - base, -1)
        pltpu.sync_copy(
            ones_v, acc.at[plsc.Indices(ib, ignored_value=-1)], add=True)

    plsc.subcore_barrier()

    per = half // NTILE
    lastn = half - (NTILE - 1) * per

    @pl.when(sid < NTILE - 1)
    def _():
        pltpu.sync_copy(acc.at[pl.ds(sid * per, per)],
                        deg_hbm.at[pl.ds(base + sid * per, per)])

    @pl.when(sid == NTILE - 1)
    def _():
        pltpu.sync_copy(
            acc.at[pl.ds((NTILE - 1) * per, lastn)],
            deg_hbm.at[pl.ds(base + (NTILE - 1) * per, lastn)])


DEG_TRASH = 0


def _sc_deg_call(rows_p, zeros128, ones_d, N):
    E_pad = rows_p.shape[0]
    half = N // 2
    acc_rows = ((half + NTILE * 8 - 1) // (NTILE * 8)) * (NTILE * 8)
    mesh = plsc.VectorSubcoreMesh(core_axis_name="c", subcore_axis_name="s")
    f = pl.kernel(
        functools.partial(_sc_deg_body, E_pad, N),
        out_type=jax.ShapeDtypeStruct((N, 128), jnp.float32),
        mesh=mesh,
        scratch_types=[
            pltpu.VMEM_SHARED((acc_rows, 128), jnp.float32),
            pltpu.VMEM((DCH,), jnp.int32),
            pltpu.VMEM((DCH, 128), jnp.float32),
        ],
    )
    return f(rows_p, zeros128, ones_d)


CHE = 64
SC_TRASH = 0


def _sc_scatter_body(N, E_pad, rows_hbm, cols_hbm, z2_hbm, zeros_hbm,
                     s2_hbm, acc, cr0, cr1, gl0, gl1, sl0, sl1, gb0, gb1,
                     sem0, sem1):
    cid = lax.axis_index("c")
    sid = lax.axis_index("s")
    half = N // 2
    base_c = cid * half
    acc_rows = acc.shape[0]
    zch = acc_rows // NTILE
    nsub = 2 * half

    pltpu.sync_copy(zeros_hbm.at[pl.ds(0, zch)],
                    acc.at[pl.ds(sid * zch, zch)])
    plsc.subcore_barrier()

    per_tile = E_pad // NTILE
    nch = per_tile // CHE
    tbase = sid * per_tile

    def load_idx(k, cr, gl, sl):
        off = tbase + k * CHE
        pltpu.sync_copy(cols_hbm.at[pl.ds(off, CHE)], cr)
        for j in range(CHE // 16):
            c = cr[pl.ds(j * 16, 16)]
            keep = (c >= base_c) & (c < base_c + half)
            lc2 = (c - base_c) * 2
            sl[pl.ds(j * 32, 16)] = jnp.where(keep, lc2, -1)
            sl[pl.ds(j * 32 + 16, 16)] = jnp.where(keep, lc2 + 1, -1)
        pltpu.sync_copy(rows_hbm.at[pl.ds(off, CHE)], cr)
        for j in range(CHE // 16):
            keep = sl[pl.ds(j * 32, 16)] >= 0
            r = cr[pl.ds(j * 16, 16)]
            r2 = r * 2
            gl[pl.ds(j * 32, 16)] = jnp.where(keep, r2, -1)
            gl[pl.ds(j * 32 + 16, 16)] = jnp.where(keep, r2 + 1, -1)

    def fire(gl, gb, sem):
        pltpu.async_copy(
            z2_hbm.at[plsc.Indices(gl, ignored_value=-1)], gb, sem)

    def drain(gl, gb, sem):
        pltpu.make_async_copy(
            z2_hbm.at[plsc.Indices(gl, ignored_value=-1)], gb, sem).wait()

    bufs = ((cr0, gl0, sl0, gb0, sem0), (cr1, gl1, sl1, gb1, sem1))

    load_idx(0, cr0, gl0, sl0)
    fire(gl0, gb0, sem0)

    @pl.loop(0, nch, step=2)
    def _(k2):
        for b in range(2):
            k = k2 + b
            cr_c, gl_c, sl_c, gb_c, sem_c = bufs[b]
            cr_n, gl_n, sl_n, gb_n, sem_n = bufs[1 - b]
            kn = jnp.minimum(k + 1, nch - 1)
            load_idx(kn, cr_n, gl_n, sl_n)
            fire(gl_n, gb_n, sem_n)
            drain(gl_c, gb_c, sem_c)
            pltpu.sync_copy(
                gb_c, acc.at[plsc.Indices(sl_c, ignored_value=-1)], add=True)

    drain(gl0, gb0, sem0)

    plsc.subcore_barrier()

    per = nsub // NTILE
    per = (per // 8) * 8
    lastn = nsub - (NTILE - 1) * per

    @pl.when(sid < NTILE - 1)
    def _():
        pltpu.sync_copy(
            acc.at[pl.ds(sid * per, per)],
            s2_hbm.at[pl.ds(cid * nsub + sid * per, per)])

    @pl.when(sid == NTILE - 1)
    def _():
        pltpu.sync_copy(
            acc.at[pl.ds((NTILE - 1) * per, lastn)],
            s2_hbm.at[pl.ds(cid * nsub + (NTILE - 1) * per, lastn)])


def _sc_scatter_call(rows_p, cols_p, z, zeros128):
    E_pad = rows_p.shape[0]
    N, D = z.shape
    z2 = z.reshape(2 * N, 128)
    half = N // 2
    acc_rows = ((2 * half + NTILE * 8 - 1) // (NTILE * 8)) * (NTILE * 8)
    mesh = plsc.VectorSubcoreMesh(core_axis_name="c", subcore_axis_name="s")
    f = pl.kernel(
        functools.partial(_sc_scatter_body, N, E_pad),
        out_type=jax.ShapeDtypeStruct((2 * N, 128), jnp.float32),
        mesh=mesh,
        scratch_types=[
            pltpu.VMEM_SHARED((acc_rows, 128), jnp.float32),
            pltpu.VMEM((CHE,), jnp.int32),
            pltpu.VMEM((CHE,), jnp.int32),
            pltpu.VMEM((2 * CHE,), jnp.int32),
            pltpu.VMEM((2 * CHE,), jnp.int32),
            pltpu.VMEM((2 * CHE,), jnp.int32),
            pltpu.VMEM((2 * CHE,), jnp.int32),
            pltpu.VMEM((2 * CHE, 128), jnp.float32),
            pltpu.VMEM((2 * CHE, 128), jnp.float32),
            pltpu.SemaphoreType.DMA,
            pltpu.SemaphoreType.DMA,
        ],
    )
    s2 = f(rows_p, cols_p, z2, zeros128)
    return s2.reshape(N, D)


def _bf16r(x):
    return x.astype(jnp.bfloat16).astype(jnp.float32)


def _tc_pre_body(nt, nip, dp, we0, we1, be, w0, b0, z0, dinv):
    d = lax.rsqrt(dp[...][:, 0:1] + 2.0)
    dinv[...] = d
    h = (_bf16r(nt[...]) * _bf16r(we0[...])
         + _bf16r(nip[...]) * _bf16r(we1[...])) + be[...]
    y = jnp.dot(h, w0[...], preferred_element_type=jnp.float32) + b0[...]
    z0[...] = d * y


def _tc_pre_call(nt, nip, deg, we0, we1, be, W0, b0, R):
    N = nt.shape[0]
    D = W0.shape[1]
    nb = N // R
    full = lambda i: (0, 0)
    return pl.pallas_call(
        _tc_pre_body,
        grid=(nb,),
        in_specs=[
            pl.BlockSpec((R, 1), lambda i: (i, 0)),
            pl.BlockSpec((R, 1), lambda i: (i, 0)),
            pl.BlockSpec((R, 128), lambda i: (i, 0)),
            pl.BlockSpec((1, D), full),
            pl.BlockSpec((1, D), full),
            pl.BlockSpec((1, D), full),
            pl.BlockSpec((D, D), full),
            pl.BlockSpec((1, D), full),
        ],
        out_specs=[
            pl.BlockSpec((R, D), lambda i: (i, 0)),
            pl.BlockSpec((R, 1), lambda i: (i, 0)),
        ],
        out_shape=[
            jax.ShapeDtypeStruct((N, D), jnp.float32),
            jax.ShapeDtypeStruct((N, 1), jnp.float32),
        ],
        compiler_params=pltpu.CompilerParams(
            dimension_semantics=("arbitrary",)),
    )(nt, nip, deg, we0, we1, be, W0, b0)


def _tc_comb_body(N, eps, s, z, dinv, g, bt, w, b, zo, ssum, ssq):
    p = pl.program_id(0)
    i = pl.program_id(1)
    d = dinv[...]
    out = d * (s[...] + z[...])

    @pl.when(p == 0)
    def _():
        @pl.when(i == 0)
        def _():
            ssum[...] = jnp.zeros_like(ssum)
            ssq[...] = jnp.zeros_like(ssq)

        ssum[...] += jnp.sum(out, axis=0, keepdims=True)
        ssq[...] += jnp.sum(out * out, axis=0, keepdims=True)

    @pl.when(p == 1)
    def _():
        mu = ssum[...] / N
        var = ssq[...] / N - mu * mu
        xn = g[...] * (out - mu) * lax.rsqrt(var + eps) + bt[...]
        h = jnp.maximum(xn, 0.0)
        zo[...] = d * (jnp.dot(h, w[...],
                               preferred_element_type=jnp.float32) + b[...])


def _tc_comb_call(s, z, dinv, g, bt, W, b, R):
    N, D = s.shape
    nb = N // R
    full = lambda p, i: (0, 0)
    return pl.pallas_call(
        functools.partial(_tc_comb_body, N, 1e-5),
        grid=(2, nb),
        in_specs=[
            pl.BlockSpec((R, D), lambda p, i: (i, 0)),
            pl.BlockSpec((R, D), lambda p, i: (i, 0)),
            pl.BlockSpec((R, 1), lambda p, i: (i, 0)),
            pl.BlockSpec((1, D), full),
            pl.BlockSpec((1, D), full),
            pl.BlockSpec((D, D), full),
            pl.BlockSpec((1, D), full),
        ],
        out_specs=pl.BlockSpec((R, D), lambda p, i: (i, 0)),
        out_shape=jax.ShapeDtypeStruct((N, D), jnp.float32),
        scratch_shapes=[
            pltpu.VMEM((1, D), jnp.float32),
            pltpu.VMEM((1, D), jnp.float32),
        ],
        compiler_params=pltpu.CompilerParams(
            dimension_semantics=("arbitrary", "arbitrary")),
    )(s, z, dinv, g, bt, W, b)


def _tc_fin_body(N, eps, s, z, dinv, g, bt, ho, ssum, ssq):
    p = pl.program_id(0)
    i = pl.program_id(1)
    out = dinv[...] * (s[...] + z[...])

    @pl.when(p == 0)
    def _():
        @pl.when(i == 0)
        def _():
            ssum[...] = jnp.zeros_like(ssum)
            ssq[...] = jnp.zeros_like(ssq)

        ssum[...] += jnp.sum(out, axis=0, keepdims=True)
        ssq[...] += jnp.sum(out * out, axis=0, keepdims=True)

    @pl.when(p == 1)
    def _():
        mu = ssum[...] / N
        var = ssq[...] / N - mu * mu
        ho[...] = g[...] * (out - mu) * lax.rsqrt(var + eps) + bt[...]


def _tc_fin_call(s, z, dinv, g, bt, R):
    N, D = s.shape
    nb = N // R
    full = lambda p, i: (0, 0)
    return pl.pallas_call(
        functools.partial(_tc_fin_body, N, 1e-5),
        grid=(2, nb),
        in_specs=[
            pl.BlockSpec((R, D), lambda p, i: (i, 0)),
            pl.BlockSpec((R, D), lambda p, i: (i, 0)),
            pl.BlockSpec((R, 1), lambda p, i: (i, 0)),
            pl.BlockSpec((1, D), full),
            pl.BlockSpec((1, D), full),
        ],
        out_specs=pl.BlockSpec((R, D), lambda p, i: (i, 0)),
        out_shape=jax.ShapeDtypeStruct((N, D), jnp.float32),
        scratch_shapes=[
            pltpu.VMEM((1, D), jnp.float32),
            pltpu.VMEM((1, D), jnp.float32),
        ],
        compiler_params=pltpu.CompilerParams(
            dimension_semantics=("arbitrary", "arbitrary")),
    )(s, z, dinv, g, bt)


def kernel(node_type, num_inverted_predecessors, edge_index, W_enc, b_enc,
           W0, b0, W1, b1, W2, b2, g0, bt0, g1, bt1, g2, bt2):
    N = node_type.shape[0]
    E = edge_index.shape[1]
    D = W0.shape[1]
    R = 2000

    rows = edge_index[0]
    cols = edge_index[1]

    unit = 2 * NTILE * CHE
    E_pad = ((E + unit - 1) // unit) * unit
    pad = E_pad - E
    rows_p = jnp.concatenate([rows, jnp.full((pad,), -1, jnp.int32)])
    cols_p = jnp.concatenate([cols, jnp.full((pad,), -1, jnp.int32)])

    half = N // 2
    acc_rows = ((2 * half + NTILE * 8 - 1) // (NTILE * 8)) * (NTILE * 8)
    zeros128 = jnp.zeros((acc_rows // NTILE, 128), jnp.float32)
    ones_d = jnp.ones((DCH, 128), jnp.float32)

    deg = _sc_deg_call(rows_p, zeros128, ones_d, N)

    nt = node_type.reshape(N, 1)
    nv = num_inverted_predecessors.reshape(N, 1)
    z0, dinv = _tc_pre_call(nt, nv, deg, W_enc[0:1], W_enc[1:2],
                            b_enc.reshape(1, D), W0, b0.reshape(1, D), R)
    s0 = _sc_scatter_call(rows_p, cols_p, z0, zeros128)
    z1 = _tc_comb_call(s0, z0, dinv, g0.reshape(1, D), bt0.reshape(1, D),
                       W1, b1.reshape(1, D), R)
    s1 = _sc_scatter_call(rows_p, cols_p, z1, zeros128)
    z2 = _tc_comb_call(s1, z1, dinv, g1.reshape(1, D), bt1.reshape(1, D),
                       W2, b2.reshape(1, D), R)
    s2 = _sc_scatter_call(rows_p, cols_p, z2, zeros128)
    h = _tc_fin_call(s2, z2, dinv, g2.reshape(1, D), bt2.reshape(1, D), R)
    return h

# --- scband reference (transcript-rebuilt; emitter-appended) ---
"""Pipeline reference for scband-gnn-node-11398843204051 (READ-ONLY COPY).

The authoritative reference and input builder live on the scoring server;
editing this copy changes nothing except your own understanding.
"""

import jax, jax.numpy as jnp
import numpy as np

N = 10000
E = 160000
INPUT_DIM = 256
EMB = 256
NUM_LAYER = 3


def setup_inputs(seed: int = 0) -> dict:
    key = jax.random.key(seed)
    ks = jax.random.split(key, 20)
    node_type = jax.random.uniform(ks[0], (N,), dtype=jnp.float32)
    num_inverted_predecessors = jax.random.uniform(ks[1], (N,), dtype=jnp.float32)
    edge_index = jax.random.randint(ks[2], (2, E), 0, N, dtype=jnp.int32)
    # node encoder: Linear(2 -> INPUT_DIM)
    W_enc = jax.random.normal(ks[3], (2, INPUT_DIM), dtype=jnp.float32) * (1.0 / np.sqrt(2.0))
    b_enc = jnp.zeros((INPUT_DIM,), dtype=jnp.float32)
    # GCNConv linear layers
    W0 = jax.random.normal(ks[4], (INPUT_DIM, EMB), dtype=jnp.float32) * (1.0 / np.sqrt(INPUT_DIM))
    b0 = jnp.zeros((EMB,), dtype=jnp.float32)
    W1 = jax.random.normal(ks[5], (EMB, EMB), dtype=jnp.float32) * (1.0 / np.sqrt(EMB))
    b1 = jnp.zeros((EMB,), dtype=jnp.float32)
    W2 = jax.random.normal(ks[6], (EMB, EMB), dtype=jnp.float32) * (1.0 / np.sqrt(EMB))
    b2 = jnp.zeros((EMB,), dtype=jnp.float32)
    # BatchNorm affine params (training-mode batch stats)
    g0 = jnp.ones((EMB,), dtype=jnp.float32); bt0 = jnp.zeros((EMB,), dtype=jnp.float32)
    g1 = jnp.ones((EMB,), dtype=jnp.float32); bt1 = jnp.zeros((EMB,), dtype=jnp.float32)
    g2 = jnp.ones((EMB,), dtype=jnp.float32); bt2 = jnp.zeros((EMB,), dtype=jnp.float32)
    return {"node_type": node_type, "num_inverted_predecessors": num_inverted_predecessors,
            "edge_index": edge_index, "W_enc": W_enc, "b_enc": b_enc,
            "W0": W0, "b0": b0, "W1": W1, "b1": b1, "W2": W2, "b2": b2,
            "g0": g0, "bt0": bt0, "g1": g1, "bt1": bt1, "g2": g2, "bt2": bt2}


def _gcn_conv(x, edge_index, W, b):
    n = x.shape[0]
    loops = jnp.arange(n, dtype=edge_index.dtype)
    ei = jnp.concatenate([edge_index, jnp.stack([loops, loops], axis=0)], axis=1)
    x = x @ W + b
    row, col = ei[0], ei[1]
    deg = jnp.zeros((n,), x.dtype).at[row].add(1.0) + 1.0
    deg_inv_sqrt = deg ** (-0.5)
    deg_inv_sqrt = jnp.where(jnp.isinf(deg_inv_sqrt), 0.0, deg_inv_sqrt)
    norm = deg_inv_sqrt[row] * deg_inv_sqrt[col]
    msg = norm[:, None] * x[row]
    out = jnp.zeros_like(x).at[col].add(msg)
    return out


def _batch_norm(h, gamma, beta, eps=1e-5):
    mu = jnp.mean(h, axis=0)
    var = jnp.var(h, axis=0)
    return gamma * (h - mu) / jnp.sqrt(var + eps) + beta


def reference(node_type, num_inverted_predecessors, edge_index, W_enc, b_enc,
              W0, b0, W1, b1, W2, b2, g0, bt0, g1, bt1, g2, bt2):
    x = jnp.concatenate([node_type.reshape(-1, 1),
                         num_inverted_predecessors.reshape(-1, 1)], axis=1)
    h = x @ W_enc + b_enc
    Ws = [W0, W1, W2]
    bs = [b0, b1, b2]
    gs = [g0, g1, g2]
    bts = [bt0, bt1, bt2]
    for layer in range(NUM_LAYER):
        h = _gcn_conv(h, edge_index, Ws[layer], bs[layer])
        h = _batch_norm(h, gs[layer], bts[layer])
        if layer != NUM_LAYER - 1:
            h = jax.nn.relu(h)
    return h

if __name__ == "__main__":
    import jax
    _d = setup_inputs()
    print(jax.jit(kernel)(*tuple(_d.values())))

</pallas_src>

<mosaic_0001>
#map = affine_map<(d0, d1) -> (0)>
#map1 = affine_map<(d0, d1) -> (0, 0)>
module attributes {stable_mosaic.version = 14 : i64} {
  func.func @_sc_deg_body(%arg0: i32, %arg1: i32, %arg2: memref<161792xi32, #tpu.memory_space<hbm>>, %arg3: memref<632x128xf32, #tpu.memory_space<hbm>>, %arg4: memref<128x128xf32, #tpu.memory_space<hbm>>, %arg5: memref<10000x128xf32, #tpu.memory_space<hbm>>, %arg6: memref<5120x128xf32, #tpu.memory_space<vmem_shared>>, %arg7: memref<128xi32, #tpu.memory_space<vmem>>, %arg8: memref<128x128xf32, #tpu.memory_space<vmem>>) attributes {dimension_semantics = [#tpu.dimension_semantics<core_parallel>, #tpu.dimension_semantics<subcore_parallel>], iteration_bounds = array<i64: 2, 16>, scalar_prefetch = 0 : i64, scratch_operands = 3 : i64, tpu.core_type = #tpu.core_type<sc_vector_subcore>, window_params = [{transform_indices = #map}, {transform_indices = #map1}, {transform_indices = #map1}, {transform_indices = #map1}]} {
    %mul3A = arith.constant 5000 : i32
    %mul3A_0 = arith.muli %arg0, %mul3A : i32
    %mul3A_1 = arith.constant 320 : i32
    %mul3A_2 = arith.muli %arg1, %mul3A_1 : i32
    "tpu.region"() ({
      %run_scoped3A = tpu.sem_alloc : memref<!tpu.dma_semaphore, #tpu.memory_space<semaphore_mem>>
      %dma_start3A = arith.constant 0 : i32
      %dma_start3A_16 = tpu.memref_slice %arg6[%mul3A_2, %dma_start3A] : memref<5120x128xf32, #tpu.memory_space<vmem_shared>> -> memref<320x128xf32, #tpu.memory_space<vmem_shared>>
      %dma_start3A_17 = arith.constant 0 : i32
      %dma_start3A_18 = arith.constant 0 : i32
      %dma_start3A_19 = tpu.memref_slice %arg3[%dma_start3A_17, %dma_start3A_18] : memref<632x128xf32, #tpu.memory_space<hbm>> -> memref<320x128xf32, #tpu.memory_space<hbm>>
      tpu.enqueue_dma source(%dma_start3A_19 : memref<320x128xf32, #tpu.memory_space<hbm>>) target(%dma_start3A_16 : memref<320x128xf32, #tpu.memory_space<vmem_shared>>) target_semaphore(%run_scoped3A : memref<!tpu.dma_semaphore, #tpu.memory_space<semaphore_mem>>)
      %dma_wait3A = arith.constant 0 : i32
      %dma_wait3A_20 = tpu.memref_slice %arg6[%mul3A_2, %dma_wait3A] : memref<5120x128xf32, #tpu.memory_space<vmem_shared>> -> memref<320x128xf32, #tpu.memory_space<vmem_shared>>
      %dma_wait3A_21 = arith.constant 0 : i32
      %dma_wait3A_22 = arith.constant 0 : i32
      %dma_wait3A_23 = tpu.memref_slice %arg3[%dma_wait3A_21, %dma_wait3A_22] : memref<632x128xf32, #tpu.memory_space<hbm>> -> memref<320x128xf32, #tpu.memory_space<hbm>>
      tpu.wait_dma2 semaphore(%run_scoped3A : memref<!tpu.dma_semaphore, #tpu.memory_space<semaphore_mem>>) src(%dma_wait3A_23 : memref<320x128xf32, #tpu.memory_space<hbm>>) dst(%dma_wait3A_20 : memref<320x128xf32, #tpu.memory_space<vmem_shared>>)
      tpu.yield
    }) : () -> ()
    "tpu.region"() ({
      %run_scoped3A = tpu.sem_alloc : memref<!tpu.dma_semaphore, #tpu.memory_space<semaphore_mem>>
      tpu.enqueue_dma source(%arg4 : memref<128x128xf32, #tpu.memory_space<hbm>>) target(%arg8 : memref<128x128xf32, #tpu.memory_space<vmem>>) target_semaphore(%run_scoped3A : memref<!tpu.dma_semaphore, #tpu.memory_space<semaphore_mem>>)
      tpu.wait_dma2 semaphore(%run_scoped3A : memref<!tpu.dma_semaphore, #tpu.memory_space<semaphore_mem>>) src(%arg4 : memref<128x128xf32, #tpu.memory_space<hbm>>) dst(%arg8 : memref<128x128xf32, #tpu.memory_space<vmem>>)
      tpu.yield
    }) : () -> ()
    %barrier3A = arith.constant 0 : index
    tpu.barrier barrier_id(%barrier3A)
    %mul3A_3 = arith.constant 10112 : i32
    %mul3A_4 = arith.muli %arg1, %mul3A_3 : i32
    %scan3A = arith.constant 0 : i32
    %scan3A_5 = arith.constant 79 : i32
    %scan3A_6 = arith.addi %scan3A, %scan3A_5 : i32
    %scan3A_7 = arith.constant 1 : i32
    scf.for %scan3A_16 = %scan3A to %scan3A_6 step %scan3A_7  : i32 {
      %mul3A_17 = arith.constant 1 : i32
      %mul3A_18 = arith.muli %scan3A_16, %mul3A_17 : i32
      %add3A = arith.constant 0 : i32
      %add3A_19 = arith.addi %add3A, %mul3A_18 : i32
      %mul3A_20 = arith.constant 128 : i32
      %mul3A_21 = arith.muli %add3A_19, %mul3A_20 : i32
      %add3A_22 = arith.addi %mul3A_4, %mul3A_21 : i32
      "tpu.region"() ({
        %run_scoped3A = tpu.sem_alloc : memref<!tpu.dma_semaphore, #tpu.memory_space<semaphore_mem>>
        %dma_start3A = tpu.memref_slice %arg2[%add3A_22] : memref<161792xi32, #tpu.memory_space<hbm>> -> memref<128xi32, #tpu.memory_space<hbm>>
        %dma_start3A_167 = tpu.memref_slice %arg2[%add3A_22] : memref<161792xi32, #tpu.memory_space<hbm>> -> memref<128xi32, #tpu.memory_space<hbm>>
        tpu.enqueue_dma source(%dma_start3A_167 : memref<128xi32, #tpu.memory_space<hbm>>) target(%arg7 : memref<128xi32, #tpu.memory_space<vmem>>) target_semaphore(%run_scoped3A : memref<!tpu.dma_semaphore, #tpu.memory_space<semaphore_mem>>)
        %dma_wait3A = tpu.memref_slice %arg2[%add3A_22] : memref<161792xi32, #tpu.memory_space<hbm>> -> memref<128xi32, #tpu.memory_space<hbm>>
        %dma_wait3A_168 = tpu.memref_slice %arg2[%add3A_22] : memref<161792xi32, #tpu.memory_space<hbm>> -> memref<128xi32, #tpu.memory_space<hbm>>
        tpu.wait_dma2 semaphore(%run_scoped3A : memref<!tpu.dma_semaphore, #tpu.memory_space<semaphore_mem>>) src(%dma_wait3A_168 : memref<128xi32, #tpu.memory_space<hbm>>) dst(%arg7 : memref<128xi32, #tpu.memory_space<vmem>>)
        tpu.yield
      }) : () -> ()
      %get3A = arith.constant 0 : index
      %get3A_23 = tpu.vector_load %arg7[%get3A] {strides = array<i32>} : memref<128xi32, #tpu.memory_space<vmem>>, vector<16xi32>,
      %get3A_24 = vector.shape_cast %get3A_23 : vector<16xi32> to vector<16xi32>
      %ge3A = vector.broadcast %mul3A_0 : i32 to vector<16xi32>
      %ge3A_25 = arith.cmpi sge, %get3A_24, %ge3A : vector<16xi32>
      %add3A_26 = arith.constant 5000 : i32
      %add3A_27 = arith.addi %mul3A_0, %add3A_26 : i32
      %lt3A_28 = vector.broadcast %add3A_27 : i32 to vector<16xi32>
      %lt3A_29 = arith.cmpi slt, %get3A_24, %lt3A_28 : vector<16xi32>
      %and3A = arith.andi %ge3A_25, %lt3A_29 : vector<16xi1>
      %sub3A = vector.broadcast %mul3A_0 : i32 to vector<16xi32>
      %sub3A_30 = arith.subi %get3A_24, %sub3A : vector<16xi32>
      %jit3A = arith.constant -1 : i32
      %broadcast_in_dim3A = vector.broadcast %jit3A : i32 to vector<16xi32>
      %select_n3A = arith.select %and3A, %sub3A_30, %broadcast_in_dim3A : vector<16xi1>, vector<16xi32>
      %swap3A = arith.constant 0 : index
      %swap3A_31 = tpu.vector_load %arg7[%swap3A] {strides = array<i32>} : memref<128xi32, #tpu.memory_space<vmem>>, vector<16xi32>,
      %swap3A_32 = vector.shape_cast %swap3A_31 : vector<16xi32> to vector<16xi32>
      %swap3A_33 = vector.shape_cast %select_n3A : vector<16xi32> to vector<16xi32>
      tpu.vector_store %arg7[%swap3A], %swap3A_33 {strides = array<i32>} : memref<128xi32, #tpu.memory_space<vmem>>, vector<16xi32>,
      %get3A_34 = arith.constant 16 : index
      %get3A_35 = tpu.vector_load %arg7[%get3A_34] {strides = array<i32>} : memref<128xi32, #tpu.memory_space<vmem>>, vector<16xi32>,
      %get3A_36 = vector.shape_cast %get3A_35 : vector<16xi32> to vector<16xi32>
      %ge3A_37 = vector.broadcast %mul3A_0 : i32 to vector<16xi32>
      %ge3A_38 = arith.cmpi sge, %get3A_36, %ge3A_37 : vector<16xi32>
      %add3A_39 = arith.constant 5000 : i32
      %add3A_40 = arith.addi %mul3A_0, %add3A_39 : i32
      %lt3A_41 = vector.broadcast %add3A_40 : i32 to vector<16xi32>
      %lt3A_42 = arith.cmpi slt, %get3A_36, %lt3A_41 : vector<16xi32>
      %and3A_43 = arith.andi %ge3A_38, %lt3A_42 : vector<16xi1>
      %sub3A_44 = vector.broadcast %mul3A_0 : i32 to vector<16xi32>
      %sub3A_45 = arith.subi %get3A_36, %sub3A_44 : vector<16xi32>
      %jit3A_46 = arith.constant -1 : i32
      %broadcast_in_dim3A_47 = vector.broadcast %jit3A_46 : i32 to vector<16xi32>
      %select_n3A_48 = arith.select %and3A_43, %sub3A_45, %broadcast_in_dim3A_47 : vector<16xi1>, vector<16xi32>
      %swap3A_49 = arith.constant 16 : index
      %swap3A_50 = tpu.vector_load %arg7[%swap3A_49] {strides = array<i32>} : memref<128xi32, #tpu.memory_space<vmem>>, vector<16xi32>,
      %swap3A_51 = vector.shape_cast %swap3A_50 : vector<16xi32> to vector<16xi32>
      %swap3A_52 = vector.shape_cast %select_n3A_48 : vector<16xi32> to vector<16xi32>
      tpu.vector_store %arg7[%swap3A_49], %swap3A_52 {strides = array<i32>} : memref<128xi32, #tpu.memory_space<vmem>>, vector<16xi32>,
      %get3A_53 = arith.constant 32 : index
      %get3A_54 = tpu.vector_load %arg7[%get3A_53] {strides = array<i32>} : memref<128xi32, #tpu.memory_space<vmem>>, vector<16xi32>,
      %get3A_55 = vector.shape_cast %get3A_54 : vector<16xi32> to vector<16xi32>
      %ge3A_56 = vector.broadcast %mul3A_0 : i32 to vector<16xi32>
      %ge3A_57 = arith.cmpi sge, %get3A_55, %ge3A_56 : vector<16xi32>
      %add3A_58 = arith.constant 5000 : i32
      %add3A_59 = arith.addi %mul3A_0, %add3A_58 : i32
      %lt3A_60 = vector.broadcast %add3A_59 : i32 to vector<16xi32>
      %lt3A_61 = arith.cmpi slt, %get3A_55, %lt3A_60 : vector<16xi32>
      %and3A_62 = arith.andi %ge3A_57, %lt3A_61 : vector<16xi1>
      %sub3A_63 = vector.broadcast %mul3A_0 : i32 to vector<16xi32>
      %sub3A_64 = arith.subi %get3A_55, %sub3A_63 : vector<16xi32>
      %jit3A_65 = arith.constant -1 : i32
      %broadcast_in_dim3A_66 = vector.broadcast %jit3A_65 : i32 to vector<16xi32>
      %select_n3A_67 = arith.select %and3A_62, %sub3A_64, %broadcast_in_dim3A_66 : vector<16xi1>, vector<16xi32>
      %swap3A_68 = arith.constant 32 : index
      %swap3A_69 = tpu.vector_load %arg7[%swap3A_68] {strides = array<i32>} : memref<128xi32, #tpu.memory_space<vmem>>, vector<16xi32>,
      %swap3A_70 = vector.shape_cast %swap3A_69 : vector<16xi32> to vector<16xi32>
      %swap3A_71 = vector.shape_cast %select_n3A_67 : vector<16xi32> to vector<16xi32>
      tpu.vector_store %arg7[%swap3A_68], %swap3A_71 {strides = array<i32>} : memref<128xi32, #tpu.memory_space<vmem>>, vector<16xi32>,
      %get3A_72 = arith.constant 48 : index
      %get3A_73 = tpu.vector_load %arg7[%get3A_72] {strides = array<i32>} : memref<128xi32, #tpu.memory_space<vmem>>, vector<16xi32>,
      %get3A_74 = vector.shape_cast %get3A_73 : vector<16xi32> to vector<16xi32>
      %ge3A_75 = vector.broadcast %mul3A_0 : i32 to vector<16xi32>
      %ge3A_76 = arith.cmpi sge, %get3A_74, %ge3A_75 : vector<16xi32>
      %add3A_77 = arith.constant 5000 : i32
      %add3A_78 = arith.addi %mul3A_0, %add3A_77 : i32
      %lt3A_79 = vector.broadcast %add3A_78 : i32 to vector<16xi32>
      %lt3A_80 = arith.cmpi slt, %get3A_74, %lt3A_79 : vector<16xi32>
      %and3A_81 = arith.andi %ge3A_76, %lt3A_80 : vector<16xi1>
      %sub3A_82 = vector.broadcast %mul3A_0 : i32 to vector<16xi32>
      %sub3A_83 = arith.subi %get3A_74, %sub3A_82 : vector<16xi32>
      %jit3A_84 = arith.constant -1 : i32
      %broadcast_in_dim3A_85 = vector.broadcast %jit3A_84 : i32 to vector<16xi32>
      %select_n3A_86 = arith.select %and3A_81, %sub3A_83, %broadcast_in_dim3A_85 : vector<16xi1>, vector<16xi32>
      %swap3A_87 = arith.constant 48 : index
      %swap3A_88 = tpu.vector_load %arg7[%swap3A_87] {strides = array<i32>} : memref<128xi32, #tpu.memory_space<vmem>>, vector<16xi32>,
      %swap3A_89 = vector.shape_cast %swap3A_88 : vector<16xi32> to vector<16xi32>
      %swap3A_90 = vector.shape_cast %select_n3A_86 : vector<16xi32> to vector<16xi32>
      tpu.vector_store %arg7[%swap3A_87], %swap3A_90 {strides = array<i32>} : memref<128xi32, #tpu.memory_space<vmem>>, vector<16xi32>,
      %get3A_91 = arith.constant 64 : index
      %get3A_92 = tpu.vector_load %arg7[%get3A_91] {strides = array<i32>} : memref<128xi32, #tpu.memory_space<vmem>>, vector<16xi32>,
      %get3A_93 = vector.shape_cast %get3A_92 : vector<16xi32> to vector<16xi32>
      %ge3A_94 = vector.broadcast %mul3A_0 : i32 to vector<16xi32>
      %ge3A_95 = arith.cmpi sge, %get3A_93, %ge3A_94 : vector<16xi32>
      %add3A_96 = arith.constant 5000 : i32
      %add3A_97 = arith.addi %mul3A_0, %add3A_96 : i32
      %lt3A_98 = vector.broadcast %add3A_97 : i32 to vector<16xi32>
      %lt3A_99 = arith.cmpi slt, %get3A_93, %lt3A_98 : vector<16xi32>
      %and3A_100 = arith.andi %ge3A_95, %lt3A_99 : vector<16xi1>
      %sub3A_101 = vector.broadcast %mul3A_0 : i32 to vector<16xi32>
      %sub3A_102 = arith.subi %get3A_93, %sub3A_101 : vector<16xi32>
      %jit3A_103 = arith.constant -1 : i32
      %broadcast_in_dim3A_104 = vector.broadcast %jit3A_103 : i32 to vector<16xi32>
      %select_n3A_105 = arith.select %and3A_100, %sub3A_102, %broadcast_in_dim3A_104 : vector<16xi1>, vector<16xi32>
      %swap3A_106 = arith.constant 64 : index
      %swap3A_107 = tpu.vector_load %arg7[%swap3A_106] {strides = array<i32>} : memref<128xi32, #tpu.memory_space<vmem>>, vector<16xi32>,
      %swap3A_108 = vector.shape_cast %swap3A_107 : vector<16xi32> to vector<16xi32>
      %swap3A_109 = vector.shape_cast %select_n3A_105 : vector<16xi32> to vector<16xi32>
      tpu.vector_store %arg7[%swap3A_106], %swap3A_109 {strides = array<i32>} : memref<128xi32, #tpu.memory_space<vmem>>, vector<16xi32>,
      %get3A_110 = arith.constant 80 : index
      %get3A_111 = tpu.vector_load %arg7[%get3A_110] {strides = array<i32>} : memref<128xi32, #tpu.memory_space<vmem>>, vector<16xi32>,
      %get3A_112 = vector.shape_cast %get3A_111 : vector<16xi32> to vector<16xi32>
      %ge3A_113 = vector.broadcast %mul3A_0 : i32 to vector<16xi32>
      %ge3A_114 = arith.cmpi sge, %get3A_112, %ge3A_113 : vector<16xi32>
      %add3A_115 = arith.constant 5000 : i32
      %add3A_116 = arith.addi %mul3A_0, %add3A_115 : i32
      %lt3A_117 = vector.broadcast %add3A_116 : i32 to vector<16xi32>
      %lt3A_118 = arith.cmpi slt, %get3A_112, %lt3A_117 : vector<16xi32>
      %and3A_119 = arith.andi %ge3A_114, %lt3A_118 : vector<16xi1>
      %sub3A_120 = vector.broadcast %mul3A_0 : i32 to vector<16xi32>
      %sub3A_121 = arith.subi %get3A_112, %sub3A_120 : vector<16xi32>
      %jit3A_122 = arith.constant -1 : i32
      %broadcast_in_dim3A_123 = vector.broadcast %jit3A_122 : i32 to vector<16xi32>
      %select_n3A_124 = arith.select %and3A_119, %sub3A_121, %broadcast_in_dim3A_123 : vector<16xi1>, vector<16xi32>
      %swap3A_125 = arith.constant 80 : index
      %swap3A_126 = tpu.vector_load %arg7[%swap3A_125] {strides = array<i32>} : memref<128xi32, #tpu.memory_space<vmem>>, vector<16xi32>,
      %swap3A_127 = vector.shape_cast %swap3A_126 : vector<16xi32> to vector<16xi32>
      %swap3A_128 = vector.shape_cast %select_n3A_124 : vector<16xi32> to vector<16xi32>
      tpu.vector_store %arg7[%swap3A_125], %swap3A_128 {strides = array<i32>} : memref<128xi32, #tpu.memory_space<vmem>>, vector<16xi32>,
      %get3A_129 = arith.constant 96 : index
      %get3A_130 = tpu.vector_load %arg7[%get3A_129] {strides = array<i32>} : memref<128xi32, #tpu.memory_space<vmem>>, vector<16xi32>,
      %get3A_131 = vector.shape_cast %get3A_130 : vector<16xi32> to vector<16xi32>
      %ge3A_132 = vector.broadcast %mul3A_0 : i32 to vector<16xi32>
      %ge3A_133 = arith.cmpi sge, %get3A_131, %ge3A_132 : vector<16xi32>
      %add3A_134 = arith.constant 5000 : i32
      %add3A_135 = arith.addi %mul3A_0, %add3A_134 : i32
      %lt3A_136 = vector.broadcast %add3A_135 : i32 to vector<16xi32>
      %lt3A_137 = arith.cmpi slt, %get3A_131, %lt3A_136 : vector<16xi32>
      %and3A_138 = arith.andi %ge3A_133, %lt3A_137 : vector<16xi1>
      %sub3A_139 = vector.broadcast %mul3A_0 : i32 to vector<16xi32>
      %sub3A_140 = arith.subi %get3A_131, %sub3A_139 : vector<16xi32>
      %jit3A_141 = arith.constant -1 : i32
      %broadcast_in_dim3A_142 = vector.broadcast %jit3A_141 : i32 to vector<16xi32>
      %select_n3A_143 = arith.select %and3A_138, %sub3A_140, %broadcast_in_dim3A_142 : vector<16xi1>, vector<16xi32>
      %swap3A_144 = arith.constant 96 : index
      %swap3A_145 = tpu.vector_load %arg7[%swap3A_144] {strides = array<i32>} : memref<128xi32, #tpu.memory_space<vmem>>, vector<16xi32>,
      %swap3A_146 = vector.shape_cast %swap3A_145 : vector<16xi32> to vector<16xi32>
      %swap3A_147 = vector.shape_cast %select_n3A_143 : vector<16xi32> to vector<16xi32>
      tpu.vector_store %arg7[%swap3A_144], %swap3A_147 {strides = array<i32>} : memref<128xi32, #tpu.memory_space<vmem>>, vector<16xi32>,
      %get3A_148 = arith.constant 112 : index
      %get3A_149 = tpu.vector_load %arg7[%get3A_148] {strides = array<i32>} : memref<128xi32, #tpu.memory_space<vmem>>, vector<16xi32>,
      %get3A_150 = vector.shape_cast %get3A_149 : vector<16xi32> to vector<16xi32>
      %ge3A_151 = vector.broadcast %mul3A_0 : i32 to vector<16xi32>
      %ge3A_152 = arith.cmpi sge, %get3A_150, %ge3A_151 : vector<16xi32>
      %add3A_153 = arith.constant 5000 : i32
      %add3A_154 = arith.addi %mul3A_0, %add3A_153 : i32
      %lt3A_155 = vector.broadcast %add3A_154 : i32 to vector<16xi32>
      %lt3A_156 = arith.cmpi slt, %get3A_150, %lt3A_155 : vector<16xi32>
      %and3A_157 = arith.andi %ge3A_152, %lt3A_156 : vector<16xi1>
      %sub3A_158 = vector.broadcast %mul3A_0 : i32 to vector<16xi32>
      %sub3A_159 = arith.subi %get3A_150, %sub3A_158 : vector<16xi32>
      %jit3A_160 = arith.constant -1 : i32
      %broadcast_in_dim3A_161 = vector.broadcast %jit3A_160 : i32 to vector<16xi32>
      %select_n3A_162 = arith.select %and3A_157, %sub3A_159, %broadcast_in_dim3A_161 : vector<16xi1>, vector<16xi32>
      %swap3A_163 = arith.constant 112 : index
      %swap3A_164 = tpu.vector_load %arg7[%swap3A_163] {strides = array<i32>} : memref<128xi32, #tpu.memory_space<vmem>>, vector<16xi32>,
      %swap3A_165 = vector.shape_cast %swap3A_164 : vector<16xi32> to vector<16xi32>
      %swap3A_166 = vector.shape_cast %select_n3A_162 : vector<16xi32> to vector<16xi32>
      tpu.vector_store %arg7[%swap3A_163], %swap3A_166 {strides = array<i32>} : memref<128xi32, #tpu.memory_space<vmem>>, vector<16xi32>,
      "tpu.region"() ({
        %run_scoped3A = tpu.sem_alloc : memref<!tpu.dma_semaphore, #tpu.memory_space<semaphore_mem>>
        %dma_start3A = arith.constant 0 : i32
        %dma_start3A_167 = arith.constant 0 : i32
        %dma_start3A_168 = tpu.memref_slice %arg6[%dma_start3A, %dma_start3A_167] : memref<5120x128xf32, #tpu.memory_space<vmem_shared>> -> memref<5120x128xf32, #tpu.memory_space<vmem_shared>>
        %dma_start3A_169 = arith.constant -1 : i32
        tpu.enqueue_indirect_dma source(%arg8 : memref<128x128xf32, #tpu.memory_space<vmem>>) target(%dma_start3A_168 : memref<5120x128xf32, #tpu.memory_space<vmem_shared>>) offsets(%arg7 : memref<128xi32, #tpu.memory_space<vmem>>) offset_filter(%dma_start3A_169) semaphore(%run_scoped3A : memref<!tpu.dma_semaphore, #tpu.memory_space<semaphore_mem>>) {add = true}
        %dma_wait3A = arith.constant 0 : i32
        %dma_wait3A_170 = arith.constant 0 : i32
        %dma_wait3A_171 = tpu.memref_slice %arg6[%dma_wait3A, %dma_wait3A_170] : memref<5120x128xf32, #tpu.memory_space<vmem_shared>> -> memref<5120x128xf32, #tpu.memory_space<vmem_shared>>
        tpu.wait_indirect_dma semaphore(%run_scoped3A : memref<!tpu.dma_semaphore, #tpu.memory_space<semaphore_mem>>) src(%arg8 : memref<128x128xf32, #tpu.memory_space<vmem>>) dst(%dma_wait3A_171 : memref<5120x128xf32, #tpu.memory_space<vmem_shared>>)
        tpu.yield
      }) : () -> ()
    }
    %scan3A_8 = arith.constant 79 : i32
    %barrier3A_9 = arith.constant 0 : index
    tpu.barrier barrier_id(%barrier3A_9)
    %lt3A = arith.constant 15 : i32
    %lt3A_10 = arith.cmpi slt, %arg1, %lt3A : i32
    %convert_element_type3A = arith.extui %lt3A_10 : i1 to i32
    %cond3A = arith.constant 0 : i32
    %cond3A_11 = arith.cmpi ne, %convert_element_type3A, %cond3A : i32
    scf.if %cond3A_11 {
      %mul3A_16 = arith.constant 312 : i32
      %mul3A_17 = arith.muli %arg1, %mul3A_16 : i32
      %mul3A_18 = arith.constant 312 : i32
      %mul3A_19 = arith.muli %arg1, %mul3A_18 : i32
      %add3A = arith.addi %mul3A_0, %mul3A_19 : i32
      "tpu.region"() ({
        %run_scoped3A = tpu.sem_alloc : memref<!tpu.dma_semaphore, #tpu.memory_space<semaphore_mem>>
        %dma_start3A = arith.constant 0 : i32
        %dma_start3A_20 = tpu.memref_slice %arg5[%add3A, %dma_start3A] : memref<10000x128xf32, #tpu.memory_space<hbm>> -> memref<312x128xf32, #tpu.memory_space<hbm>>
        %dma_start3A_21 = arith.constant 0 : i32
        %dma_start3A_22 = tpu.memref_slice %arg6[%mul3A_17, %dma_start3A_21] : memref<5120x128xf32, #tpu.memory_space<vmem_shared>> -> memref<312x128xf32, #tpu.memory_space<vmem_shared>>
        tpu.enqueue_dma source(%dma_start3A_22 : memref<312x128xf32, #tpu.memory_space<vmem_shared>>) target(%dma_start3A_20 : memref<312x128xf32, #tpu.memory_space<hbm>>) target_semaphore(%run_scoped3A : memref<!tpu.dma_semaphore, #tpu.memory_space<semaphore_mem>>)
        %dma_wait3A = arith.constant 0 : i32
        %dma_wait3A_23 = tpu.memref_slice %arg5[%add3A, %dma_wait3A] : memref<10000x128xf32, #tpu.memory_space<hbm>> -> memref<312x128xf32, #tpu.memory_space<hbm>>
        %dma_wait3A_24 = arith.constant 0 : i32
        %dma_wait3A_25 = tpu.memref_slice %arg6[%mul3A_17, %dma_wait3A_24] : memref<5120x128xf32, #tpu.memory_space<vmem_shared>> -> memref<312x128xf32, #tpu.memory_space<vmem_shared>>
        tpu.wait_dma2 semaphore(%run_scoped3A : memref<!tpu.dma_semaphore, #tpu.memory_space<semaphore_mem>>) src(%dma_wait3A_25 : memref<312x128xf32, #tpu.memory_space<vmem_shared>>) dst(%dma_wait3A_23 : memref<312x128xf32, #tpu.memory_space<hbm>>)
        tpu.yield
      }) : () -> ()
    } else {
    }
    %eq3A = arith.constant 15 : i32
    %eq3A_12 = arith.cmpi eq, %arg1, %eq3A : i32
    %convert_element_type3A_13 = arith.extui %eq3A_12 : i1 to i32
    %cond3A_14 = arith.constant 0 : i32
    %cond3A_15 = arith.cmpi ne, %convert_element_type3A_13, %cond3A_14 : i32
    scf.if %cond3A_15 {
      %add3A = arith.constant 4680 : i32
      %add3A_16 = arith.addi %mul3A_0, %add3A : i32
      "tpu.region"() ({
        %run_scoped3A = tpu.sem_alloc : memref<!tpu.dma_semaphore, #tpu.memory_space<semaphore_mem>>
        %dma_start3A = arith.constant 0 : i32
        %dma_start3A_17 = tpu.memref_slice %arg5[%add3A_16, %dma_start3A] : memref<10000x128xf32, #tpu.memory_space<hbm>> -> memref<320x128xf32, #tpu.memory_space<hbm>>
        %dma_start3A_18 = arith.constant 4680 : i32
        %dma_start3A_19 = arith.constant 0 : i32
        %dma_start3A_20 = tpu.memref_slice %arg6[%dma_start3A_18, %dma_start3A_19] : memref<5120x128xf32, #tpu.memory_space<vmem_shared>> -> memref<320x128xf32, #tpu.memory_space<vmem_shared>>
        tpu.enqueue_dma source(%dma_start3A_20 : memref<320x128xf32, #tpu.memory_space<vmem_shared>>) target(%dma_start3A_17 : memref<320x128xf32, #tpu.memory_space<hbm>>) target_semaphore(%run_scoped3A : memref<!tpu.dma_semaphore, #tpu.memory_space<semaphore_mem>>)
        %dma_wait3A = arith.constant 0 : i32
        %dma_wait3A_21 = tpu.memref_slice %arg5[%add3A_16, %dma_wait3A] : memref<10000x128xf32, #tpu.memory_space<hbm>> -> memref<320x128xf32, #tpu.memory_space<hbm>>
        %dma_wait3A_22 = arith.constant 4680 : i32
        %dma_wait3A_23 = arith.constant 0 : i32
        %dma_wait3A_24 = tpu.memref_slice %arg6[%dma_wait3A_22, %dma_wait3A_23] : memref<5120x128xf32, #tpu.memory_space<vmem_shared>> -> memref<320x128xf32, #tpu.memory_space<vmem_shared>>
        tpu.wait_dma2 semaphore(%run_scoped3A : memref<!tpu.dma_semaphore, #tpu.memory_space<semaphore_mem>>) src(%dma_wait3A_24 : memref<320x128xf32, #tpu.memory_space<vmem_shared>>) dst(%dma_wait3A_21 : memref<320x128xf32, #tpu.memory_space<hbm>>)
        tpu.yield
      }) : () -> ()
    } else {
    }
    return
  }
}

#map = affine_map<(d0, d1) -> (0)>
#map1 = affine_map<(d0, d1) -> (0, 0)>
module attributes {stable_mosaic.version = 14 : i64} {
  func.func @_sc_scatter_body(%arg0: i32, %arg1: i32, %arg2: memref<161792xi32, #tpu.memory_space<hbm>>, %arg3: memref<161792xi32, #tpu.memory_space<hbm>>, %arg4: memref<20000x128xf32, #tpu.memory_space<hbm>>, %arg5: memref<632x128xf32, #tpu.memory_space<hbm>>, %arg6: memref<20000x128xf32, #tpu.memory_space<hbm>>, %arg7: memref<10112x128xf32, #tpu.memory_space<vmem_shared>>, %arg8: memref<64xi32, #tpu.memory_space<vmem>>, %arg9: memref<64xi32, #tpu.memory_space<vmem>>, %arg10: memref<128xi32, #tpu.memory_space<vmem>>, %arg11: memref<128xi32, #tpu.memory_space<vmem>>, %arg12: memref<128xi32, #tpu.memory_space<vmem>>, %arg13: memref<128xi32, #tpu.memory_space<vmem>>, %arg14: memref<128x128xf32, #tpu.memory_space<vmem>>, %arg15: memref<128x128xf32, #tpu.memory_space<vmem>>, %arg16: memref<!tpu.dma_semaphore, #tpu.memory_space<semaphore_mem>>, %arg17: memref<!tpu.dma_semaphore, #tpu.memory_space<semaphore_mem>>) attributes {dimension_semantics = [#tpu.dimension_semantics<core_parallel>, #tpu.dimension_semantics<subcore_parallel>], iteration_bounds = array<i64: 2, 16>, scalar_prefetch = 0 : i64, scratch_operands = 11 : i64, tpu.core_type = #tpu.core_type<sc_vector_subcore>, window_params = [{transform_indices = #map}, {transform_indices = #map}, {transform_indices = #map1}, {transform_indices = #map1}, {transform_indices = #map1}]} {
    %mul3A = arith.constant 5000 : i32
    %mul3A_0 = arith.muli %arg0, %mul3A : i32
    %mul3A_1 = arith.constant 632 : i32
    %mul3A_2 = arith.muli %arg1, %mul3A_1 : i32
    "tpu.region"() ({
      %run_scoped3A = tpu.sem_alloc : memref<!tpu.dma_semaphore, #tpu.memory_space<semaphore_mem>>
      %dma_start3A_258 = arith.constant 0 : i32
      %dma_start3A_259 = tpu.memref_slice %arg7[%mul3A_2, %dma_start3A_258] : memref<10112x128xf32, #tpu.memory_space<vmem_shared>> -> memref<632x128xf32, #tpu.memory_space<vmem_shared>>
      %dma_start3A_260 = arith.constant 0 : i32
      %dma_start3A_261 = arith.constant 0 : i32
      %dma_start3A_262 = tpu.memref_slice %arg5[%dma_start3A_260, %dma_start3A_261] : memref<632x128xf32, #tpu.memory_space<hbm>> -> memref<632x128xf32, #tpu.memory_space<hbm>>
      tpu.enqueue_dma source(%dma_start3A_262 : memref<632x128xf32, #tpu.memory_space<hbm>>) target(%dma_start3A_259 : memref<632x128xf32, #tpu.memory_space<vmem_shared>>) target_semaphore(%run_scoped3A : memref<!tpu.dma_semaphore, #tpu.memory_space<semaphore_mem>>)
      %dma_wait3A_263 = arith.constant 0 : i32
      %dma_wait3A_264 = tpu.memref_slice %arg7[%mul3A_2, %dma_wait3A_263] : memref<10112x128xf32, #tpu.memory_space<vmem_shared>> -> memref<632x128xf32, #tpu.memory_space<vmem_shared>>
      %dma_wait3A_265 = arith.constant 0 : i32
      %dma_wait3A_266 = arith.constant 0 : i32
      %dma_wait3A_267 = tpu.memref_slice %arg5[%dma_wait3A_265, %dma_wait3A_266] : memref<632x128xf32, #tpu.memory_space<hbm>> -> memref<632x128xf32, #tpu.memory_space<hbm>>
      tpu.wait_dma2 semaphore(%run_scoped3A : memref<!tpu.dma_semaphore, #tpu.memory_space<semaphore_mem>>) src(%dma_wait3A_267 : memref<632x128xf32, #tpu.memory_space<hbm>>) dst(%dma_wait3A_264 : memref<632x128xf32, #tpu.memory_space<vmem_shared>>)
      tpu.yield
    }) : () -> ()
    %barrier3A = arith.constant 0 : index
    tpu.barrier barrier_id(%barrier3A)
    %mul3A_3 = arith.constant 10112 : i32
    %mul3A_4 = arith.muli %arg1, %mul3A_3 : i32
    %add3A = arith.constant 0 : i32
    %add3A_5 = arith.addi %mul3A_4, %add3A : i32
    "tpu.region"() ({
      %run_scoped3A = tpu.sem_alloc : memref<!tpu.dma_semaphore, #tpu.memory_space<semaphore_mem>>
      %dma_start3A_258 = tpu.memref_slice %arg3[%add3A_5] : memref<161792xi32, #tpu.memory_space<hbm>> -> memref<64xi32, #tpu.memory_space<hbm>>
      %dma_start3A_259 = tpu.memref_slice %arg3[%add3A_5] : memref<161792xi32, #tpu.memory_space<hbm>> -> memref<64xi32, #tpu.memory_space<hbm>>
      tpu.enqueue_dma source(%dma_start3A_259 : memref<64xi32, #tpu.memory_space<hbm>>) target(%arg8 : memref<64xi32, #tpu.memory_space<vmem>>) target_semaphore(%run_scoped3A : memref<!tpu.dma_semaphore, #tpu.memory_space<semaphore_mem>>)
      %dma_wait3A_260 = tpu.memref_slice %arg3[%add3A_5] : memref<161792xi32, #tpu.memory_space<hbm>> -> memref<64xi32, #tpu.memory_space<hbm>>
      %dma_wait3A_261 = tpu.memref_slice %arg3[%add3A_5] : memref<161792xi32, #tpu.memory_space<hbm>> -> memref<64xi32, #tpu.memory_space<hbm>>
      tpu.wait_dma2 semaphore(%run_scoped3A : memref<!tpu.dma_semaphore, #tpu.memory_space<semaphore_mem>>) src(%dma_wait3A_261 : memref<64xi32, #tpu.memory_space<hbm>>) dst(%arg8 : memref<64xi32, #tpu.memory_space<vmem>>)
      tpu.yield
    }) : () -> ()
    %get3A = arith.constant 0 : index
    %get3A_6 = tpu.vector_load %arg8[%get3A] {strides = array<i32>} : memref<64xi32, #tpu.memory_space<vmem>>, vector<16xi32>,
    %get3A_7 = vector.shape_cast %get3A_6 : vector<16xi32> to vector<16xi32>
    %ge3A = vector.broadcast %mul3A_0 : i32 to vector<16xi32>
    %ge3A_8 = arith.cmpi sge, %get3A_7, %ge3A : vector<16xi32>
    %add3A_9 = arith.constant 5000 : i32
    %add3A_10 = arith.addi %mul3A_0, %add3A_9 : i32
    %lt3A = vector.broadcast %add3A_10 : i32 to vector<16xi32>
    %lt3A_11 = arith.cmpi slt, %get3A_7, %lt3A : vector<16xi32>
    %and3A = arith.andi %ge3A_8, %lt3A_11 : vector<16xi1>
    %sub3A = vector.broadcast %mul3A_0 : i32 to vector<16xi32>
    %sub3A_12 = arith.subi %get3A_7, %sub3A : vector<16xi32>
    %mul3A_13 = arith.constant 2 : i32
    %mul3A_14 = vector.broadcast %mul3A_13 : i32 to vector<16xi32>
    %mul3A_15 = arith.muli %sub3A_12, %mul3A_14 : vector<16xi32>
    %jit3A = arith.constant -1 : i32
    %broadcast_in_dim3A = vector.broadcast %jit3A : i32 to vector<16xi32>
    %select_n3A = arith.select %and3A, %mul3A_15, %broadcast_in_dim3A : vector<16xi1>, vector<16xi32>
    %swap3A = arith.constant 0 : index
    %swap3A_16 = tpu.vector_load %arg12[%swap3A] {strides = array<i32>} : memref<128xi32, #tpu.memory_space<vmem>>, vector<16xi32>,
    %swap3A_17 = vector.shape_cast %swap3A_16 : vector<16xi32> to vector<16xi32>
    %swap3A_18 = vector.shape_cast %select_n3A : vector<16xi32> to vector<16xi32>
    tpu.vector_store %arg12[%swap3A], %swap3A_18 {strides = array<i32>} : memref<128xi32, #tpu.memory_space<vmem>>, vector<16xi32>,
    %add3A_19 = arith.constant 1 : i32
    %add3A_20 = vector.broadcast %add3A_19 : i32 to vector<16xi32>
    %add3A_21 = arith.addi %mul3A_15, %add3A_20 : vector<16xi32>
    %jit3A_22 = arith.constant -1 : i32
    %broadcast_in_dim3A_23 = vector.broadcast %jit3A_22 : i32 to vector<16xi32>
    %select_n3A_24 = arith.select %and3A, %add3A_21, %broadcast_in_dim3A_23 : vector<16xi1>, vector<16xi32>
    %swap3A_25 = arith.constant 16 : index
    %swap3A_26 = tpu.vector_load %arg12[%swap3A_25] {strides = array<i32>} : memref<128xi32, #tpu.memory_space<vmem>>, vector<16xi32>,
    %swap3A_27 = vector.shape_cast %swap3A_26 : vector<16xi32> to vector<16xi32>
    %swap3A_28 = vector.shape_cast %select_n3A_24 : vector<16xi32> to vector<16xi32>
    tpu.vector_store %arg12[%swap3A_25], %swap3A_28 {strides = array<i32>} : memref<128xi32, #tpu.memory_space<vmem>>, vector<16xi32>,
    %get3A_29 = arith.constant 16 : index
    %get3A_30 = tpu.vector_load %arg8[%get3A_29] {strides = array<i32>} : memref<64xi32, #tpu.memory_space<vmem>>, vector<16xi32>,
    %get3A_31 = vector.shape_cast %get3A_30 : vector<16xi32> to vector<16xi32>
    %ge3A_32 = vector.broadcast %mul3A_0 : i32 to vector<16xi32>
    %ge3A_33 = arith.cmpi sge, %get3A_31, %ge3A_32 : vector<16xi32>
    %add3A_34 = arith.constant 5000 : i32
    %add3A_35 = arith.addi %mul3A_0, %add3A_34 : i32
    %lt3A_36 = vector.broadcast %add3A_35 : i32 to vector<16xi32>
    %lt3A_37 = arith.cmpi slt, %get3A_31, %lt3A_36 : vector<16xi32>
    %and3A_38 = arith.andi %ge3A_33, %lt3A_37 : vector<16xi1>
    %sub3A_39 = vector.broadcast %mul3A_0 : i32 to vector<16xi32>
    %sub3A_40 = arith.subi %get3A_31, %sub3A_39 : vector<16xi32>
    %mul3A_41 = arith.constant 2 : i32
    %mul3A_42 = vector.broadcast %mul3A_41 : i32 to vector<16xi32>
    %mul3A_43 = arith.muli %sub3A_40, %mul3A_42 : vector<16xi32>
    %jit3A_44 = arith.constant -1 : i32
    %broadcast_in_dim3A_45 = vector.broadcast %jit3A_44 : i32 to vector<16xi32>
    %select_n3A_46 = arith.select %and3A_38, %mul3A_43, %broadcast_in_dim3A_45 : vector<16xi1>, vector<16xi32>
    %swap3A_47 = arith.constant 32 : index
    %swap3A_48 = tpu.vector_load %arg12[%swap3A_47] {strides = array<i32>} : memref<128xi32, #tpu.memory_space<vmem>>, vector<16xi32>,
    %swap3A_49 = vector.shape_cast %swap3A_48 : vector<16xi32> to vector<16xi32>
    %swap3A_50 = vector.shape_cast %select_n3A_46 : vector<16xi32> to vector<16xi32>
    tpu.vector_store %arg12[%swap3A_47], %swap3A_50 {strides = array<i32>} : memref<128xi32, #tpu.memory_space<vmem>>, vector<16xi32>,
    %add3A_51 = arith.constant 1 : i32
    %add3A_52 = vector.broadcast %add3A_51 : i32 to vector<16xi32>
    %add3A_53 = arith.addi %mul3A_43, %add3A_52 : vector<16xi32>
    %jit3A_54 = arith.constant -1 : i32
    %broadcast_in_dim3A_55 = vector.broadcast %jit3A_54 : i32 to vector<16xi32>
    %select_n3A_56 = arith.select %and3A_38, %add3A_53, %broadcast_in_dim3A_55 : vector<16xi1>, vector<16xi32>
    %swap3A_57 = arith.constant 48 : index
    %swap3A_58 = tpu.vector_load %arg12[%swap3A_57] {strides = array<i32>} : memref<128xi32, #tpu.memory_space<vmem>>, vector<16xi32>,
    %swap3A_59 = vector.shape_cast %swap3A_58 : vector<16xi32> to vector<16xi32>
    %swap3A_60 = vector.shape_cast %select_n3A_56 : vector<16xi32> to vector<16xi32>
    tpu.vector_store %arg12[%swap3A_57], %swap3A_60 {strides = array<i32>} : memref<128xi32, #tpu.memory_space<vmem>>, vector<16xi32>,
    %get3A_61 = arith.constant 32 : index
    %get3A_62 = tpu.vector_load %arg8[%get3A_61] {strides = array<i32>} : memref<64xi32, #tpu.memory_space<vmem>>, vector<16xi32>,
    %get3A_63 = vector.shape_cast %get3A_62 : vector<16xi32> to vector<16xi32>
    %ge3A_64 = vector.broadcast %mul3A_0 : i32 to vector<16xi32>
    %ge3A_65 = arith.cmpi sge, %get3A_63, %ge3A_64 : vector<16xi32>
    %add3A_66 = arith.constant 5000 : i32
    %add3A_67 = arith.addi %mul3A_0, %add3A_66 : i32
    %lt3A_68 = vector.broadcast %add3A_67 : i32 to vector<16xi32>
    %lt3A_69 = arith.cmpi slt, %get3A_63, %lt3A_68 : vector<16xi32>
    %and3A_70 = arith.andi %ge3A_65, %lt3A_69 : vector<16xi1>
    %sub3A_71 = vector.broadcast %mul3A_0 : i32 to vector<16xi32>
    %sub3A_72 = arith.subi %get3A_63, %sub3A_71 : vector<16xi32>
    %mul3A_73 = arith.constant 2 : i32
    %mul3A_74 = vector.broadcast %mul3A_73 : i32 to vector<16xi32>
    %mul3A_75 = arith.muli %sub3A_72, %mul3A_74 : vector<16xi32>
    %jit3A_76 = arith.constant -1 : i32
    %broadcast_in_dim3A_77 = vector.broadcast %jit3A_76 : i32 to vector<16xi32>
    %select_n3A_78 = arith.select %and3A_70, %mul3A_75, %broadcast_in_dim3A_77 : vector<16xi1>, vector<16xi32>
    %swap3A_79 = arith.constant 64 : index
    %swap3A_80 = tpu.vector_load %arg12[%swap3A_79] {strides = array<i32>} : memref<128xi32, #tpu.memory_space<vmem>>, vector<16xi32>,
    %swap3A_81 = vector.shape_cast %swap3A_80 : vector<16xi32> to vector<16xi32>
    %swap3A_82 = vector.shape_cast %select_n3A_78 : vector<16xi32> to vector<16xi32>
    tpu.vector_store %arg12[%swap3A_79], %swap3A_82 {strides = array<i32>} : memref<128xi32, #tpu.memory_space<vmem>>, vector<16xi32>,
    %add3A_83 = arith.constant 1 : i32
    %add3A_84 = vector.broadcast %add3A_83 : i32 to vector<16xi32>
    %add3A_85 = arith.addi %mul3A_75, %add3A_84 : vector<16xi32>
    %jit3A_86 = arith.constant -1 : i32
    %broadcast_in_dim3A_87 = vector.broadcast %jit3A_86 : i32 to vector<16xi32>
    %select_n3A_88 = arith.select %and3A_70, %add3A_85, %broadcast_in_dim3A_87 : vector<16xi1>, vector<16xi32>
    %swap3A_89 = arith.constant 80 : index
    %swap3A_90 = tpu.vector_load %arg12[%swap3A_89] {strides = array<i32>} : memref<128xi32, #tpu.memory_space<vmem>>, vector<16xi32>,
    %swap3A_91 = vector.shape_cast %swap3A_90 : vector<16xi32> to vector<16xi32>
    %swap3A_92 = vector.shape_cast %select_n3A_88 : vector<16xi32> to vector<16xi32>
    tpu.vector_store %arg12[%swap3A_89], %swap3A_92 {strides = array<i32>} : memref<128xi32, #tpu.memory_space<vmem>>, vector<16xi32>,
    %get3A_93 = arith.constant 48 : index
    %get3A_94 = tpu.vector_load %arg8[%get3A_93] {strides = array<i32>} : memref<64xi32, #tpu.memory_space<vmem>>, vector<16xi32>,
    %get3A_95 = vector.shape_cast %get3A_94 : vector<16xi32> to vector<16xi32>
    %ge3A_96 = vector.broadcast %mul3A_0 : i32 to vector<16xi32>
    %ge3A_97 = arith.cmpi sge, %get3A_95, %ge3A_96 : vector<16xi32>
    %add3A_98 = arith.constant 5000 : i32
    %add3A_99 = arith.addi %mul3A_0, %add3A_98 : i32
    %lt3A_100 = vector.broadcast %add3A_99 : i32 to vector<16xi32>
    %lt3A_101 = arith.cmpi slt, %get3A_95, %lt3A_100 : vector<16xi32>
    %and3A_102 = arith.andi %ge3A_97, %lt3A_101 : vector<16xi1>
    %sub3A_103 = vector.broadcast %mul3A_0 : i32 to vector<16xi32>
    %sub3A_104 = arith.subi %get3A_95, %sub3A_103 : vector<16xi32>
    %mul3A_105 = arith.constant 2 : i32
    %mul3A_106 = vector.broadcast %mul3A_105 : i32 to vector<16xi32>
    %mul3A_107 = arith.muli %sub3A_104, %mul3A_106 : vector<16xi32>
    %jit3A_108 = arith.constant -1 : i32
    %broadcast_in_dim3A_109 = vector.broadcast %jit3A_108 : i32 to vector<16xi32>
    %select_n3A_110 = arith.select %and3A_102, %mul3A_107, %broadcast_in_dim3A_109 : vector<16xi1>, vector<16xi32>
    %swap3A_111 = arith.constant 96 : index
    %swap3A_112 = tpu.vector_load %arg12[%swap3A_111] {strides = array<i32>} : memref<128xi32, #tpu.memory_space<vmem>>, vector<16xi32>,
    %swap3A_113 = vector.shape_cast %swap3A_112 : vector<16xi32> to vector<16xi32>
    %swap3A_114 = vector.shape_cast %select_n3A_110 : vector<16xi32> to vector<16xi32>
    tpu.vector_store %arg12[%swap3A_111], %swap3A_114 {strides = array<i32>} : memref<128xi32, #tpu.memory_space<vmem>>, vector<16xi32>,
    %add3A_115 = arith.constant 1 : i32
    %add3A_116 = vector.broadcast %add3A_115 : i32 to vector<16xi32>
    %add3A_117 = arith.addi %mul3A_107, %add3A_116 : vector<16xi32>
    %jit3A_118 = arith.constant -1 : i32
    %broadcast_in_dim3A_119 = vector.broadcast %jit3A_118 : i32 to vector<16xi32>
    %select_n3A_120 = arith.select %and3A_102, %add3A_117, %broadcast_in_dim3A_119 : vector<16xi1>, vector<16xi32>
    %swap3A_121 = arith.constant 112 : index
    %swap3A_122 = tpu.vector_load %arg12[%swap3A_121] {strides = array<i32>} : memref<128xi32, #tpu.memory_space<vmem>>, vector<16xi32>,
    %swap3A_123 = vector.shape_cast %swap3A_122 : vector<16xi32> to vector<16xi32>
    %swap3A_124 = vector.shape_cast %select_n3A_120 : vector<16xi32> to vector<16xi32>
    tpu.vector_store %arg12[%swap3A_121], %swap3A_124 {strides = array<i32>} : memref<128xi32, #tpu.memory_space<vmem>>, vector<16xi32>,
    "tpu.region"() ({
      %run_scoped3A = tpu.sem_alloc : memref<!tpu.dma_semaphore, #tpu.memory_space<semaphore_mem>>
      %dma_start3A_258 = tpu.memref_slice %arg2[%add3A_5] : memref<161792xi32, #tpu.memory_space<hbm>> -> memref<64xi32, #tpu.memory_space<hbm>>
      %dma_start3A_259 = tpu.memref_slice %arg2[%add3A_5] : memref<161792xi32, #tpu.memory_space<hbm>> -> memref<64xi32, #tpu.memory_space<hbm>>
      tpu.enqueue_dma source(%dma_start3A_259 : memref<64xi32, #tpu.memory_space<hbm>>) target(%arg8 : memref<64xi32, #tpu.memory_space<vmem>>) target_semaphore(%run_scoped3A : memref<!tpu.dma_semaphore, #tpu.memory_space<semaphore_mem>>)
      %dma_wait3A_260 = tpu.memref_slice %arg2[%add3A_5] : memref<161792xi32, #tpu.memory_space<hbm>> -> memref<64xi32, #tpu.memory_space<hbm>>
      %dma_wait3A_261 = tpu.memref_slice %arg2[%add3A_5] : memref<161792xi32, #tpu.memory_space<hbm>> -> memref<64xi32, #tpu.memory_space<hbm>>
      tpu.wait_dma2 semaphore(%run_scoped3A : memref<!tpu.dma_semaphore, #tpu.memory_space<semaphore_mem>>) src(%dma_wait3A_261 : memref<64xi32, #tpu.memory_space<hbm>>) dst(%arg8 : memref<64xi32, #tpu.memory_space<vmem>>)
      tpu.yield
    }) : () -> ()
    %get3A_125 = arith.constant 0 : index
    %get3A_126 = tpu.vector_load %arg12[%get3A_125] {strides = array<i32>} : memref<128xi32, #tpu.memory_space<vmem>>, vector<16xi32>,
    %get3A_127 = vector.shape_cast %get3A_126 : vector<16xi32> to vector<16xi32>
    %ge3A_128 = arith.constant 0 : i32
    %ge3A_129 = vector.broadcast %ge3A_128 : i32 to vector<16xi32>
    %ge3A_130 = arith.cmpi sge, %get3A_127, %ge3A_129 : vector<16xi32>
    %get3A_131 = arith.constant 0 : index
    %get3A_132 = tpu.vector_load %arg8[%get3A_131] {strides = array<i32>} : memref<64xi32, #tpu.memory_space<vmem>>, vector<16xi32>,
    %get3A_133 = vector.shape_cast %get3A_132 : vector<16xi32> to vector<16xi32>
    %mul3A_134 = arith.constant 2 : i32
    %mul3A_135 = vector.broadcast %mul3A_134 : i32 to vector<16xi32>
    %mul3A_136 = arith.muli %get3A_133, %mul3A_135 : vector<16xi32>
    %jit3A_137 = arith.constant -1 : i32
    %broadcast_in_dim3A_138 = vector.broadcast %jit3A_137 : i32 to vector<16xi32>
    %select_n3A_139 = arith.select %ge3A_130, %mul3A_136, %broadcast_in_dim3A_138 : vector<16xi1>, vector<16xi32>
    %swap3A_140 = arith.constant 0 : index
    %swap3A_141 = tpu.vector_load %arg10[%swap3A_140] {strides = array<i32>} : memref<128xi32, #tpu.memory_space<vmem>>, vector<16xi32>,
    %swap3A_142 = vector.shape_cast %swap3A_141 : vector<16xi32> to vector<16xi32>
    %swap3A_143 = vector.shape_cast %select_n3A_139 : vector<16xi32> to vector<16xi32>
    tpu.vector_store %arg10[%swap3A_140], %swap3A_143 {strides = array<i32>} : memref<128xi32, #tpu.memory_space<vmem>>, vector<16xi32>,
    %add3A_144 = arith.constant 1 : i32
    %add3A_145 = vector.broadcast %add3A_144 : i32 to vector<16xi32>
    %add3A_146 = arith.addi %mul3A_136, %add3A_145 : vector<16xi32>
    %jit3A_147 = arith.constant -1 : i32
    %broadcast_in_dim3A_148 = vector.broadcast %jit3A_147 : i32 to vector<16xi32>
    %select_n3A_149 = arith.select %ge3A_130, %add3A_146, %broadcast_in_dim3A_148 : vector<16xi1>, vector<16xi32>
    %swap3A_150 = arith.constant 16 : index
    %swap3A_151 = tpu.vector_load %arg10[%swap3A_150] {strides = array<i32>} : memref<128xi32, #tpu.memory_space<vmem>>, vector<16xi32>,
    %swap3A_152 = vector.shape_cast %swap3A_151 : vector<16xi32> to vector<16xi32>
    %swap3A_153 = vector.shape_cast %select_n3A_149 : vector<16xi32> to vector<16xi32>
    tpu.vector_store %arg10[%swap3A_150], %swap3A_153 {strides = array<i32>} : memref<128xi32, #tpu.memory_space<vmem>>, vector<16xi32>,
    %get3A_154 = arith.constant 32 : index
    %get3A_155 = tpu.vector_load %arg12[%get3A_154] {strides = array<i32>} : memref<128xi32, #tpu.memory_space<vmem>>, vector<16xi32>,
    %get3A_156 = vector.shape_cast %get3A_155 : vector<16xi32> to vector<16xi32>
    %ge3A_157 = arith.constant 0 : i32
    %ge3A_158 = vector.broadcast %ge3A_157 : i32 to vector<16xi32>
    %ge3A_159 = arith.cmpi sge, %get3A_156, %ge3A_158 : vector<16xi32>
    %get3A_160 = arith.constant 16 : index
    %get3A_161 = tpu.vector_load %arg8[%get3A_160] {strides = array<i32>} : memref<64xi32, #tpu.memory_space<vmem>>, vector<16xi32>,
    %get3A_162 = vector.shape_cast %get3A_161 : vector<16xi32> to vector<16xi32>
    %mul3A_163 = arith.constant 2 : i32
    %mul3A_164 = vector.broadcast %mul3A_163 : i32 to vector<16xi32>
    %mul3A_165 = arith.muli %get3A_162, %mul3A_164 : vector<16xi32>
    %jit3A_166 = arith.constant -1 : i32
    %broadcast_in_dim3A_167 = vector.broadcast %jit3A_166 : i32 to vector<16xi32>
    %select_n3A_168 = arith.select %ge3A_159, %mul3A_165, %broadcast_in_dim3A_167 : vector<16xi1>, vector<16xi32>
    %swap3A_169 = arith.constant 32 : index
    %swap3A_170 = tpu.vector_load %arg10[%swap3A_169] {strides = array<i32>} : memref<128xi32, #tpu.memory_space<vmem>>, vector<16xi32>,
    %swap3A_171 = vector.shape_cast %swap3A_170 : vector<16xi32> to vector<16xi32>
    %swap3A_172 = vector.shape_cast %select_n3A_168 : vector<16xi32> to vector<16xi32>
    tpu.vector_store %arg10[%swap3A_169], %swap3A_172 {strides = array<i32>} : memref<128xi32, #tpu.memory_space<vmem>>, vector<16xi32>,
    %add3A_173 = arith.constant 1 : i32
    %add3A_174 = vector.broadcast %add3A_173 : i32 to vector<16xi32>
    %add3A_175 = arith.addi %mul3A_165, %add3A_174 : vector<16xi32>
    %jit3A_176 = arith.constant -1 : i32
    %broadcast_in_dim3A_177 = vector.broadcast %jit3A_176 : i32 to vector<16xi32>
    %select_n3A_178 = arith.select %ge3A_159, %add3A_175, %broadcast_in_dim3A_177 : vector<16xi1>, vector<16xi32>
    %swap3A_179 = arith.constant 48 : index
    %swap3A_180 = tpu.vector_load %arg10[%swap3A_179] {strides = array<i32>} : memref<128xi32, #tpu.memory_space<vmem>>, vector<16xi32>,
    %swap3A_181 = vector.shape_cast %swap3A_180 : vector<16xi32> to vector<16xi32>
    %swap3A_182 = vector.shape_cast %select_n3A_178 : vector<16xi32> to vector<16xi32>
    tpu.vector_store %arg10[%swap3A_179], %swap3A_182 {strides = array<i32>} : memref<128xi32, #tpu.memory_space<vmem>>, vector<16xi32>,
    %get3A_183 = arith.constant 64 : index
    %get3A_184 = tpu.vector_load %arg12[%get3A_183] {strides = array<i32>} : memref<128xi32, #tpu.memory_space<vmem>>, vector<16xi32>,
    %get3A_185 = vector.shape_cast %get3A_184 : vector<16xi32> to vector<16xi32>
    %ge3A_186 = arith.constant 0 : i32
    %ge3A_187 = vector.broadcast %ge3A_186 : i32 to vector<16xi32>
    %ge3A_188 = arith.cmpi sge, %get3A_185, %ge3A_187 : vector<16xi32>
    %get3A_189 = arith.constant 32 : index
    %get3A_190 = tpu.vector_load %arg8[%get3A_189] {strides = array<i32>} : memref<64xi32, #tpu.memory_space<vmem>>, vector<16xi32>,
    %get3A_191 = vector.shape_cast %get3A_190 : vector<16xi32> to vector<16xi32>
    %mul3A_192 = arith.constant 2 : i32
    %mul3A_193 = vector.broadcast %mul3A_192 : i32 to vector<16xi32>
    %mul3A_194 = arith.muli %get3A_191, %mul3A_193 : vector<16xi32>
    %jit3A_195 = arith.constant -1 : i32
    %broadcast_in_dim3A_196 = vector.broadcast %jit3A_195 : i32 to vector<16xi32>
    %select_n3A_197 = arith.select %ge3A_188, %mul3A_194, %broadcast_in_dim3A_196 : vector<16xi1>, vector<16xi32>
    %swap3A_198 = arith.constant 64 : index
    %swap3A_199 = tpu.vector_load %arg10[%swap3A_198] {strides = array<i32>} : memref<128xi32, #tpu.memory_space<vmem>>, vector<16xi32>,
    %swap3A_200 = vector.shape_cast %swap3A_199 : vector<16xi32> to vector<16xi32>
    %swap3A_201 = vector.shape_cast %select_n3A_197 : vector<16xi32> to vector<16xi32>
    tpu.vector_store %arg10[%swap3A_198], %swap3A_201 {strides = array<i32>} : memref<128xi32, #tpu.memory_space<vmem>>, vector<16xi32>,
    %add3A_202 = arith.constant 1 : i32
    %add3A_203 = vector.broadcast %add3A_202 : i32 to vector<16xi32>
    %add3A_204 = arith.addi %mul3A_194, %add3A_203 : vector<16xi32>
    %jit3A_205 = arith.constant -1 : i32
    %broadcast_in_dim3A_206 = vector.broadcast %jit3A_205 : i32 to vector<16xi32>
    %select_n3A_207 = arith.select %ge3A_188, %add3A_204, %broadcast_in_dim3A_206 : vector<16xi1>, vector<16xi32>
    %swap3A_208 = arith.constant 80 : index
    %swap3A_209 = tpu.vector_load %arg10[%swap3A_208] {strides = array<i32>} : memref<128xi32, #tpu.memory_space<vmem>>, vector<16xi32>,
    %swap3A_210 = vector.shape_cast %swap3A_209 : vector<16xi32> to vector<16xi32>
    %swap3A_211 = vector.shape_cast %select_n3A_207 : vector<16xi32> to vector<16xi32>
    tpu.vector_store %arg10[%swap3A_208], %swap3A_211 {strides = array<i32>} : memref<128xi32, #tpu.memory_space<vmem>>, vector<16xi32>,
    %get3A_212 = arith.constant 96 : index
    %get3A_213 = tpu.vector_load %arg12[%get3A_212] {strides = array<i32>} : memref<128xi32, #tpu.memory_space<vmem>>, vector<16xi32>,
    %get3A_214 = vector.shape_cast %get3A_213 : vector<16xi32> to vector<16xi32>
    %ge3A_215 = arith.constant 0 : i32
    %ge3A_216 = vector.broadcast %ge3A_215 : i32 to vector<16xi32>
    %ge3A_217 = arith.cmpi sge, %get3A_214, %ge3A_216 : vector<16xi32>
    %get3A_218 = arith.constant 48 : index
    %get3A_219 = tpu.vector_load %arg8[%get3A_218] {strides = array<i32>} : memref<64xi32, #tpu.memory_space<vmem>>, vector<16xi32>,
    %get3A_220 = vector.shape_cast %get3A_219 : vector<16xi32> to vector<16xi32>
    %mul3A_221 = arith.constant 2 : i32
    %mul3A_222 = vector.broadcast %mul3A_221 : i32 to vector<16xi32>
    %mul3A_223 = arith.muli %get3A_220, %mul3A_222 : vector<16xi32>
    %jit3A_224 = arith.constant -1 : i32
    %broadcast_in_dim3A_225 = vector.broadcast %jit3A_224 : i32 to vector<16xi32>
    %select_n3A_226 = arith.select %ge3A_217, %mul3A_223, %broadcast_in_dim3A_225 : vector<16xi1>, vector<16xi32>
    %swap3A_227 = arith.constant 96 : index
    %swap3A_228 = tpu.vector_load %arg10[%swap3A_227] {strides = array<i32>} : memref<128xi32, #tpu.memory_space<vmem>>, vector<16xi32>,
    %swap3A_229 = vector.shape_cast %swap3A_228 : vector<16xi32> to vector<16xi32>
    %swap3A_230 = vector.shape_cast %select_n3A_226 : vector<16xi32> to vector<16xi32>
    tpu.vector_store %arg10[%swap3A_227], %swap3A_230 {strides = array<i32>} : memref<128xi32, #tpu.memory_space<vmem>>, vector<16xi32>,
    %add3A_231 = arith.constant 1 : i32
    %add3A_232 = vector.broadcast %add3A_231 : i32 to vector<16xi32>
    %add3A_233 = arith.addi %mul3A_223, %add3A_232 : vector<16xi32>
    %jit3A_234 = arith.constant -1 : i32
    %broadcast_in_dim3A_235 = vector.broadcast %jit3A_234 : i32 to vector<16xi32>
    %select_n3A_236 = arith.select %ge3A_217, %add3A_233, %broadcast_in_dim3A_235 : vector<16xi1>, vector<16xi32>
    %swap3A_237 = arith.constant 112 : index
    %swap3A_238 = tpu.vector_load %arg10[%swap3A_237] {strides = array<i32>} : memref<128xi32, #tpu.memory_space<vmem>>, vector<16xi32>,
    %swap3A_239 = vector.shape_cast %swap3A_238 : vector<16xi32> to vector<16xi32>
    %swap3A_240 = vector.shape_cast %select_n3A_236 : vector<16xi32> to vector<16xi32>
    tpu.vector_store %arg10[%swap3A_237], %swap3A_240 {strides = array<i32>} : memref<128xi32, #tpu.memory_space<vmem>>, vector<16xi32>,
    %dma_start3A = arith.constant 0 : i32
    %dma_start3A_241 = arith.constant 0 : i32
    %dma_start3A_242 = tpu.memref_slice %arg4[%dma_start3A, %dma_start3A_241] : memref<20000x128xf32, #tpu.memory_space<hbm>> -> memref<20000x128xf32, #tpu.memory_space<hbm>>
    %dma_start3A_243 = arith.constant -1 : i32
    tpu.enqueue_indirect_dma source(%dma_start3A_242 : memref<20000x128xf32, #tpu.memory_space<hbm>>) target(%arg14 : memref<128x128xf32, #tpu.memory_space<vmem>>) offsets(%arg10 : memref<128xi32, #tpu.memory_space<vmem>>) offset_filter(%dma_start3A_243) semaphore(%arg16 : memref<!tpu.dma_semaphore, #tpu.memory_space<semaphore_mem>>)
    %scan3A = arith.constant 0 : i32
    %scan3A_244 = arith.constant 79 : i32
    %scan3A_245 = arith.addi %scan3A, %scan3A_244 : i32
    %scan3A_246 = arith.constant 1 : i32
    scf.for %scan3A_258 = %scan3A to %scan3A_245 step %scan3A_246  : i32 {
      %mul3A_259 = arith.constant 2 : i32
      %mul3A_260 = arith.muli %scan3A_258, %mul3A_259 : i32
      %add3A_261 = arith.constant 0 : i32
      %add3A_262 = arith.addi %add3A_261, %mul3A_260 : i32
      %add3A_263 = arith.constant 0 : i32
      %add3A_264 = arith.addi %add3A_262, %add3A_263 : i32
      %add3A_265 = arith.constant 1 : i32
      %add3A_266 = arith.addi %add3A_264, %add3A_265 : i32
      %min3A = arith.constant 157 : i32
      %min3A_267 = arith.minsi %add3A_266, %min3A : i32
      %mul3A_268 = arith.constant 64 : i32
      %mul3A_269 = arith.muli %min3A_267, %mul3A_268 : i32
      %add3A_270 = arith.addi %mul3A_4, %mul3A_269 : i32
      "tpu.region"() ({
        %run_scoped3A = tpu.sem_alloc : memref<!tpu.dma_semaphore, #tpu.memory_space<semaphore_mem>>
        %dma_start3A_782 = tpu.memref_slice %arg3[%add3A_270] : memref<161792xi32, #tpu.memory_space<hbm>> -> memref<64xi32, #tpu.memory_space<hbm>>
        %dma_start3A_783 = tpu.memref_slice %arg3[%add3A_270] : memref<161792xi32, #tpu.memory_space<hbm>> -> memref<64xi32, #tpu.memory_space<hbm>>
        tpu.enqueue_dma source(%dma_start3A_783 : memref<64xi32, #tpu.memory_space<hbm>>) target(%arg9 : memref<64xi32, #tpu.memory_space<vmem>>) target_semaphore(%run_scoped3A : memref<!tpu.dma_semaphore, #tpu.memory_space<semaphore_mem>>)
        %dma_wait3A_784 = tpu.memref_slice %arg3[%add3A_270] : memref<161792xi32, #tpu.memory_space<hbm>> -> memref<64xi32, #tpu.memory_space<hbm>>
        %dma_wait3A_785 = tpu.memref_slice %arg3[%add3A_270] : memref<161792xi32, #tpu.memory_space<hbm>> -> memref<64xi32, #tpu.memory_space<hbm>>
        tpu.wait_dma2 semaphore(%run_scoped3A : memref<!tpu.dma_semaphore, #tpu.memory_space<semaphore_mem>>) src(%dma_wait3A_785 : memref<64xi32, #tpu.memory_space<hbm>>) dst(%arg9 : memref<64xi32, #tpu.memory_space<vmem>>)
        tpu.yield
      }) : () -> ()
      %get3A_271 = arith.constant 0 : index
      %get3A_272 = tpu.vector_load %arg9[%get3A_271] {strides = array<i32>} : memref<64xi32, #tpu.memory_space<vmem>>, vector<16xi32>,
      %get3A_273 = vector.shape_cast %get3A_272 : vector<16xi32> to vector<16xi32>
      %ge3A_274 = vector.broadcast %mul3A_0 : i32 to vector<16xi32>
      %ge3A_275 = arith.cmpi sge, %get3A_273, %ge3A_274 : vector<16xi32>
      %add3A_276 = arith.constant 5000 : i32
      %add3A_277 = arith.addi %mul3A_0, %add3A_276 : i32
      %lt3A_278 = vector.broadcast %add3A_277 : i32 to vector<16xi32>
      %lt3A_279 = arith.cmpi slt, %get3A_273, %lt3A_278 : vector<16xi32>
      %and3A_280 = arith.andi %ge3A_275, %lt3A_279 : vector<16xi1>
      %sub3A_281 = vector.broadcast %mul3A_0 : i32 to vector<16xi32>
      %sub3A_282 = arith.subi %get3A_273, %sub3A_281 : vector<16xi32>
      %mul3A_283 = arith.constant 2 : i32
      %mul3A_284 = vector.broadcast %mul3A_283 : i32 to vector<16xi32>
      %mul3A_285 = arith.muli %sub3A_282, %mul3A_284 : vector<16xi32>
      %jit3A_286 = arith.constant -1 : i32
      %broadcast_in_dim3A_287 = vector.broadcast %jit3A_286 : i32 to vector<16xi32>
      %select_n3A_288 = arith.select %and3A_280, %mul3A_285, %broadcast_in_dim3A_287 : vector<16xi1>, vector<16xi32>
      %swap3A_289 = arith.constant 0 : index
      %swap3A_290 = tpu.vector_load %arg13[%swap3A_289] {strides = array<i32>} : memref<128xi32, #tpu.memory_space<vmem>>, vector<16xi32>,
      %swap3A_291 = vector.shape_cast %swap3A_290 : vector<16xi32> to vector<16xi32>
      %swap3A_292 = vector.shape_cast %select_n3A_288 : vector<16xi32> to vector<16xi32>
      tpu.vector_store %arg13[%swap3A_289], %swap3A_292 {strides = array<i32>} : memref<128xi32, #tpu.memory_space<vmem>>, vector<16xi32>,
      %add3A_293 = arith.constant 1 : i32
      %add3A_294 = vector.broadcast %add3A_293 : i32 to vector<16xi32>
      %add3A_295 = arith.addi %mul3A_285, %add3A_294 : vector<16xi32>
      %jit3A_296 = arith.constant -1 : i32
      %broadcast_in_dim3A_297 = vector.broadcast %jit3A_296 : i32 to vector<16xi32>
      %select_n3A_298 = arith.select %and3A_280, %add3A_295, %broadcast_in_dim3A_297 : vector<16xi1>, vector<16xi32>
      %swap3A_299 = arith.constant 16 : index
      %swap3A_300 = tpu.vector_load %arg13[%swap3A_299] {strides = array<i32>} : memref<128xi32, #tpu.memory_space<vmem>>, vector<16xi32>,
      %swap3A_301 = vector.shape_cast %swap3A_300 : vector<16xi32> to vector<16xi32>
      %swap3A_302 = vector.shape_cast %select_n3A_298 : vector<16xi32> to vector<16xi32>
      tpu.vector_store %arg13[%swap3A_299], %swap3A_302 {strides = array<i32>} : memref<128xi32, #tpu.memory_space<vmem>>, vector<16xi32>,
      %get3A_303 = arith.constant 16 : index
      %get3A_304 = tpu.vector_load %arg9[%get3A_303] {strides = array<i32>} : memref<64xi32, #tpu.memory_space<vmem>>, vector<16xi32>,
      %get3A_305 = vector.shape_cast %get3A_304 : vector<16xi32> to vector<16xi32>
      %ge3A_306 = vector.broadcast %mul3A_0 : i32 to vector<16xi32>
      %ge3A_307 = arith.cmpi sge, %get3A_305, %ge3A_306 : vector<16xi32>
      %add3A_308 = arith.constant 5000 : i32
      %add3A_309 = arith.addi %mul3A_0, %add3A_308 : i32
      %lt3A_310 = vector.broadcast %add3A_309 : i32 to vector<16xi32>
      %lt3A_311 = arith.cmpi slt, %get3A_305, %lt3A_310 : vector<16xi32>
      %and3A_312 = arith.andi %ge3A_307, %lt3A_311 : vector<16xi1>
      %sub3A_313 = vector.broadcast %mul3A_0 : i32 to vector<16xi32>
      %sub3A_314 = arith.subi %get3A_305, %sub3A_313 : vector<16xi32>
      %mul3A_315 = arith.constant 2 : i32
      %mul3A_316 = vector.broadcast %mul3A_315 : i32 to vector<16xi32>
      %mul3A_317 = arith.muli %sub3A_314, %mul3A_316 : vector<16xi32>
      %jit3A_318 = arith.constant -1 : i32
      %broadcast_in_dim3A_319 = vector.broadcast %jit3A_318 : i32 to vector<16xi32>
      %select_n3A_320 = arith.select %and3A_312, %mul3A_317, %broadcast_in_dim3A_319 : vector<16xi1>, vector<16xi32>
      %swap3A_321 = arith.constant 32 : index
      %swap3A_322 = tpu.vector_load %arg13[%swap3A_321] {strides = array<i32>} : memref<128xi32, #tpu.memory_space<vmem>>, vector<16xi32>,
      %swap3A_323 = vector.shape_cast %swap3A_322 : vector<16xi32> to vector<16xi32>
      %swap3A_324 = vector.shape_cast %select_n3A_320 : vector<16xi32> to vector<16xi32>
      tpu.vector_store %arg13[%swap3A_321], %swap3A_324 {strides = array<i32>} : memref<128xi32, #tpu.memory_space<vmem>>, vector<16xi32>,
      %add3A_325 = arith.constant 1 : i32
      %add3A_326 = vector.broadcast %add3A_325 : i32 to vector<16xi32>
      %add3A_327 = arith.addi %mul3A_317, %add3A_326 : vector<16xi32>
      %jit3A_328 = arith.constant -1 : i32
      %broadcast_in_dim3A_329 = vector.broadcast %jit3A_328 : i32 to vector<16xi32>
      %select_n3A_330 = arith.select %and3A_312, %add3A_327, %broadcast_in_dim3A_329 : vector<16xi1>, vector<16xi32>
      %swap3A_331 = arith.constant 48 : index
      %swap3A_332 = tpu.vector_load %arg13[%swap3A_331] {strides = array<i32>} : memref<128xi32, #tpu.memory_space<vmem>>, vector<16xi32>,
      %swap3A_333 = vector.shape_cast %swap3A_332 : vector<16xi32> to vector<16xi32>
      %swap3A_334 = vector.shape_cast %select_n3A_330 : vector<16xi32> to vector<16xi32>
      tpu.vector_store %arg13[%swap3A_331], %swap3A_334 {strides = array<i32>} : memref<128xi32, #tpu.memory_space<vmem>>, vector<16xi32>,
      %get3A_335 = arith.constant 32 : index
      %get3A_336 = tpu.vector_load %arg9[%get3A_335] {strides = array<i32>} : memref<64xi32, #tpu.memory_space<vmem>>, vector<16xi32>,
      %get3A_337 = vector.shape_cast %get3A_336 : vector<16xi32> to vector<16xi32>
      %ge3A_338 = vector.broadcast %mul3A_0 : i32 to vector<16xi32>
      %ge3A_339 = arith.cmpi sge, %get3A_337, %ge3A_338 : vector<16xi32>
      %add3A_340 = arith.constant 5000 : i32
      %add3A_341 = arith.addi %mul3A_0, %add3A_340 : i32
      %lt3A_342 = vector.broadcast %add3A_341 : i32 to vector<16xi32>
      %lt3A_343 = arith.cmpi slt, %get3A_337, %lt3A_342 : vector<16xi32>
      %and3A_344 = arith.andi %ge3A_339, %lt3A_343 : vector<16xi1>
      %sub3A_345 = vector.broadcast %mul3A_0 : i32 to vector<16xi32>
      %sub3A_346 = arith.subi %get3A_337, %sub3A_345 : vector<16xi32>
      %mul3A_347 = arith.constant 2 : i32
      %mul3A_348 = vector.broadcast %mul3A_347 : i32 to vector<16xi32>
      %mul3A_349 = arith.muli %sub3A_346, %mul3A_348 : vector<16xi32>
      %jit3A_350 = arith.constant -1 : i32
      %broadcast_in_dim3A_351 = vector.broadcast %jit3A_350 : i32 to vector<16xi32>
      %select_n3A_352 = arith.select %and3A_344, %mul3A_349, %broadcast_in_dim3A_351 : vector<16xi1>, vector<16xi32>
      %swap3A_353 = arith.constant 64 : index
      %swap3A_354 = tpu.vector_load %arg13[%swap3A_353] {strides = array<i32>} : memref<128xi32, #tpu.memory_space<vmem>>, vector<16xi32>,
      %swap3A_355 = vector.shape_cast %swap3A_354 : vector<16xi32> to vector<16xi32>
      %swap3A_356 = vector.shape_cast %select_n3A_352 : vector<16xi32> to vector<16xi32>
      tpu.vector_store %arg13[%swap3A_353], %swap3A_356 {strides = array<i32>} : memref<128xi32, #tpu.memory_space<vmem>>, vector<16xi32>,
      %add3A_357 = arith.constant 1 : i32
      %add3A_358 = vector.broadcast %add3A_357 : i32 to vector<16xi32>
      %add3A_359 = arith.addi %mul3A_349, %add3A_358 : vector<16xi32>
      %jit3A_360 = arith.constant -1 : i32
      %broadcast_in_dim3A_361 = vector.broadcast %jit3A_360 : i32 to vector<16xi32>
      %select_n3A_362 = arith.select %and3A_344, %add3A_359, %broadcast_in_dim3A_361 : vector<16xi1>, vector<16xi32>
      %swap3A_363 = arith.constant 80 : index
      %swap3A_364 = tpu.vector_load %arg13[%swap3A_363] {strides = array<i32>} : memref<128xi32, #tpu.memory_space<vmem>>, vector<16xi32>,
      %swap3A_365 = vector.shape_cast %swap3A_364 : vector<16xi32> to vector<16xi32>
      %swap3A_366 = vector.shape_cast %select_n3A_362 : vector<16xi32> to vector<16xi32>
      tpu.vector_store %arg13[%swap3A_363], %swap3A_366 {strides = array<i32>} : memref<128xi32, #tpu.memory_space<vmem>>, vector<16xi32>,
      %get3A_367 = arith.constant 48 : index
      %get3A_368 = tpu.vector_load %arg9[%get3A_367] {strides = array<i32>} : memref<64xi32, #tpu.memory_space<vmem>>, vector<16xi32>,
      %get3A_369 = vector.shape_cast %get3A_368 : vector<16xi32> to vector<16xi32>
      %ge3A_370 = vector.broadcast %mul3A_0 : i32 to vector<16xi32>
      %ge3A_371 = arith.cmpi sge, %get3A_369, %ge3A_370 : vector<16xi32>
      %add3A_372 = arith.constant 5000 : i32
      %add3A_373 = arith.addi %mul3A_0, %add3A_372 : i32
      %lt3A_374 = vector.broadcast %add3A_373 : i32 to vector<16xi32>
      %lt3A_375 = arith.cmpi slt, %get3A_369, %lt3A_374 : vector<16xi32>
      %and3A_376 = arith.andi %ge3A_371, %lt3A_375 : vector<16xi1>
      %sub3A_377 = vector.broadcast %mul3A_0 : i32 to vector<16xi32>
      %sub3A_378 = arith.subi %get3A_369, %sub3A_377 : vector<16xi32>
      %mul3A_379 = arith.constant 2 : i32
      %mul3A_380 = vector.broadcast %mul3A_379 : i32 to vector<16xi32>
      %mul3A_381 = arith.muli %sub3A_378, %mul3A_380 : vector<16xi32>
      %jit3A_382 = arith.constant -1 : i32
      %broadcast_in_dim3A_383 = vector.broadcast %jit3A_382 : i32 to vector<16xi32>
      %select_n3A_384 = arith.select %and3A_376, %mul3A_381, %broadcast_in_dim3A_383 : vector<16xi1>, vector<16xi32>
      %swap3A_385 = arith.constant 96 : index
      %swap3A_386 = tpu.vector_load %arg13[%swap3A_385] {strides = array<i32>} : memref<128xi32, #tpu.memory_space<vmem>>, vector<16xi32>,
      %swap3A_387 = vector.shape_cast %swap3A_386 : vector<16xi32> to vector<16xi32>
      %swap3A_388 = vector.shape_cast %select_n3A_384 : vector<16xi32> to vector<16xi32>
      tpu.vector_store %arg13[%swap3A_385], %swap3A_388 {strides = array<i32>} : memref<128xi32, #tpu.memory_space<vmem>>, vector<16xi32>,
      %add3A_389 = arith.constant 1 : i32
      %add3A_390 = vector.broadcast %add3A_389 : i32 to vector<16xi32>
      %add3A_391 = arith.addi %mul3A_381, %add3A_390 : vector<16xi32>
      %jit3A_392 = arith.constant -1 : i32
      %broadcast_in_dim3A_393 = vector.broadcast %jit3A_392 : i32 to vector<16xi32>
      %select_n3A_394 = arith.select %and3A_376, %add3A_391, %broadcast_in_dim3A_393 : vector<16xi1>, vector<16xi32>
      %swap3A_395 = arith.constant 112 : index
      %swap3A_396 = tpu.vector_load %arg13[%swap3A_395] {strides = array<i32>} : memref<128xi32, #tpu.memory_space<vmem>>, vector<16xi32>,
      %swap3A_397 = vector.shape_cast %swap3A_396 : vector<16xi32> to vector<16xi32>
      %swap3A_398 = vector.shape_cast %select_n3A_394 : vector<16xi32> to vector<16xi32>
      tpu.vector_store %arg13[%swap3A_395], %swap3A_398 {strides = array<i32>} : memref<128xi32, #tpu.memory_space<vmem>>, vector<16xi32>,
      "tpu.region"() ({
        %run_scoped3A = tpu.sem_alloc : memref<!tpu.dma_semaphore, #tpu.memory_space<semaphore_mem>>
        %dma_start3A_782 = tpu.memref_slice %arg2[%add3A_270] : memref<161792xi32, #tpu.memory_space<hbm>> -> memref<64xi32, #tpu.memory_space<hbm>>
        %dma_start3A_783 = tpu.memref_slice %arg2[%add3A_270] : memref<161792xi32, #tpu.memory_space<hbm>> -> memref<64xi32, #tpu.memory_space<hbm>>
        tpu.enqueue_dma source(%dma_start3A_783 : memref<64xi32, #tpu.memory_space<hbm>>) target(%arg9 : memref<64xi32, #tpu.memory_space<vmem>>) target_semaphore(%run_scoped3A : memref<!tpu.dma_semaphore, #tpu.memory_space<semaphore_mem>>)
        %dma_wait3A_784 = tpu.memref_slice %arg2[%add3A_270] : memref<161792xi32, #tpu.memory_space<hbm>> -> memref<64xi32, #tpu.memory_space<hbm>>
        %dma_wait3A_785 = tpu.memref_slice %arg2[%add3A_270] : memref<161792xi32, #tpu.memory_space<hbm>> -> memref<64xi32, #tpu.memory_space<hbm>>
        tpu.wait_dma2 semaphore(%run_scoped3A : memref<!tpu.dma_semaphore, #tpu.memory_space<semaphore_mem>>) src(%dma_wait3A_785 : memref<64xi32, #tpu.memory_space<hbm>>) dst(%arg9 : memref<64xi32, #tpu.memory_space<vmem>>)
        tpu.yield
      }) : () -> ()
      %get3A_399 = arith.constant 0 : index
      %get3A_400 = tpu.vector_load %arg13[%get3A_399] {strides = array<i32>} : memref<128xi32, #tpu.memory_space<vmem>>, vector<16xi32>,
      %get3A_401 = vector.shape_cast %get3A_400 : vector<16xi32> to vector<16xi32>
      %ge3A_402 = arith.constant 0 : i32
      %ge3A_403 = vector.broadcast %ge3A_402 : i32 to vector<16xi32>
      %ge3A_404 = arith.cmpi sge, %get3A_401, %ge3A_403 : vector<16xi32>
      %get3A_405 = arith.constant 0 : index
      %get3A_406 = tpu.vector_load %arg9[%get3A_405] {strides = array<i32>} : memref<64xi32, #tpu.memory_space<vmem>>, vector<16xi32>,
      %get3A_407 = vector.shape_cast %get3A_406 : vector<16xi32> to vector<16xi32>
      %mul3A_408 = arith.constant 2 : i32
      %mul3A_409 = vector.broadcast %mul3A_408 : i32 to vector<16xi32>
      %mul3A_410 = arith.muli %get3A_407, %mul3A_409 : vector<16xi32>
      %jit3A_411 = arith.constant -1 : i32
      %broadcast_in_dim3A_412 = vector.broadcast %jit3A_411 : i32 to vector<16xi32>
      %select_n3A_413 = arith.select %ge3A_404, %mul3A_410, %broadcast_in_dim3A_412 : vector<16xi1>, vector<16xi32>
      %swap3A_414 = arith.constant 0 : index
      %swap3A_415 = tpu.vector_load %arg11[%swap3A_414] {strides = array<i32>} : memref<128xi32, #tpu.memory_space<vmem>>, vector<16xi32>,
      %swap3A_416 = vector.shape_cast %swap3A_415 : vector<16xi32> to vector<16xi32>
      %swap3A_417 = vector.shape_cast %select_n3A_413 : vector<16xi32> to vector<16xi32>
      tpu.vector_store %arg11[%swap3A_414], %swap3A_417 {strides = array<i32>} : memref<128xi32, #tpu.memory_space<vmem>>, vector<16xi32>,
      %add3A_418 = arith.constant 1 : i32
      %add3A_419 = vector.broadcast %add3A_418 : i32 to vector<16xi32>
      %add3A_420 = arith.addi %mul3A_410, %add3A_419 : vector<16xi32>
      %jit3A_421 = arith.constant -1 : i32
      %broadcast_in_dim3A_422 = vector.broadcast %jit3A_421 : i32 to vector<16xi32>
      %select_n3A_423 = arith.select %ge3A_404, %add3A_420, %broadcast_in_dim3A_422 : vector<16xi1>, vector<16xi32>
      %swap3A_424 = arith.constant 16 : index
      %swap3A_425 = tpu.vector_load %arg11[%swap3A_424] {strides = array<i32>} : memref<128xi32, #tpu.memory_space<vmem>>, vector<16xi32>,
      %swap3A_426 = vector.shape_cast %swap3A_425 : vector<16xi32> to vector<16xi32>
      %swap3A_427 = vector.shape_cast %select_n3A_423 : vector<16xi32> to vector<16xi32>
      tpu.vector_store %arg11[%swap3A_424], %swap3A_427 {strides = array<i32>} : memref<128xi32, #tpu.memory_space<vmem>>, vector<16xi32>,
      %get3A_428 = arith.constant 32 : index
      %get3A_429 = tpu.vector_load %arg13[%get3A_428] {strides = array<i32>} : memref<128xi32, #tpu.memory_space<vmem>>, vector<16xi32>,
      %get3A_430 = vector.shape_cast %get3A_429 : vector<16xi32> to vector<16xi32>
      %ge3A_431 = arith.constant 0 : i32
      %ge3A_432 = vector.broadcast %ge3A_431 : i32 to vector<16xi32>
      %ge3A_433 = arith.cmpi sge, %get3A_430, %ge3A_432 : vector<16xi32>
      %get3A_434 = arith.constant 16 : index
      %get3A_435 = tpu.vector_load %arg9[%get3A_434] {strides = array<i32>} : memref<64xi32, #tpu.memory_space<vmem>>, vector<16xi32>,
      %get3A_436 = vector.shape_cast %get3A_435 : vector<16xi32> to vector<16xi32>
      %mul3A_437 = arith.constant 2 : i32
      %mul3A_438 = vector.broadcast %mul3A_437 : i32 to vector<16xi32>
      %mul3A_439 = arith.muli %get3A_436, %mul3A_438 : vector<16xi32>
      %jit3A_440 = arith.constant -1 : i32
      %broadcast_in_dim3A_441 = vector.broadcast %jit3A_440 : i32 to vector<16xi32>
      %select_n3A_442 = arith.select %ge3A_433, %mul3A_439, %broadcast_in_dim3A_441 : vector<16xi1>, vector<16xi32>
      %swap3A_443 = arith.constant 32 : index
      %swap3A_444 = tpu.vector_load %arg11[%swap3A_443] {strides = array<i32>} : memref<128xi32, #tpu.memory_space<vmem>>, vector<16xi32>,
      %swap3A_445 = vector.shape_cast %swap3A_444 : vector<16xi32> to vector<16xi32>
      %swap3A_446 = vector.shape_cast %select_n3A_442 : vector<16xi32> to vector<16xi32>
      tpu.vector_store %arg11[%swap3A_443], %swap3A_446 {strides = array<i32>} : memref<128xi32, #tpu.memory_space<vmem>>, vector<16xi32>,
      %add3A_447 = arith.constant 1 : i32
      %add3A_448 = vector.broadcast %add3A_447 : i32 to vector<16xi32>
      %add3A_449 = arith.addi %mul3A_439, %add3A_448 : vector<16xi32>
      %jit3A_450 = arith.constant -1 : i32
      %broadcast_in_dim3A_451 = vector.broadcast %jit3A_450 : i32 to vector<16xi32>
      %select_n3A_452 = arith.select %ge3A_433, %add3A_449, %broadcast_in_dim3A_451 : vector<16xi1>, vector<16xi32>
      %swap3A_453 = arith.constant 48 : index
      %swap3A_454 = tpu.vector_load %arg11[%swap3A_453] {strides = array<i32>} : memref<128xi32, #tpu.memory_space<vmem>>, vector<16xi32>,
      %swap3A_455 = vector.shape_cast %swap3A_454 : vector<16xi32> to vector<16xi32>
      %swap3A_456 = vector.shape_cast %select_n3A_452 : vector<16xi32> to vector<16xi32>
      tpu.vector_store %arg11[%swap3A_453], %swap3A_456 {strides = array<i32>} : memref<128xi32, #tpu.memory_space<vmem>>, vector<16xi32>,
      %get3A_457 = arith.constant 64 : index
      %get3A_458 = tpu.vector_load %arg13[%get3A_457] {strides = array<i32>} : memref<128xi32, #tpu.memory_space<vmem>>, vector<16xi32>,
      %get3A_459 = vector.shape_cast %get3A_458 : vector<16xi32> to vector<16xi32>
      %ge3A_460 = arith.constant 0 : i32
      %ge3A_461 = vector.broadcast %ge3A_460 : i32 to vector<16xi32>
      %ge3A_462 = arith.cmpi sge, %get3A_459, %ge3A_461 : vector<16xi32>
      %get3A_463 = arith.constant 32 : index
      %get3A_464 = tpu.vector_load %arg9[%get3A_463] {strides = array<i32>} : memref<64xi32, #tpu.memory_space<vmem>>, vector<16xi32>,
      %get3A_465 = vector.shape_cast %get3A_464 : vector<16xi32> to vector<16xi32>
      %mul3A_466 = arith.constant 2 : i32
      %mul3A_467 = vector.broadcast %mul3A_466 : i32 to vector<16xi32>
      %mul3A_468 = arith.muli %get3A_465, %mul3A_467 : vector<16xi32>
      %jit3A_469 = arith.constant -1 : i32
      %broadcast_in_dim3A_470 = vector.broadcast %jit3A_469 : i32 to vector<16xi32>
      %select_n3A_471 = arith.select %ge3A_462, %mul3A_468, %broadcast_in_dim3A_470 : vector<16xi1>, vector<16xi32>
      %swap3A_472 = arith.constant 64 : index
      %swap3A_473 = tpu.vector_load %arg11[%swap3A_472] {strides = array<i32>} : memref<128xi32, #tpu.memory_space<vmem>>, vector<16xi32>,
      %swap3A_474 = vector.shape_cast %swap3A_473 : vector<16xi32> to vector<16xi32>
      %swap3A_475 = vector.shape_cast %select_n3A_471 : vector<16xi32> to vector<16xi32>
      tpu.vector_store %arg11[%swap3A_472], %swap3A_475 {strides = array<i32>} : memref<128xi32, #tpu.memory_space<vmem>>, vector<16xi32>,
      %add3A_476 = arith.constant 1 : i32
      %add3A_477 = vector.broadcast %add3A_476 : i32 to vector<16xi32>
      %add3A_478 = arith.addi %mul3A_468, %add3A_477 : vector<16xi32>
      %jit3A_479 = arith.constant -1 : i32
      %broadcast_in_dim3A_480 = vector.broadcast %jit3A_479 : i32 to vector<16xi32>
      %select_n3A_481 = arith.select %ge3A_462, %add3A_478, %broadcast_in_dim3A_480 : vector<16xi1>, vector<16xi32>
      %swap3A_482 = arith.constant 80 : index
      %swap3A_483 = tpu.vector_load %arg11[%swap3A_482] {strides = array<i32>} : memref<128xi32, #tpu.memory_space<vmem>>, vector<16xi32>,
      %swap3A_484 = vector.shape_cast %swap3A_483 : vector<16xi32> to vector<16xi32>
      %swap3A_485 = vector.shape_cast %select_n3A_481 : vector<16xi32> to vector<16xi32>
      tpu.vector_store %arg11[%swap3A_482], %swap3A_485 {strides = array<i32>} : memref<128xi32, #tpu.memory_space<vmem>>, vector<16xi32>,
      %get3A_486 = arith.constant 96 : index
      %get3A_487 = tpu.vector_load %arg13[%get3A_486] {strides = array<i32>} : memref<128xi32, #tpu.memory_space<vmem>>, vector<16xi32>,
      %get3A_488 = vector.shape_cast %get3A_487 : vector<16xi32> to vector<16xi32>
      %ge3A_489 = arith.constant 0 : i32
      %ge3A_490 = vector.broadcast %ge3A_489 : i32 to vector<16xi32>
      %ge3A_491 = arith.cmpi sge, %get3A_488, %ge3A_490 : vector<16xi32>
      %get3A_492 = arith.constant 48 : index
      %get3A_493 = tpu.vector_load %arg9[%get3A_492] {strides = array<i32>} : memref<64xi32, #tpu.memory_space<vmem>>, vector<16xi32>,
      %get3A_494 = vector.shape_cast %get3A_493 : vector<16xi32> to vector<16xi32>
      %mul3A_495 = arith.constant 2 : i32
      %mul3A_496 = vector.broadcast %mul3A_495 : i32 to vector<16xi32>
      %mul3A_497 = arith.muli %get3A_494, %mul3A_496 : vector<16xi32>
      %jit3A_498 = arith.constant -1 : i32
      %broadcast_in_dim3A_499 = vector.broadcast %jit3A_498 : i32 to vector<16xi32>
      %select_n3A_500 = arith.select %ge3A_491, %mul3A_497, %broadcast_in_dim3A_499 : vector<16xi1>, vector<16xi32>
      %swap3A_501 = arith.constant 96 : index
      %swap3A_502 = tpu.vector_load %arg11[%swap3A_501] {strides = array<i32>} : memref<128xi32, #tpu.memory_space<vmem>>, vector<16xi32>,
      %swap3A_503 = vector.shape_cast %swap3A_502 : vector<16xi32> to vector<16xi32>
      %swap3A_504 = vector.shape_cast %select_n3A_500 : vector<16xi32> to vector<16xi32>
      tpu.vector_store %arg11[%swap3A_501], %swap3A_504 {strides = array<i32>} : memref<128xi32, #tpu.memory_space<vmem>>, vector<16xi32>,
      %add3A_505 = arith.constant 1 : i32
      %add3A_506 = vector.broadcast %add3A_505 : i32 to vector<16xi32>
      %add3A_507 = arith.addi %mul3A_497, %add3A_506 : vector<16xi32>
      %jit3A_508 = arith.constant -1 : i32
      %broadcast_in_dim3A_509 = vector.broadcast %jit3A_508 : i32 to vector<16xi32>
      %select_n3A_510 = arith.select %ge3A_491, %add3A_507, %broadcast_in_dim3A_509 : vector<16xi1>, vector<16xi32>
      %swap3A_511 = arith.constant 112 : index
      %swap3A_512 = tpu.vector_load %arg11[%swap3A_511] {strides = array<i32>} : memref<128xi32, #tpu.memory_space<vmem>>, vector<16xi32>,
      %swap3A_513 = vector.shape_cast %swap3A_512 : vector<16xi32> to vector<16xi32>
      %swap3A_514 = vector.shape_cast %select_n3A_510 : vector<16xi32> to vector<16xi32>
      tpu.vector_store %arg11[%swap3A_511], %swap3A_514 {strides = array<i32>} : memref<128xi32, #tpu.memory_space<vmem>>, vector<16xi32>,
      %dma_start3A_515 = arith.constant 0 : i32
      %dma_start3A_516 = arith.constant 0 : i32
      %dma_start3A_517 = tpu.memref_slice %arg4[%dma_start3A_515, %dma_start3A_516] : memref<20000x128xf32, #tpu.memory_space<hbm>> -> memref<20000x128xf32, #tpu.memory_space<hbm>>
      %dma_start3A_518 = arith.constant -1 : i32
      tpu.enqueue_indirect_dma source(%dma_start3A_517 : memref<20000x128xf32, #tpu.memory_space<hbm>>) target(%arg15 : memref<128x128xf32, #tpu.memory_space<vmem>>) offsets(%arg11 : memref<128xi32, #tpu.memory_space<vmem>>) offset_filter(%dma_start3A_518) semaphore(%arg17 : memref<!tpu.dma_semaphore, #tpu.memory_space<semaphore_mem>>)
      %dma_wait3A_519 = arith.constant 0 : i32
      %dma_wait3A_520 = arith.constant 0 : i32
      %dma_wait3A_521 = tpu.memref_slice %arg4[%dma_wait3A_519, %dma_wait3A_520] : memref<20000x128xf32, #tpu.memory_space<hbm>> -> memref<20000x128xf32, #tpu.memory_space<hbm>>
      tpu.wait_indirect_dma semaphore(%arg16 : memref<!tpu.dma_semaphore, #tpu.memory_space<semaphore_mem>>) src(%dma_wait3A_521 : memref<20000x128xf32, #tpu.memory_space<hbm>>) dst(%arg14 : memref<128x128xf32, #tpu.memory_space<vmem>>)
      "tpu.region"() ({
        %run_scoped3A = tpu.sem_alloc : memref<!tpu.dma_semaphore, #tpu.memory_space<semaphore_mem>>
        %dma_start3A_782 = arith.constant 0 : i32
        %dma_start3A_783 = arith.constant 0 : i32
        %dma_start3A_784 = tpu.memref_slice %arg7[%dma_start3A_782, %dma_start3A_783] : memref<10112x128xf32, #tpu.memory_space<vmem_shared>> -> memref<10112x128xf32, #tpu.memory_space<vmem_shared>>
        %dma_start3A_785 = arith.constant -1 : i32
        tpu.enqueue_indirect_dma source(%arg14 : memref<128x128xf32, #tpu.memory_space<vmem>>) target(%dma_start3A_784 : memref<10112x128xf32, #tpu.memory_space<vmem_shared>>) offsets(%arg12 : memref<128xi32, #tpu.memory_space<vmem>>) offset_filter(%dma_start3A_785) semaphore(%run_scoped3A : memref<!tpu.dma_semaphore, #tpu.memory_space<semaphore_mem>>) {add = true}
        %dma_wait3A_786 = arith.constant 0 : i32
        %dma_wait3A_787 = arith.constant 0 : i32
        %dma_wait3A_788 = tpu.memref_slice %arg7[%dma_wait3A_786, %dma_wait3A_787] : memref<10112x128xf32, #tpu.memory_space<vmem_shared>> -> memref<10112x128xf32, #tpu.memory_space<vmem_shared>>
        tpu.wait_indirect_dma semaphore(%run_scoped3A : memref<!tpu.dma_semaphore, #tpu.memory_space<semaphore_mem>>) src(%arg14 : memref<128x128xf32, #tpu.memory_space<vmem>>) dst(%dma_wait3A_788 : memref<10112x128xf32, #tpu.memory_space<vmem_shared>>)
        tpu.yield
      }) : () -> ()
      %add3A_522 = arith.constant 1 : i32
      %add3A_523 = arith.addi %add3A_262, %add3A_522 : i32
      %add3A_524 = arith.constant 1 : i32
      %add3A_525 = arith.addi %add3A_523, %add3A_524 : i32
      %min3A_526 = arith.constant 157 : i32
      %min3A_527 = arith.minsi %add3A_525, %min3A_526 : i32
      %mul3A_528 = arith.constant 64 : i32
      %mul3A_529 = arith.muli %min3A_527, %mul3A_528 : i32
      %add3A_530 = arith.addi %mul3A_4, %mul3A_529 : i32
      "tpu.region"() ({
        %run_scoped3A = tpu.sem_alloc : memref<!tpu.dma_semaphore, #tpu.memory_space<semaphore_mem>>
        %dma_start3A_782 = tpu.memref_slice %arg3[%add3A_530] : memref<161792xi32, #tpu.memory_space<hbm>> -> memref<64xi32, #tpu.memory_space<hbm>>
        %dma_start3A_783 = tpu.memref_slice %arg3[%add3A_530] : memref<161792xi32, #tpu.memory_space<hbm>> -> memref<64xi32, #tpu.memory_space<hbm>>
        tpu.enqueue_dma source(%dma_start3A_783 : memref<64xi32, #tpu.memory_space<hbm>>) target(%arg8 : memref<64xi32, #tpu.memory_space<vmem>>) target_semaphore(%run_scoped3A : memref<!tpu.dma_semaphore, #tpu.memory_space<semaphore_mem>>)
        %dma_wait3A_784 = tpu.memref_slice %arg3[%add3A_530] : memref<161792xi32, #tpu.memory_space<hbm>> -> memref<64xi32, #tpu.memory_space<hbm>>
        %dma_wait3A_785 = tpu.memref_slice %arg3[%add3A_530] : memref<161792xi32, #tpu.memory_space<hbm>> -> memref<64xi32, #tpu.memory_space<hbm>>
        tpu.wait_dma2 semaphore(%run_scoped3A : memref<!tpu.dma_semaphore, #tpu.memory_space<semaphore_mem>>) src(%dma_wait3A_785 : memref<64xi32, #tpu.memory_space<hbm>>) dst(%arg8 : memref<64xi32, #tpu.memory_space<vmem>>)
        tpu.yield
      }) : () -> ()
      %get3A_531 = arith.constant 0 : index
      %get3A_532 = tpu.vector_load %arg8[%get3A_531] {strides = array<i32>} : memref<64xi32, #tpu.memory_space<vmem>>, vector<16xi32>,
      %get3A_533 = vector.shape_cast %get3A_532 : vector<16xi32> to vector<16xi32>
      %ge3A_534 = vector.broadcast %mul3A_0 : i32 to vector<16xi32>
      %ge3A_535 = arith.cmpi sge, %get3A_533, %ge3A_534 : vector<16xi32>
      %add3A_536 = arith.constant 5000 : i32
      %add3A_537 = arith.addi %mul3A_0, %add3A_536 : i32
      %lt3A_538 = vector.broadcast %add3A_537 : i32 to vector<16xi32>
      %lt3A_539 = arith.cmpi slt, %get3A_533, %lt3A_538 : vector<16xi32>
      %and3A_540 = arith.andi %ge3A_535, %lt3A_539 : vector<16xi1>
      %sub3A_541 = vector.broadcast %mul3A_0 : i32 to vector<16xi32>
      %sub3A_542 = arith.subi %get3A_533, %sub3A_541 : vector<16xi32>
      %mul3A_543 = arith.constant 2 : i32
      %mul3A_544 = vector.broadcast %mul3A_543 : i32 to vector<16xi32>
      %mul3A_545 = arith.muli %sub3A_542, %mul3A_544 : vector<16xi32>
      %jit3A_546 = arith.constant -1 : i32
      %broadcast_in_dim3A_547 = vector.broadcast %jit3A_546 : i32 to vector<16xi32>
      %select_n3A_548 = arith.select %and3A_540, %mul3A_545, %broadcast_in_dim3A_547 : vector<16xi1>, vector<16xi32>
      %swap3A_549 = arith.constant 0 : index
      %swap3A_550 = tpu.vector_load %arg12[%swap3A_549] {strides = array<i32>} : memref<128xi32, #tpu.memory_space<vmem>>, vector<16xi32>,
      %swap3A_551 = vector.shape_cast %swap3A_550 : vector<16xi32> to vector<16xi32>
      %swap3A_552 = vector.shape_cast %select_n3A_548 : vector<16xi32> to vector<16xi32>
      tpu.vector_store %arg12[%swap3A_549], %swap3A_552 {strides = array<i32>} : memref<128xi32, #tpu.memory_space<vmem>>, vector<16xi32>,
      %add3A_553 = arith.constant 1 : i32
      %add3A_554 = vector.broadcast %add3A_553 : i32 to vector<16xi32>
      %add3A_555 = arith.addi %mul3A_545, %add3A_554 : vector<16xi32>
      %jit3A_556 = arith.constant -1 : i32
      %broadcast_in_dim3A_557 = vector.broadcast %jit3A_556 : i32 to vector<16xi32>
      %select_n3A_558 = arith.select %and3A_540, %add3A_555, %broadcast_in_dim3A_557 : vector<16xi1>, vector<16xi32>
      %swap3A_559 = arith.constant 16 : index
      %swap3A_560 = tpu.vector_load %arg12[%swap3A_559] {strides = array<i32>} : memref<128xi32, #tpu.memory_space<vmem>>, vector<16xi32>,
      %swap3A_561 = vector.shape_cast %swap3A_560 : vector<16xi32> to vector<16xi32>
      %swap3A_562 = vector.shape_cast %select_n3A_558 : vector<16xi32> to vector<16xi32>
      tpu.vector_store %arg12[%swap3A_559], %swap3A_562 {strides = array<i32>} : memref<128xi32, #tpu.memory_space<vmem>>, vector<16xi32>,
      %get3A_563 = arith.constant 16 : index
      %get3A_564 = tpu.vector_load %arg8[%get3A_563] {strides = array<i32>} : memref<64xi32, #tpu.memory_space<vmem>>, vector<16xi32>,
      %get3A_565 = vector.shape_cast %get3A_564 : vector<16xi32> to vector<16xi32>
      %ge3A_566 = vector.broadcast %mul3A_0 : i32 to vector<16xi32>
      %ge3A_567 = arith.cmpi sge, %get3A_565, %ge3A_566 : vector<16xi32>
      %add3A_568 = arith.constant 5000 : i32
      %add3A_569 = arith.addi %mul3A_0, %add3A_568 : i32
      %lt3A_570 = vector.broadcast %add3A_569 : i32 to vector<16xi32>
      %lt3A_571 = arith.cmpi slt, %get3A_565, %lt3A_570 : vector<16xi32>
      %and3A_572 = arith.andi %ge3A_567, %lt3A_571 : vector<16xi1>
      %sub3A_573 = vector.broadcast %mul3A_0 : i32 to vector<16xi32>
      %sub3A_574 = arith.subi %get3A_565, %sub3A_573 : vector<16xi32>
      %mul3A_575 = arith.constant 2 : i32
      %mul3A_576 = vector.broadcast %mul3A_575 : i32 to vector<16xi32>
      %mul3A_577 = arith.muli %sub3A_574, %mul3A_576 : vector<16xi32>
      %jit3A_578 = arith.constant -1 : i32
      %broadcast_in_dim3A_579 = vector.broadcast %jit3A_578 : i32 to vector<16xi32>
      %select_n3A_580 = arith.select %and3A_572, %mul3A_577, %broadcast_in_dim3A_579 : vector<16xi1>, vector<16xi32>
      %swap3A_581 = arith.constant 32 : index
      %swap3A_582 = tpu.vector_load %arg12[%swap3A_581] {strides = array<i32>} : memref<128xi32, #tpu.memory_space<vmem>>, vector<16xi32>,
      %swap3A_583 = vector.shape_cast %swap3A_582 : vector<16xi32> to vector<16xi32>
      %swap3A_584 = vector.shape_cast %select_n3A_580 : vector<16xi32> to vector<16xi32>
      tpu.vector_store %arg12[%swap3A_581], %swap3A_584 {strides = array<i32>} : memref<128xi32, #tpu.memory_space<vmem>>, vector<16xi32>,
      %add3A_585 = arith.constant 1 : i32
      %add3A_586 = vector.broadcast %add3A_585 : i32 to vector<16xi32>
      %add3A_587 = arith.addi %mul3A_577, %add3A_586 : vector<16xi32>
      %jit3A_588 = arith.constant -1 : i32
      %broadcast_in_dim3A_589 = vector.broadcast %jit3A_588 : i32 to vector<16xi32>
      %select_n3A_590 = arith.select %and3A_572, %add3A_587, %broadcast_in_dim3A_589 : vector<16xi1>, vector<16xi32>
      %swap3A_591 = arith.constant 48 : index
      %swap3A_592 = tpu.vector_load %arg12[%swap3A_591] {strides = array<i32>} : memref<128xi32, #tpu.memory_space<vmem>>, vector<16xi32>,
      %swap3A_593 = vector.shape_cast %swap3A_592 : vector<16xi32> to vector<16xi32>
      %swap3A_594 = vector.shape_cast %select_n3A_590 : vector<16xi32> to vector<16xi32>
      tpu.vector_store %arg12[%swap3A_591], %swap3A_594 {strides = array<i32>} : memref<128xi32, #tpu.memory_space<vmem>>, vector<16xi32>,
      %get3A_595 = arith.constant 32 : index
      %get3A_596 = tpu.vector_load %arg8[%get3A_595] {strides = array<i32>} : memref<64xi32, #tpu.memory_space<vmem>>, vector<16xi32>,
      %get3A_597 = vector.shape_cast %get3A_596 : vector<16xi32> to vector<16xi32>
      %ge3A_598 = vector.broadcast %mul3A_0 : i32 to vector<16xi32>
      %ge3A_599 = arith.cmpi sge, %get3A_597, %ge3A_598 : vector<16xi32>
      %add3A_600 = arith.constant 5000 : i32
      %add3A_601 = arith.addi %mul3A_0, %add3A_600 : i32
      %lt3A_602 = vector.broadcast %add3A_601 : i32 to vector<16xi32>
      %lt3A_603 = arith.cmpi slt, %get3A_597, %lt3A_602 : vector<16xi32>
      %and3A_604 = arith.andi %ge3A_599, %lt3A_603 : vector<16xi1>
      %sub3A_605 = vector.broadcast %mul3A_0 : i32 to vector<16xi32>
      %sub3A_606 = arith.subi %get3A_597, %sub3A_605 : vector<16xi32>
      %mul3A_607 = arith.constant 2 : i32
      %mul3A_608 = vector.broadcast %mul3A_607 : i32 to vector<16xi32>
      %mul3A_609 = arith.muli %sub3A_606, %mul3A_608 : vector<16xi32>
      %jit3A_610 = arith.constant -1 : i32
      %broadcast_in_dim3A_611 = vector.broadcast %jit3A_610 : i32 to vector<16xi32>
      %select_n3A_612 = arith.select %and3A_604, %mul3A_609, %broadcast_in_dim3A_611 : vector<16xi1>, vector<16xi32>
      %swap3A_613 = arith.constant 64 : index
      %swap3A_614 = tpu.vector_load %arg12[%swap3A_613] {strides = array<i32>} : memref<128xi32, #tpu.memory_space<vmem>>, vector<16xi32>,
      %swap3A_615 = vector.shape_cast %swap3A_614 : vector<16xi32> to vector<16xi32>
      %swap3A_616 = vector.shape_cast %select_n3A_612 : vector<16xi32> to vector<16xi32>
      tpu.vector_store %arg12[%swap3A_613], %swap3A_616 {strides = array<i32>} : memref<128xi32, #tpu.memory_space<vmem>>, vector<16xi32>,
      %add3A_617 = arith.constant 1 : i32
      %add3A_618 = vector.broadcast %add3A_617 : i32 to vector<16xi32>
      %add3A_619 = arith.addi %mul3A_609, %add3A_618 : vector<16xi32>
      %jit3A_620 = arith.constant -1 : i32
      %broadcast_in_dim3A_621 = vector.broadcast %jit3A_620 : i32 to vector<16xi32>
      %select_n3A_622 = arith.select %and3A_604, %add3A_619, %broadcast_in_dim3A_621 : vector<16xi1>, vector<16xi32>
      %swap3A_623 = arith.constant 80 : index
      %swap3A_624 = tpu.vector_load %arg12[%swap3A_623] {strides = array<i32>} : memref<128xi32, #tpu.memory_space<vmem>>, vector<16xi32>,
      %swap3A_625 = vector.shape_cast %swap3A_624 : vector<16xi32> to vector<16xi32>
      %swap3A_626 = vector.shape_cast %select_n3A_622 : vector<16xi32> to vector<16xi32>
      tpu.vector_store %arg12[%swap3A_623], %swap3A_626 {strides = array<i32>} : memref<128xi32, #tpu.memory_space<vmem>>, vector<16xi32>,
      %get3A_627 = arith.constant 48 : index
      %get3A_628 = tpu.vector_load %arg8[%get3A_627] {strides = array<i32>} : memref<64xi32, #tpu.memory_space<vmem>>, vector<16xi32>,
      %get3A_629 = vector.shape_cast %get3A_628 : vector<16xi32> to vector<16xi32>
      %ge3A_630 = vector.broadcast %mul3A_0 : i32 to vector<16xi32>
      %ge3A_631 = arith.cmpi sge, %get3A_629, %ge3A_630 : vector<16xi32>
      %add3A_632 = arith.constant 5000 : i32
      %add3A_633 = arith.addi %mul3A_0, %add3A_632 : i32
      %lt3A_634 = vector.broadcast %add3A_633 : i32 to vector<16xi32>
      %lt3A_635 = arith.cmpi slt, %get3A_629, %lt3A_634 : vector<16xi32>
      %and3A_636 = arith.andi %ge3A_631, %lt3A_635 : vector<16xi1>
      %sub3A_637 = vector.broadcast %mul3A_0 : i32 to vector<16xi32>
      %sub3A_638 = arith.subi %get3A_629, %sub3A_637 : vector<16xi32>
      %mul3A_639 = arith.constant 2 : i32
      %mul3A_640 = vector.broadcast %mul3A_639 : i32 to vector<16xi32>
      %mul3A_641 = arith.muli %sub3A_638, %mul3A_640 : vector<16xi32>
      %jit3A_642 = arith.constant -1 : i32
      %broadcast_in_dim3A_643 = vector.broadcast %jit3A_642 : i32 to vector<16xi32>
      %select_n3A_644 = arith.select %and3A_636, %mul3A_641, %broadcast_in_dim3A_643 : vector<16xi1>, vector<16xi32>
      %swap3A_645 = arith.constant 96 : index
      %swap3A_646 = tpu.vector_load %arg12[%swap3A_645] {strides = array<i32>} : memref<128xi32, #tpu.memory_space<vmem>>, vector<16xi32>,
      %swap3A_647 = vector.shape_cast %swap3A_646 : vector<16xi32> to vector<16xi32>
      %swap3A_648 = vector.shape_cast %select_n3A_644 : vector<16xi32> to vector<16xi32>
      tpu.vector_store %arg12[%swap3A_645], %swap3A_648 {strides = array<i32>} : memref<128xi32, #tpu.memory_space<vmem>>, vector<16xi32>,
      %add3A_649 = arith.constant 1 : i32
      %add3A_650 = vector.broadcast %add3A_649 : i32 to vector<16xi32>
      %add3A_651 = arith.addi %mul3A_641, %add3A_650 : vector<16xi32>
      %jit3A_652 = arith.constant -1 : i32
      %broadcast_in_dim3A_653 = vector.broadcast %jit3A_652 : i32 to vector<16xi32>
      %select_n3A_654 = arith.select %and3A_636, %add3A_651, %broadcast_in_dim3A_653 : vector<16xi1>, vector<16xi32>
      %swap3A_655 = arith.constant 112 : index
      %swap3A_656 = tpu.vector_load %arg12[%swap3A_655] {strides = array<i32>} : memref<128xi32, #tpu.memory_space<vmem>>, vector<16xi32>,
      %swap3A_657 = vector.shape_cast %swap3A_656 : vector<16xi32> to vector<16xi32>
      %swap3A_658 = vector.shape_cast %select_n3A_654 : vector<16xi32> to vector<16xi32>
      tpu.vector_store %arg12[%swap3A_655], %swap3A_658 {strides = array<i32>} : memref<128xi32, #tpu.memory_space<vmem>>, vector<16xi32>,
      "tpu.region"() ({
        %run_scoped3A = tpu.sem_alloc : memref<!tpu.dma_semaphore, #tpu.memory_space<semaphore_mem>>
        %dma_start3A_782 = tpu.memref_slice %arg2[%add3A_530] : memref<161792xi32, #tpu.memory_space<hbm>> -> memref<64xi32, #tpu.memory_space<hbm>>
        %dma_start3A_783 = tpu.memref_slice %arg2[%add3A_530] : memref<161792xi32, #tpu.memory_space<hbm>> -> memref<64xi32, #tpu.memory_space<hbm>>
        tpu.enqueue_dma source(%dma_start3A_783 : memref<64xi32, #tpu.memory_space<hbm>>) target(%arg8 : memref<64xi32, #tpu.memory_space<vmem>>) target_semaphore(%run_scoped3A : memref<!tpu.dma_semaphore, #tpu.memory_space<semaphore_mem>>)
        %dma_wait3A_784 = tpu.memref_slice %arg2[%add3A_530] : memref<161792xi32, #tpu.memory_space<hbm>> -> memref<64xi32, #tpu.memory_space<hbm>>
        %dma_wait3A_785 = tpu.memref_slice %arg2[%add3A_530] : memref<161792xi32, #tpu.memory_space<hbm>> -> memref<64xi32, #tpu.memory_space<hbm>>
        tpu.wait_dma2 semaphore(%run_scoped3A : memref<!tpu.dma_semaphore, #tpu.memory_space<semaphore_mem>>) src(%dma_wait3A_785 : memref<64xi32, #tpu.memory_space<hbm>>) dst(%arg8 : memref<64xi32, #tpu.memory_space<vmem>>)
        tpu.yield
      }) : () -> ()
      %get3A_659 = arith.constant 0 : index
      %get3A_660 = tpu.vector_load %arg12[%get3A_659] {strides = array<i32>} : memref<128xi32, #tpu.memory_space<vmem>>, vector<16xi32>,
      %get3A_661 = vector.shape_cast %get3A_660 : vector<16xi32> to vector<16xi32>
      %ge3A_662 = arith.constant 0 : i32
      %ge3A_663 = vector.broadcast %ge3A_662 : i32 to vector<16xi32>
      %ge3A_664 = arith.cmpi sge, %get3A_661, %ge3A_663 : vector<16xi32>
      %get3A_665 = arith.constant 0 : index
      %get3A_666 = tpu.vector_load %arg8[%get3A_665] {strides = array<i32>} : memref<64xi32, #tpu.memory_space<vmem>>, vector<16xi32>,
      %get3A_667 = vector.shape_cast %get3A_666 : vector<16xi32> to vector<16xi32>
      %mul3A_668 = arith.constant 2 : i32
      %mul3A_669 = vector.broadcast %mul3A_668 : i32 to vector<16xi32>
      %mul3A_670 = arith.muli %get3A_667, %mul3A_669 : vector<16xi32>
      %jit3A_671 = arith.constant -1 : i32
      %broadcast_in_dim3A_672 = vector.broadcast %jit3A_671 : i32 to vector<16xi32>
      %select_n3A_673 = arith.select %ge3A_664, %mul3A_670, %broadcast_in_dim3A_672 : vector<16xi1>, vector<16xi32>
      %swap3A_674 = arith.constant 0 : index
      %swap3A_675 = tpu.vector_load %arg10[%swap3A_674] {strides = array<i32>} : memref<128xi32, #tpu.memory_space<vmem>>, vector<16xi32>,
      %swap3A_676 = vector.shape_cast %swap3A_675 : vector<16xi32> to vector<16xi32>
      %swap3A_677 = vector.shape_cast %select_n3A_673 : vector<16xi32> to vector<16xi32>
      tpu.vector_store %arg10[%swap3A_674], %swap3A_677 {strides = array<i32>} : memref<128xi32, #tpu.memory_space<vmem>>, vector<16xi32>,
      %add3A_678 = arith.constant 1 : i32
      %add3A_679 = vector.broadcast %add3A_678 : i32 to vector<16xi32>
      %add3A_680 = arith.addi %mul3A_670, %add3A_679 : vector<16xi32>
      %jit3A_681 = arith.constant -1 : i32
      %broadcast_in_dim3A_682 = vector.broadcast %jit3A_681 : i32 to vector<16xi32>
      %select_n3A_683 = arith.select %ge3A_664, %add3A_680, %broadcast_in_dim3A_682 : vector<16xi1>, vector<16xi32>
      %swap3A_684 = arith.constant 16 : index
      %swap3A_685 = tpu.vector_load %arg10[%swap3A_684] {strides = array<i32>} : memref<128xi32, #tpu.memory_space<vmem>>, vector<16xi32>,
      %swap3A_686 = vector.shape_cast %swap3A_685 : vector<16xi32> to vector<16xi32>
      %swap3A_687 = vector.shape_cast %select_n3A_683 : vector<16xi32> to vector<16xi32>
      tpu.vector_store %arg10[%swap3A_684], %swap3A_687 {strides = array<i32>} : memref<128xi32, #tpu.memory_space<vmem>>, vector<16xi32>,
      %get3A_688 = arith.constant 32 : index
      %get3A_689 = tpu.vector_load %arg12[%get3A_688] {strides = array<i32>} : memref<128xi32, #tpu.memory_space<vmem>>, vector<16xi32>,
      %get3A_690 = vector.shape_cast %get3A_689 : vector<16xi32> to vector<16xi32>
      %ge3A_691 = arith.constant 0 : i32
      %ge3A_692 = vector.broadcast %ge3A_691 : i32 to vector<16xi32>
      %ge3A_693 = arith.cmpi sge, %get3A_690, %ge3A_692 : vector<16xi32>
      %get3A_694 = arith.constant 16 : index
      %get3A_695 = tpu.vector_load %arg8[%get3A_694] {strides = array<i32>} : memref<64xi32, #tpu.memory_space<vmem>>, vector<16xi32>,
      %get3A_696 = vector.shape_cast %get3A_695 : vector<16xi32> to vector<16xi32>
      %mul3A_697 = arith.constant 2 : i32
      %mul3A_698 = vector.broadcast %mul3A_697 : i32 to vector<16xi32>
      %mul3A_699 = arith.muli %get3A_696, %mul3A_698 : vector<16xi32>
      %jit3A_700 = arith.constant -1 : i32
      %broadcast_in_dim3A_701 = vector.broadcast %jit3A_700 : i32 to vector<16xi32>
      %select_n3A_702 = arith.select %ge3A_693, %mul3A_699, %broadcast_in_dim3A_701 : vector<16xi1>, vector<16xi32>
      %swap3A_703 = arith.constant 32 : index
      %swap3A_704 = tpu.vector_load %arg10[%swap3A_703] {strides = array<i32>} : memref<128xi32, #tpu.memory_space<vmem>>, vector<16xi32>,
      %swap3A_705 = vector.shape_cast %swap3A_704 : vector<16xi32> to vector<16xi32>
      %swap3A_706 = vector.shape_cast %select_n3A_702 : vector<16xi32> to vector<16xi32>
      tpu.vector_store %arg10[%swap3A_703], %swap3A_706 {strides = array<i32>} : memref<128xi32, #tpu.memory_space<vmem>>, vector<16xi32>,
      %add3A_707 = arith.constant 1 : i32
      %add3A_708 = vector.broadcast %add3A_707 : i32 to vector<16xi32>
      %add3A_709 = arith.addi %mul3A_699, %add3A_708 : vector<16xi32>
      %jit3A_710 = arith.constant -1 : i32
      %broadcast_in_dim3A_711 = vector.broadcast %jit3A_710 : i32 to vector<16xi32>
      %select_n3A_712 = arith.select %ge3A_693, %add3A_709, %broadcast_in_dim3A_711 : vector<16xi1>, vector<16xi32>
      %swap3A_713 = arith.constant 48 : index
      %swap3A_714 = tpu.vector_load %arg10[%swap3A_713] {strides = array<i32>} : memref<128xi32, #tpu.memory_space<vmem>>, vector<16xi32>,
      %swap3A_715 = vector.shape_cast %swap3A_714 : vector<16xi32> to vector<16xi32>
      %swap3A_716 = vector.shape_cast %select_n3A_712 : vector<16xi32> to vector<16xi32>
      tpu.vector_store %arg10[%swap3A_713], %swap3A_716 {strides = array<i32>} : memref<128xi32, #tpu.memory_space<vmem>>, vector<16xi32>,
      %get3A_717 = arith.constant 64 : index
      %get3A_718 = tpu.vector_load %arg12[%get3A_717] {strides = array<i32>} : memref<128xi32, #tpu.memory_space<vmem>>, vector<16xi32>,
      %get3A_719 = vector.shape_cast %get3A_718 : vector<16xi32> to vector<16xi32>
      %ge3A_720 = arith.constant 0 : i32
      %ge3A_721 = vector.broadcast %ge3A_720 : i32 to vector<16xi32>
      %ge3A_722 = arith.cmpi sge, %get3A_719, %ge3A_721 : vector<16xi32>
      %get3A_723 = arith.constant 32 : index
      %get3A_724 = tpu.vector_load %arg8[%get3A_723] {strides = array<i32>} : memref<64xi32, #tpu.memory_space<vmem>>, vector<16xi32>,
      %get3A_725 = vector.shape_cast %get3A_724 : vector<16xi32> to vector<16xi32>
      %mul3A_726 = arith.constant 2 : i32
      %mul3A_727 = vector.broadcast %mul3A_726 : i32 to vector<16xi32>
      %mul3A_728 = arith.muli %get3A_725, %mul3A_727 : vector<16xi32>
      %jit3A_729 = arith.constant -1 : i32
      %broadcast_in_dim3A_730 = vector.broadcast %jit3A_729 : i32 to vector<16xi32>
      %select_n3A_731 = arith.select %ge3A_722, %mul3A_728, %broadcast_in_dim3A_730 : vector<16xi1>, vector<16xi32>
      %swap3A_732 = arith.constant 64 : index
      %swap3A_733 = tpu.vector_load %arg10[%swap3A_732] {strides = array<i32>} : memref<128xi32, #tpu.memory_space<vmem>>, vector<16xi32>,
      %swap3A_734 = vector.shape_cast %swap3A_733 : vector<16xi32> to vector<16xi32>
      %swap3A_735 = vector.shape_cast %select_n3A_731 : vector<16xi32> to vector<16xi32>
      tpu.vector_store %arg10[%swap3A_732], %swap3A_735 {strides = array<i32>} : memref<128xi32, #tpu.memory_space<vmem>>, vector<16xi32>,
      %add3A_736 = arith.constant 1 : i32
      %add3A_737 = vector.broadcast %add3A_736 : i32 to vector<16xi32>
      %add3A_738 = arith.addi %mul3A_728, %add3A_737 : vector<16xi32>
      %jit3A_739 = arith.constant -1 : i32
      %broadcast_in_dim3A_740 = vector.broadcast %jit3A_739 : i32 to vector<16xi32>
      %select_n3A_741 = arith.select %ge3A_722, %add3A_738, %broadcast_in_dim3A_740 : vector<16xi1>, vector<16xi32>
      %swap3A_742 = arith.constant 80 : index
      %swap3A_743 = tpu.vector_load %arg10[%swap3A_742] {strides = array<i32>} : memref<128xi32, #tpu.memory_space<vmem>>, vector<16xi32>,
      %swap3A_744 = vector.shape_cast %swap3A_743 : vector<16xi32> to vector<16xi32>
      %swap3A_745 = vector.shape_cast %select_n3A_741 : vector<16xi32> to vector<16xi32>
      tpu.vector_store %arg10[%swap3A_742], %swap3A_745 {strides = array<i32>} : memref<128xi32, #tpu.memory_space<vmem>>, vector<16xi32>,
      %get3A_746 = arith.constant 96 : index
      %get3A_747 = tpu.vector_load %arg12[%get3A_746] {strides = array<i32>} : memref<128xi32, #tpu.memory_space<vmem>>, vector<16xi32>,
      %get3A_748 = vector.shape_cast %get3A_747 : vector<16xi32> to vector<16xi32>
      %ge3A_749 = arith.constant 0 : i32
      %ge3A_750 = vector.broadcast %ge3A_749 : i32 to vector<16xi32>
      %ge3A_751 = arith.cmpi sge, %get3A_748, %ge3A_750 : vector<16xi32>
      %get3A_752 = arith.constant 48 : index
      %get3A_753 = tpu.vector_load %arg8[%get3A_752] {strides = array<i32>} : memref<64xi32, #tpu.memory_space<vmem>>, vector<16xi32>,
      %get3A_754 = vector.shape_cast %get3A_753 : vector<16xi32> to vector<16xi32>
      %mul3A_755 = arith.constant 2 : i32
      %mul3A_756 = vector.broadcast %mul3A_755 : i32 to vector<16xi32>
      %mul3A_757 = arith.muli %get3A_754, %mul3A_756 : vector<16xi32>
      %jit3A_758 = arith.constant -1 : i32
      %broadcast_in_dim3A_759 = vector.broadcast %jit3A_758 : i32 to vector<16xi32>
      %select_n3A_760 = arith.select %ge3A_751, %mul3A_757, %broadcast_in_dim3A_759 : vector<16xi1>, vector<16xi32>
      %swap3A_761 = arith.constant 96 : index
      %swap3A_762 = tpu.vector_load %arg10[%swap3A_761] {strides = array<i32>} : memref<128xi32, #tpu.memory_space<vmem>>, vector<16xi32>,
      %swap3A_763 = vector.shape_cast %swap3A_762 : vector<16xi32> to vector<16xi32>
      %swap3A_764 = vector.shape_cast %select_n3A_760 : vector<16xi32> to vector<16xi32>
      tpu.vector_store %arg10[%swap3A_761], %swap3A_764 {strides = array<i32>} : memref<128xi32, #tpu.memory_space<vmem>>, vector<16xi32>,
      %add3A_765 = arith.constant 1 : i32
      %add3A_766 = vector.broadcast %add3A_765 : i32 to vector<16xi32>
      %add3A_767 = arith.addi %mul3A_757, %add3A_766 : vector<16xi32>
      %jit3A_768 = arith.constant -1 : i32
      %broadcast_in_dim3A_769 = vector.broadcast %jit3A_768 : i32 to vector<16xi32>
      %select_n3A_770 = arith.select %ge3A_751, %add3A_767, %broadcast_in_dim3A_769 : vector<16xi1>, vector<16xi32>
      %swap3A_771 = arith.constant 112 : index
      %swap3A_772 = tpu.vector_load %arg10[%swap3A_771] {strides = array<i32>} : memref<128xi32, #tpu.memory_space<vmem>>, vector<16xi32>,
      %swap3A_773 = vector.shape_cast %swap3A_772 : vector<16xi32> to vector<16xi32>
      %swap3A_774 = vector.shape_cast %select_n3A_770 : vector<16xi32> to vector<16xi32>
      tpu.vector_store %arg10[%swap3A_771], %swap3A_774 {strides = array<i32>} : memref<128xi32, #tpu.memory_space<vmem>>, vector<16xi32>,
      %dma_start3A_775 = arith.constant 0 : i32
      %dma_start3A_776 = arith.constant 0 : i32
      %dma_start3A_777 = tpu.memref_slice %arg4[%dma_start3A_775, %dma_start3A_776] : memref<20000x128xf32, #tpu.memory_space<hbm>> -> memref<20000x128xf32, #tpu.memory_space<hbm>>
      %dma_start3A_778 = arith.constant -1 : i32
      tpu.enqueue_indirect_dma source(%dma_start3A_777 : memref<20000x128xf32, #tpu.memory_space<hbm>>) target(%arg14 : memref<128x128xf32, #tpu.memory_space<vmem>>) offsets(%arg10 : memref<128xi32, #tpu.memory_space<vmem>>) offset_filter(%dma_start3A_778) semaphore(%arg16 : memref<!tpu.dma_semaphore, #tpu.memory_space<semaphore_mem>>)
      %dma_wait3A_779 = arith.constant 0 : i32
      %dma_wait3A_780 = arith.constant 0 : i32
      %dma_wait3A_781 = tpu.memref_slice %arg4[%dma_wait3A_779, %dma_wait3A_780] : memref<20000x128xf32, #tpu.memory_space<hbm>> -> memref<20000x128xf32, #tpu.memory_space<hbm>>
      tpu.wait_indirect_dma semaphore(%arg17 : memref<!tpu.dma_semaphore, #tpu.memory_space<semaphore_mem>>) src(%dma_wait3A_781 : memref<20000x128xf32, #tpu.memory_space<hbm>>) dst(%arg15 : memref<128x128xf32, #tpu.memory_space<vmem>>)
      "tpu.region"() ({
        %run_scoped3A = tpu.sem_alloc : memref<!tpu.dma_semaphore, #tpu.memory_space<semaphore_mem>>
        %dma_start3A_782 = arith.constant 0 : i32
        %dma_start3A_783 = arith.constant 0 : i32
        %dma_start3A_784 = tpu.memref_slice %arg7[%dma_start3A_782, %dma_start3A_783] : memref<10112x128xf32, #tpu.memory_space<vmem_shared>> -> memref<10112x128xf32, #tpu.memory_space<vmem_shared>>
        %dma_start3A_785 = arith.constant -1 : i32
        tpu.enqueue_indirect_dma source(%arg15 : memref<128x128xf32, #tpu.memory_space<vmem>>) target(%dma_start3A_784 : memref<10112x128xf32, #tpu.memory_space<vmem_shared>>) offsets(%arg13 : memref<128xi32, #tpu.memory_space<vmem>>) offset_filter(%dma_start3A_785) semaphore(%run_scoped3A : memref<!tpu.dma_semaphore, #tpu.memory_space<semaphore_mem>>) {add = true}
        %dma_wait3A_786 = arith.constant 0 : i32
        %dma_wait3A_787 = arith.constant 0 : i32
        %dma_wait3A_788 = tpu.memref_slice %arg7[%dma_wait3A_786, %dma_wait3A_787] : memref<10112x128xf32, #tpu.memory_space<vmem_shared>> -> memref<10112x128xf32, #tpu.memory_space<vmem_shared>>
        tpu.wait_indirect_dma semaphore(%run_scoped3A : memref<!tpu.dma_semaphore, #tpu.memory_space<semaphore_mem>>) src(%arg15 : memref<128x128xf32, #tpu.memory_space<vmem>>) dst(%dma_wait3A_788 : memref<10112x128xf32, #tpu.memory_space<vmem_shared>>)
        tpu.yield
      }) : () -> ()
    }
    %scan3A_247 = arith.constant 79 : i32
    %dma_wait3A = arith.constant 0 : i32
    %dma_wait3A_248 = arith.constant 0 : i32
    %dma_wait3A_249 = tpu.memref_slice %arg4[%dma_wait3A, %dma_wait3A_248] : memref<20000x128xf32, #tpu.memory_space<hbm>> -> memref<20000x128xf32, #tpu.memory_space<hbm>>
    tpu.wait_indirect_dma semaphore(%arg16 : memref<!tpu.dma_semaphore, #tpu.memory_space<semaphore_mem>>) src(%dma_wait3A_249 : memref<20000x128xf32, #tpu.memory_space<hbm>>) dst(%arg14 : memref<128x128xf32, #tpu.memory_space<vmem>>)
    %barrier3A_250 = arith.constant 0 : index
    tpu.barrier barrier_id(%barrier3A_250)
    %lt3A_251 = arith.constant 15 : i32
    %lt3A_252 = arith.cmpi slt, %arg1, %lt3A_251 : i32
    %convert_element_type3A = arith.extui %lt3A_252 : i1 to i32
    %cond3A = arith.constant 0 : i32
    %cond3A_253 = arith.cmpi ne, %convert_element_type3A, %cond3A : i32
    scf.if %cond3A_253 {
      %mul3A_258 = arith.constant 624 : i32
      %mul3A_259 = arith.muli %arg1, %mul3A_258 : i32
      %mul3A_260 = arith.constant 10000 : i32
      %mul3A_261 = arith.muli %arg0, %mul3A_260 : i32
      %mul3A_262 = arith.constant 624 : i32
      %mul3A_263 = arith.muli %arg1, %mul3A_262 : i32
      %add3A_264 = arith.addi %mul3A_261, %mul3A_263 : i32
      "tpu.region"() ({
        %run_scoped3A = tpu.sem_alloc : memref<!tpu.dma_semaphore, #tpu.memory_space<semaphore_mem>>
        %dma_start3A_265 = arith.constant 0 : i32
        %dma_start3A_266 = tpu.memref_slice %arg6[%add3A_264, %dma_start3A_265] : memref<20000x128xf32, #tpu.memory_space<hbm>> -> memref<624x128xf32, #tpu.memory_space<hbm>>
        %dma_start3A_267 = arith.constant 0 : i32
        %dma_start3A_268 = tpu.memref_slice %arg7[%mul3A_259, %dma_start3A_267] : memref<10112x128xf32, #tpu.memory_space<vmem_shared>> -> memref<624x128xf32, #tpu.memory_space<vmem_shared>>
        tpu.enqueue_dma source(%dma_start3A_268 : memref<624x128xf32, #tpu.memory_space<vmem_shared>>) target(%dma_start3A_266 : memref<624x128xf32, #tpu.memory_space<hbm>>) target_semaphore(%run_scoped3A : memref<!tpu.dma_semaphore, #tpu.memory_space<semaphore_mem>>)
        %dma_wait3A_269 = arith.constant 0 : i32
        %dma_wait3A_270 = tpu.memref_slice %arg6[%add3A_264, %dma_wait3A_269] : memref<20000x128xf32, #tpu.memory_space<hbm>> -> memref<624x128xf32, #tpu.memory_space<hbm>>
        %dma_wait3A_271 = arith.constant 0 : i32
        %dma_wait3A_272 = tpu.memref_slice %arg7[%mul3A_259, %dma_wait3A_271] : memref<10112x128xf32, #tpu.memory_space<vmem_shared>> -> memref<624x128xf32, #tpu.memory_space<vmem_shared>>
        tpu.wait_dma2 semaphore(%run_scoped3A : memref<!tpu.dma_semaphore, #tpu.memory_space<semaphore_mem>>) src(%dma_wait3A_272 : memref<624x128xf32, #tpu.memory_space<vmem_shared>>) dst(%dma_wait3A_270 : memref<624x128xf32, #tpu.memory_space<hbm>>)
        tpu.yield
      }) : () -> ()
    } else {
    }
    %eq3A = arith.constant 15 : i32
    %eq3A_254 = arith.cmpi eq, %arg1, %eq3A : i32
    %convert_element_type3A_255 = arith.extui %eq3A_254 : i1 to i32
    %cond3A_256 = arith.constant 0 : i32
    %cond3A_257 = arith.cmpi ne, %convert_element_type3A_255, %cond3A_256 : i32
    scf.if %cond3A_257 {
      %mul3A_258 = arith.constant 10000 : i32
      %mul3A_259 = arith.muli %arg0, %mul3A_258 : i32
      %add3A_260 = arith.constant 9360 : i32
      %add3A_261 = arith.addi %mul3A_259, %add3A_260 : i32
      "tpu.region"() ({
        %run_scoped3A = tpu.sem_alloc : memref<!tpu.dma_semaphore, #tpu.memory_space<semaphore_mem>>
        %dma_start3A_262 = arith.constant 0 : i32
        %dma_start3A_263 = tpu.memref_slice %arg6[%add3A_261, %dma_start3A_262] : memref<20000x128xf32, #tpu.memory_space<hbm>> -> memref<640x128xf32, #tpu.memory_space<hbm>>
        %dma_start3A_264 = arith.constant 9360 : i32
        %dma_start3A_265 = arith.constant 0 : i32
        %dma_start3A_266 = tpu.memref_slice %arg7[%dma_start3A_264, %dma_start3A_265] : memref<10112x128xf32, #tpu.memory_space<vmem_shared>> -> memref<640x128xf32, #tpu.memory_space<vmem_shared>>
        tpu.enqueue_dma source(%dma_start3A_266 : memref<640x128xf32, #tpu.memory_space<vmem_shared>>) target(%dma_start3A_263 : memref<640x128xf32, #tpu.memory_space<hbm>>) target_semaphore(%run_scoped3A : memref<!tpu.dma_semaphore, #tpu.memory_space<semaphore_mem>>)
        %dma_wait3A_267 = arith.constant 0 : i32
        %dma_wait3A_268 = tpu.memref_slice %arg6[%add3A_261, %dma_wait3A_267] : memref<20000x128xf32, #tpu.memory_space<hbm>> -> memref<640x128xf32, #tpu.memory_space<hbm>>
        %dma_wait3A_269 = arith.constant 9360 : i32
        %dma_wait3A_270 = arith.constant 0 : i32
        %dma_wait3A_271 = tpu.memref_slice %arg7[%dma_wait3A_269, %dma_wait3A_270] : memref<10112x128xf32, #tpu.memory_space<vmem_shared>> -> memref<640x128xf32, #tpu.memory_space<vmem_shared>>
        tpu.wait_dma2 semaphore(%run_scoped3A : memref<!tpu.dma_semaphore, #tpu.memory_space<semaphore_mem>>) src(%dma_wait3A_271 : memref<640x128xf32, #tpu.memory_space<vmem_shared>>) dst(%dma_wait3A_268 : memref<640x128xf32, #tpu.memory_space<hbm>>)
        tpu.yield
      }) : () -> ()
    } else {
    }
    return
  }
}

#map = affine_map<(d0, d1) -> (0)>
#map1 = affine_map<(d0, d1) -> (0, 0)>
module attributes {stable_mosaic.version = 14 : i64} {
  func.func @_sc_scatter_body(%arg0: i32, %arg1: i32, %arg2: memref<161792xi32, #tpu.memory_space<hbm>>, %arg3: memref<161792xi32, #tpu.memory_space<hbm>>, %arg4: memref<20000x128xf32, #tpu.memory_space<hbm>>, %arg5: memref<632x128xf32, #tpu.memory_space<hbm>>, %arg6: memref<20000x128xf32, #tpu.memory_space<hbm>>, %arg7: memref<10112x128xf32, #tpu.memory_space<vmem_shared>>, %arg8: memref<64xi32, #tpu.memory_space<vmem>>, %arg9: memref<64xi32, #tpu.memory_space<vmem>>, %arg10: memref<128xi32, #tpu.memory_space<vmem>>, %arg11: memref<128xi32, #tpu.memory_space<vmem>>, %arg12: memref<128xi32, #tpu.memory_space<vmem>>, %arg13: memref<128xi32, #tpu.memory_space<vmem>>, %arg14: memref<128x128xf32, #tpu.memory_space<vmem>>, %arg15: memref<128x128xf32, #tpu.memory_space<vmem>>, %arg16: memref<!tpu.dma_semaphore, #tpu.memory_space<semaphore_mem>>, %arg17: memref<!tpu.dma_semaphore, #tpu.memory_space<semaphore_mem>>) attributes {dimension_semantics = [#tpu.dimension_semantics<core_parallel>, #tpu.dimension_semantics<subcore_parallel>], iteration_bounds = array<i64: 2, 16>, scalar_prefetch = 0 : i64, scratch_operands = 11 : i64, tpu.core_type = #tpu.core_type<sc_vector_subcore>, window_params = [{transform_indices = #map}, {transform_indices = #map}, {transform_indices = #map1}, {transform_indices = #map1}, {transform_indices = #map1}]} {
    %mul3A = arith.constant 5000 : i32
    %mul3A_0 = arith.muli %arg0, %mul3A : i32
    %mul3A_1 = arith.constant 632 : i32
    %mul3A_2 = arith.muli %arg1, %mul3A_1 : i32
    "tpu.region"() ({
      %run_scoped3A = tpu.sem_alloc : memref<!tpu.dma_semaphore, #tpu.memory_space<semaphore_mem>>
      %dma_start3A_258 = arith.constant 0 : i32
      %dma_start3A_259 = tpu.memref_slice %arg7[%mul3A_2, %dma_start3A_258] : memref<10112x128xf32, #tpu.memory_space<vmem_shared>> -> memref<632x128xf32, #tpu.memory_space<vmem_shared>>
      %dma_start3A_260 = arith.constant 0 : i32
      %dma_start3A_261 = arith.constant 0 : i32
      %dma_start3A_262 = tpu.memref_slice %arg5[%dma_start3A_260, %dma_start3A_261] : memref<632x128xf32, #tpu.memory_space<hbm>> -> memref<632x128xf32, #tpu.memory_space<hbm>>
      tpu.enqueue_dma source(%dma_start3A_262 : memref<632x128xf32, #tpu.memory_space<hbm>>) target(%dma_start3A_259 : memref<632x128xf32, #tpu.memory_space<vmem_shared>>) target_semaphore(%run_scoped3A : memref<!tpu.dma_semaphore, #tpu.memory_space<semaphore_mem>>)
      %dma_wait3A_263 = arith.constant 0 : i32
      %dma_wait3A_264 = tpu.memref_slice %arg7[%mul3A_2, %dma_wait3A_263] : memref<10112x128xf32, #tpu.memory_space<vmem_shared>> -> memref<632x128xf32, #tpu.memory_space<vmem_shared>>
      %dma_wait3A_265 = arith.constant 0 : i32
      %dma_wait3A_266 = arith.constant 0 : i32
      %dma_wait3A_267 = tpu.memref_slice %arg5[%dma_wait3A_265, %dma_wait3A_266] : memref<632x128xf32, #tpu.memory_space<hbm>> -> memref<632x128xf32, #tpu.memory_space<hbm>>
      tpu.wait_dma2 semaphore(%run_scoped3A : memref<!tpu.dma_semaphore, #tpu.memory_space<semaphore_mem>>) src(%dma_wait3A_267 : memref<632x128xf32, #tpu.memory_space<hbm>>) dst(%dma_wait3A_264 : memref<632x128xf32, #tpu.memory_space<vmem_shared>>)
      tpu.yield
    }) : () -> ()
    %barrier3A = arith.constant 0 : index
    tpu.barrier barrier_id(%barrier3A)
    %mul3A_3 = arith.constant 10112 : i32
    %mul3A_4 = arith.muli %arg1, %mul3A_3 : i32
    %add3A = arith.constant 0 : i32
    %add3A_5 = arith.addi %mul3A_4, %add3A : i32
    "tpu.region"() ({
      %run_scoped3A = tpu.sem_alloc : memref<!tpu.dma_semaphore, #tpu.memory_space<semaphore_mem>>
      %dma_start3A_258 = tpu.memref_slice %arg3[%add3A_5] : memref<161792xi32, #tpu.memory_space<hbm>> -> memref<64xi32, #tpu.memory_space<hbm>>
      %dma_start3A_259 = tpu.memref_slice %arg3[%add3A_5] : memref<161792xi32, #tpu.memory_space<hbm>> -> memref<64xi32, #tpu.memory_space<hbm>>
      tpu.enqueue_dma source(%dma_start3A_259 : memref<64xi32, #tpu.memory_space<hbm>>) target(%arg8 : memref<64xi32, #tpu.memory_space<vmem>>) target_semaphore(%run_scoped3A : memref<!tpu.dma_semaphore, #tpu.memory_space<semaphore_mem>>)
      %dma_wait3A_260 = tpu.memref_slice %arg3[%add3A_5] : memref<161792xi32, #tpu.memory_space<hbm>> -> memref<64xi32, #tpu.memory_space<hbm>>
      %dma_wait3A_261 = tpu.memref_slice %arg3[%add3A_5] : memref<161792xi32, #tpu.memory_space<hbm>> -> memref<64xi32, #tpu.memory_space<hbm>>
      tpu.wait_dma2 semaphore(%run_scoped3A : memref<!tpu.dma_semaphore, #tpu.memory_space<semaphore_mem>>) src(%dma_wait3A_261 : memref<64xi32, #tpu.memory_space<hbm>>) dst(%arg8 : memref<64xi32, #tpu.memory_space<vmem>>)
      tpu.yield
    }) : () -> ()
    %get3A = arith.constant 0 : index
    %get3A_6 = tpu.vector_load %arg8[%get3A] {strides = array<i32>} : memref<64xi32, #tpu.memory_space<vmem>>, vector<16xi32>,
    %get3A_7 = vector.shape_cast %get3A_6 : vector<16xi32> to vector<16xi32>
    %ge3A = vector.broadcast %mul3A_0 : i32 to vector<16xi32>
    %ge3A_8 = arith.cmpi sge, %get3A_7, %ge3A : vector<16xi32>
    %add3A_9 = arith.constant 5000 : i32
    %add3A_10 = arith.addi %mul3A_0, %add3A_9 : i32
    %lt3A = vector.broadcast %add3A_10 : i32 to vector<16xi32>
    %lt3A_11 = arith.cmpi slt, %get3A_7, %lt3A : vector<16xi32>
    %and3A = arith.andi %ge3A_8, %lt3A_11 : vector<16xi1>
    %sub3A = vector.broadcast %mul3A_0 : i32 to vector<16xi32>
    %sub3A_12 = arith.subi %get3A_7, %sub3A : vector<16xi32>
    %mul3A_13 = arith.constant 2 : i32
    %mul3A_14 = vector.broadcast %mul3A_13 : i32 to vector<16xi32>
    %mul3A_15 = arith.muli %sub3A_12, %mul3A_14 : vector<16xi32>
    %jit3A = arith.constant -1 : i32
    %broadcast_in_dim3A = vector.broadcast %jit3A : i32 to vector<16xi32>
    %select_n3A = arith.select %and3A, %mul3A_15, %broadcast_in_dim3A : vector<16xi1>, vector<16xi32>
    %swap3A = arith.constant 0 : index
    %swap3A_16 = tpu.vector_load %arg12[%swap3A] {strides = array<i32>} : memref<128xi32, #tpu.memory_space<vmem>>, vector<16xi32>,
    %swap3A_17 = vector.shape_cast %swap3A_16 : vector<16xi32> to vector<16xi32>
    %swap3A_18 = vector.shape_cast %select_n3A : vector<16xi32> to vector<16xi32>
    tpu.vector_store %arg12[%swap3A], %swap3A_18 {strides = array<i32>} : memref<128xi32, #tpu.memory_space<vmem>>, vector<16xi32>,
    %add3A_19 = arith.constant 1 : i32
    %add3A_20 = vector.broadcast %add3A_19 : i32 to vector<16xi32>
    %add3A_21 = arith.addi %mul3A_15, %add3A_20 : vector<16xi32>
    %jit3A_22 = arith.constant -1 : i32
    %broadcast_in_dim3A_23 = vector.broadcast %jit3A_22 : i32 to vector<16xi32>
    %select_n3A_24 = arith.select %and3A, %add3A_21, %broadcast_in_dim3A_23 : vector<16xi1>, vector<16xi32>
    %swap3A_25 = arith.constant 16 : index
    %swap3A_26 = tpu.vector_load %arg12[%swap3A_25] {strides = array<i32>} : memref<128xi32, #tpu.memory_space<vmem>>, vector<16xi32>,
    %swap3A_27 = vector.shape_cast %swap3A_26 : vector<16xi32> to vector<16xi32>
    %swap3A_28 = vector.shape_cast %select_n3A_24 : vector<16xi32> to vector<16xi32>
    tpu.vector_store %arg12[%swap3A_25], %swap3A_28 {strides = array<i32>} : memref<128xi32, #tpu.memory_space<vmem>>, vector<16xi32>,
    %get3A_29 = arith.constant 16 : index
    %get3A_30 = tpu.vector_load %arg8[%get3A_29] {strides = array<i32>} : memref<64xi32, #tpu.memory_space<vmem>>, vector<16xi32>,
    %get3A_31 = vector.shape_cast %get3A_30 : vector<16xi32> to vector<16xi32>
    %ge3A_32 = vector.broadcast %mul3A_0 : i32 to vector<16xi32>
    %ge3A_33 = arith.cmpi sge, %get3A_31, %ge3A_32 : vector<16xi32>
    %add3A_34 = arith.constant 5000 : i32
    %add3A_35 = arith.addi %mul3A_0, %add3A_34 : i32
    %lt3A_36 = vector.broadcast %add3A_35 : i32 to vector<16xi32>
    %lt3A_37 = arith.cmpi slt, %get3A_31, %lt3A_36 : vector<16xi32>
    %and3A_38 = arith.andi %ge3A_33, %lt3A_37 : vector<16xi1>
    %sub3A_39 = vector.broadcast %mul3A_0 : i32 to vector<16xi32>
    %sub3A_40 = arith.subi %get3A_31, %sub3A_39 : vector<16xi32>
    %mul3A_41 = arith.constant 2 : i32
    %mul3A_42 = vector.broadcast %mul3A_41 : i32 to vector<16xi32>
    %mul3A_43 = arith.muli %sub3A_40, %mul3A_42 : vector<16xi32>
    %jit3A_44 = arith.constant -1 : i32
    %broadcast_in_dim3A_45 = vector.broadcast %jit3A_44 : i32 to vector<16xi32>
    %select_n3A_46 = arith.select %and3A_38, %mul3A_43, %broadcast_in_dim3A_45 : vector<16xi1>, vector<16xi32>
    %swap3A_47 = arith.constant 32 : index
    %swap3A_48 = tpu.vector_load %arg12[%swap3A_47] {strides = array<i32>} : memref<128xi32, #tpu.memory_space<vmem>>, vector<16xi32>,
    %swap3A_49 = vector.shape_cast %swap3A_48 : vector<16xi32> to vector<16xi32>
    %swap3A_50 = vector.shape_cast %select_n3A_46 : vector<16xi32> to vector<16xi32>
    tpu.vector_store %arg12[%swap3A_47], %swap3A_50 {strides = array<i32>} : memref<128xi32, #tpu.memory_space<vmem>>, vector<16xi32>,
    %add3A_51 = arith.constant 1 : i32
    %add3A_52 = vector.broadcast %add3A_51 : i32 to vector<16xi32>
    %add3A_53 = arith.addi %mul3A_43, %add3A_52 : vector<16xi32>
    %jit3A_54 = arith.constant -1 : i32
    %broadcast_in_dim3A_55 = vector.broadcast %jit3A_54 : i32 to vector<16xi32>
    %select_n3A_56 = arith.select %and3A_38, %add3A_53, %broadcast_in_dim3A_55 : vector<16xi1>, vector<16xi32>
    %swap3A_57 = arith.constant 48 : index
    %swap3A_58 = tpu.vector_load %arg12[%swap3A_57] {strides = array<i32>} : memref<128xi32, #tpu.memory_space<vmem>>, vector<16xi32>,
    %swap3A_59 = vector.shape_cast %swap3A_58 : vector<16xi32> to vector<16xi32>
    %swap3A_60 = vector.shape_cast %select_n3A_56 : vector<16xi32> to vector<16xi32>
    tpu.vector_store %arg12[%swap3A_57], %swap3A_60 {strides = array<i32>} : memref<128xi32, #tpu.memory_space<vmem>>, vector<16xi32>,
    %get3A_61 = arith.constant 32 : index
    %get3A_62 = tpu.vector_load %arg8[%get3A_61] {strides = array<i32>} : memref<64xi32, #tpu.memory_space<vmem>>, vector<16xi32>,
    %get3A_63 = vector.shape_cast %get3A_62 : vector<16xi32> to vector<16xi32>
    %ge3A_64 = vector.broadcast %mul3A_0 : i32 to vector<16xi32>
    %ge3A_65 = arith.cmpi sge, %get3A_63, %ge3A_64 : vector<16xi32>
    %add3A_66 = arith.constant 5000 : i32
    %add3A_67 = arith.addi %mul3A_0, %add3A_66 : i32
    %lt3A_68 = vector.broadcast %add3A_67 : i32 to vector<16xi32>
    %lt3A_69 = arith.cmpi slt, %get3A_63, %lt3A_68 : vector<16xi32>
    %and3A_70 = arith.andi %ge3A_65, %lt3A_69 : vector<16xi1>
    %sub3A_71 = vector.broadcast %mul3A_0 : i32 to vector<16xi32>
    %sub3A_72 = arith.subi %get3A_63, %sub3A_71 : vector<16xi32>
    %mul3A_73 = arith.constant 2 : i32
    %mul3A_74 = vector.broadcast %mul3A_73 : i32 to vector<16xi32>
    %mul3A_75 = arith.muli %sub3A_72, %mul3A_74 : vector<16xi32>
    %jit3A_76 = arith.constant -1 : i32
    %broadcast_in_dim3A_77 = vector.broadcast %jit3A_76 : i32 to vector<16xi32>
    %select_n3A_78 = arith.select %and3A_70, %mul3A_75, %broadcast_in_dim3A_77 : vector<16xi1>, vector<16xi32>
    %swap3A_79 = arith.constant 64 : index
    %swap3A_80 = tpu.vector_load %arg12[%swap3A_79] {strides = array<i32>} : memref<128xi32, #tpu.memory_space<vmem>>, vector<16xi32>,
    %swap3A_81 = vector.shape_cast %swap3A_80 : vector<16xi32> to vector<16xi32>
    %swap3A_82 = vector.shape_cast %select_n3A_78 : vector<16xi32> to vector<16xi32>
    tpu.vector_store %arg12[%swap3A_79], %swap3A_82 {strides = array<i32>} : memref<128xi32, #tpu.memory_space<vmem>>, vector<16xi32>,
    %add3A_83 = arith.constant 1 : i32
    %add3A_84 = vector.broadcast %add3A_83 : i32 to vector<16xi32>
    %add3A_85 = arith.addi %mul3A_75, %add3A_84 : vector<16xi32>
    %jit3A_86 = arith.constant -1 : i32
    %broadcast_in_dim3A_87 = vector.broadcast %jit3A_86 : i32 to vector<16xi32>
    %select_n3A_88 = arith.select %and3A_70, %add3A_85, %broadcast_in_dim3A_87 : vector<16xi1>, vector<16xi32>
    %swap3A_89 = arith.constant 80 : index
    %swap3A_90 = tpu.vector_load %arg12[%swap3A_89] {strides = array<i32>} : memref<128xi32, #tpu.memory_space<vmem>>, vector<16xi32>,
    %swap3A_91 = vector.shape_cast %swap3A_90 : vector<16xi32> to vector<16xi32>
    %swap3A_92 = vector.shape_cast %select_n3A_88 : vector<16xi32> to vector<16xi32>
    tpu.vector_store %arg12[%swap3A_89], %swap3A_92 {strides = array<i32>} : memref<128xi32, #tpu.memory_space<vmem>>, vector<16xi32>,
    %get3A_93 = arith.constant 48 : index
    %get3A_94 = tpu.vector_load %arg8[%get3A_93] {strides = array<i32>} : memref<64xi32, #tpu.memory_space<vmem>>, vector<16xi32>,
    %get3A_95 = vector.shape_cast %get3A_94 : vector<16xi32> to vector<16xi32>
    %ge3A_96 = vector.broadcast %mul3A_0 : i32 to vector<16xi32>
    %ge3A_97 = arith.cmpi sge, %get3A_95, %ge3A_96 : vector<16xi32>
    %add3A_98 = arith.constant 5000 : i32
    %add3A_99 = arith.addi %mul3A_0, %add3A_98 : i32
    %lt3A_100 = vector.broadcast %add3A_99 : i32 to vector<16xi32>
    %lt3A_101 = arith.cmpi slt, %get3A_95, %lt3A_100 : vector<16xi32>
    %and3A_102 = arith.andi %ge3A_97, %lt3A_101 : vector<16xi1>
    %sub3A_103 = vector.broadcast %mul3A_0 : i32 to vector<16xi32>
    %sub3A_104 = arith.subi %get3A_95, %sub3A_103 : vector<16xi32>
    %mul3A_105 = arith.constant 2 : i32
    %mul3A_106 = vector.broadcast %mul3A_105 : i32 to vector<16xi32>
    %mul3A_107 = arith.muli %sub3A_104, %mul3A_106 : vector<16xi32>
    %jit3A_108 = arith.constant -1 : i32
    %broadcast_in_dim3A_109 = vector.broadcast %jit3A_108 : i32 to vector<16xi32>
    %select_n3A_110 = arith.select %and3A_102, %mul3A_107, %broadcast_in_dim3A_109 : vector<16xi1>, vector<16xi32>
    %swap3A_111 = arith.constant 96 : index
    %swap3A_112 = tpu.vector_load %arg12[%swap3A_111] {strides = array<i32>} : memref<128xi32, #tpu.memory_space<vmem>>, vector<16xi32>,
    %swap3A_113 = vector.shape_cast %swap3A_112 : vector<16xi32> to vector<16xi32>
    %swap3A_114 = vector.shape_cast %select_n3A_110 : vector<16xi32> to vector<16xi32>
    tpu.vector_store %arg12[%swap3A_111], %swap3A_114 {strides = array<i32>} : memref<128xi32, #tpu.memory_space<vmem>>, vector<16xi32>,
    %add3A_115 = arith.constant 1 : i32
    %add3A_116 = vector.broadcast %add3A_115 : i32 to vector<16xi32>
    %add3A_117 = arith.addi %mul3A_107, %add3A_116 : vector<16xi32>
    %jit3A_118 = arith.constant -1 : i32
    %broadcast_in_dim3A_119 = vector.broadcast %jit3A_118 : i32 to vector<16xi32>
    %select_n3A_120 = arith.select %and3A_102, %add3A_117, %broadcast_in_dim3A_119 : vector<16xi1>, vector<16xi32>
    %swap3A_121 = arith.constant 112 : index
    %swap3A_122 = tpu.vector_load %arg12[%swap3A_121] {strides = array<i32>} : memref<128xi32, #tpu.memory_space<vmem>>, vector<16xi32>,
    %swap3A_123 = vector.shape_cast %swap3A_122 : vector<16xi32> to vector<16xi32>
    %swap3A_124 = vector.shape_cast %select_n3A_120 : vector<16xi32> to vector<16xi32>
    tpu.vector_store %arg12[%swap3A_121], %swap3A_124 {strides = array<i32>} : memref<128xi32, #tpu.memory_space<vmem>>, vector<16xi32>,
    "tpu.region"() ({
      %run_scoped3A = tpu.sem_alloc : memref<!tpu.dma_semaphore, #tpu.memory_space<semaphore_mem>>
      %dma_start3A_258 = tpu.memref_slice %arg2[%add3A_5] : memref<161792xi32, #tpu.memory_space<hbm>> -> memref<64xi32, #tpu.memory_space<hbm>>
      %dma_start3A_259 = tpu.memref_slice %arg2[%add3A_5] : memref<161792xi32, #tpu.memory_space<hbm>> -> memref<64xi32, #tpu.memory_space<hbm>>
      tpu.enqueue_dma source(%dma_start3A_259 : memref<64xi32, #tpu.memory_space<hbm>>) target(%arg8 : memref<64xi32, #tpu.memory_space<vmem>>) target_semaphore(%run_scoped3A : memref<!tpu.dma_semaphore, #tpu.memory_space<semaphore_mem>>)
      %dma_wait3A_260 = tpu.memref_slice %arg2[%add3A_5] : memref<161792xi32, #tpu.memory_space<hbm>> -> memref<64xi32, #tpu.memory_space<hbm>>
      %dma_wait3A_261 = tpu.memref_slice %arg2[%add3A_5] : memref<161792xi32, #tpu.memory_space<hbm>> -> memref<64xi32, #tpu.memory_space<hbm>>
      tpu.wait_dma2 semaphore(%run_scoped3A : memref<!tpu.dma_semaphore, #tpu.memory_space<semaphore_mem>>) src(%dma_wait3A_261 : memref<64xi32, #tpu.memory_space<hbm>>) dst(%arg8 : memref<64xi32, #tpu.memory_space<vmem>>)
      tpu.yield
    }) : () -> ()
    %get3A_125 = arith.constant 0 : index
    %get3A_126 = tpu.vector_load %arg12[%get3A_125] {strides = array<i32>} : memref<128xi32, #tpu.memory_space<vmem>>, vector<16xi32>,
    %get3A_127 = vector.shape_cast %get3A_126 : vector<16xi32> to vector<16xi32>
    %ge3A_128 = arith.constant 0 : i32
    %ge3A_129 = vector.broadcast %ge3A_128 : i32 to vector<16xi32>
    %ge3A_130 = arith.cmpi sge, %get3A_127, %ge3A_129 : vector<16xi32>
    %get3A_131 = arith.constant 0 : index
    %get3A_132 = tpu.vector_load %arg8[%get3A_131] {strides = array<i32>} : memref<64xi32, #tpu.memory_space<vmem>>, vector<16xi32>,
    %get3A_133 = vector.shape_cast %get3A_132 : vector<16xi32> to vector<16xi32>
    %mul3A_134 = arith.constant 2 : i32
    %mul3A_135 = vector.broadcast %mul3A_134 : i32 to vector<16xi32>
    %mul3A_136 = arith.muli %get3A_133, %mul3A_135 : vector<16xi32>
    %jit3A_137 = arith.constant -1 : i32
    %broadcast_in_dim3A_138 = vector.broadcast %jit3A_137 : i32 to vector<16xi32>
    %select_n3A_139 = arith.select %ge3A_130, %mul3A_136, %broadcast_in_dim3A_138 : vector<16xi1>, vector<16xi32>
    %swap3A_140 = arith.constant 0 : index
    %swap3A_141 = tpu.vector_load %arg10[%swap3A_140] {strides = array<i32>} : memref<128xi32, #tpu.memory_space<vmem>>, vector<16xi32>,
    %swap3A_142 = vector.shape_cast %swap3A_141 : vector<16xi32> to vector<16xi32>
    %swap3A_143 = vector.shape_cast %select_n3A_139 : vector<16xi32> to vector<16xi32>
    tpu.vector_store %arg10[%swap3A_140], %swap3A_143 {strides = array<i32>} : memref<128xi32, #tpu.memory_space<vmem>>, vector<16xi32>,
    %add3A_144 = arith.constant 1 : i32
    %add3A_145 = vector.broadcast %add3A_144 : i32 to vector<16xi32>
    %add3A_146 = arith.addi %mul3A_136, %add3A_145 : vector<16xi32>
    %jit3A_147 = arith.constant -1 : i32
    %broadcast_in_dim3A_148 = vector.broadcast %jit3A_147 : i32 to vector<16xi32>
    %select_n3A_149 = arith.select %ge3A_130, %add3A_146, %broadcast_in_dim3A_148 : vector<16xi1>, vector<16xi32>
    %swap3A_150 = arith.constant 16 : index
    %swap3A_151 = tpu.vector_load %arg10[%swap3A_150] {strides = array<i32>} : memref<128xi32, #tpu.memory_space<vmem>>, vector<16xi32>,
    %swap3A_152 = vector.shape_cast %swap3A_151 : vector<16xi32> to vector<16xi32>
    %swap3A_153 = vector.shape_cast %select_n3A_149 : vector<16xi32> to vector<16xi32>
    tpu.vector_store %arg10[%swap3A_150], %swap3A_153 {strides = array<i32>} : memref<128xi32, #tpu.memory_space<vmem>>, vector<16xi32>,
    %get3A_154 = arith.constant 32 : index
    %get3A_155 = tpu.vector_load %arg12[%get3A_154] {strides = array<i32>} : memref<128xi32, #tpu.memory_space<vmem>>, vector<16xi32>,
    %get3A_156 = vector.shape_cast %get3A_155 : vector<16xi32> to vector<16xi32>
    %ge3A_157 = arith.constant 0 : i32
    %ge3A_158 = vector.broadcast %ge3A_157 : i32 to vector<16xi32>
    %ge3A_159 = arith.cmpi sge, %get3A_156, %ge3A_158 : vector<16xi32>
    %get3A_160 = arith.constant 16 : index
    %get3A_161 = tpu.vector_load %arg8[%get3A_160] {strides = array<i32>} : memref<64xi32, #tpu.memory_space<vmem>>, vector<16xi32>,
    %get3A_162 = vector.shape_cast %get3A_161 : vector<16xi32> to vector<16xi32>
    %mul3A_163 = arith.constant 2 : i32
    %mul3A_164 = vector.broadcast %mul3A_163 : i32 to vector<16xi32>
    %mul3A_165 = arith.muli %get3A_162, %mul3A_164 : vector<16xi32>
    %jit3A_166 = arith.constant -1 : i32
    %broadcast_in_dim3A_167 = vector.broadcast %jit3A_166 : i32 to vector<16xi32>
    %select_n3A_168 = arith.select %ge3A_159, %mul3A_165, %broadcast_in_dim3A_167 : vector<16xi1>, vector<16xi32>
    %swap3A_169 = arith.constant 32 : index
    %swap3A_170 = tpu.vector_load %arg10[%swap3A_169] {strides = array<i32>} : memref<128xi32, #tpu.memory_space<vmem>>, vector<16xi32>,
    %swap3A_171 = vector.shape_cast %swap3A_170 : vector<16xi32> to vector<16xi32>
    %swap3A_172 = vector.shape_cast %select_n3A_168 : vector<16xi32> to vector<16xi32>
    tpu.vector_store %arg10[%swap3A_169], %swap3A_172 {strides = array<i32>} : memref<128xi32, #tpu.memory_space<vmem>>, vector<16xi32>,
    %add3A_173 = arith.constant 1 : i32
    %add3A_174 = vector.broadcast %add3A_173 : i32 to vector<16xi32>
    %add3A_175 = arith.addi %mul3A_165, %add3A_174 : vector<16xi32>
    %jit3A_176 = arith.constant -1 : i32
    %broadcast_in_dim3A_177 = vector.broadcast %jit3A_176 : i32 to vector<16xi32>
    %select_n3A_178 = arith.select %ge3A_159, %add3A_175, %broadcast_in_dim3A_177 : vector<16xi1>, vector<16xi32>
    %swap3A_179 = arith.constant 48 : index
    %swap3A_180 = tpu.vector_load %arg10[%swap3A_179] {strides = array<i32>} : memref<128xi32, #tpu.memory_space<vmem>>, vector<16xi32>,
    %swap3A_181 = vector.shape_cast %swap3A_180 : vector<16xi32> to vector<16xi32>
    %swap3A_182 = vector.shape_cast %select_n3A_178 : vector<16xi32> to vector<16xi32>
    tpu.vector_store %arg10[%swap3A_179], %swap3A_182 {strides = array<i32>} : memref<128xi32, #tpu.memory_space<vmem>>, vector<16xi32>,
    %get3A_183 = arith.constant 64 : index
    %get3A_184 = tpu.vector_load %arg12[%get3A_183] {strides = array<i32>} : memref<128xi32, #tpu.memory_space<vmem>>, vector<16xi32>,
    %get3A_185 = vector.shape_cast %get3A_184 : vector<16xi32> to vector<16xi32>
    %ge3A_186 = arith.constant 0 : i32
    %ge3A_187 = vector.broadcast %ge3A_186 : i32 to vector<16xi32>
    %ge3A_188 = arith.cmpi sge, %get3A_185, %ge3A_187 : vector<16xi32>
    %get3A_189 = arith.constant 32 : index
    %get3A_190 = tpu.vector_load %arg8[%get3A_189] {strides = array<i32>} : memref<64xi32, #tpu.memory_space<vmem>>, vector<16xi32>,
    %get3A_191 = vector.shape_cast %get3A_190 : vector<16xi32> to vector<16xi32>
    %mul3A_192 = arith.constant 2 : i32
    %mul3A_193 = vector.broadcast %mul3A_192 : i32 to vector<16xi32>
    %mul3A_194 = arith.muli %get3A_191, %mul3A_193 : vector<16xi32>
    %jit3A_195 = arith.constant -1 : i32
    %broadcast_in_dim3A_196 = vector.broadcast %jit3A_195 : i32 to vector<16xi32>
    %select_n3A_197 = arith.select %ge3A_188, %mul3A_194, %broadcast_in_dim3A_196 : vector<16xi1>, vector<16xi32>
    %swap3A_198 = arith.constant 64 : index
    %swap3A_199 = tpu.vector_load %arg10[%swap3A_198] {strides = array<i32>} : memref<128xi32, #tpu.memory_space<vmem>>, vector<16xi32>,
    %swap3A_200 = vector.shape_cast %swap3A_199 : vector<16xi32> to vector<16xi32>
    %swap3A_201 = vector.shape_cast %select_n3A_197 : vector<16xi32> to vector<16xi32>
    tpu.vector_store %arg10[%swap3A_198], %swap3A_201 {strides = array<i32>} : memref<128xi32, #tpu.memory_space<vmem>>, vector<16xi32>,
    %add3A_202 = arith.constant 1 : i32
    %add3A_203 = vector.broadcast %add3A_202 : i32 to vector<16xi32>
    %add3A_204 = arith.addi %mul3A_194, %add3A_203 : vector<16xi32>
    %jit3A_205 = arith.constant -1 : i32
    %broadcast_in_dim3A_206 = vector.broadcast %jit3A_205 : i32 to vector<16xi32>
    %select_n3A_207 = arith.select %ge3A_188, %add3A_204, %broadcast_in_dim3A_206 : vector<16xi1>, vector<16xi32>
    %swap3A_208 = arith.constant 80 : index
    %swap3A_209 = tpu.vector_load %arg10[%swap3A_208] {strides = array<i32>} : memref<128xi32, #tpu.memory_space<vmem>>, vector<16xi32>,
    %swap3A_210 = vector.shape_cast %swap3A_209 : vector<16xi32> to vector<16xi32>
    %swap3A_211 = vector.shape_cast %select_n3A_207 : vector<16xi32> to vector<16xi32>
    tpu.vector_store %arg10[%swap3A_208], %swap3A_211 {strides = array<i32>} : memref<128xi32, #tpu.memory_space<vmem>>, vector<16xi32>,
    %get3A_212 = arith.constant 96 : index
    %get3A_213 = tpu.vector_load %arg12[%get3A_212] {strides = array<i32>} : memref<128xi32, #tpu.memory_space<vmem>>, vector<16xi32>,
    %get3A_214 = vector.shape_cast %get3A_213 : vector<16xi32> to vector<16xi32>
    %ge3A_215 = arith.constant 0 : i32
    %ge3A_216 = vector.broadcast %ge3A_215 : i32 to vector<16xi32>
    %ge3A_217 = arith.cmpi sge, %get3A_214, %ge3A_216 : vector<16xi32>
    %get3A_218 = arith.constant 48 : index
    %get3A_219 = tpu.vector_load %arg8[%get3A_218] {strides = array<i32>} : memref<64xi32, #tpu.memory_space<vmem>>, vector<16xi32>,
    %get3A_220 = vector.shape_cast %get3A_219 : vector<16xi32> to vector<16xi32>
    %mul3A_221 = arith.constant 2 : i32
    %mul3A_222 = vector.broadcast %mul3A_221 : i32 to vector<16xi32>
    %mul3A_223 = arith.muli %get3A_220, %mul3A_222 : vector<16xi32>
    %jit3A_224 = arith.constant -1 : i32
    %broadcast_in_dim3A_225 = vector.broadcast %jit3A_224 : i32 to vector<16xi32>
    %select_n3A_226 = arith.select %ge3A_217, %mul3A_223, %broadcast_in_dim3A_225 : vector<16xi1>, vector<16xi32>
    %swap3A_227 = arith.constant 96 : index
    %swap3A_228 = tpu.vector_load %arg10[%swap3A_227] {strides = array<i32>} : memref<128xi32, #tpu.memory_space<vmem>>, vector<16xi32>,
    %swap3A_229 = vector.shape_cast %swap3A_228 : vector<16xi32> to vector<16xi32>
    %swap3A_230 = vector.shape_cast %select_n3A_226 : vector<16xi32> to vector<16xi32>
    tpu.vector_store %arg10[%swap3A_227], %swap3A_230 {strides = array<i32>} : memref<128xi32, #tpu.memory_space<vmem>>, vector<16xi32>,
    %add3A_231 = arith.constant 1 : i32
    %add3A_232 = vector.broadcast %add3A_231 : i32 to vector<16xi32>
    %add3A_233 = arith.addi %mul3A_223, %add3A_232 : vector<16xi32>
    %jit3A_234 = arith.constant -1 : i32
    %broadcast_in_dim3A_235 = vector.broadcast %jit3A_234 : i32 to vector<16xi32>
    %select_n3A_236 = arith.select %ge3A_217, %add3A_233, %broadcast_in_dim3A_235 : vector<16xi1>, vector<16xi32>
    %swap3A_237 = arith.constant 112 : index
    %swap3A_238 = tpu.vector_load %arg10[%swap3A_237] {strides = array<i32>} : memref<128xi32, #tpu.memory_space<vmem>>, vector<16xi32>,
    %swap3A_239 = vector.shape_cast %swap3A_238 : vector<16xi32> to vector<16xi32>
    %swap3A_240 = vector.shape_cast %select_n3A_236 : vector<16xi32> to vector<16xi32>
    tpu.vector_store %arg10[%swap3A_237], %swap3A_240 {strides = array<i32>} : memref<128xi32, #tpu.memory_space<vmem>>, vector<16xi32>,
    %dma_start3A = arith.constant 0 : i32
    %dma_start3A_241 = arith.constant 0 : i32
    %dma_start3A_242 = tpu.memref_slice %arg4[%dma_start3A, %dma_start3A_241] : memref<20000x128xf32, #tpu.memory_space<hbm>> -> memref<20000x128xf32, #tpu.memory_space<hbm>>
    %dma_start3A_243 = arith.constant -1 : i32
    tpu.enqueue_indirect_dma source(%dma_start3A_242 : memref<20000x128xf32, #tpu.memory_space<hbm>>) target(%arg14 : memref<128x128xf32, #tpu.memory_space<vmem>>) offsets(%arg10 : memref<128xi32, #tpu.memory_space<vmem>>) offset_filter(%dma_start3A_243) semaphore(%arg16 : memref<!tpu.dma_semaphore, #tpu.memory_space<semaphore_mem>>)
    %scan3A = arith.constant 0 : i32
    %scan3A_244 = arith.constant 79 : i32
    %scan3A_245 = arith.addi %scan3A, %scan3A_244 : i32
    %scan3A_246 = arith.constant 1 : i32
    scf.for %scan3A_258 = %scan3A to %scan3A_245 step %scan3A_246  : i32 {
      %mul3A_259 = arith.constant 2 : i32
      %mul3A_260 = arith.muli %scan3A_258, %mul3A_259 : i32
      %add3A_261 = arith.constant 0 : i32
      %add3A_262 = arith.addi %add3A_261, %mul3A_260 : i32
      %add3A_263 = arith.constant 0 : i32
      %add3A_264 = arith.addi %add3A_262, %add3A_263 : i32
      %add3A_265 = arith.constant 1 : i32
      %add3A_266 = arith.addi %add3A_264, %add3A_265 : i32
      %min3A = arith.constant 157 : i32
      %min3A_267 = arith.minsi %add3A_266, %min3A : i32
      %mul3A_268 = arith.constant 64 : i32
      %mul3A_269 = arith.muli %min3A_267, %mul3A_268 : i32
      %add3A_270 = arith.addi %mul3A_4, %mul3A_269 : i32
      "tpu.region"() ({
        %run_scoped3A = tpu.sem_alloc : memref<!tpu.dma_semaphore, #tpu.memory_space<semaphore_mem>>
        %dma_start3A_782 = tpu.memref_slice %arg3[%add3A_270] : memref<161792xi32, #tpu.memory_space<hbm>> -> memref<64xi32, #tpu.memory_space<hbm>>
        %dma_start3A_783 = tpu.memref_slice %arg3[%add3A_270] : memref<161792xi32, #tpu.memory_space<hbm>> -> memref<64xi32, #tpu.memory_space<hbm>>
        tpu.enqueue_dma source(%dma_start3A_783 : memref<64xi32, #tpu.memory_space<hbm>>) target(%arg9 : memref<64xi32, #tpu.memory_space<vmem>>) target_semaphore(%run_scoped3A : memref<!tpu.dma_semaphore, #tpu.memory_space<semaphore_mem>>)
        %dma_wait3A_784 = tpu.memref_slice %arg3[%add3A_270] : memref<161792xi32, #tpu.memory_space<hbm>> -> memref<64xi32, #tpu.memory_space<hbm>>
        %dma_wait3A_785 = tpu.memref_slice %arg3[%add3A_270] : memref<161792xi32, #tpu.memory_space<hbm>> -> memref<64xi32, #tpu.memory_space<hbm>>
        tpu.wait_dma2 semaphore(%run_scoped3A : memref<!tpu.dma_semaphore, #tpu.memory_space<semaphore_mem>>) src(%dma_wait3A_785 : memref<64xi32, #tpu.memory_space<hbm>>) dst(%arg9 : memref<64xi32, #tpu.memory_space<vmem>>)
        tpu.yield
      }) : () -> ()
      %get3A_271 = arith.constant 0 : index
      %get3A_272 = tpu.vector_load %arg9[%get3A_271] {strides = array<i32>} : memref<64xi32, #tpu.memory_space<vmem>>, vector<16xi32>,
      %get3A_273 = vector.shape_cast %get3A_272 : vector<16xi32> to vector<16xi32>
      %ge3A_274 = vector.broadcast %mul3A_0 : i32 to vector<16xi32>
      %ge3A_275 = arith.cmpi sge, %get3A_273, %ge3A_274 : vector<16xi32>
      %add3A_276 = arith.constant 5000 : i32
      %add3A_277 = arith.addi %mul3A_0, %add3A_276 : i32
      %lt3A_278 = vector.broadcast %add3A_277 : i32 to vector<16xi32>
      %lt3A_279 = arith.cmpi slt, %get3A_273, %lt3A_278 : vector<16xi32>
      %and3A_280 = arith.andi %ge3A_275, %lt3A_279 : vector<16xi1>
      %sub3A_281 = vector.broadcast %mul3A_0 : i32 to vector<16xi32>
      %sub3A_282 = arith.subi %get3A_273, %sub3A_281 : vector<16xi32>
      %mul3A_283 = arith.constant 2 : i32
      %mul3A_284 = vector.broadcast %mul3A_283 : i32 to vector<16xi32>
      %mul3A_285 = arith.muli %sub3A_282, %mul3A_284 : vector<16xi32>
      %jit3A_286 = arith.constant -1 : i32
      %broadcast_in_dim3A_287 = vector.broadcast %jit3A_286 : i32 to vector<16xi32>
      %select_n3A_288 = arith.select %and3A_280, %mul3A_285, %broadcast_in_dim3A_287 : vector<16xi1>, vector<16xi32>
      %swap3A_289 = arith.constant 0 : index
      %swap3A_290 = tpu.vector_load %arg13[%swap3A_289] {strides = array<i32>} : memref<128xi32, #tpu.memory_space<vmem>>, vector<16xi32>,
      %swap3A_291 = vector.shape_cast %swap3A_290 : vector<16xi32> to vector<16xi32>
      %swap3A_292 = vector.shape_cast %select_n3A_288 : vector<16xi32> to vector<16xi32>
      tpu.vector_store %arg13[%swap3A_289], %swap3A_292 {strides = array<i32>} : memref<128xi32, #tpu.memory_space<vmem>>, vector<16xi32>,
      %add3A_293 = arith.constant 1 : i32
      %add3A_294 = vector.broadcast %add3A_293 : i32 to vector<16xi32>
      %add3A_295 = arith.addi %mul3A_285, %add3A_294 : vector<16xi32>
      %jit3A_296 = arith.constant -1 : i32
      %broadcast_in_dim3A_297 = vector.broadcast %jit3A_296 : i32 to vector<16xi32>
      %select_n3A_298 = arith.select %and3A_280, %add3A_295, %broadcast_in_dim3A_297 : vector<16xi1>, vector<16xi32>
      %swap3A_299 = arith.constant 16 : index
      %swap3A_300 = tpu.vector_load %arg13[%swap3A_299] {strides = array<i32>} : memref<128xi32, #tpu.memory_space<vmem>>, vector<16xi32>,
      %swap3A_301 = vector.shape_cast %swap3A_300 : vector<16xi32> to vector<16xi32>
      %swap3A_302 = vector.shape_cast %select_n3A_298 : vector<16xi32> to vector<16xi32>
      tpu.vector_store %arg13[%swap3A_299], %swap3A_302 {strides = array<i32>} : memref<128xi32, #tpu.memory_space<vmem>>, vector<16xi32>,
      %get3A_303 = arith.constant 16 : index
      %get3A_304 = tpu.vector_load %arg9[%get3A_303] {strides = array<i32>} : memref<64xi32, #tpu.memory_space<vmem>>, vector<16xi32>,
      %get3A_305 = vector.shape_cast %get3A_304 : vector<16xi32> to vector<16xi32>
      %ge3A_306 = vector.broadcast %mul3A_0 : i32 to vector<16xi32>
      %ge3A_307 = arith.cmpi sge, %get3A_305, %ge3A_306 : vector<16xi32>
      %add3A_308 = arith.constant 5000 : i32
      %add3A_309 = arith.addi %mul3A_0, %add3A_308 : i32
      %lt3A_310 = vector.broadcast %add3A_309 : i32 to vector<16xi32>
      %lt3A_311 = arith.cmpi slt, %get3A_305, %lt3A_310 : vector<16xi32>
      %and3A_312 = arith.andi %ge3A_307, %lt3A_311 : vector<16xi1>
      %sub3A_313 = vector.broadcast %mul3A_0 : i32 to vector<16xi32>
      %sub3A_314 = arith.subi %get3A_305, %sub3A_313 : vector<16xi32>
      %mul3A_315 = arith.constant 2 : i32
      %mul3A_316 = vector.broadcast %mul3A_315 : i32 to vector<16xi32>
      %mul3A_317 = arith.muli %sub3A_314, %mul3A_316 : vector<16xi32>
      %jit3A_318 = arith.constant -1 : i32
      %broadcast_in_dim3A_319 = vector.broadcast %jit3A_318 : i32 to vector<16xi32>
      %select_n3A_320 = arith.select %and3A_312, %mul3A_317, %broadcast_in_dim3A_319 : vector<16xi1>, vector<16xi32>
      %swap3A_321 = arith.constant 32 : index
      %swap3A_322 = tpu.vector_load %arg13[%swap3A_321] {strides = array<i32>} : memref<128xi32, #tpu.memory_space<vmem>>, vector<16xi32>,
      %swap3A_323 = vector.shape_cast %swap3A_322 : vector<16xi32> to vector<16xi32>
      %swap3A_324 = vector.shape_cast %select_n3A_320 : vector<16xi32> to vector<16xi32>
      tpu.vector_store %arg13[%swap3A_321], %swap3A_324 {strides = array<i32>} : memref<128xi32, #tpu.memory_space<vmem>>, vector<16xi32>,
      %add3A_325 = arith.constant 1 : i32
      %add3A_326 = vector.broadcast %add3A_325 : i32 to vector<16xi32>
      %add3A_327 = arith.addi %mul3A_317, %add3A_326 : vector<16xi32>
      %jit3A_328 = arith.constant -1 : i32
      %broadcast_in_dim3A_329 = vector.broadcast %jit3A_328 : i32 to vector<16xi32>
      %select_n3A_330 = arith.select %and3A_312, %add3A_327, %broadcast_in_dim3A_329 : vector<16xi1>, vector<16xi32>
      %swap3A_331 = arith.constant 48 : index
      %swap3A_332 = tpu.vector_load %arg13[%swap3A_331] {strides = array<i32>} : memref<128xi32, #tpu.memory_space<vmem>>, vector<16xi32>,
      %swap3A_333 = vector.shape_cast %swap3A_332 : vector<16xi32> to vector<16xi32>
      %swap3A_334 = vector.shape_cast %select_n3A_330 : vector<16xi32> to vector<16xi32>
      tpu.vector_store %arg13[%swap3A_331], %swap3A_334 {strides = array<i32>} : memref<128xi32, #tpu.memory_space<vmem>>, vector<16xi32>,
      %get3A_335 = arith.constant 32 : index
      %get3A_336 = tpu.vector_load %arg9[%get3A_335] {strides = array<i32>} : memref<64xi32, #tpu.memory_space<vmem>>, vector<16xi32>,
      %get3A_337 = vector.shape_cast %get3A_336 : vector<16xi32> to vector<16xi32>
      %ge3A_338 = vector.broadcast %mul3A_0 : i32 to vector<16xi32>
      %ge3A_339 = arith.cmpi sge, %get3A_337, %ge3A_338 : vector<16xi32>
      %add3A_340 = arith.constant 5000 : i32
      %add3A_341 = arith.addi %mul3A_0, %add3A_340 : i32
      %lt3A_342 = vector.broadcast %add3A_341 : i32 to vector<16xi32>
      %lt3A_343 = arith.cmpi slt, %get3A_337, %lt3A_342 : vector<16xi32>
      %and3A_344 = arith.andi %ge3A_339, %lt3A_343 : vector<16xi1>
      %sub3A_345 = vector.broadcast %mul3A_0 : i32 to vector<16xi32>
      %sub3A_346 = arith.subi %get3A_337, %sub3A_345 : vector<16xi32>
      %mul3A_347 = arith.constant 2 : i32
      %mul3A_348 = vector.broadcast %mul3A_347 : i32 to vector<16xi32>
      %mul3A_349 = arith.muli %sub3A_346, %mul3A_348 : vector<16xi32>
      %jit3A_350 = arith.constant -1 : i32
      %broadcast_in_dim3A_351 = vector.broadcast %jit3A_350 : i32 to vector<16xi32>
      %select_n3A_352 = arith.select %and3A_344, %mul3A_349, %broadcast_in_dim3A_351 : vector<16xi1>, vector<16xi32>
      %swap3A_353 = arith.constant 64 : index
      %swap3A_354 = tpu.vector_load %arg13[%swap3A_353] {strides = array<i32>} : memref<128xi32, #tpu.memory_space<vmem>>, vector<16xi32>,
      %swap3A_355 = vector.shape_cast %swap3A_354 : vector<16xi32> to vector<16xi32>
      %swap3A_356 = vector.shape_cast %select_n3A_352 : vector<16xi32> to vector<16xi32>
      tpu.vector_store %arg13[%swap3A_353], %swap3A_356 {strides = array<i32>} : memref<128xi32, #tpu.memory_space<vmem>>, vector<16xi32>,
      %add3A_357 = arith.constant 1 : i32
      %add3A_358 = vector.broadcast %add3A_357 : i32 to vector<16xi32>
      %add3A_359 = arith.addi %mul3A_349, %add3A_358 : vector<16xi32>
      %jit3A_360 = arith.constant -1 : i32
      %broadcast_in_dim3A_361 = vector.broadcast %jit3A_360 : i32 to vector<16xi32>
      %select_n3A_362 = arith.select %and3A_344, %add3A_359, %broadcast_in_dim3A_361 : vector<16xi1>, vector<16xi32>
      %swap3A_363 = arith.constant 80 : index
      %swap3A_364 = tpu.vector_load %arg13[%swap3A_363] {strides = array<i32>} : memref<128xi32, #tpu.memory_space<vmem>>, vector<16xi32>,
      %swap3A_365 = vector.shape_cast %swap3A_364 : vector<16xi32> to vector<16xi32>
      %swap3A_366 = vector.shape_cast %select_n3A_362 : vector<16xi32> to vector<16xi32>
      tpu.vector_store %arg13[%swap3A_363], %swap3A_366 {strides = array<i32>} : memref<128xi32, #tpu.memory_space<vmem>>, vector<16xi32>,
      %get3A_367 = arith.constant 48 : index
      %get3A_368 = tpu.vector_load %arg9[%get3A_367] {strides = array<i32>} : memref<64xi32, #tpu.memory_space<vmem>>, vector<16xi32>,
      %get3A_369 = vector.shape_cast %get3A_368 : vector<16xi32> to vector<16xi32>
      %ge3A_370 = vector.broadcast %mul3A_0 : i32 to vector<16xi32>
      %ge3A_371 = arith.cmpi sge, %get3A_369, %ge3A_370 : vector<16xi32>
      %add3A_372 = arith.constant 5000 : i32
      %add3A_373 = arith.addi %mul3A_0, %add3A_372 : i32
      %lt3A_374 = vector.broadcast %add3A_373 : i32 to vector<16xi32>
      %lt3A_375 = arith.cmpi slt, %get3A_369, %lt3A_374 : vector<16xi32>
      %and3A_376 = arith.andi %ge3A_371, %lt3A_375 : vector<16xi1>
      %sub3A_377 = vector.broadcast %mul3A_0 : i32 to vector<16xi32>
      %sub3A_378 = arith.subi %get3A_369, %sub3A_377 : vector<16xi32>
      %mul3A_379 = arith.constant 2 : i32
      %mul3A_380 = vector.broadcast %mul3A_379 : i32 to vector<16xi32>
      %mul3A_381 = arith.muli %sub3A_378, %mul3A_380 : vector<16xi32>
      %jit3A_382 = arith.constant -1 : i32
      %broadcast_in_dim3A_383 = vector.broadcast %jit3A_382 : i32 to vector<16xi32>
      %select_n3A_384 = arith.select %and3A_376, %mul3A_381, %broadcast_in_dim3A_383 : vector<16xi1>, vector<16xi32>
      %swap3A_385 = arith.constant 96 : index
      %swap3A_386 = tpu.vector_load %arg13[%swap3A_385] {strides = array<i32>} : memref<128xi32, #tpu.memory_space<vmem>>, vector<16xi32>,
      %swap3A_387 = vector.shape_cast %swap3A_386 : vector<16xi32> to vector<16xi32>
      %swap3A_388 = vector.shape_cast %select_n3A_384 : vector<16xi32> to vector<16xi32>
      tpu.vector_store %arg13[%swap3A_385], %swap3A_388 {strides = array<i32>} : memref<128xi32, #tpu.memory_space<vmem>>, vector<16xi32>,
      %add3A_389 = arith.constant 1 : i32
      %add3A_390 = vector.broadcast %add3A_389 : i32 to vector<16xi32>
      %add3A_391 = arith.addi %mul3A_381, %add3A_390 : vector<16xi32>
      %jit3A_392 = arith.constant -1 : i32
      %broadcast_in_dim3A_393 = vector.broadcast %jit3A_392 : i32 to vector<16xi32>
      %select_n3A_394 = arith.select %and3A_376, %add3A_391, %broadcast_in_dim3A_393 : vector<16xi1>, vector<16xi32>
      %swap3A_395 = arith.constant 112 : index
      %swap3A_396 = tpu.vector_load %arg13[%swap3A_395] {strides = array<i32>} : memref<128xi32, #tpu.memory_space<vmem>>, vector<16xi32>,
      %swap3A_397 = vector.shape_cast %swap3A_396 : vector<16xi32> to vector<16xi32>
      %swap3A_398 = vector.shape_cast %select_n3A_394 : vector<16xi32> to vector<16xi32>
      tpu.vector_store %arg13[%swap3A_395], %swap3A_398 {strides = array<i32>} : memref<128xi32, #tpu.memory_space<vmem>>, vector<16xi32>,
      "tpu.region"() ({
        %run_scoped3A = tpu.sem_alloc : memref<!tpu.dma_semaphore, #tpu.memory_space<semaphore_mem>>
        %dma_start3A_782 = tpu.memref_slice %arg2[%add3A_270] : memref<161792xi32, #tpu.memory_space<hbm>> -> memref<64xi32, #tpu.memory_space<hbm>>
        %dma_start3A_783 = tpu.memref_slice %arg2[%add3A_270] : memref<161792xi32, #tpu.memory_space<hbm>> -> memref<64xi32, #tpu.memory_space<hbm>>
        tpu.enqueue_dma source(%dma_start3A_783 : memref<64xi32, #tpu.memory_space<hbm>>) target(%arg9 : memref<64xi32, #tpu.memory_space<vmem>>) target_semaphore(%run_scoped3A : memref<!tpu.dma_semaphore, #tpu.memory_space<semaphore_mem>>)
        %dma_wait3A_784 = tpu.memref_slice %arg2[%add3A_270] : memref<161792xi32, #tpu.memory_space<hbm>> -> memref<64xi32, #tpu.memory_space<hbm>>
        %dma_wait3A_785 = tpu.memref_slice %arg2[%add3A_270] : memref<161792xi32, #tpu.memory_space<hbm>> -> memref<64xi32, #tpu.memory_space<hbm>>
        tpu.wait_dma2 semaphore(%run_scoped3A : memref<!tpu.dma_semaphore, #tpu.memory_space<semaphore_mem>>) src(%dma_wait3A_785 : memref<64xi32, #tpu.memory_space<hbm>>) dst(%arg9 : memref<64xi32, #tpu.memory_space<vmem>>)
        tpu.yield
      }) : () -> ()
      %get3A_399 = arith.constant 0 : index
      %get3A_400 = tpu.vector_load %arg13[%get3A_399] {strides = array<i32>} : memref<128xi32, #tpu.memory_space<vmem>>, vector<16xi32>,
      %get3A_401 = vector.shape_cast %get3A_400 : vector<16xi32> to vector<16xi32>
      %ge3A_402 = arith.constant 0 : i32
      %ge3A_403 = vector.broadcast %ge3A_402 : i32 to vector<16xi32>
      %ge3A_404 = arith.cmpi sge, %get3A_401, %ge3A_403 : vector<16xi32>
      %get3A_405 = arith.constant 0 : index
      %get3A_406 = tpu.vector_load %arg9[%get3A_405] {strides = array<i32>} : memref<64xi32, #tpu.memory_space<vmem>>, vector<16xi32>,
      %get3A_407 = vector.shape_cast %get3A_406 : vector<16xi32> to vector<16xi32>
      %mul3A_408 = arith.constant 2 : i32
      %mul3A_409 = vector.broadcast %mul3A_408 : i32 to vector<16xi32>
      %mul3A_410 = arith.muli %get3A_407, %mul3A_409 : vector<16xi32>
      %jit3A_411 = arith.constant -1 : i32
      %broadcast_in_dim3A_412 = vector.broadcast %jit3A_411 : i32 to vector<16xi32>
      %select_n3A_413 = arith.select %ge3A_404, %mul3A_410, %broadcast_in_dim3A_412 : vector<16xi1>, vector<16xi32>
      %swap3A_414 = arith.constant 0 : index
      %swap3A_415 = tpu.vector_load %arg11[%swap3A_414] {strides = array<i32>} : memref<128xi32, #tpu.memory_space<vmem>>, vector<16xi32>,
      %swap3A_416 = vector.shape_cast %swap3A_415 : vector<16xi32> to vector<16xi32>
      %swap3A_417 = vector.shape_cast %select_n3A_413 : vector<16xi32> to vector<16xi32>
      tpu.vector_store %arg11[%swap3A_414], %swap3A_417 {strides = array<i32>} : memref<128xi32, #tpu.memory_space<vmem>>, vector<16xi32>,
      %add3A_418 = arith.constant 1 : i32
      %add3A_419 = vector.broadcast %add3A_418 : i32 to vector<16xi32>
      %add3A_420 = arith.addi %mul3A_410, %add3A_419 : vector<16xi32>
      %jit3A_421 = arith.constant -1 : i32
      %broadcast_in_dim3A_422 = vector.broadcast %jit3A_421 : i32 to vector<16xi32>
      %select_n3A_423 = arith.select %ge3A_404, %add3A_420, %broadcast_in_dim3A_422 : vector<16xi1>, vector<16xi32>
      %swap3A_424 = arith.constant 16 : index
      %swap3A_425 = tpu.vector_load %arg11[%swap3A_424] {strides = array<i32>} : memref<128xi32, #tpu.memory_space<vmem>>, vector<16xi32>,
      %swap3A_426 = vector.shape_cast %swap3A_425 : vector<16xi32> to vector<16xi32>
      %swap3A_427 = vector.shape_cast %select_n3A_423 : vector<16xi32> to vector<16xi32>
      tpu.vector_store %arg11[%swap3A_424], %swap3A_427 {strides = array<i32>} : memref<128xi32, #tpu.memory_space<vmem>>, vector<16xi32>,
      %get3A_428 = arith.constant 32 : index
      %get3A_429 = tpu.vector_load %arg13[%get3A_428] {strides = array<i32>} : memref<128xi32, #tpu.memory_space<vmem>>, vector<16xi32>,
      %get3A_430 = vector.shape_cast %get3A_429 : vector<16xi32> to vector<16xi32>
      %ge3A_431 = arith.constant 0 : i32
      %ge3A_432 = vector.broadcast %ge3A_431 : i32 to vector<16xi32>
      %ge3A_433 = arith.cmpi sge, %get3A_430, %ge3A_432 : vector<16xi32>
      %get3A_434 = arith.constant 16 : index
      %get3A_435 = tpu.vector_load %arg9[%get3A_434] {strides = array<i32>} : memref<64xi32, #tpu.memory_space<vmem>>, vector<16xi32>,
      %get3A_436 = vector.shape_cast %get3A_435 : vector<16xi32> to vector<16xi32>
      %mul3A_437 = arith.constant 2 : i32
      %mul3A_438 = vector.broadcast %mul3A_437 : i32 to vector<16xi32>
      %mul3A_439 = arith.muli %get3A_436, %mul3A_438 : vector<16xi32>
      %jit3A_440 = arith.constant -1 : i32
      %broadcast_in_dim3A_441 = vector.broadcast %jit3A_440 : i32 to vector<16xi32>
      %select_n3A_442 = arith.select %ge3A_433, %mul3A_439, %broadcast_in_dim3A_441 : vector<16xi1>, vector<16xi32>
      %swap3A_443 = arith.constant 32 : index
      %swap3A_444 = tpu.vector_load %arg11[%swap3A_443] {strides = array<i32>} : memref<128xi32, #tpu.memory_space<vmem>>, vector<16xi32>,
      %swap3A_445 = vector.shape_cast %swap3A_444 : vector<16xi32> to vector<16xi32>
      %swap3A_446 = vector.shape_cast %select_n3A_442 : vector<16xi32> to vector<16xi32>
      tpu.vector_store %arg11[%swap3A_443], %swap3A_446 {strides = array<i32>} : memref<128xi32, #tpu.memory_space<vmem>>, vector<16xi32>,
      %add3A_447 = arith.constant 1 : i32
      %add3A_448 = vector.broadcast %add3A_447 : i32 to vector<16xi32>
      %add3A_449 = arith.addi %mul3A_439, %add3A_448 : vector<16xi32>
      %jit3A_450 = arith.constant -1 : i32
      %broadcast_in_dim3A_451 = vector.broadcast %jit3A_450 : i32 to vector<16xi32>
      %select_n3A_452 = arith.select %ge3A_433, %add3A_449, %broadcast_in_dim3A_451 : vector<16xi1>, vector<16xi32>
      %swap3A_453 = arith.constant 48 : index
      %swap3A_454 = tpu.vector_load %arg11[%swap3A_453] {strides = array<i32>} : memref<128xi32, #tpu.memory_space<vmem>>, vector<16xi32>,
      %swap3A_455 = vector.shape_cast %swap3A_454 : vector<16xi32> to vector<16xi32>
      %swap3A_456 = vector.shape_cast %select_n3A_452 : vector<16xi32> to vector<16xi32>
      tpu.vector_store %arg11[%swap3A_453], %swap3A_456 {strides = array<i32>} : memref<128xi32, #tpu.memory_space<vmem>>, vector<16xi32>,
      %get3A_457 = arith.constant 64 : index
      %get3A_458 = tpu.vector_load %arg13[%get3A_457] {strides = array<i32>} : memref<128xi32, #tpu.memory_space<vmem>>, vector<16xi32>,
      %get3A_459 = vector.shape_cast %get3A_458 : vector<16xi32> to vector<16xi32>
      %ge3A_460 = arith.constant 0 : i32
      %ge3A_461 = vector.broadcast %ge3A_460 : i32 to vector<16xi32>
      %ge3A_462 = arith.cmpi sge, %get3A_459, %ge3A_461 : vector<16xi32>
      %get3A_463 = arith.constant 32 : index
      %get3A_464 = tpu.vector_load %arg9[%get3A_463] {strides = array<i32>} : memref<64xi32, #tpu.memory_space<vmem>>, vector<16xi32>,
      %get3A_465 = vector.shape_cast %get3A_464 : vector<16xi32> to vector<16xi32>
      %mul3A_466 = arith.constant 2 : i32
      %mul3A_467 = vector.broadcast %mul3A_466 : i32 to vector<16xi32>
      %mul3A_468 = arith.muli %get3A_465, %mul3A_467 : vector<16xi32>
      %jit3A_469 = arith.constant -1 : i32
      %broadcast_in_dim3A_470 = vector.broadcast %jit3A_469 : i32 to vector<16xi32>
      %select_n3A_471 = arith.select %ge3A_462, %mul3A_468, %broadcast_in_dim3A_470 : vector<16xi1>, vector<16xi32>
      %swap3A_472 = arith.constant 64 : index
      %swap3A_473 = tpu.vector_load %arg11[%swap3A_472] {strides = array<i32>} : memref<128xi32, #tpu.memory_space<vmem>>, vector<16xi32>,
      %swap3A_474 = vector.shape_cast %swap3A_473 : vector<16xi32> to vector<16xi32>
      %swap3A_475 = vector.shape_cast %select_n3A_471 : vector<16xi32> to vector<16xi32>
      tpu.vector_store %arg11[%swap3A_472], %swap3A_475 {strides = array<i32>} : memref<128xi32, #tpu.memory_space<vmem>>, vector<16xi32>,
      %add3A_476 = arith.constant 1 : i32
      %add3A_477 = vector.broadcast %add3A_476 : i32 to vector<16xi32>
      %add3A_478 = arith.addi %mul3A_468, %add3A_477 : vector<16xi32>
      %jit3A_479 = arith.constant -1 : i32
      %broadcast_in_dim3A_480 = vector.broadcast %jit3A_479 : i32 to vector<16xi32>
      %select_n3A_481 = arith.select %ge3A_462, %add3A_478, %broadcast_in_dim3A_480 : vector<16xi1>, vector<16xi32>
      %swap3A_482 = arith.constant 80 : index
      %swap3A_483 = tpu.vector_load %arg11[%swap3A_482] {strides = array<i32>} : memref<128xi32, #tpu.memory_space<vmem>>, vector<16xi32>,
      %swap3A_484 = vector.shape_cast %swap3A_483 : vector<16xi32> to vector<16xi32>
      %swap3A_485 = vector.shape_cast %select_n3A_481 : vector<16xi32> to vector<16xi32>
      tpu.vector_store %arg11[%swap3A_482], %swap3A_485 {strides = array<i32>} : memref<128xi32, #tpu.memory_space<vmem>>, vector<16xi32>,
      %get3A_486 = arith.constant 96 : index
      %get3A_487 = tpu.vector_load %arg13[%get3A_486] {strides = array<i32>} : memref<128xi32, #tpu.memory_space<vmem>>, vector<16xi32>,
      %get3A_488 = vector.shape_cast %get3A_487 : vector<16xi32> to vector<16xi32>
      %ge3A_489 = arith.constant 0 : i32
      %ge3A_490 = vector.broadcast %ge3A_489 : i32 to vector<16xi32>
      %ge3A_491 = arith.cmpi sge, %get3A_488, %ge3A_490 : vector<16xi32>
      %get3A_492 = arith.constant 48 : index
      %get3A_493 = tpu.vector_load %arg9[%get3A_492] {strides = array<i32>} : memref<64xi32, #tpu.memory_space<vmem>>, vector<16xi32>,
      %get3A_494 = vector.shape_cast %get3A_493 : vector<16xi32> to vector<16xi32>
      %mul3A_495 = arith.constant 2 : i32
      %mul3A_496 = vector.broadcast %mul3A_495 : i32 to vector<16xi32>
      %mul3A_497 = arith.muli %get3A_494, %mul3A_496 : vector<16xi32>
      %jit3A_498 = arith.constant -1 : i32
      %broadcast_in_dim3A_499 = vector.broadcast %jit3A_498 : i32 to vector<16xi32>
      %select_n3A_500 = arith.select %ge3A_491, %mul3A_497, %broadcast_in_dim3A_499 : vector<16xi1>, vector<16xi32>
      %swap3A_501 = arith.constant 96 : index
      %swap3A_502 = tpu.vector_load %arg11[%swap3A_501] {strides = array<i32>} : memref<128xi32, #tpu.memory_space<vmem>>, vector<16xi32>,
      %swap3A_503 = vector.shape_cast %swap3A_502 : vector<16xi32> to vector<16xi32>
      %swap3A_504 = vector.shape_cast %select_n3A_500 : vector<16xi32> to vector<16xi32>
      tpu.vector_store %arg11[%swap3A_501], %swap3A_504 {strides = array<i32>} : memref<128xi32, #tpu.memory_space<vmem>>, vector<16xi32>,
      %add3A_505 = arith.constant 1 : i32
      %add3A_506 = vector.broadcast %add3A_505 : i32 to vector<16xi32>
      %add3A_507 = arith.addi %mul3A_497, %add3A_506 : vector<16xi32>
      %jit3A_508 = arith.constant -1 : i32
      %broadcast_in_dim3A_509 = vector.broadcast %jit3A_508 : i32 to vector<16xi32>
      %select_n3A_510 = arith.select %ge3A_491, %add3A_507, %broadcast_in_dim3A_509 : vector<16xi1>, vector<16xi32>
      %swap3A_511 = arith.constant 112 : index
      %swap3A_512 = tpu.vector_load %arg11[%swap3A_511] {strides = array<i32>} : memref<128xi32, #tpu.memory_space<vmem>>, vector<16xi32>,
      %swap3A_513 = vector.shape_cast %swap3A_512 : vector<16xi32> to vector<16xi32>
      %swap3A_514 = vector.shape_cast %select_n3A_510 : vector<16xi32> to vector<16xi32>
      tpu.vector_store %arg11[%swap3A_511], %swap3A_514 {strides = array<i32>} : memref<128xi32, #tpu.memory_space<vmem>>, vector<16xi32>,
      %dma_start3A_515 = arith.constant 0 : i32
      %dma_start3A_516 = arith.constant 0 : i32
      %dma_start3A_517 = tpu.memref_slice %arg4[%dma_start3A_515, %dma_start3A_516] : memref<20000x128xf32, #tpu.memory_space<hbm>> -> memref<20000x128xf32, #tpu.memory_space<hbm>>
      %dma_start3A_518 = arith.constant -1 : i32
      tpu.enqueue_indirect_dma source(%dma_start3A_517 : memref<20000x128xf32, #tpu.memory_space<hbm>>) target(%arg15 : memref<128x128xf32, #tpu.memory_space<vmem>>) offsets(%arg11 : memref<128xi32, #tpu.memory_space<vmem>>) offset_filter(%dma_start3A_518) semaphore(%arg17 : memref<!tpu.dma_semaphore, #tpu.memory_space<semaphore_mem>>)
      %dma_wait3A_519 = arith.constant 0 : i32
      %dma_wait3A_520 = arith.constant 0 : i32
      %dma_wait3A_521 = tpu.memref_slice %arg4[%dma_wait3A_519, %dma_wait3A_520] : memref<20000x128xf32, #tpu.memory_space<hbm>> -> memref<20000x128xf32, #tpu.memory_space<hbm>>
      tpu.wait_indirect_dma semaphore(%arg16 : memref<!tpu.dma_semaphore, #tpu.memory_space<semaphore_mem>>) src(%dma_wait3A_521 : memref<20000x128xf32, #tpu.memory_space<hbm>>) dst(%arg14 : memref<128x128xf32, #tpu.memory_space<vmem>>)
      "tpu.region"() ({
        %run_scoped3A = tpu.sem_alloc : memref<!tpu.dma_semaphore, #tpu.memory_space<semaphore_mem>>
        %dma_start3A_782 = arith.constant 0 : i32
        %dma_start3A_783 = arith.constant 0 : i32
        %dma_start3A_784 = tpu.memref_slice %arg7[%dma_start3A_782, %dma_start3A_783] : memref<10112x128xf32, #tpu.memory_space<vmem_shared>> -> memref<10112x128xf32, #tpu.memory_space<vmem_shared>>
        %dma_start3A_785 = arith.constant -1 : i32
        tpu.enqueue_indirect_dma source(%arg14 : memref<128x128xf32, #tpu.memory_space<vmem>>) target(%dma_start3A_784 : memref<10112x128xf32, #tpu.memory_space<vmem_shared>>) offsets(%arg12 : memref<128xi32, #tpu.memory_space<vmem>>) offset_filter(%dma_start3A_785) semaphore(%run_scoped3A : memref<!tpu.dma_semaphore, #tpu.memory_space<semaphore_mem>>) {add = true}
        %dma_wait3A_786 = arith.constant 0 : i32
        %dma_wait3A_787 = arith.constant 0 : i32
        %dma_wait3A_788 = tpu.memref_slice %arg7[%dma_wait3A_786, %dma_wait3A_787] : memref<10112x128xf32, #tpu.memory_space<vmem_shared>> -> memref<10112x128xf32, #tpu.memory_space<vmem_shared>>
        tpu.wait_indirect_dma semaphore(%run_scoped3A : memref<!tpu.dma_semaphore, #tpu.memory_space<semaphore_mem>>) src(%arg14 : memref<128x128xf32, #tpu.memory_space<vmem>>) dst(%dma_wait3A_788 : memref<10112x128xf32, #tpu.memory_space<vmem_shared>>)
        tpu.yield
      }) : () -> ()
      %add3A_522 = arith.constant 1 : i32
      %add3A_523 = arith.addi %add3A_262, %add3A_522 : i32
      %add3A_524 = arith.constant 1 : i32
      %add3A_525 = arith.addi %add3A_523, %add3A_524 : i32
      %min3A_526 = arith.constant 157 : i32
      %min3A_527 = arith.minsi %add3A_525, %min3A_526 : i32
      %mul3A_528 = arith.constant 64 : i32
      %mul3A_529 = arith.muli %min3A_527, %mul3A_528 : i32
      %add3A_530 = arith.addi %mul3A_4, %mul3A_529 : i32
      "tpu.region"() ({
        %run_scoped3A = tpu.sem_alloc : memref<!tpu.dma_semaphore, #tpu.memory_space<semaphore_mem>>
        %dma_start3A_782 = tpu.memref_slice %arg3[%add3A_530] : memref<161792xi32, #tpu.memory_space<hbm>> -> memref<64xi32, #tpu.memory_space<hbm>>
        %dma_start3A_783 = tpu.memref_slice %arg3[%add3A_530] : memref<161792xi32, #tpu.memory_space<hbm>> -> memref<64xi32, #tpu.memory_space<hbm>>
        tpu.enqueue_dma source(%dma_start3A_783 : memref<64xi32, #tpu.memory_space<hbm>>) target(%arg8 : memref<64xi32, #tpu.memory_space<vmem>>) target_semaphore(%run_scoped3A : memref<!tpu.dma_semaphore, #tpu.memory_space<semaphore_mem>>)
        %dma_wait3A_784 = tpu.memref_slice %arg3[%add3A_530] : memref<161792xi32, #tpu.memory_space<hbm>> -> memref<64xi32, #tpu.memory_space<hbm>>
        %dma_wait3A_785 = tpu.memref_slice %arg3[%add3A_530] : memref<161792xi32, #tpu.memory_space<hbm>> -> memref<64xi32, #tpu.memory_space<hbm>>
        tpu.wait_dma2 semaphore(%run_scoped3A : memref<!tpu.dma_semaphore, #tpu.memory_space<semaphore_mem>>) src(%dma_wait3A_785 : memref<64xi32, #tpu.memory_space<hbm>>) dst(%arg8 : memref<64xi32, #tpu.memory_space<vmem>>)
        tpu.yield
      }) : () -> ()
      %get3A_531 = arith.constant 0 : index
      %get3A_532 = tpu.vector_load %arg8[%get3A_531] {strides = array<i32>} : memref<64xi32, #tpu.memory_space<vmem>>, vector<16xi32>,
      %get3A_533 = vector.shape_cast %get3A_532 : vector<16xi32> to vector<16xi32>
      %ge3A_534 = vector.broadcast %mul3A_0 : i32 to vector<16xi32>
      %ge3A_535 = arith.cmpi sge, %get3A_533, %ge3A_534 : vector<16xi32>
      %add3A_536 = arith.constant 5000 : i32
      %add3A_537 = arith.addi %mul3A_0, %add3A_536 : i32
      %lt3A_538 = vector.broadcast %add3A_537 : i32 to vector<16xi32>
      %lt3A_539 = arith.cmpi slt, %get3A_533, %lt3A_538 : vector<16xi32>
      %and3A_540 = arith.andi %ge3A_535, %lt3A_539 : vector<16xi1>
      %sub3A_541 = vector.broadcast %mul3A_0 : i32 to vector<16xi32>
      %sub3A_542 = arith.subi %get3A_533, %sub3A_541 : vector<16xi32>
      %mul3A_543 = arith.constant 2 : i32
      %mul3A_544 = vector.broadcast %mul3A_543 : i32 to vector<16xi32>
      %mul3A_545 = arith.muli %sub3A_542, %mul3A_544 : vector<16xi32>
      %jit3A_546 = arith.constant -1 : i32
      %broadcast_in_dim3A_547 = vector.broadcast %jit3A_546 : i32 to vector<16xi32>
      %select_n3A_548 = arith.select %and3A_540, %mul3A_545, %broadcast_in_dim3A_547 : vector<16xi1>, vector<16xi32>
      %swap3A_549 = arith.constant 0 : index
      %swap3A_550 = tpu.vector_load %arg12[%swap3A_549] {strides = array<i32>} : memref<128xi32, #tpu.memory_space<vmem>>, vector<16xi32>,
      %swap3A_551 = vector.shape_cast %swap3A_550 : vector<16xi32> to vector<16xi32>
      %swap3A_552 = vector.shape_cast %select_n3A_548 : vector<16xi32> to vector<16xi32>
      tpu.vector_store %arg12[%swap3A_549], %swap3A_552 {strides = array<i32>} : memref<128xi32, #tpu.memory_space<vmem>>, vector<16xi32>,
      %add3A_553 = arith.constant 1 : i32
      %add3A_554 = vector.broadcast %add3A_553 : i32 to vector<16xi32>
      %add3A_555 = arith.addi %mul3A_545, %add3A_554 : vector<16xi32>
      %jit3A_556 = arith.constant -1 : i32
      %broadcast_in_dim3A_557 = vector.broadcast %jit3A_556 : i32 to vector<16xi32>
      %select_n3A_558 = arith.select %and3A_540, %add3A_555, %broadcast_in_dim3A_557 : vector<16xi1>, vector<16xi32>
      %swap3A_559 = arith.constant 16 : index
      %swap3A_560 = tpu.vector_load %arg12[%swap3A_559] {strides = array<i32>} : memref<128xi32, #tpu.memory_space<vmem>>, vector<16xi32>,
      %swap3A_561 = vector.shape_cast %swap3A_560 : vector<16xi32> to vector<16xi32>
      %swap3A_562 = vector.shape_cast %select_n3A_558 : vector<16xi32> to vector<16xi32>
      tpu.vector_store %arg12[%swap3A_559], %swap3A_562 {strides = array<i32>} : memref<128xi32, #tpu.memory_space<vmem>>, vector<16xi32>,
      %get3A_563 = arith.constant 16 : index
      %get3A_564 = tpu.vector_load %arg8[%get3A_563] {strides = array<i32>} : memref<64xi32, #tpu.memory_space<vmem>>, vector<16xi32>,
      %get3A_565 = vector.shape_cast %get3A_564 : vector<16xi32> to vector<16xi32>
      %ge3A_566 = vector.broadcast %mul3A_0 : i32 to vector<16xi32>
      %ge3A_567 = arith.cmpi sge, %get3A_565, %ge3A_566 : vector<16xi32>
      %add3A_568 = arith.constant 5000 : i32
      %add3A_569 = arith.addi %mul3A_0, %add3A_568 : i32
      %lt3A_570 = vector.broadcast %add3A_569 : i32 to vector<16xi32>
      %lt3A_571 = arith.cmpi slt, %get3A_565, %lt3A_570 : vector<16xi32>
      %and3A_572 = arith.andi %ge3A_567, %lt3A_571 : vector<16xi1>
      %sub3A_573 = vector.broadcast %mul3A_0 : i32 to vector<16xi32>
      %sub3A_574 = arith.subi %get3A_565, %sub3A_573 : vector<16xi32>
      %mul3A_575 = arith.constant 2 : i32
      %mul3A_576 = vector.broadcast %mul3A_575 : i32 to vector<16xi32>
      %mul3A_577 = arith.muli %sub3A_574, %mul3A_576 : vector<16xi32>
      %jit3A_578 = arith.constant -1 : i32
      %broadcast_in_dim3A_579 = vector.broadcast %jit3A_578 : i32 to vector<16xi32>
      %select_n3A_580 = arith.select %and3A_572, %mul3A_577, %broadcast_in_dim3A_579 : vector<16xi1>, vector<16xi32>
      %swap3A_581 = arith.constant 32 : index
      %swap3A_582 = tpu.vector_load %arg12[%swap3A_581] {strides = array<i32>} : memref<128xi32, #tpu.memory_space<vmem>>, vector<16xi32>,
      %swap3A_583 = vector.shape_cast %swap3A_582 : vector<16xi32> to vector<16xi32>
      %swap3A_584 = vector.shape_cast %select_n3A_580 : vector<16xi32> to vector<16xi32>
      tpu.vector_store %arg12[%swap3A_581], %swap3A_584 {strides = array<i32>} : memref<128xi32, #tpu.memory_space<vmem>>, vector<16xi32>,
      %add3A_585 = arith.constant 1 : i32
      %add3A_586 = vector.broadcast %add3A_585 : i32 to vector<16xi32>
      %add3A_587 = arith.addi %mul3A_577, %add3A_586 : vector<16xi32>
      %jit3A_588 = arith.constant -1 : i32
      %broadcast_in_dim3A_589 = vector.broadcast %jit3A_588 : i32 to vector<16xi32>
      %select_n3A_590 = arith.select %and3A_572, %add3A_587, %broadcast_in_dim3A_589 : vector<16xi1>, vector<16xi32>
      %swap3A_591 = arith.constant 48 : index
      %swap3A_592 = tpu.vector_load %arg12[%swap3A_591] {strides = array<i32>} : memref<128xi32, #tpu.memory_space<vmem>>, vector<16xi32>,
      %swap3A_593 = vector.shape_cast %swap3A_592 : vector<16xi32> to vector<16xi32>
      %swap3A_594 = vector.shape_cast %select_n3A_590 : vector<16xi32> to vector<16xi32>
      tpu.vector_store %arg12[%swap3A_591], %swap3A_594 {strides = array<i32>} : memref<128xi32, #tpu.memory_space<vmem>>, vector<16xi32>,
      %get3A_595 = arith.constant 32 : index
      %get3A_596 = tpu.vector_load %arg8[%get3A_595] {strides = array<i32>} : memref<64xi32, #tpu.memory_space<vmem>>, vector<16xi32>,
      %get3A_597 = vector.shape_cast %get3A_596 : vector<16xi32> to vector<16xi32>
      %ge3A_598 = vector.broadcast %mul3A_0 : i32 to vector<16xi32>
      %ge3A_599 = arith.cmpi sge, %get3A_597, %ge3A_598 : vector<16xi32>
      %add3A_600 = arith.constant 5000 : i32
      %add3A_601 = arith.addi %mul3A_0, %add3A_600 : i32
      %lt3A_602 = vector.broadcast %add3A_601 : i32 to vector<16xi32>
      %lt3A_603 = arith.cmpi slt, %get3A_597, %lt3A_602 : vector<16xi32>
      %and3A_604 = arith.andi %ge3A_599, %lt3A_603 : vector<16xi1>
      %sub3A_605 = vector.broadcast %mul3A_0 : i32 to vector<16xi32>
      %sub3A_606 = arith.subi %get3A_597, %sub3A_605 : vector<16xi32>
      %mul3A_607 = arith.constant 2 : i32
      %mul3A_608 = vector.broadcast %mul3A_607 : i32 to vector<16xi32>
      %mul3A_609 = arith.muli %sub3A_606, %mul3A_608 : vector<16xi32>
      %jit3A_610 = arith.constant -1 : i32
      %broadcast_in_dim3A_611 = vector.broadcast %jit3A_610 : i32 to vector<16xi32>
      %select_n3A_612 = arith.select %and3A_604, %mul3A_609, %broadcast_in_dim3A_611 : vector<16xi1>, vector<16xi32>
      %swap3A_613 = arith.constant 64 : index
      %swap3A_614 = tpu.vector_load %arg12[%swap3A_613] {strides = array<i32>} : memref<128xi32, #tpu.memory_space<vmem>>, vector<16xi32>,
      %swap3A_615 = vector.shape_cast %swap3A_614 : vector<16xi32> to vector<16xi32>
      %swap3A_616 = vector.shape_cast %select_n3A_612 : vector<16xi32> to vector<16xi32>
      tpu.vector_store %arg12[%swap3A_613], %swap3A_616 {strides = array<i32>} : memref<128xi32, #tpu.memory_space<vmem>>, vector<16xi32>,
      %add3A_617 = arith.constant 1 : i32
      %add3A_618 = vector.broadcast %add3A_617 : i32 to vector<16xi32>
      %add3A_619 = arith.addi %mul3A_609, %add3A_618 : vector<16xi32>
      %jit3A_620 = arith.constant -1 : i32
      %broadcast_in_dim3A_621 = vector.broadcast %jit3A_620 : i32 to vector<16xi32>
      %select_n3A_622 = arith.select %and3A_604, %add3A_619, %broadcast_in_dim3A_621 : vector<16xi1>, vector<16xi32>
      %swap3A_623 = arith.constant 80 : index
      %swap3A_624 = tpu.vector_load %arg12[%swap3A_623] {strides = array<i32>} : memref<128xi32, #tpu.memory_space<vmem>>, vector<16xi32>,
      %swap3A_625 = vector.shape_cast %swap3A_624 : vector<16xi32> to vector<16xi32>
      %swap3A_626 = vector.shape_cast %select_n3A_622 : vector<16xi32> to vector<16xi32>
      tpu.vector_store %arg12[%swap3A_623], %swap3A_626 {strides = array<i32>} : memref<128xi32, #tpu.memory_space<vmem>>, vector<16xi32>,
      %get3A_627 = arith.constant 48 : index
      %get3A_628 = tpu.vector_load %arg8[%get3A_627] {strides = array<i32>} : memref<64xi32, #tpu.memory_space<vmem>>, vector<16xi32>,
      %get3A_629 = vector.shape_cast %get3A_628 : vector<16xi32> to vector<16xi32>
      %ge3A_630 = vector.broadcast %mul3A_0 : i32 to vector<16xi32>
      %ge3A_631 = arith.cmpi sge, %get3A_629, %ge3A_630 : vector<16xi32>
      %add3A_632 = arith.constant 5000 : i32
      %add3A_633 = arith.addi %mul3A_0, %add3A_632 : i32
      %lt3A_634 = vector.broadcast %add3A_633 : i32 to vector<16xi32>
      %lt3A_635 = arith.cmpi slt, %get3A_629, %lt3A_634 : vector<16xi32>
      %and3A_636 = arith.andi %ge3A_631, %lt3A_635 : vector<16xi1>
      %sub3A_637 = vector.broadcast %mul3A_0 : i32 to vector<16xi32>
      %sub3A_638 = arith.subi %get3A_629, %sub3A_637 : vector<16xi32>
      %mul3A_639 = arith.constant 2 : i32
      %mul3A_640 = vector.broadcast %mul3A_639 : i32 to vector<16xi32>
      %mul3A_641 = arith.muli %sub3A_638, %mul3A_640 : vector<16xi32>
      %jit3A_642 = arith.constant -1 : i32
      %broadcast_in_dim3A_643 = vector.broadcast %jit3A_642 : i32 to vector<16xi32>
      %select_n3A_644 = arith.select %and3A_636, %mul3A_641, %broadcast_in_dim3A_643 : vector<16xi1>, vector<16xi32>
      %swap3A_645 = arith.constant 96 : index
      %swap3A_646 = tpu.vector_load %arg12[%swap3A_645] {strides = array<i32>} : memref<128xi32, #tpu.memory_space<vmem>>, vector<16xi32>,
      %swap3A_647 = vector.shape_cast %swap3A_646 : vector<16xi32> to vector<16xi32>
      %swap3A_648 = vector.shape_cast %select_n3A_644 : vector<16xi32> to vector<16xi32>
      tpu.vector_store %arg12[%swap3A_645], %swap3A_648 {strides = array<i32>} : memref<128xi32, #tpu.memory_space<vmem>>, vector<16xi32>,
      %add3A_649 = arith.constant 1 : i32
      %add3A_650 = vector.broadcast %add3A_649 : i32 to vector<16xi32>
      %add3A_651 = arith.addi %mul3A_641, %add3A_650 : vector<16xi32>
      %jit3A_652 = arith.constant -1 : i32
      %broadcast_in_dim3A_653 = vector.broadcast %jit3A_652 : i32 to vector<16xi32>
      %select_n3A_654 = arith.select %and3A_636, %add3A_651, %broadcast_in_dim3A_653 : vector<16xi1>, vector<16xi32>
      %swap3A_655 = arith.constant 112 : index
      %swap3A_656 = tpu.vector_load %arg12[%swap3A_655] {strides = array<i32>} : memref<128xi32, #tpu.memory_space<vmem>>, vector<16xi32>,
      %swap3A_657 = vector.shape_cast %swap3A_656 : vector<16xi32> to vector<16xi32>
      %swap3A_658 = vector.shape_cast %select_n3A_654 : vector<16xi32> to vector<16xi32>
      tpu.vector_store %arg12[%swap3A_655], %swap3A_658 {strides = array<i32>} : memref<128xi32, #tpu.memory_space<vmem>>, vector<16xi32>,
      "tpu.region"() ({
        %run_scoped3A = tpu.sem_alloc : memref<!tpu.dma_semaphore, #tpu.memory_space<semaphore_mem>>
        %dma_start3A_782 = tpu.memref_slice %arg2[%add3A_530] : memref<161792xi32, #tpu.memory_space<hbm>> -> memref<64xi32, #tpu.memory_space<hbm>>
        %dma_start3A_783 = tpu.memref_slice %arg2[%add3A_530] : memref<161792xi32, #tpu.memory_space<hbm>> -> memref<64xi32, #tpu.memory_space<hbm>>
        tpu.enqueue_dma source(%dma_start3A_783 : memref<64xi32, #tpu.memory_space<hbm>>) target(%arg8 : memref<64xi32, #tpu.memory_space<vmem>>) target_semaphore(%run_scoped3A : memref<!tpu.dma_semaphore, #tpu.memory_space<semaphore_mem>>)
        %dma_wait3A_784 = tpu.memref_slice %arg2[%add3A_530] : memref<161792xi32, #tpu.memory_space<hbm>> -> memref<64xi32, #tpu.memory_space<hbm>>
        %dma_wait3A_785 = tpu.memref_slice %arg2[%add3A_530] : memref<161792xi32, #tpu.memory_space<hbm>> -> memref<64xi32, #tpu.memory_space<hbm>>
        tpu.wait_dma2 semaphore(%run_scoped3A : memref<!tpu.dma_semaphore, #tpu.memory_space<semaphore_mem>>) src(%dma_wait3A_785 : memref<64xi32, #tpu.memory_space<hbm>>) dst(%arg8 : memref<64xi32, #tpu.memory_space<vmem>>)
        tpu.yield
      }) : () -> ()
      %get3A_659 = arith.constant 0 : index
      %get3A_660 = tpu.vector_load %arg12[%get3A_659] {strides = array<i32>} : memref<128xi32, #tpu.memory_space<vmem>>, vector<16xi32>,
      %get3A_661 = vector.shape_cast %get3A_660 : vector<16xi32> to vector<16xi32>
      %ge3A_662 = arith.constant 0 : i32
      %ge3A_663 = vector.broadcast %ge3A_662 : i32 to vector<16xi32>
      %ge3A_664 = arith.cmpi sge, %get3A_661, %ge3A_663 : vector<16xi32>
      %get3A_665 = arith.constant 0 : index
      %get3A_666 = tpu.vector_load %arg8[%get3A_665] {strides = array<i32>} : memref<64xi32, #tpu.memory_space<vmem>>, vector<16xi32>,
      %get3A_667 = vector.shape_cast %get3A_666 : vector<16xi32> to vector<16xi32>
      %mul3A_668 = arith.constant 2 : i32
      %mul3A_669 = vector.broadcast %mul3A_668 : i32 to vector<16xi32>
      %mul3A_670 = arith.muli %get3A_667, %mul3A_669 : vector<16xi32>
      %jit3A_671 = arith.constant -1 : i32
      %broadcast_in_dim3A_672 = vector.broadcast %jit3A_671 : i32 to vector<16xi32>
      %select_n3A_673 = arith.select %ge3A_664, %mul3A_670, %broadcast_in_dim3A_672 : vector<16xi1>, vector<16xi32>
      %swap3A_674 = arith.constant 0 : index
      %swap3A_675 = tpu.vector_load %arg10[%swap3A_674] {strides = array<i32>} : memref<128xi32, #tpu.memory_space<vmem>>, vector<16xi32>,
      %swap3A_676 = vector.shape_cast %swap3A_675 : vector<16xi32> to vector<16xi32>
      %swap3A_677 = vector.shape_cast %select_n3A_673 : vector<16xi32> to vector<16xi32>
      tpu.vector_store %arg10[%swap3A_674], %swap3A_677 {strides = array<i32>} : memref<128xi32, #tpu.memory_space<vmem>>, vector<16xi32>,
      %add3A_678 = arith.constant 1 : i32
      %add3A_679 = vector.broadcast %add3A_678 : i32 to vector<16xi32>
      %add3A_680 = arith.addi %mul3A_670, %add3A_679 : vector<16xi32>
      %jit3A_681 = arith.constant -1 : i32
      %broadcast_in_dim3A_682 = vector.broadcast %jit3A_681 : i32 to vector<16xi32>
      %select_n3A_683 = arith.select %ge3A_664, %add3A_680, %broadcast_in_dim3A_682 : vector<16xi1>, vector<16xi32>
      %swap3A_684 = arith.constant 16 : index
      %swap3A_685 = tpu.vector_load %arg10[%swap3A_684] {strides = array<i32>} : memref<128xi32, #tpu.memory_space<vmem>>, vector<16xi32>,
      %swap3A_686 = vector.shape_cast %swap3A_685 : vector<16xi32> to vector<16xi32>
      %swap3A_687 = vector.shape_cast %select_n3A_683 : vector<16xi32> to vector<16xi32>
      tpu.vector_store %arg10[%swap3A_684], %swap3A_687 {strides = array<i32>} : memref<128xi32, #tpu.memory_space<vmem>>, vector<16xi32>,
      %get3A_688 = arith.constant 32 : index
      %get3A_689 = tpu.vector_load %arg12[%get3A_688] {strides = array<i32>} : memref<128xi32, #tpu.memory_space<vmem>>, vector<16xi32>,
      %get3A_690 = vector.shape_cast %get3A_689 : vector<16xi32> to vector<16xi32>
      %ge3A_691 = arith.constant 0 : i32
      %ge3A_692 = vector.broadcast %ge3A_691 : i32 to vector<16xi32>
      %ge3A_693 = arith.cmpi sge, %get3A_690, %ge3A_692 : vector<16xi32>
      %get3A_694 = arith.constant 16 : index
      %get3A_695 = tpu.vector_load %arg8[%get3A_694] {strides = array<i32>} : memref<64xi32, #tpu.memory_space<vmem>>, vector<16xi32>,
      %get3A_696 = vector.shape_cast %get3A_695 : vector<16xi32> to vector<16xi32>
      %mul3A_697 = arith.constant 2 : i32
      %mul3A_698 = vector.broadcast %mul3A_697 : i32 to vector<16xi32>
      %mul3A_699 = arith.muli %get3A_696, %mul3A_698 : vector<16xi32>
      %jit3A_700 = arith.constant -1 : i32
      %broadcast_in_dim3A_701 = vector.broadcast %jit3A_700 : i32 to vector<16xi32>
      %select_n3A_702 = arith.select %ge3A_693, %mul3A_699, %broadcast_in_dim3A_701 : vector<16xi1>, vector<16xi32>
      %swap3A_703 = arith.constant 32 : index
      %swap3A_704 = tpu.vector_load %arg10[%swap3A_703] {strides = array<i32>} : memref<128xi32, #tpu.memory_space<vmem>>, vector<16xi32>,
      %swap3A_705 = vector.shape_cast %swap3A_704 : vector<16xi32> to vector<16xi32>
      %swap3A_706 = vector.shape_cast %select_n3A_702 : vector<16xi32> to vector<16xi32>
      tpu.vector_store %arg10[%swap3A_703], %swap3A_706 {strides = array<i32>} : memref<128xi32, #tpu.memory_space<vmem>>, vector<16xi32>,
      %add3A_707 = arith.constant 1 : i32
      %add3A_708 = vector.broadcast %add3A_707 : i32 to vector<16xi32>
      %add3A_709 = arith.addi %mul3A_699, %add3A_708 : vector<16xi32>
      %jit3A_710 = arith.constant -1 : i32
      %broadcast_in_dim3A_711 = vector.broadcast %jit3A_710 : i32 to vector<16xi32>
      %select_n3A_712 = arith.select %ge3A_693, %add3A_709, %broadcast_in_dim3A_711 : vector<16xi1>, vector<16xi32>
      %swap3A_713 = arith.constant 48 : index
      %swap3A_714 = tpu.vector_load %arg10[%swap3A_713] {strides = array<i32>} : memref<128xi32, #tpu.memory_space<vmem>>, vector<16xi32>,
      %swap3A_715 = vector.shape_cast %swap3A_714 : vector<16xi32> to vector<16xi32>
      %swap3A_716 = vector.shape_cast %select_n3A_712 : vector<16xi32> to vector<16xi32>
      tpu.vector_store %arg10[%swap3A_713], %swap3A_716 {strides = array<i32>} : memref<128xi32, #tpu.memory_space<vmem>>, vector<16xi32>,
      %get3A_717 = arith.constant 64 : index
      %get3A_718 = tpu.vector_load %arg12[%get3A_717] {strides = array<i32>} : memref<128xi32, #tpu.memory_space<vmem>>, vector<16xi32>,
      %get3A_719 = vector.shape_cast %get3A_718 : vector<16xi32> to vector<16xi32>
      %ge3A_720 = arith.constant 0 : i32
      %ge3A_721 = vector.broadcast %ge3A_720 : i32 to vector<16xi32>
      %ge3A_722 = arith.cmpi sge, %get3A_719, %ge3A_721 : vector<16xi32>
      %get3A_723 = arith.constant 32 : index
      %get3A_724 = tpu.vector_load %arg8[%get3A_723] {strides = array<i32>} : memref<64xi32, #tpu.memory_space<vmem>>, vector<16xi32>,
      %get3A_725 = vector.shape_cast %get3A_724 : vector<16xi32> to vector<16xi32>
      %mul3A_726 = arith.constant 2 : i32
      %mul3A_727 = vector.broadcast %mul3A_726 : i32 to vector<16xi32>
      %mul3A_728 = arith.muli %get3A_725, %mul3A_727 : vector<16xi32>
      %jit3A_729 = arith.constant -1 : i32
      %broadcast_in_dim3A_730 = vector.broadcast %jit3A_729 : i32 to vector<16xi32>
      %select_n3A_731 = arith.select %ge3A_722, %mul3A_728, %broadcast_in_dim3A_730 : vector<16xi1>, vector<16xi32>
      %swap3A_732 = arith.constant 64 : index
      %swap3A_733 = tpu.vector_load %arg10[%swap3A_732] {strides = array<i32>} : memref<128xi32, #tpu.memory_space<vmem>>, vector<16xi32>,
      %swap3A_734 = vector.shape_cast %swap3A_733 : vector<16xi32> to vector<16xi32>
      %swap3A_735 = vector.shape_cast %select_n3A_731 : vector<16xi32> to vector<16xi32>
      tpu.vector_store %arg10[%swap3A_732], %swap3A_735 {strides = array<i32>} : memref<128xi32, #tpu.memory_space<vmem>>, vector<16xi32>,
      %add3A_736 = arith.constant 1 : i32
      %add3A_737 = vector.broadcast %add3A_736 : i32 to vector<16xi32>
      %add3A_738 = arith.addi %mul3A_728, %add3A_737 : vector<16xi32>
      %jit3A_739 = arith.constant -1 : i32
      %broadcast_in_dim3A_740 = vector.broadcast %jit3A_739 : i32 to vector<16xi32>
      %select_n3A_741 = arith.select %ge3A_722, %add3A_738, %broadcast_in_dim3A_740 : vector<16xi1>, vector<16xi32>
      %swap3A_742 = arith.constant 80 : index
      %swap3A_743 = tpu.vector_load %arg10[%swap3A_742] {strides = array<i32>} : memref<128xi32, #tpu.memory_space<vmem>>, vector<16xi32>,
      %swap3A_744 = vector.shape_cast %swap3A_743 : vector<16xi32> to vector<16xi32>
      %swap3A_745 = vector.shape_cast %select_n3A_741 : vector<16xi32> to vector<16xi32>
      tpu.vector_store %arg10[%swap3A_742], %swap3A_745 {strides = array<i32>} : memref<128xi32, #tpu.memory_space<vmem>>, vector<16xi32>,
      %get3A_746 = arith.constant 96 : index
      %get3A_747 = tpu.vector_load %arg12[%get3A_746] {strides = array<i32>} : memref<128xi32, #tpu.memory_space<vmem>>, vector<16xi32>,
      %get3A_748 = vector.shape_cast %get3A_747 : vector<16xi32> to vector<16xi32>
      %ge3A_749 = arith.constant 0 : i32
      %ge3A_750 = vector.broadcast %ge3A_749 : i32 to vector<16xi32>
      %ge3A_751 = arith.cmpi sge, %get3A_748, %ge3A_750 : vector<16xi32>
      %get3A_752 = arith.constant 48 : index
      %get3A_753 = tpu.vector_load %arg8[%get3A_752] {strides = array<i32>} : memref<64xi32, #tpu.memory_space<vmem>>, vector<16xi32>,
      %get3A_754 = vector.shape_cast %get3A_753 : vector<16xi32> to vector<16xi32>
      %mul3A_755 = arith.constant 2 : i32
      %mul3A_756 = vector.broadcast %mul3A_755 : i32 to vector<16xi32>
      %mul3A_757 = arith.muli %get3A_754, %mul3A_756 : vector<16xi32>
      %jit3A_758 = arith.constant -1 : i32
      %broadcast_in_dim3A_759 = vector.broadcast %jit3A_758 : i32 to vector<16xi32>
      %select_n3A_760 = arith.select %ge3A_751, %mul3A_757, %broadcast_in_dim3A_759 : vector<16xi1>, vector<16xi32>
      %swap3A_761 = arith.constant 96 : index
      %swap3A_762 = tpu.vector_load %arg10[%swap3A_761] {strides = array<i32>} : memref<128xi32, #tpu.memory_space<vmem>>, vector<16xi32>,
      %swap3A_763 = vector.shape_cast %swap3A_762 : vector<16xi32> to vector<16xi32>
      %swap3A_764 = vector.shape_cast %select_n3A_760 : vector<16xi32> to vector<16xi32>
      tpu.vector_store %arg10[%swap3A_761], %swap3A_764 {strides = array<i32>} : memref<128xi32, #tpu.memory_space<vmem>>, vector<16xi32>,
      %add3A_765 = arith.constant 1 : i32
      %add3A_766 = vector.broadcast %add3A_765 : i32 to vector<16xi32>
      %add3A_767 = arith.addi %mul3A_757, %add3A_766 : vector<16xi32>
      %jit3A_768 = arith.constant -1 : i32
      %broadcast_in_dim3A_769 = vector.broadcast %jit3A_768 : i32 to vector<16xi32>
      %select_n3A_770 = arith.select %ge3A_751, %add3A_767, %broadcast_in_dim3A_769 : vector<16xi1>, vector<16xi32>
      %swap3A_771 = arith.constant 112 : index
      %swap3A_772 = tpu.vector_load %arg10[%swap3A_771] {strides = array<i32>} : memref<128xi32, #tpu.memory_space<vmem>>, vector<16xi32>,
      %swap3A_773 = vector.shape_cast %swap3A_772 : vector<16xi32> to vector<16xi32>
      %swap3A_774 = vector.shape_cast %select_n3A_770 : vector<16xi32> to vector<16xi32>
      tpu.vector_store %arg10[%swap3A_771], %swap3A_774 {strides = array<i32>} : memref<128xi32, #tpu.memory_space<vmem>>, vector<16xi32>,
      %dma_start3A_775 = arith.constant 0 : i32
      %dma_start3A_776 = arith.constant 0 : i32
      %dma_start3A_777 = tpu.memref_slice %arg4[%dma_start3A_775, %dma_start3A_776] : memref<20000x128xf32, #tpu.memory_space<hbm>> -> memref<20000x128xf32, #tpu.memory_space<hbm>>
      %dma_start3A_778 = arith.constant -1 : i32
      tpu.enqueue_indirect_dma source(%dma_start3A_777 : memref<20000x128xf32, #tpu.memory_space<hbm>>) target(%arg14 : memref<128x128xf32, #tpu.memory_space<vmem>>) offsets(%arg10 : memref<128xi32, #tpu.memory_space<vmem>>) offset_filter(%dma_start3A_778) semaphore(%arg16 : memref<!tpu.dma_semaphore, #tpu.memory_space<semaphore_mem>>)
      %dma_wait3A_779 = arith.constant 0 : i32
      %dma_wait3A_780 = arith.constant 0 : i32
      %dma_wait3A_781 = tpu.memref_slice %arg4[%dma_wait3A_779, %dma_wait3A_780] : memref<20000x128xf32, #tpu.memory_space<hbm>> -> memref<20000x128xf32, #tpu.memory_space<hbm>>
      tpu.wait_indirect_dma semaphore(%arg17 : memref<!tpu.dma_semaphore, #tpu.memory_space<semaphore_mem>>) src(%dma_wait3A_781 : memref<20000x128xf32, #tpu.memory_space<hbm>>) dst(%arg15 : memref<128x128xf32, #tpu.memory_space<vmem>>)
      "tpu.region"() ({
        %run_scoped3A = tpu.sem_alloc : memref<!tpu.dma_semaphore, #tpu.memory_space<semaphore_mem>>
        %dma_start3A_782 = arith.constant 0 : i32
        %dma_start3A_783 = arith.constant 0 : i32
        %dma_start3A_784 = tpu.memref_slice %arg7[%dma_start3A_782, %dma_start3A_783] : memref<10112x128xf32, #tpu.memory_space<vmem_shared>> -> memref<10112x128xf32, #tpu.memory_space<vmem_shared>>
        %dma_start3A_785 = arith.constant -1 : i32
        tpu.enqueue_indirect_dma source(%arg15 : memref<128x128xf32, #tpu.memory_space<vmem>>) target(%dma_start3A_784 : memref<10112x128xf32, #tpu.memory_space<vmem_shared>>) offsets(%arg13 : memref<128xi32, #tpu.memory_space<vmem>>) offset_filter(%dma_start3A_785) semaphore(%run_scoped3A : memref<!tpu.dma_semaphore, #tpu.memory_space<semaphore_mem>>) {add = true}
        %dma_wait3A_786 = arith.constant 0 : i32
        %dma_wait3A_787 = arith.constant 0 : i32
        %dma_wait3A_788 = tpu.memref_slice %arg7[%dma_wait3A_786, %dma_wait3A_787] : memref<10112x128xf32, #tpu.memory_space<vmem_shared>> -> memref<10112x128xf32, #tpu.memory_space<vmem_shared>>
        tpu.wait_indirect_dma semaphore(%run_scoped3A : memref<!tpu.dma_semaphore, #tpu.memory_space<semaphore_mem>>) src(%arg15 : memref<128x128xf32, #tpu.memory_space<vmem>>) dst(%dma_wait3A_788 : memref<10112x128xf32, #tpu.memory_space<vmem_shared>>)
        tpu.yield
      }) : () -> ()
    }
    %scan3A_247 = arith.constant 79 : i32
    %dma_wait3A = arith.constant 0 : i32
    %dma_wait3A_248 = arith.constant 0 : i32
    %dma_wait3A_249 = tpu.memref_slice %arg4[%dma_wait3A, %dma_wait3A_248] : memref<20000x128xf32, #tpu.memory_space<hbm>> -> memref<20000x128xf32, #tpu.memory_space<hbm>>
    tpu.wait_indirect_dma semaphore(%arg16 : memref<!tpu.dma_semaphore, #tpu.memory_space<semaphore_mem>>) src(%dma_wait3A_249 : memref<20000x128xf32, #tpu.memory_space<hbm>>) dst(%arg14 : memref<128x128xf32, #tpu.memory_space<vmem>>)
    %barrier3A_250 = arith.constant 0 : index
    tpu.barrier barrier_id(%barrier3A_250)
    %lt3A_251 = arith.constant 15 : i32
    %lt3A_252 = arith.cmpi slt, %arg1, %lt3A_251 : i32
    %convert_element_type3A = arith.extui %lt3A_252 : i1 to i32
    %cond3A = arith.constant 0 : i32
    %cond3A_253 = arith.cmpi ne, %convert_element_type3A, %cond3A : i32
    scf.if %cond3A_253 {
      %mul3A_258 = arith.constant 624 : i32
      %mul3A_259 = arith.muli %arg1, %mul3A_258 : i32
      %mul3A_260 = arith.constant 10000 : i32
      %mul3A_261 = arith.muli %arg0, %mul3A_260 : i32
      %mul3A_262 = arith.constant 624 : i32
      %mul3A_263 = arith.muli %arg1, %mul3A_262 : i32
      %add3A_264 = arith.addi %mul3A_261, %mul3A_263 : i32
      "tpu.region"() ({
        %run_scoped3A = tpu.sem_alloc : memref<!tpu.dma_semaphore, #tpu.memory_space<semaphore_mem>>
        %dma_start3A_265 = arith.constant 0 : i32
        %dma_start3A_266 = tpu.memref_slice %arg6[%add3A_264, %dma_start3A_265] : memref<20000x128xf32, #tpu.memory_space<hbm>> -> memref<624x128xf32, #tpu.memory_space<hbm>>
        %dma_start3A_267 = arith.constant 0 : i32
        %dma_start3A_268 = tpu.memref_slice %arg7[%mul3A_259, %dma_start3A_267] : memref<10112x128xf32, #tpu.memory_space<vmem_shared>> -> memref<624x128xf32, #tpu.memory_space<vmem_shared>>
        tpu.enqueue_dma source(%dma_start3A_268 : memref<624x128xf32, #tpu.memory_space<vmem_shared>>) target(%dma_start3A_266 : memref<624x128xf32, #tpu.memory_space<hbm>>) target_semaphore(%run_scoped3A : memref<!tpu.dma_semaphore, #tpu.memory_space<semaphore_mem>>)
        %dma_wait3A_269 = arith.constant 0 : i32
        %dma_wait3A_270 = tpu.memref_slice %arg6[%add3A_264, %dma_wait3A_269] : memref<20000x128xf32, #tpu.memory_space<hbm>> -> memref<624x128xf32, #tpu.memory_space<hbm>>
        %dma_wait3A_271 = arith.constant 0 : i32
        %dma_wait3A_272 = tpu.memref_slice %arg7[%mul3A_259, %dma_wait3A_271] : memref<10112x128xf32, #tpu.memory_space<vmem_shared>> -> memref<624x128xf32, #tpu.memory_space<vmem_shared>>
        tpu.wait_dma2 semaphore(%run_scoped3A : memref<!tpu.dma_semaphore, #tpu.memory_space<semaphore_mem>>) src(%dma_wait3A_272 : memref<624x128xf32, #tpu.memory_space<vmem_shared>>) dst(%dma_wait3A_270 : memref<624x128xf32, #tpu.memory_space<hbm>>)
        tpu.yield
      }) : () -> ()
    } else {
    }
    %eq3A = arith.constant 15 : i32
    %eq3A_254 = arith.cmpi eq, %arg1, %eq3A : i32
    %convert_element_type3A_255 = arith.extui %eq3A_254 : i1 to i32
    %cond3A_256 = arith.constant 0 : i32
    %cond3A_257 = arith.cmpi ne, %convert_element_type3A_255, %cond3A_256 : i32
    scf.if %cond3A_257 {
      %mul3A_258 = arith.constant 10000 : i32
      %mul3A_259 = arith.muli %arg0, %mul3A_258 : i32
      %add3A_260 = arith.constant 9360 : i32
      %add3A_261 = arith.addi %mul3A_259, %add3A_260 : i32
      "tpu.region"() ({
        %run_scoped3A = tpu.sem_alloc : memref<!tpu.dma_semaphore, #tpu.memory_space<semaphore_mem>>
        %dma_start3A_262 = arith.constant 0 : i32
        %dma_start3A_263 = tpu.memref_slice %arg6[%add3A_261, %dma_start3A_262] : memref<20000x128xf32, #tpu.memory_space<hbm>> -> memref<640x128xf32, #tpu.memory_space<hbm>>
        %dma_start3A_264 = arith.constant 9360 : i32
        %dma_start3A_265 = arith.constant 0 : i32
        %dma_start3A_266 = tpu.memref_slice %arg7[%dma_start3A_264, %dma_start3A_265] : memref<10112x128xf32, #tpu.memory_space<vmem_shared>> -> memref<640x128xf32, #tpu.memory_space<vmem_shared>>
        tpu.enqueue_dma source(%dma_start3A_266 : memref<640x128xf32, #tpu.memory_space<vmem_shared>>) target(%dma_start3A_263 : memref<640x128xf32, #tpu.memory_space<hbm>>) target_semaphore(%run_scoped3A : memref<!tpu.dma_semaphore, #tpu.memory_space<semaphore_mem>>)
        %dma_wait3A_267 = arith.constant 0 : i32
        %dma_wait3A_268 = tpu.memref_slice %arg6[%add3A_261, %dma_wait3A_267] : memref<20000x128xf32, #tpu.memory_space<hbm>> -> memref<640x128xf32, #tpu.memory_space<hbm>>
        %dma_wait3A_269 = arith.constant 9360 : i32
        %dma_wait3A_270 = arith.constant 0 : i32
        %dma_wait3A_271 = tpu.memref_slice %arg7[%dma_wait3A_269, %dma_wait3A_270] : memref<10112x128xf32, #tpu.memory_space<vmem_shared>> -> memref<640x128xf32, #tpu.memory_space<vmem_shared>>
        tpu.wait_dma2 semaphore(%run_scoped3A : memref<!tpu.dma_semaphore, #tpu.memory_space<semaphore_mem>>) src(%dma_wait3A_271 : memref<640x128xf32, #tpu.memory_space<vmem_shared>>) dst(%dma_wait3A_268 : memref<640x128xf32, #tpu.memory_space<hbm>>)
        tpu.yield
      }) : () -> ()
    } else {
    }
    return
  }
}

#map = affine_map<(d0, d1) -> (0)>
#map1 = affine_map<(d0, d1) -> (0, 0)>
module attributes {stable_mosaic.version = 14 : i64} {
  func.func @_sc_scatter_body(%arg0: i32, %arg1: i32, %arg2: memref<161792xi32, #tpu.memory_space<hbm>>, %arg3: memref<161792xi32, #tpu.memory_space<hbm>>, %arg4: memref<20000x128xf32, #tpu.memory_space<hbm>>, %arg5: memref<632x128xf32, #tpu.memory_space<hbm>>, %arg6: memref<20000x128xf32, #tpu.memory_space<hbm>>, %arg7: memref<10112x128xf32, #tpu.memory_space<vmem_shared>>, %arg8: memref<64xi32, #tpu.memory_space<vmem>>, %arg9: memref<64xi32, #tpu.memory_space<vmem>>, %arg10: memref<128xi32, #tpu.memory_space<vmem>>, %arg11: memref<128xi32, #tpu.memory_space<vmem>>, %arg12: memref<128xi32, #tpu.memory_space<vmem>>, %arg13: memref<128xi32, #tpu.memory_space<vmem>>, %arg14: memref<128x128xf32, #tpu.memory_space<vmem>>, %arg15: memref<128x128xf32, #tpu.memory_space<vmem>>, %arg16: memref<!tpu.dma_semaphore, #tpu.memory_space<semaphore_mem>>, %arg17: memref<!tpu.dma_semaphore, #tpu.memory_space<semaphore_mem>>) attributes {dimension_semantics = [#tpu.dimension_semantics<core_parallel>, #tpu.dimension_semantics<subcore_parallel>], iteration_bounds = array<i64: 2, 16>, scalar_prefetch = 0 : i64, scratch_operands = 11 : i64, tpu.core_type = #tpu.core_type<sc_vector_subcore>, window_params = [{transform_indices = #map}, {transform_indices = #map}, {transform_indices = #map1}, {transform_indices = #map1}, {transform_indices = #map1}]} {
    %mul3A = arith.constant 5000 : i32
    %mul3A_0 = arith.muli %arg0, %mul3A : i32
    %mul3A_1 = arith.constant 632 : i32
    %mul3A_2 = arith.muli %arg1, %mul3A_1 : i32
    "tpu.region"() ({
      %run_scoped3A = tpu.sem_alloc : memref<!tpu.dma_semaphore, #tpu.memory_space<semaphore_mem>>
      %dma_start3A_258 = arith.constant 0 : i32
      %dma_start3A_259 = tpu.memref_slice %arg7[%mul3A_2, %dma_start3A_258] : memref<10112x128xf32, #tpu.memory_space<vmem_shared>> -> memref<632x128xf32, #tpu.memory_space<vmem_shared>>
      %dma_start3A_260 = arith.constant 0 : i32
      %dma_start3A_261 = arith.constant 0 : i32
      %dma_start3A_262 = tpu.memref_slice %arg5[%dma_start3A_260, %dma_start3A_261] : memref<632x128xf32, #tpu.memory_space<hbm>> -> memref<632x128xf32, #tpu.memory_space<hbm>>
      tpu.enqueue_dma source(%dma_start3A_262 : memref<632x128xf32, #tpu.memory_space<hbm>>) target(%dma_start3A_259 : memref<632x128xf32, #tpu.memory_space<vmem_shared>>) target_semaphore(%run_scoped3A : memref<!tpu.dma_semaphore, #tpu.memory_space<semaphore_mem>>)
      %dma_wait3A_263 = arith.constant 0 : i32
      %dma_wait3A_264 = tpu.memref_slice %arg7[%mul3A_2, %dma_wait3A_263] : memref<10112x128xf32, #tpu.memory_space<vmem_shared>> -> memref<632x128xf32, #tpu.memory_space<vmem_shared>>
      %dma_wait3A_265 = arith.constant 0 : i32
      %dma_wait3A_266 = arith.constant 0 : i32
      %dma_wait3A_267 = tpu.memref_slice %arg5[%dma_wait3A_265, %dma_wait3A_266] : memref<632x128xf32, #tpu.memory_space<hbm>> -> memref<632x128xf32, #tpu.memory_space<hbm>>
      tpu.wait_dma2 semaphore(%run_scoped3A : memref<!tpu.dma_semaphore, #tpu.memory_space<semaphore_mem>>) src(%dma_wait3A_267 : memref<632x128xf32, #tpu.memory_space<hbm>>) dst(%dma_wait3A_264 : memref<632x128xf32, #tpu.memory_space<vmem_shared>>)
      tpu.yield
    }) : () -> ()
    %barrier3A = arith.constant 0 : index
    tpu.barrier barrier_id(%barrier3A)
    %mul3A_3 = arith.constant 10112 : i32
    %mul3A_4 = arith.muli %arg1, %mul3A_3 : i32
    %add3A = arith.constant 0 : i32
    %add3A_5 = arith.addi %mul3A_4, %add3A : i32
    "tpu.region"() ({
      %run_scoped3A = tpu.sem_alloc : memref<!tpu.dma_semaphore, #tpu.memory_space<semaphore_mem>>
      %dma_start3A_258 = tpu.memref_slice %arg3[%add3A_5] : memref<161792xi32, #tpu.memory_space<hbm>> -> memref<64xi32, #tpu.memory_space<hbm>>
      %dma_start3A_259 = tpu.memref_slice %arg3[%add3A_5] : memref<161792xi32, #tpu.memory_space<hbm>> -> memref<64xi32, #tpu.memory_space<hbm>>
      tpu.enqueue_dma source(%dma_start3A_259 : memref<64xi32, #tpu.memory_space<hbm>>) target(%arg8 : memref<64xi32, #tpu.memory_space<vmem>>) target_semaphore(%run_scoped3A : memref<!tpu.dma_semaphore, #tpu.memory_space<semaphore_mem>>)
      %dma_wait3A_260 = tpu.memref_slice %arg3[%add3A_5] : memref<161792xi32, #tpu.memory_space<hbm>> -> memref<64xi32, #tpu.memory_space<hbm>>
      %dma_wait3A_261 = tpu.memref_slice %arg3[%add3A_5] : memref<161792xi32, #tpu.memory_space<hbm>> -> memref<64xi32, #tpu.memory_space<hbm>>
      tpu.wait_dma2 semaphore(%run_scoped3A : memref<!tpu.dma_semaphore, #tpu.memory_space<semaphore_mem>>) src(%dma_wait3A_261 : memref<64xi32, #tpu.memory_space<hbm>>) dst(%arg8 : memref<64xi32, #tpu.memory_space<vmem>>)
      tpu.yield
    }) : () -> ()
    %get3A = arith.constant 0 : index
    %get3A_6 = tpu.vector_load %arg8[%get3A] {strides = array<i32>} : memref<64xi32, #tpu.memory_space<vmem>>, vector<16xi32>,
    %get3A_7 = vector.shape_cast %get3A_6 : vector<16xi32> to vector<16xi32>
    %ge3A = vector.broadcast %mul3A_0 : i32 to vector<16xi32>
    %ge3A_8 = arith.cmpi sge, %get3A_7, %ge3A : vector<16xi32>
    %add3A_9 = arith.constant 5000 : i32
    %add3A_10 = arith.addi %mul3A_0, %add3A_9 : i32
    %lt3A = vector.broadcast %add3A_10 : i32 to vector<16xi32>
    %lt3A_11 = arith.cmpi slt, %get3A_7, %lt3A : vector<16xi32>
    %and3A = arith.andi %ge3A_8, %lt3A_11 : vector<16xi1>
    %sub3A = vector.broadcast %mul3A_0 : i32 to vector<16xi32>
    %sub3A_12 = arith.subi %get3A_7, %sub3A : vector<16xi32>
    %mul3A_13 = arith.constant 2 : i32
    %mul3A_14 = vector.broadcast %mul3A_13 : i32 to vector<16xi32>
    %mul3A_15 = arith.muli %sub3A_12, %mul3A_14 : vector<16xi32>
    %jit3A = arith.constant -1 : i32
    %broadcast_in_dim3A = vector.broadcast %jit3A : i32 to vector<16xi32>
    %select_n3A = arith.select %and3A, %mul3A_15, %broadcast_in_dim3A : vector<16xi1>, vector<16xi32>
    %swap3A = arith.constant 0 : index
    %swap3A_16 = tpu.vector_load %arg12[%swap3A] {strides = array<i32>} : memref<128xi32, #tpu.memory_space<vmem>>, vector<16xi32>,
    %swap3A_17 = vector.shape_cast %swap3A_16 : vector<16xi32> to vector<16xi32>
    %swap3A_18 = vector.shape_cast %select_n3A : vector<16xi32> to vector<16xi32>
    tpu.vector_store %arg12[%swap3A], %swap3A_18 {strides = array<i32>} : memref<128xi32, #tpu.memory_space<vmem>>, vector<16xi32>,
    %add3A_19 = arith.constant 1 : i32
    %add3A_20 = vector.broadcast %add3A_19 : i32 to vector<16xi32>
    %add3A_21 = arith.addi %mul3A_15, %add3A_20 : vector<16xi32>
    %jit3A_22 = arith.constant -1 : i32
    %broadcast_in_dim3A_23 = vector.broadcast %jit3A_22 : i32 to vector<16xi32>
    %select_n3A_24 = arith.select %and3A, %add3A_21, %broadcast_in_dim3A_23 : vector<16xi1>, vector<16xi32>
    %swap3A_25 = arith.constant 16 : index
    %swap3A_26 = tpu.vector_load %arg12[%swap3A_25] {strides = array<i32>} : memref<128xi32, #tpu.memory_space<vmem>>, vector<16xi32>,
    %swap3A_27 = vector.shape_cast %swap3A_26 : vector<16xi32> to vector<16xi32>
    %swap3A_28 = vector.shape_cast %select_n3A_24 : vector<16xi32> to vector<16xi32>
    tpu.vector_store %arg12[%swap3A_25], %swap3A_28 {strides = array<i32>} : memref<128xi32, #tpu.memory_space<vmem>>, vector<16xi32>,
    %get3A_29 = arith.constant 16 : index
    %get3A_30 = tpu.vector_load %arg8[%get3A_29] {strides = array<i32>} : memref<64xi32, #tpu.memory_space<vmem>>, vector<16xi32>,
    %get3A_31 = vector.shape_cast %get3A_30 : vector<16xi32> to vector<16xi32>
    %ge3A_32 = vector.broadcast %mul3A_0 : i32 to vector<16xi32>
    %ge3A_33 = arith.cmpi sge, %get3A_31, %ge3A_32 : vector<16xi32>
    %add3A_34 = arith.constant 5000 : i32
    %add3A_35 = arith.addi %mul3A_0, %add3A_34 : i32
    %lt3A_36 = vector.broadcast %add3A_35 : i32 to vector<16xi32>
    %lt3A_37 = arith.cmpi slt, %get3A_31, %lt3A_36 : vector<16xi32>
    %and3A_38 = arith.andi %ge3A_33, %lt3A_37 : vector<16xi1>
    %sub3A_39 = vector.broadcast %mul3A_0 : i32 to vector<16xi32>
    %sub3A_40 = arith.subi %get3A_31, %sub3A_39 : vector<16xi32>
    %mul3A_41 = arith.constant 2 : i32
    %mul3A_42 = vector.broadcast %mul3A_41 : i32 to vector<16xi32>
    %mul3A_43 = arith.muli %sub3A_40, %mul3A_42 : vector<16xi32>
    %jit3A_44 = arith.constant -1 : i32
    %broadcast_in_dim3A_45 = vector.broadcast %jit3A_44 : i32 to vector<16xi32>
    %select_n3A_46 = arith.select %and3A_38, %mul3A_43, %broadcast_in_dim3A_45 : vector<16xi1>, vector<16xi32>
    %swap3A_47 = arith.constant 32 : index
    %swap3A_48 = tpu.vector_load %arg12[%swap3A_47] {strides = array<i32>} : memref<128xi32, #tpu.memory_space<vmem>>, vector<16xi32>,
    %swap3A_49 = vector.shape_cast %swap3A_48 : vector<16xi32> to vector<16xi32>
    %swap3A_50 = vector.shape_cast %select_n3A_46 : vector<16xi32> to vector<16xi32>
    tpu.vector_store %arg12[%swap3A_47], %swap3A_50 {strides = array<i32>} : memref<128xi32, #tpu.memory_space<vmem>>, vector<16xi32>,
    %add3A_51 = arith.constant 1 : i32
    %add3A_52 = vector.broadcast %add3A_51 : i32 to vector<16xi32>
    %add3A_53 = arith.addi %mul3A_43, %add3A_52 : vector<16xi32>
    %jit3A_54 = arith.constant -1 : i32
    %broadcast_in_dim3A_55 = vector.broadcast %jit3A_54 : i32 to vector<16xi32>
    %select_n3A_56 = arith.select %and3A_38, %add3A_53, %broadcast_in_dim3A_55 : vector<16xi1>, vector<16xi32>
    %swap3A_57 = arith.constant 48 : index
    %swap3A_58 = tpu.vector_load %arg12[%swap3A_57] {strides = array<i32>} : memref<128xi32, #tpu.memory_space<vmem>>, vector<16xi32>,
    %swap3A_59 = vector.shape_cast %swap3A_58 : vector<16xi32> to vector<16xi32>
    %swap3A_60 = vector.shape_cast %select_n3A_56 : vector<16xi32> to vector<16xi32>
    tpu.vector_store %arg12[%swap3A_57], %swap3A_60 {strides = array<i32>} : memref<128xi32, #tpu.memory_space<vmem>>, vector<16xi32>,
    %get3A_61 = arith.constant 32 : index
    %get3A_62 = tpu.vector_load %arg8[%get3A_61] {strides = array<i32>} : memref<64xi32, #tpu.memory_space<vmem>>, vector<16xi32>,
    %get3A_63 = vector.shape_cast %get3A_62 : vector<16xi32> to vector<16xi32>
    %ge3A_64 = vector.broadcast %mul3A_0 : i32 to vector<16xi32>
    %ge3A_65 = arith.cmpi sge, %get3A_63, %ge3A_64 : vector<16xi32>
    %add3A_66 = arith.constant 5000 : i32
    %add3A_67 = arith.addi %mul3A_0, %add3A_66 : i32
    %lt3A_68 = vector.broadcast %add3A_67 : i32 to vector<16xi32>
    %lt3A_69 = arith.cmpi slt, %get3A_63, %lt3A_68 : vector<16xi32>
    %and3A_70 = arith.andi %ge3A_65, %lt3A_69 : vector<16xi1>
    %sub3A_71 = vector.broadcast %mul3A_0 : i32 to vector<16xi32>
    %sub3A_72 = arith.subi %get3A_63, %sub3A_71 : vector<16xi32>
    %mul3A_73 = arith.constant 2 : i32
    %mul3A_74 = vector.broadcast %mul3A_73 : i32 to vector<16xi32>
    %mul3A_75 = arith.muli %sub3A_72, %mul3A_74 : vector<16xi32>
    %jit3A_76 = arith.constant -1 : i32
    %broadcast_in_dim3A_77 = vector.broadcast %jit3A_76 : i32 to vector<16xi32>
    %select_n3A_78 = arith.select %and3A_70, %mul3A_75, %broadcast_in_dim3A_77 : vector<16xi1>, vector<16xi32>
    %swap3A_79 = arith.constant 64 : index
    %swap3A_80 = tpu.vector_load %arg12[%swap3A_79] {strides = array<i32>} : memref<128xi32, #tpu.memory_space<vmem>>, vector<16xi32>,
    %swap3A_81 = vector.shape_cast %swap3A_80 : vector<16xi32> to vector<16xi32>
    %swap3A_82 = vector.shape_cast %select_n3A_78 : vector<16xi32> to vector<16xi32>
    tpu.vector_store %arg12[%swap3A_79], %swap3A_82 {strides = array<i32>} : memref<128xi32, #tpu.memory_space<vmem>>, vector<16xi32>,
    %add3A_83 = arith.constant 1 : i32
    %add3A_84 = vector.broadcast %add3A_83 : i32 to vector<16xi32>
    %add3A_85 = arith.addi %mul3A_75, %add3A_84 : vector<16xi32>
    %jit3A_86 = arith.constant -1 : i32
    %broadcast_in_dim3A_87 = vector.broadcast %jit3A_86 : i32 to vector<16xi32>
    %select_n3A_88 = arith.select %and3A_70, %add3A_85, %broadcast_in_dim3A_87 : vector<16xi1>, vector<16xi32>
    %swap3A_89 = arith.constant 80 : index
    %swap3A_90 = tpu.vector_load %arg12[%swap3A_89] {strides = array<i32>} : memref<128xi32, #tpu.memory_space<vmem>>, vector<16xi32>,
    %swap3A_91 = vector.shape_cast %swap3A_90 : vector<16xi32> to vector<16xi32>
    %swap3A_92 = vector.shape_cast %select_n3A_88 : vector<16xi32> to vector<16xi32>
    tpu.vector_store %arg12[%swap3A_89], %swap3A_92 {strides = array<i32>} : memref<128xi32, #tpu.memory_space<vmem>>, vector<16xi32>,
    %get3A_93 = arith.constant 48 : index
    %get3A_94 = tpu.vector_load %arg8[%get3A_93] {strides = array<i32>} : memref<64xi32, #tpu.memory_space<vmem>>, vector<16xi32>,
    %get3A_95 = vector.shape_cast %get3A_94 : vector<16xi32> to vector<16xi32>
    %ge3A_96 = vector.broadcast %mul3A_0 : i32 to vector<16xi32>
    %ge3A_97 = arith.cmpi sge, %get3A_95, %ge3A_96 : vector<16xi32>
    %add3A_98 = arith.constant 5000 : i32
    %add3A_99 = arith.addi %mul3A_0, %add3A_98 : i32
    %lt3A_100 = vector.broadcast %add3A_99 : i32 to vector<16xi32>
    %lt3A_101 = arith.cmpi slt, %get3A_95, %lt3A_100 : vector<16xi32>
    %and3A_102 = arith.andi %ge3A_97, %lt3A_101 : vector<16xi1>
    %sub3A_103 = vector.broadcast %mul3A_0 : i32 to vector<16xi32>
    %sub3A_104 = arith.subi %get3A_95, %sub3A_103 : vector<16xi32>
    %mul3A_105 = arith.constant 2 : i32
    %mul3A_106 = vector.broadcast %mul3A_105 : i32 to vector<16xi32>
    %mul3A_107 = arith.muli %sub3A_104, %mul3A_106 : vector<16xi32>
    %jit3A_108 = arith.constant -1 : i32
    %broadcast_in_dim3A_109 = vector.broadcast %jit3A_108 : i32 to vector<16xi32>
    %select_n3A_110 = arith.select %and3A_102, %mul3A_107, %broadcast_in_dim3A_109 : vector<16xi1>, vector<16xi32>
    %swap3A_111 = arith.constant 96 : index
    %swap3A_112 = tpu.vector_load %arg12[%swap3A_111] {strides = array<i32>} : memref<128xi32, #tpu.memory_space<vmem>>, vector<16xi32>,
    %swap3A_113 = vector.shape_cast %swap3A_112 : vector<16xi32> to vector<16xi32>
    %swap3A_114 = vector.shape_cast %select_n3A_110 : vector<16xi32> to vector<16xi32>
    tpu.vector_store %arg12[%swap3A_111], %swap3A_114 {strides = array<i32>} : memref<128xi32, #tpu.memory_space<vmem>>, vector<16xi32>,
    %add3A_115 = arith.constant 1 : i32
    %add3A_116 = vector.broadcast %add3A_115 : i32 to vector<16xi32>
    %add3A_117 = arith.addi %mul3A_107, %add3A_116 : vector<16xi32>
    %jit3A_118 = arith.constant -1 : i32
    %broadcast_in_dim3A_119 = vector.broadcast %jit3A_118 : i32 to vector<16xi32>
    %select_n3A_120 = arith.select %and3A_102, %add3A_117, %broadcast_in_dim3A_119 : vector<16xi1>, vector<16xi32>
    %swap3A_121 = arith.constant 112 : index
    %swap3A_122 = tpu.vector_load %arg12[%swap3A_121] {strides = array<i32>} : memref<128xi32, #tpu.memory_space<vmem>>, vector<16xi32>,
    %swap3A_123 = vector.shape_cast %swap3A_122 : vector<16xi32> to vector<16xi32>
    %swap3A_124 = vector.shape_cast %select_n3A_120 : vector<16xi32> to vector<16xi32>
    tpu.vector_store %arg12[%swap3A_121], %swap3A_124 {strides = array<i32>} : memref<128xi32, #tpu.memory_space<vmem>>, vector<16xi32>,
    "tpu.region"() ({
      %run_scoped3A = tpu.sem_alloc : memref<!tpu.dma_semaphore, #tpu.memory_space<semaphore_mem>>
      %dma_start3A_258 = tpu.memref_slice %arg2[%add3A_5] : memref<161792xi32, #tpu.memory_space<hbm>> -> memref<64xi32, #tpu.memory_space<hbm>>
      %dma_start3A_259 = tpu.memref_slice %arg2[%add3A_5] : memref<161792xi32, #tpu.memory_space<hbm>> -> memref<64xi32, #tpu.memory_space<hbm>>
      tpu.enqueue_dma source(%dma_start3A_259 : memref<64xi32, #tpu.memory_space<hbm>>) target(%arg8 : memref<64xi32, #tpu.memory_space<vmem>>) target_semaphore(%run_scoped3A : memref<!tpu.dma_semaphore, #tpu.memory_space<semaphore_mem>>)
      %dma_wait3A_260 = tpu.memref_slice %arg2[%add3A_5] : memref<161792xi32, #tpu.memory_space<hbm>> -> memref<64xi32, #tpu.memory_space<hbm>>
      %dma_wait3A_261 = tpu.memref_slice %arg2[%add3A_5] : memref<161792xi32, #tpu.memory_space<hbm>> -> memref<64xi32, #tpu.memory_space<hbm>>
      tpu.wait_dma2 semaphore(%run_scoped3A : memref<!tpu.dma_semaphore, #tpu.memory_space<semaphore_mem>>) src(%dma_wait3A_261 : memref<64xi32, #tpu.memory_space<hbm>>) dst(%arg8 : memref<64xi32, #tpu.memory_space<vmem>>)
      tpu.yield
    }) : () -> ()
    %get3A_125 = arith.constant 0 : index
    %get3A_126 = tpu.vector_load %arg12[%get3A_125] {strides = array<i32>} : memref<128xi32, #tpu.memory_space<vmem>>, vector<16xi32>,
    %get3A_127 = vector.shape_cast %get3A_126 : vector<16xi32> to vector<16xi32>
    %ge3A_128 = arith.constant 0 : i32
    %ge3A_129 = vector.broadcast %ge3A_128 : i32 to vector<16xi32>
    %ge3A_130 = arith.cmpi sge, %get3A_127, %ge3A_129 : vector<16xi32>
    %get3A_131 = arith.constant 0 : index
    %get3A_132 = tpu.vector_load %arg8[%get3A_131] {strides = array<i32>} : memref<64xi32, #tpu.memory_space<vmem>>, vector<16xi32>,
    %get3A_133 = vector.shape_cast %get3A_132 : vector<16xi32> to vector<16xi32>
    %mul3A_134 = arith.constant 2 : i32
    %mul3A_135 = vector.broadcast %mul3A_134 : i32 to vector<16xi32>
    %mul3A_136 = arith.muli %get3A_133, %mul3A_135 : vector<16xi32>
    %jit3A_137 = arith.constant -1 : i32
    %broadcast_in_dim3A_138 = vector.broadcast %jit3A_137 : i32 to vector<16xi32>
    %select_n3A_139 = arith.select %ge3A_130, %mul3A_136, %broadcast_in_dim3A_138 : vector<16xi1>, vector<16xi32>
    %swap3A_140 = arith.constant 0 : index
    %swap3A_141 = tpu.vector_load %arg10[%swap3A_140] {strides = array<i32>} : memref<128xi32, #tpu.memory_space<vmem>>, vector<16xi32>,
    %swap3A_142 = vector.shape_cast %swap3A_141 : vector<16xi32> to vector<16xi32>
    %swap3A_143 = vector.shape_cast %select_n3A_139 : vector<16xi32> to vector<16xi32>
    tpu.vector_store %arg10[%swap3A_140], %swap3A_143 {strides = array<i32>} : memref<128xi32, #tpu.memory_space<vmem>>, vector<16xi32>,
    %add3A_144 = arith.constant 1 : i32
    %add3A_145 = vector.broadcast %add3A_144 : i32 to vector<16xi32>
    %add3A_146 = arith.addi %mul3A_136, %add3A_145 : vector<16xi32>
    %jit3A_147 = arith.constant -1 : i32
    %broadcast_in_dim3A_148 = vector.broadcast %jit3A_147 : i32 to vector<16xi32>
    %select_n3A_149 = arith.select %ge3A_130, %add3A_146, %broadcast_in_dim3A_148 : vector<16xi1>, vector<16xi32>
    %swap3A_150 = arith.constant 16 : index
    %swap3A_151 = tpu.vector_load %arg10[%swap3A_150] {strides = array<i32>} : memref<128xi32, #tpu.memory_space<vmem>>, vector<16xi32>,
    %swap3A_152 = vector.shape_cast %swap3A_151 : vector<16xi32> to vector<16xi32>
    %swap3A_153 = vector.shape_cast %select_n3A_149 : vector<16xi32> to vector<16xi32>
    tpu.vector_store %arg10[%swap3A_150], %swap3A_153 {strides = array<i32>} : memref<128xi32, #tpu.memory_space<vmem>>, vector<16xi32>,
    %get3A_154 = arith.constant 32 : index
    %get3A_155 = tpu.vector_load %arg12[%get3A_154] {strides = array<i32>} : memref<128xi32, #tpu.memory_space<vmem>>, vector<16xi32>,
    %get3A_156 = vector.shape_cast %get3A_155 : vector<16xi32> to vector<16xi32>
    %ge3A_157 = arith.constant 0 : i32
    %ge3A_158 = vector.broadcast %ge3A_157 : i32 to vector<16xi32>
    %ge3A_159 = arith.cmpi sge, %get3A_156, %ge3A_158 : vector<16xi32>
    %get3A_160 = arith.constant 16 : index
    %get3A_161 = tpu.vector_load %arg8[%get3A_160] {strides = array<i32>} : memref<64xi32, #tpu.memory_space<vmem>>, vector<16xi32>,
    %get3A_162 = vector.shape_cast %get3A_161 : vector<16xi32> to vector<16xi32>
    %mul3A_163 = arith.constant 2 : i32
    %mul3A_164 = vector.broadcast %mul3A_163 : i32 to vector<16xi32>
    %mul3A_165 = arith.muli %get3A_162, %mul3A_164 : vector<16xi32>
    %jit3A_166 = arith.constant -1 : i32
    %broadcast_in_dim3A_167 = vector.broadcast %jit3A_166 : i32 to vector<16xi32>
    %select_n3A_168 = arith.select %ge3A_159, %mul3A_165, %broadcast_in_dim3A_167 : vector<16xi1>, vector<16xi32>
    %swap3A_169 = arith.constant 32 : index
    %swap3A_170 = tpu.vector_load %arg10[%swap3A_169] {strides = array<i32>} : memref<128xi32, #tpu.memory_space<vmem>>, vector<16xi32>,
    %swap3A_171 = vector.shape_cast %swap3A_170 : vector<16xi32> to vector<16xi32>
    %swap3A_172 = vector.shape_cast %select_n3A_168 : vector<16xi32> to vector<16xi32>
    tpu.vector_store %arg10[%swap3A_169], %swap3A_172 {strides = array<i32>} : memref<128xi32, #tpu.memory_space<vmem>>, vector<16xi32>,
    %add3A_173 = arith.constant 1 : i32
    %add3A_174 = vector.broadcast %add3A_173 : i32 to vector<16xi32>
    %add3A_175 = arith.addi %mul3A_165, %add3A_174 : vector<16xi32>
    %jit3A_176 = arith.constant -1 : i32
    %broadcast_in_dim3A_177 = vector.broadcast %jit3A_176 : i32 to vector<16xi32>
    %select_n3A_178 = arith.select %ge3A_159, %add3A_175, %broadcast_in_dim3A_177 : vector<16xi1>, vector<16xi32>
    %swap3A_179 = arith.constant 48 : index
    %swap3A_180 = tpu.vector_load %arg10[%swap3A_179] {strides = array<i32>} : memref<128xi32, #tpu.memory_space<vmem>>, vector<16xi32>,
    %swap3A_181 = vector.shape_cast %swap3A_180 : vector<16xi32> to vector<16xi32>
    %swap3A_182 = vector.shape_cast %select_n3A_178 : vector<16xi32> to vector<16xi32>
    tpu.vector_store %arg10[%swap3A_179], %swap3A_182 {strides = array<i32>} : memref<128xi32, #tpu.memory_space<vmem>>, vector<16xi32>,
    %get3A_183 = arith.constant 64 : index
    %get3A_184 = tpu.vector_load %arg12[%get3A_183] {strides = array<i32>} : memref<128xi32, #tpu.memory_space<vmem>>, vector<16xi32>,
    %get3A_185 = vector.shape_cast %get3A_184 : vector<16xi32> to vector<16xi32>
    %ge3A_186 = arith.constant 0 : i32
    %ge3A_187 = vector.broadcast %ge3A_186 : i32 to vector<16xi32>
    %ge3A_188 = arith.cmpi sge, %get3A_185, %ge3A_187 : vector<16xi32>
    %get3A_189 = arith.constant 32 : index
    %get3A_190 = tpu.vector_load %arg8[%get3A_189] {strides = array<i32>} : memref<64xi32, #tpu.memory_space<vmem>>, vector<16xi32>,
    %get3A_191 = vector.shape_cast %get3A_190 : vector<16xi32> to vector<16xi32>
    %mul3A_192 = arith.constant 2 : i32
    %mul3A_193 = vector.broadcast %mul3A_192 : i32 to vector<16xi32>
    %mul3A_194 = arith.muli %get3A_191, %mul3A_193 : vector<16xi32>
    %jit3A_195 = arith.constant -1 : i32
    %broadcast_in_dim3A_196 = vector.broadcast %jit3A_195 : i32 to vector<16xi32>
    %select_n3A_197 = arith.select %ge3A_188, %mul3A_194, %broadcast_in_dim3A_196 : vector<16xi1>, vector<16xi32>
    %swap3A_198 = arith.constant 64 : index
    %swap3A_199 = tpu.vector_load %arg10[%swap3A_198] {strides = array<i32>} : memref<128xi32, #tpu.memory_space<vmem>>, vector<16xi32>,
    %swap3A_200 = vector.shape_cast %swap3A_199 : vector<16xi32> to vector<16xi32>
    %swap3A_201 = vector.shape_cast %select_n3A_197 : vector<16xi32> to vector<16xi32>
    tpu.vector_store %arg10[%swap3A_198], %swap3A_201 {strides = array<i32>} : memref<128xi32, #tpu.memory_space<vmem>>, vector<16xi32>,
    %add3A_202 = arith.constant 1 : i32
    %add3A_203 = vector.broadcast %add3A_202 : i32 to vector<16xi32>
    %add3A_204 = arith.addi %mul3A_194, %add3A_203 : vector<16xi32>
    %jit3A_205 = arith.constant -1 : i32
    %broadcast_in_dim3A_206 = vector.broadcast %jit3A_205 : i32 to vector<16xi32>
    %select_n3A_207 = arith.select %ge3A_188, %add3A_204, %broadcast_in_dim3A_206 : vector<16xi1>, vector<16xi32>
    %swap3A_208 = arith.constant 80 : index
    %swap3A_209 = tpu.vector_load %arg10[%swap3A_208] {strides = array<i32>} : memref<128xi32, #tpu.memory_space<vmem>>, vector<16xi32>,
    %swap3A_210 = vector.shape_cast %swap3A_209 : vector<16xi32> to vector<16xi32>
    %swap3A_211 = vector.shape_cast %select_n3A_207 : vector<16xi32> to vector<16xi32>
    tpu.vector_store %arg10[%swap3A_208], %swap3A_211 {strides = array<i32>} : memref<128xi32, #tpu.memory_space<vmem>>, vector<16xi32>,
    %get3A_212 = arith.constant 96 : index
    %get3A_213 = tpu.vector_load %arg12[%get3A_212] {strides = array<i32>} : memref<128xi32, #tpu.memory_space<vmem>>, vector<16xi32>,
    %get3A_214 = vector.shape_cast %get3A_213 : vector<16xi32> to vector<16xi32>
    %ge3A_215 = arith.constant 0 : i32
    %ge3A_216 = vector.broadcast %ge3A_215 : i32 to vector<16xi32>
    %ge3A_217 = arith.cmpi sge, %get3A_214, %ge3A_216 : vector<16xi32>
    %get3A_218 = arith.constant 48 : index
    %get3A_219 = tpu.vector_load %arg8[%get3A_218] {strides = array<i32>} : memref<64xi32, #tpu.memory_space<vmem>>, vector<16xi32>,
    %get3A_220 = vector.shape_cast %get3A_219 : vector<16xi32> to vector<16xi32>
    %mul3A_221 = arith.constant 2 : i32
    %mul3A_222 = vector.broadcast %mul3A_221 : i32 to vector<16xi32>
    %mul3A_223 = arith.muli %get3A_220, %mul3A_222 : vector<16xi32>
    %jit3A_224 = arith.constant -1 : i32
    %broadcast_in_dim3A_225 = vector.broadcast %jit3A_224 : i32 to vector<16xi32>
    %select_n3A_226 = arith.select %ge3A_217, %mul3A_223, %broadcast_in_dim3A_225 : vector<16xi1>, vector<16xi32>
    %swap3A_227 = arith.constant 96 : index
    %swap3A_228 = tpu.vector_load %arg10[%swap3A_227] {strides = array<i32>} : memref<128xi32, #tpu.memory_space<vmem>>, vector<16xi32>,
    %swap3A_229 = vector.shape_cast %swap3A_228 : vector<16xi32> to vector<16xi32>
    %swap3A_230 = vector.shape_cast %select_n3A_226 : vector<16xi32> to vector<16xi32>
    tpu.vector_store %arg10[%swap3A_227], %swap3A_230 {strides = array<i32>} : memref<128xi32, #tpu.memory_space<vmem>>, vector<16xi32>,
    %add3A_231 = arith.constant 1 : i32
    %add3A_232 = vector.broadcast %add3A_231 : i32 to vector<16xi32>
    %add3A_233 = arith.addi %mul3A_223, %add3A_232 : vector<16xi32>
    %jit3A_234 = arith.constant -1 : i32
    %broadcast_in_dim3A_235 = vector.broadcast %jit3A_234 : i32 to vector<16xi32>
    %select_n3A_236 = arith.select %ge3A_217, %add3A_233, %broadcast_in_dim3A_235 : vector<16xi1>, vector<16xi32>
    %swap3A_237 = arith.constant 112 : index
    %swap3A_238 = tpu.vector_load %arg10[%swap3A_237] {strides = array<i32>} : memref<128xi32, #tpu.memory_space<vmem>>, vector<16xi32>,
    %swap3A_239 = vector.shape_cast %swap3A_238 : vector<16xi32> to vector<16xi32>
    %swap3A_240 = vector.shape_cast %select_n3A_236 : vector<16xi32> to vector<16xi32>
    tpu.vector_store %arg10[%swap3A_237], %swap3A_240 {strides = array<i32>} : memref<128xi32, #tpu.memory_space<vmem>>, vector<16xi32>,
    %dma_start3A = arith.constant 0 : i32
    %dma_start3A_241 = arith.constant 0 : i32
    %dma_start3A_242 = tpu.memref_slice %arg4[%dma_start3A, %dma_start3A_241] : memref<20000x128xf32, #tpu.memory_space<hbm>> -> memref<20000x128xf32, #tpu.memory_space<hbm>>
    %dma_start3A_243 = arith.constant -1 : i32
    tpu.enqueue_indirect_dma source(%dma_start3A_242 : memref<20000x128xf32, #tpu.memory_space<hbm>>) target(%arg14 : memref<128x128xf32, #tpu.memory_space<vmem>>) offsets(%arg10 : memref<128xi32, #tpu.memory_space<vmem>>) offset_filter(%dma_start3A_243) semaphore(%arg16 : memref<!tpu.dma_semaphore, #tpu.memory_space<semaphore_mem>>)
    %scan3A = arith.constant 0 : i32
    %scan3A_244 = arith.constant 79 : i32
    %scan3A_245 = arith.addi %scan3A, %scan3A_244 : i32
    %scan3A_246 = arith.constant 1 : i32
    scf.for %scan3A_258 = %scan3A to %scan3A_245 step %scan3A_246  : i32 {
      %mul3A_259 = arith.constant 2 : i32
      %mul3A_260 = arith.muli %scan3A_258, %mul3A_259 : i32
      %add3A_261 = arith.constant 0 : i32
      %add3A_262 = arith.addi %add3A_261, %mul3A_260 : i32
      %add3A_263 = arith.constant 0 : i32
      %add3A_264 = arith.addi %add3A_262, %add3A_263 : i32
      %add3A_265 = arith.constant 1 : i32
      %add3A_266 = arith.addi %add3A_264, %add3A_265 : i32
      %min3A = arith.constant 157 : i32
      %min3A_267 = arith.minsi %add3A_266, %min3A : i32
      %mul3A_268 = arith.constant 64 : i32
      %mul3A_269 = arith.muli %min3A_267, %mul3A_268 : i32
      %add3A_270 = arith.addi %mul3A_4, %mul3A_269 : i32
      "tpu.region"() ({
        %run_scoped3A = tpu.sem_alloc : memref<!tpu.dma_semaphore, #tpu.memory_space<semaphore_mem>>
        %dma_start3A_782 = tpu.memref_slice %arg3[%add3A_270] : memref<161792xi32, #tpu.memory_space<hbm>> -> memref<64xi32, #tpu.memory_space<hbm>>
        %dma_start3A_783 = tpu.memref_slice %arg3[%add3A_270] : memref<161792xi32, #tpu.memory_space<hbm>> -> memref<64xi32, #tpu.memory_space<hbm>>
        tpu.enqueue_dma source(%dma_start3A_783 : memref<64xi32, #tpu.memory_space<hbm>>) target(%arg9 : memref<64xi32, #tpu.memory_space<vmem>>) target_semaphore(%run_scoped3A : memref<!tpu.dma_semaphore, #tpu.memory_space<semaphore_mem>>)
        %dma_wait3A_784 = tpu.memref_slice %arg3[%add3A_270] : memref<161792xi32, #tpu.memory_space<hbm>> -> memref<64xi32, #tpu.memory_space<hbm>>
        %dma_wait3A_785 = tpu.memref_slice %arg3[%add3A_270] : memref<161792xi32, #tpu.memory_space<hbm>> -> memref<64xi32, #tpu.memory_space<hbm>>
        tpu.wait_dma2 semaphore(%run_scoped3A : memref<!tpu.dma_semaphore, #tpu.memory_space<semaphore_mem>>) src(%dma_wait3A_785 : memref<64xi32, #tpu.memory_space<hbm>>) dst(%arg9 : memref<64xi32, #tpu.memory_space<vmem>>)
        tpu.yield
      }) : () -> ()
      %get3A_271 = arith.constant 0 : index
      %get3A_272 = tpu.vector_load %arg9[%get3A_271] {strides = array<i32>} : memref<64xi32, #tpu.memory_space<vmem>>, vector<16xi32>,
      %get3A_273 = vector.shape_cast %get3A_272 : vector<16xi32> to vector<16xi32>
      %ge3A_274 = vector.broadcast %mul3A_0 : i32 to vector<16xi32>
      %ge3A_275 = arith.cmpi sge, %get3A_273, %ge3A_274 : vector<16xi32>
      %add3A_276 = arith.constant 5000 : i32
      %add3A_277 = arith.addi %mul3A_0, %add3A_276 : i32
      %lt3A_278 = vector.broadcast %add3A_277 : i32 to vector<16xi32>
      %lt3A_279 = arith.cmpi slt, %get3A_273, %lt3A_278 : vector<16xi32>
      %and3A_280 = arith.andi %ge3A_275, %lt3A_279 : vector<16xi1>
      %sub3A_281 = vector.broadcast %mul3A_0 : i32 to vector<16xi32>
      %sub3A_282 = arith.subi %get3A_273, %sub3A_281 : vector<16xi32>
      %mul3A_283 = arith.constant 2 : i32
      %mul3A_284 = vector.broadcast %mul3A_283 : i32 to vector<16xi32>
      %mul3A_285 = arith.muli %sub3A_282, %mul3A_284 : vector<16xi32>
      %jit3A_286 = arith.constant -1 : i32
      %broadcast_in_dim3A_287 = vector.broadcast %jit3A_286 : i32 to vector<16xi32>
      %select_n3A_288 = arith.select %and3A_280, %mul3A_285, %broadcast_in_dim3A_287 : vector<16xi1>, vector<16xi32>
      %swap3A_289 = arith.constant 0 : index
      %swap3A_290 = tpu.vector_load %arg13[%swap3A_289] {strides = array<i32>} : memref<128xi32, #tpu.memory_space<vmem>>, vector<16xi32>,
      %swap3A_291 = vector.shape_cast %swap3A_290 : vector<16xi32> to vector<16xi32>
      %swap3A_292 = vector.shape_cast %select_n3A_288 : vector<16xi32> to vector<16xi32>
      tpu.vector_store %arg13[%swap3A_289], %swap3A_292 {strides = array<i32>} : memref<128xi32, #tpu.memory_space<vmem>>, vector<16xi32>,
      %add3A_293 = arith.constant 1 : i32
      %add3A_294 = vector.broadcast %add3A_293 : i32 to vector<16xi32>
      %add3A_295 = arith.addi %mul3A_285, %add3A_294 : vector<16xi32>
      %jit3A_296 = arith.constant -1 : i32
      %broadcast_in_dim3A_297 = vector.broadcast %jit3A_296 : i32 to vector<16xi32>
      %select_n3A_298 = arith.select %and3A_280, %add3A_295, %broadcast_in_dim3A_297 : vector<16xi1>, vector<16xi32>
      %swap3A_299 = arith.constant 16 : index
      %swap3A_300 = tpu.vector_load %arg13[%swap3A_299] {strides = array<i32>} : memref<128xi32, #tpu.memory_space<vmem>>, vector<16xi32>,
      %swap3A_301 = vector.shape_cast %swap3A_300 : vector<16xi32> to vector<16xi32>
      %swap3A_302 = vector.shape_cast %select_n3A_298 : vector<16xi32> to vector<16xi32>
      tpu.vector_store %arg13[%swap3A_299], %swap3A_302 {strides = array<i32>} : memref<128xi32, #tpu.memory_space<vmem>>, vector<16xi32>,
      %get3A_303 = arith.constant 16 : index
      %get3A_304 = tpu.vector_load %arg9[%get3A_303] {strides = array<i32>} : memref<64xi32, #tpu.memory_space<vmem>>, vector<16xi32>,
      %get3A_305 = vector.shape_cast %get3A_304 : vector<16xi32> to vector<16xi32>
      %ge3A_306 = vector.broadcast %mul3A_0 : i32 to vector<16xi32>
      %ge3A_307 = arith.cmpi sge, %get3A_305, %ge3A_306 : vector<16xi32>
      %add3A_308 = arith.constant 5000 : i32
      %add3A_309 = arith.addi %mul3A_0, %add3A_308 : i32
      %lt3A_310 = vector.broadcast %add3A_309 : i32 to vector<16xi32>
      %lt3A_311 = arith.cmpi slt, %get3A_305, %lt3A_310 : vector<16xi32>
      %and3A_312 = arith.andi %ge3A_307, %lt3A_311 : vector<16xi1>
      %sub3A_313 = vector.broadcast %mul3A_0 : i32 to vector<16xi32>
      %sub3A_314 = arith.subi %get3A_305, %sub3A_313 : vector<16xi32>
      %mul3A_315 = arith.constant 2 : i32
      %mul3A_316 = vector.broadcast %mul3A_315 : i32 to vector<16xi32>
      %mul3A_317 = arith.muli %sub3A_314, %mul3A_316 : vector<16xi32>
      %jit3A_318 = arith.constant -1 : i32
      %broadcast_in_dim3A_319 = vector.broadcast %jit3A_318 : i32 to vector<16xi32>
      %select_n3A_320 = arith.select %and3A_312, %mul3A_317, %broadcast_in_dim3A_319 : vector<16xi1>, vector<16xi32>
      %swap3A_321 = arith.constant 32 : index
      %swap3A_322 = tpu.vector_load %arg13[%swap3A_321] {strides = array<i32>} : memref<128xi32, #tpu.memory_space<vmem>>, vector<16xi32>,
      %swap3A_323 = vector.shape_cast %swap3A_322 : vector<16xi32> to vector<16xi32>
      %swap3A_324 = vector.shape_cast %select_n3A_320 : vector<16xi32> to vector<16xi32>
      tpu.vector_store %arg13[%swap3A_321], %swap3A_324 {strides = array<i32>} : memref<128xi32, #tpu.memory_space<vmem>>, vector<16xi32>,
      %add3A_325 = arith.constant 1 : i32
      %add3A_326 = vector.broadcast %add3A_325 : i32 to vector<16xi32>
      %add3A_327 = arith.addi %mul3A_317, %add3A_326 : vector<16xi32>
      %jit3A_328 = arith.constant -1 : i32
      %broadcast_in_dim3A_329 = vector.broadcast %jit3A_328 : i32 to vector<16xi32>
      %select_n3A_330 = arith.select %and3A_312, %add3A_327, %broadcast_in_dim3A_329 : vector<16xi1>, vector<16xi32>
      %swap3A_331 = arith.constant 48 : index
      %swap3A_332 = tpu.vector_load %arg13[%swap3A_331] {strides = array<i32>} : memref<128xi32, #tpu.memory_space<vmem>>, vector<16xi32>,
      %swap3A_333 = vector.shape_cast %swap3A_332 : vector<16xi32> to vector<16xi32>
      %swap3A_334 = vector.shape_cast %select_n3A_330 : vector<16xi32> to vector<16xi32>
      tpu.vector_store %arg13[%swap3A_331], %swap3A_334 {strides = array<i32>} : memref<128xi32, #tpu.memory_space<vmem>>, vector<16xi32>,
      %get3A_335 = arith.constant 32 : index
      %get3A_336 = tpu.vector_load %arg9[%get3A_335] {strides = array<i32>} : memref<64xi32, #tpu.memory_space<vmem>>, vector<16xi32>,
      %get3A_337 = vector.shape_cast %get3A_336 : vector<16xi32> to vector<16xi32>
      %ge3A_338 = vector.broadcast %mul3A_0 : i32 to vector<16xi32>
      %ge3A_339 = arith.cmpi sge, %get3A_337, %ge3A_338 : vector<16xi32>
      %add3A_340 = arith.constant 5000 : i32
      %add3A_341 = arith.addi %mul3A_0, %add3A_340 : i32
      %lt3A_342 = vector.broadcast %add3A_341 : i32 to vector<16xi32>
      %lt3A_343 = arith.cmpi slt, %get3A_337, %lt3A_342 : vector<16xi32>
      %and3A_344 = arith.andi %ge3A_339, %lt3A_343 : vector<16xi1>
      %sub3A_345 = vector.broadcast %mul3A_0 : i32 to vector<16xi32>
      %sub3A_346 = arith.subi %get3A_337, %sub3A_345 : vector<16xi32>
      %mul3A_347 = arith.constant 2 : i32
      %mul3A_348 = vector.broadcast %mul3A_347 : i32 to vector<16xi32>
      %mul3A_349 = arith.muli %sub3A_346, %mul3A_348 : vector<16xi32>
      %jit3A_350 = arith.constant -1 : i32
      %broadcast_in_dim3A_351 = vector.broadcast %jit3A_350 : i32 to vector<16xi32>
      %select_n3A_352 = arith.select %and3A_344, %mul3A_349, %broadcast_in_dim3A_351 : vector<16xi1>, vector<16xi32>
      %swap3A_353 = arith.constant 64 : index
      %swap3A_354 = tpu.vector_load %arg13[%swap3A_353] {strides = array<i32>} : memref<128xi32, #tpu.memory_space<vmem>>, vector<16xi32>,
      %swap3A_355 = vector.shape_cast %swap3A_354 : vector<16xi32> to vector<16xi32>
      %swap3A_356 = vector.shape_cast %select_n3A_352 : vector<16xi32> to vector<16xi32>
      tpu.vector_store %arg13[%swap3A_353], %swap3A_356 {strides = array<i32>} : memref<128xi32, #tpu.memory_space<vmem>>, vector<16xi32>,
      %add3A_357 = arith.constant 1 : i32
      %add3A_358 = vector.broadcast %add3A_357 : i32 to vector<16xi32>
      %add3A_359 = arith.addi %mul3A_349, %add3A_358 : vector<16xi32>
      %jit3A_360 = arith.constant -1 : i32
      %broadcast_in_dim3A_361 = vector.broadcast %jit3A_360 : i32 to vector<16xi32>
      %select_n3A_362 = arith.select %and3A_344, %add3A_359, %broadcast_in_dim3A_361 : vector<16xi1>, vector<16xi32>
      %swap3A_363 = arith.constant 80 : index
      %swap3A_364 = tpu.vector_load %arg13[%swap3A_363] {strides = array<i32>} : memref<128xi32, #tpu.memory_space<vmem>>, vector<16xi32>,
      %swap3A_365 = vector.shape_cast %swap3A_364 : vector<16xi32> to vector<16xi32>
      %swap3A_366 = vector.shape_cast %select_n3A_362 : vector<16xi32> to vector<16xi32>
      tpu.vector_store %arg13[%swap3A_363], %swap3A_366 {strides = array<i32>} : memref<128xi32, #tpu.memory_space<vmem>>, vector<16xi32>,
      %get3A_367 = arith.constant 48 : index
      %get3A_368 = tpu.vector_load %arg9[%get3A_367] {strides = array<i32>} : memref<64xi32, #tpu.memory_space<vmem>>, vector<16xi32>,
      %get3A_369 = vector.shape_cast %get3A_368 : vector<16xi32> to vector<16xi32>
      %ge3A_370 = vector.broadcast %mul3A_0 : i32 to vector<16xi32>
      %ge3A_371 = arith.cmpi sge, %get3A_369, %ge3A_370 : vector<16xi32>
      %add3A_372 = arith.constant 5000 : i32
      %add3A_373 = arith.addi %mul3A_0, %add3A_372 : i32
      %lt3A_374 = vector.broadcast %add3A_373 : i32 to vector<16xi32>
      %lt3A_375 = arith.cmpi slt, %get3A_369, %lt3A_374 : vector<16xi32>
      %and3A_376 = arith.andi %ge3A_371, %lt3A_375 : vector<16xi1>
      %sub3A_377 = vector.broadcast %mul3A_0 : i32 to vector<16xi32>
      %sub3A_378 = arith.subi %get3A_369, %sub3A_377 : vector<16xi32>
      %mul3A_379 = arith.constant 2 : i32
      %mul3A_380 = vector.broadcast %mul3A_379 : i32 to vector<16xi32>
      %mul3A_381 = arith.muli %sub3A_378, %mul3A_380 : vector<16xi32>
      %jit3A_382 = arith.constant -1 : i32
      %broadcast_in_dim3A_383 = vector.broadcast %jit3A_382 : i32 to vector<16xi32>
      %select_n3A_384 = arith.select %and3A_376, %mul3A_381, %broadcast_in_dim3A_383 : vector<16xi1>, vector<16xi32>
      %swap3A_385 = arith.constant 96 : index
      %swap3A_386 = tpu.vector_load %arg13[%swap3A_385] {strides = array<i32>} : memref<128xi32, #tpu.memory_space<vmem>>, vector<16xi32>,
      %swap3A_387 = vector.shape_cast %swap3A_386 : vector<16xi32> to vector<16xi32>
      %swap3A_388 = vector.shape_cast %select_n3A_384 : vector<16xi32> to vector<16xi32>
      tpu.vector_store %arg13[%swap3A_385], %swap3A_388 {strides = array<i32>} : memref<128xi32, #tpu.memory_space<vmem>>, vector<16xi32>,
      %add3A_389 = arith.constant 1 : i32
      %add3A_390 = vector.broadcast %add3A_389 : i32 to vector<16xi32>
      %add3A_391 = arith.addi %mul3A_381, %add3A_390 : vector<16xi32>
      %jit3A_392 = arith.constant -1 : i32
      %broadcast_in_dim3A_393 = vector.broadcast %jit3A_392 : i32 to vector<16xi32>
      %select_n3A_394 = arith.select %and3A_376, %add3A_391, %broadcast_in_dim3A_393 : vector<16xi1>, vector<16xi32>
      %swap3A_395 = arith.constant 112 : index
      %swap3A_396 = tpu.vector_load %arg13[%swap3A_395] {strides = array<i32>} : memref<128xi32, #tpu.memory_space<vmem>>, vector<16xi32>,
      %swap3A_397 = vector.shape_cast %swap3A_396 : vector<16xi32> to vector<16xi32>
      %swap3A_398 = vector.shape_cast %select_n3A_394 : vector<16xi32> to vector<16xi32>
      tpu.vector_store %arg13[%swap3A_395], %swap3A_398 {strides = array<i32>} : memref<128xi32, #tpu.memory_space<vmem>>, vector<16xi32>,
      "tpu.region"() ({
        %run_scoped3A = tpu.sem_alloc : memref<!tpu.dma_semaphore, #tpu.memory_space<semaphore_mem>>
        %dma_start3A_782 = tpu.memref_slice %arg2[%add3A_270] : memref<161792xi32, #tpu.memory_space<hbm>> -> memref<64xi32, #tpu.memory_space<hbm>>
        %dma_start3A_783 = tpu.memref_slice %arg2[%add3A_270] : memref<161792xi32, #tpu.memory_space<hbm>> -> memref<64xi32, #tpu.memory_space<hbm>>
        tpu.enqueue_dma source(%dma_start3A_783 : memref<64xi32, #tpu.memory_space<hbm>>) target(%arg9 : memref<64xi32, #tpu.memory_space<vmem>>) target_semaphore(%run_scoped3A : memref<!tpu.dma_semaphore, #tpu.memory_space<semaphore_mem>>)
        %dma_wait3A_784 = tpu.memref_slice %arg2[%add3A_270] : memref<161792xi32, #tpu.memory_space<hbm>> -> memref<64xi32, #tpu.memory_space<hbm>>
        %dma_wait3A_785 = tpu.memref_slice %arg2[%add3A_270] : memref<161792xi32, #tpu.memory_space<hbm>> -> memref<64xi32, #tpu.memory_space<hbm>>
        tpu.wait_dma2 semaphore(%run_scoped3A : memref<!tpu.dma_semaphore, #tpu.memory_space<semaphore_mem>>) src(%dma_wait3A_785 : memref<64xi32, #tpu.memory_space<hbm>>) dst(%arg9 : memref<64xi32, #tpu.memory_space<vmem>>)
        tpu.yield
      }) : () -> ()
      %get3A_399 = arith.constant 0 : index
      %get3A_400 = tpu.vector_load %arg13[%get3A_399] {strides = array<i32>} : memref<128xi32, #tpu.memory_space<vmem>>, vector<16xi32>,
      %get3A_401 = vector.shape_cast %get3A_400 : vector<16xi32> to vector<16xi32>
      %ge3A_402 = arith.constant 0 : i32
      %ge3A_403 = vector.broadcast %ge3A_402 : i32 to vector<16xi32>
      %ge3A_404 = arith.cmpi sge, %get3A_401, %ge3A_403 : vector<16xi32>
      %get3A_405 = arith.constant 0 : index
      %get3A_406 = tpu.vector_load %arg9[%get3A_405] {strides = array<i32>} : memref<64xi32, #tpu.memory_space<vmem>>, vector<16xi32>,
      %get3A_407 = vector.shape_cast %get3A_406 : vector<16xi32> to vector<16xi32>
      %mul3A_408 = arith.constant 2 : i32
      %mul3A_409 = vector.broadcast %mul3A_408 : i32 to vector<16xi32>
      %mul3A_410 = arith.muli %get3A_407, %mul3A_409 : vector<16xi32>
      %jit3A_411 = arith.constant -1 : i32
      %broadcast_in_dim3A_412 = vector.broadcast %jit3A_411 : i32 to vector<16xi32>
      %select_n3A_413 = arith.select %ge3A_404, %mul3A_410, %broadcast_in_dim3A_412 : vector<16xi1>, vector<16xi32>
      %swap3A_414 = arith.constant 0 : index
      %swap3A_415 = tpu.vector_load %arg11[%swap3A_414] {strides = array<i32>} : memref<128xi32, #tpu.memory_space<vmem>>, vector<16xi32>,
      %swap3A_416 = vector.shape_cast %swap3A_415 : vector<16xi32> to vector<16xi32>
      %swap3A_417 = vector.shape_cast %select_n3A_413 : vector<16xi32> to vector<16xi32>
      tpu.vector_store %arg11[%swap3A_414], %swap3A_417 {strides = array<i32>} : memref<128xi32, #tpu.memory_space<vmem>>, vector<16xi32>,
      %add3A_418 = arith.constant 1 : i32
      %add3A_419 = vector.broadcast %add3A_418 : i32 to vector<16xi32>
      %add3A_420 = arith.addi %mul3A_410, %add3A_419 : vector<16xi32>
      %jit3A_421 = arith.constant -1 : i32
      %broadcast_in_dim3A_422 = vector.broadcast %jit3A_421 : i32 to vector<16xi32>
      %select_n3A_423 = arith.select %ge3A_404, %add3A_420, %broadcast_in_dim3A_422 : vector<16xi1>, vector<16xi32>
      %swap3A_424 = arith.constant 16 : index
      %swap3A_425 = tpu.vector_load %arg11[%swap3A_424] {strides = array<i32>} : memref<128xi32, #tpu.memory_space<vmem>>, vector<16xi32>,
      %swap3A_426 = vector.shape_cast %swap3A_425 : vector<16xi32> to vector<16xi32>
      %swap3A_427 = vector.shape_cast %select_n3A_423 : vector<16xi32> to vector<16xi32>
      tpu.vector_store %arg11[%swap3A_424], %swap3A_427 {strides = array<i32>} : memref<128xi32, #tpu.memory_space<vmem>>, vector<16xi32>,
      %get3A_428 = arith.constant 32 : index
      %get3A_429 = tpu.vector_load %arg13[%get3A_428] {strides = array<i32>} : memref<128xi32, #tpu.memory_space<vmem>>, vector<16xi32>,
      %get3A_430 = vector.shape_cast %get3A_429 : vector<16xi32> to vector<16xi32>
      %ge3A_431 = arith.constant 0 : i32
      %ge3A_432 = vector.broadcast %ge3A_431 : i32 to vector<16xi32>
      %ge3A_433 = arith.cmpi sge, %get3A_430, %ge3A_432 : vector<16xi32>
      %get3A_434 = arith.constant 16 : index
      %get3A_435 = tpu.vector_load %arg9[%get3A_434] {strides = array<i32>} : memref<64xi32, #tpu.memory_space<vmem>>, vector<16xi32>,
      %get3A_436 = vector.shape_cast %get3A_435 : vector<16xi32> to vector<16xi32>
      %mul3A_437 = arith.constant 2 : i32
      %mul3A_438 = vector.broadcast %mul3A_437 : i32 to vector<16xi32>
      %mul3A_439 = arith.muli %get3A_436, %mul3A_438 : vector<16xi32>
      %jit3A_440 = arith.constant -1 : i32
      %broadcast_in_dim3A_441 = vector.broadcast %jit3A_440 : i32 to vector<16xi32>
      %select_n3A_442 = arith.select %ge3A_433, %mul3A_439, %broadcast_in_dim3A_441 : vector<16xi1>, vector<16xi32>
      %swap3A_443 = arith.constant 32 : index
      %swap3A_444 = tpu.vector_load %arg11[%swap3A_443] {strides = array<i32>} : memref<128xi32, #tpu.memory_space<vmem>>, vector<16xi32>,
      %swap3A_445 = vector.shape_cast %swap3A_444 : vector<16xi32> to vector<16xi32>
      %swap3A_446 = vector.shape_cast %select_n3A_442 : vector<16xi32> to vector<16xi32>
      tpu.vector_store %arg11[%swap3A_443], %swap3A_446 {strides = array<i32>} : memref<128xi32, #tpu.memory_space<vmem>>, vector<16xi32>,
      %add3A_447 = arith.constant 1 : i32
      %add3A_448 = vector.broadcast %add3A_447 : i32 to vector<16xi32>
      %add3A_449 = arith.addi %mul3A_439, %add3A_448 : vector<16xi32>
      %jit3A_450 = arith.constant -1 : i32
      %broadcast_in_dim3A_451 = vector.broadcast %jit3A_450 : i32 to vector<16xi32>
      %select_n3A_452 = arith.select %ge3A_433, %add3A_449, %broadcast_in_dim3A_451 : vector<16xi1>, vector<16xi32>
      %swap3A_453 = arith.constant 48 : index
      %swap3A_454 = tpu.vector_load %arg11[%swap3A_453] {strides = array<i32>} : memref<128xi32, #tpu.memory_space<vmem>>, vector<16xi32>,
      %swap3A_455 = vector.shape_cast %swap3A_454 : vector<16xi32> to vector<16xi32>
      %swap3A_456 = vector.shape_cast %select_n3A_452 : vector<16xi32> to vector<16xi32>
      tpu.vector_store %arg11[%swap3A_453], %swap3A_456 {strides = array<i32>} : memref<128xi32, #tpu.memory_space<vmem>>, vector<16xi32>,
      %get3A_457 = arith.constant 64 : index
      %get3A_458 = tpu.vector_load %arg13[%get3A_457] {strides = array<i32>} : memref<128xi32, #tpu.memory_space<vmem>>, vector<16xi32>,
      %get3A_459 = vector.shape_cast %get3A_458 : vector<16xi32> to vector<16xi32>
      %ge3A_460 = arith.constant 0 : i32
      %ge3A_461 = vector.broadcast %ge3A_460 : i32 to vector<16xi32>
      %ge3A_462 = arith.cmpi sge, %get3A_459, %ge3A_461 : vector<16xi32>
      %get3A_463 = arith.constant 32 : index
      %get3A_464 = tpu.vector_load %arg9[%get3A_463] {strides = array<i32>} : memref<64xi32, #tpu.memory_space<vmem>>, vector<16xi32>,
      %get3A_465 = vector.shape_cast %get3A_464 : vector<16xi32> to vector<16xi32>
      %mul3A_466 = arith.constant 2 : i32
      %mul3A_467 = vector.broadcast %mul3A_466 : i32 to vector<16xi32>
      %mul3A_468 = arith.muli %get3A_465, %mul3A_467 : vector<16xi32>
      %jit3A_469 = arith.constant -1 : i32
      %broadcast_in_dim3A_470 = vector.broadcast %jit3A_469 : i32 to vector<16xi32>
      %select_n3A_471 = arith.select %ge3A_462, %mul3A_468, %broadcast_in_dim3A_470 : vector<16xi1>, vector<16xi32>
      %swap3A_472 = arith.constant 64 : index
      %swap3A_473 = tpu.vector_load %arg11[%swap3A_472] {strides = array<i32>} : memref<128xi32, #tpu.memory_space<vmem>>, vector<16xi32>,
      %swap3A_474 = vector.shape_cast %swap3A_473 : vector<16xi32> to vector<16xi32>
      %swap3A_475 = vector.shape_cast %select_n3A_471 : vector<16xi32> to vector<16xi32>
      tpu.vector_store %arg11[%swap3A_472], %swap3A_475 {strides = array<i32>} : memref<128xi32, #tpu.memory_space<vmem>>, vector<16xi32>,
      %add3A_476 = arith.constant 1 : i32
      %add3A_477 = vector.broadcast %add3A_476 : i32 to vector<16xi32>
      %add3A_478 = arith.addi %mul3A_468, %add3A_477 : vector<16xi32>
      %jit3A_479 = arith.constant -1 : i32
      %broadcast_in_dim3A_480 = vector.broadcast %jit3A_479 : i32 to vector<16xi32>
      %select_n3A_481 = arith.select %ge3A_462, %add3A_478, %broadcast_in_dim3A_480 : vector<16xi1>, vector<16xi32>
      %swap3A_482 = arith.constant 80 : index
      %swap3A_483 = tpu.vector_load %arg11[%swap3A_482] {strides = array<i32>} : memref<128xi32, #tpu.memory_space<vmem>>, vector<16xi32>,
      %swap3A_484 = vector.shape_cast %swap3A_483 : vector<16xi32> to vector<16xi32>
      %swap3A_485 = vector.shape_cast %select_n3A_481 : vector<16xi32> to vector<16xi32>
      tpu.vector_store %arg11[%swap3A_482], %swap3A_485 {strides = array<i32>} : memref<128xi32, #tpu.memory_space<vmem>>, vector<16xi32>,
      %get3A_486 = arith.constant 96 : index
      %get3A_487 = tpu.vector_load %arg13[%get3A_486] {strides = array<i32>} : memref<128xi32, #tpu.memory_space<vmem>>, vector<16xi32>,
      %get3A_488 = vector.shape_cast %get3A_487 : vector<16xi32> to vector<16xi32>
      %ge3A_489 = arith.constant 0 : i32
      %ge3A_490 = vector.broadcast %ge3A_489 : i32 to vector<16xi32>
      %ge3A_491 = arith.cmpi sge, %get3A_488, %ge3A_490 : vector<16xi32>
      %get3A_492 = arith.constant 48 : index
      %get3A_493 = tpu.vector_load %arg9[%get3A_492] {strides = array<i32>} : memref<64xi32, #tpu.memory_space<vmem>>, vector<16xi32>,
      %get3A_494 = vector.shape_cast %get3A_493 : vector<16xi32> to vector<16xi32>
      %mul3A_495 = arith.constant 2 : i32
      %mul3A_496 = vector.broadcast %mul3A_495 : i32 to vector<16xi32>
      %mul3A_497 = arith.muli %get3A_494, %mul3A_496 : vector<16xi32>
      %jit3A_498 = arith.constant -1 : i32
      %broadcast_in_dim3A_499 = vector.broadcast %jit3A_498 : i32 to vector<16xi32>
      %select_n3A_500 = arith.select %ge3A_491, %mul3A_497, %broadcast_in_dim3A_499 : vector<16xi1>, vector<16xi32>
      %swap3A_501 = arith.constant 96 : index
      %swap3A_502 = tpu.vector_load %arg11[%swap3A_501] {strides = array<i32>} : memref<128xi32, #tpu.memory_space<vmem>>, vector<16xi32>,
      %swap3A_503 = vector.shape_cast %swap3A_502 : vector<16xi32> to vector<16xi32>
      %swap3A_504 = vector.shape_cast %select_n3A_500 : vector<16xi32> to vector<16xi32>
      tpu.vector_store %arg11[%swap3A_501], %swap3A_504 {strides = array<i32>} : memref<128xi32, #tpu.memory_space<vmem>>, vector<16xi32>,
      %add3A_505 = arith.constant 1 : i32
      %add3A_506 = vector.broadcast %add3A_505 : i32 to vector<16xi32>
      %add3A_507 = arith.addi %mul3A_497, %add3A_506 : vector<16xi32>
      %jit3A_508 = arith.constant -1 : i32
      %broadcast_in_dim3A_509 = vector.broadcast %jit3A_508 : i32 to vector<16xi32>
      %select_n3A_510 = arith.select %ge3A_491, %add3A_507, %broadcast_in_dim3A_509 : vector<16xi1>, vector<16xi32>
      %swap3A_511 = arith.constant 112 : index
      %swap3A_512 = tpu.vector_load %arg11[%swap3A_511] {strides = array<i32>} : memref<128xi32, #tpu.memory_space<vmem>>, vector<16xi32>,
      %swap3A_513 = vector.shape_cast %swap3A_512 : vector<16xi32> to vector<16xi32>
      %swap3A_514 = vector.shape_cast %select_n3A_510 : vector<16xi32> to vector<16xi32>
      tpu.vector_store %arg11[%swap3A_511], %swap3A_514 {strides = array<i32>} : memref<128xi32, #tpu.memory_space<vmem>>, vector<16xi32>,
      %dma_start3A_515 = arith.constant 0 : i32
      %dma_start3A_516 = arith.constant 0 : i32
      %dma_start3A_517 = tpu.memref_slice %arg4[%dma_start3A_515, %dma_start3A_516] : memref<20000x128xf32, #tpu.memory_space<hbm>> -> memref<20000x128xf32, #tpu.memory_space<hbm>>
      %dma_start3A_518 = arith.constant -1 : i32
      tpu.enqueue_indirect_dma source(%dma_start3A_517 : memref<20000x128xf32, #tpu.memory_space<hbm>>) target(%arg15 : memref<128x128xf32, #tpu.memory_space<vmem>>) offsets(%arg11 : memref<128xi32, #tpu.memory_space<vmem>>) offset_filter(%dma_start3A_518) semaphore(%arg17 : memref<!tpu.dma_semaphore, #tpu.memory_space<semaphore_mem>>)
      %dma_wait3A_519 = arith.constant 0 : i32
      %dma_wait3A_520 = arith.constant 0 : i32
      %dma_wait3A_521 = tpu.memref_slice %arg4[%dma_wait3A_519, %dma_wait3A_520] : memref<20000x128xf32, #tpu.memory_space<hbm>> -> memref<20000x128xf32, #tpu.memory_space<hbm>>
      tpu.wait_indirect_dma semaphore(%arg16 : memref<!tpu.dma_semaphore, #tpu.memory_space<semaphore_mem>>) src(%dma_wait3A_521 : memref<20000x128xf32, #tpu.memory_space<hbm>>) dst(%arg14 : memref<128x128xf32, #tpu.memory_space<vmem>>)
      "tpu.region"() ({
        %run_scoped3A = tpu.sem_alloc : memref<!tpu.dma_semaphore, #tpu.memory_space<semaphore_mem>>
        %dma_start3A_782 = arith.constant 0 : i32
        %dma_start3A_783 = arith.constant 0 : i32
        %dma_start3A_784 = tpu.memref_slice %arg7[%dma_start3A_782, %dma_start3A_783] : memref<10112x128xf32, #tpu.memory_space<vmem_shared>> -> memref<10112x128xf32, #tpu.memory_space<vmem_shared>>
        %dma_start3A_785 = arith.constant -1 : i32
        tpu.enqueue_indirect_dma source(%arg14 : memref<128x128xf32, #tpu.memory_space<vmem>>) target(%dma_start3A_784 : memref<10112x128xf32, #tpu.memory_space<vmem_shared>>) offsets(%arg12 : memref<128xi32, #tpu.memory_space<vmem>>) offset_filter(%dma_start3A_785) semaphore(%run_scoped3A : memref<!tpu.dma_semaphore, #tpu.memory_space<semaphore_mem>>) {add = true}
        %dma_wait3A_786 = arith.constant 0 : i32
        %dma_wait3A_787 = arith.constant 0 : i32
        %dma_wait3A_788 = tpu.memref_slice %arg7[%dma_wait3A_786, %dma_wait3A_787] : memref<10112x128xf32, #tpu.memory_space<vmem_shared>> -> memref<10112x128xf32, #tpu.memory_space<vmem_shared>>
        tpu.wait_indirect_dma semaphore(%run_scoped3A : memref<!tpu.dma_semaphore, #tpu.memory_space<semaphore_mem>>) src(%arg14 : memref<128x128xf32, #tpu.memory_space<vmem>>) dst(%dma_wait3A_788 : memref<10112x128xf32, #tpu.memory_space<vmem_shared>>)
        tpu.yield
      }) : () -> ()
      %add3A_522 = arith.constant 1 : i32
      %add3A_523 = arith.addi %add3A_262, %add3A_522 : i32
      %add3A_524 = arith.constant 1 : i32
      %add3A_525 = arith.addi %add3A_523, %add3A_524 : i32
      %min3A_526 = arith.constant 157 : i32
      %min3A_527 = arith.minsi %add3A_525, %min3A_526 : i32
      %mul3A_528 = arith.constant 64 : i32
      %mul3A_529 = arith.muli %min3A_527, %mul3A_528 : i32
      %add3A_530 = arith.addi %mul3A_4, %mul3A_529 : i32
      "tpu.region"() ({
        %run_scoped3A = tpu.sem_alloc : memref<!tpu.dma_semaphore, #tpu.memory_space<semaphore_mem>>
        %dma_start3A_782 = tpu.memref_slice %arg3[%add3A_530] : memref<161792xi32, #tpu.memory_space<hbm>> -> memref<64xi32, #tpu.memory_space<hbm>>
        %dma_start3A_783 = tpu.memref_slice %arg3[%add3A_530] : memref<161792xi32, #tpu.memory_space<hbm>> -> memref<64xi32, #tpu.memory_space<hbm>>
        tpu.enqueue_dma source(%dma_start3A_783 : memref<64xi32, #tpu.memory_space<hbm>>) target(%arg8 : memref<64xi32, #tpu.memory_space<vmem>>) target_semaphore(%run_scoped3A : memref<!tpu.dma_semaphore, #tpu.memory_space<semaphore_mem>>)
        %dma_wait3A_784 = tpu.memref_slice %arg3[%add3A_530] : memref<161792xi32, #tpu.memory_space<hbm>> -> memref<64xi32, #tpu.memory_space<hbm>>
        %dma_wait3A_785 = tpu.memref_slice %arg3[%add3A_530] : memref<161792xi32, #tpu.memory_space<hbm>> -> memref<64xi32, #tpu.memory_space<hbm>>
        tpu.wait_dma2 semaphore(%run_scoped3A : memref<!tpu.dma_semaphore, #tpu.memory_space<semaphore_mem>>) src(%dma_wait3A_785 : memref<64xi32, #tpu.memory_space<hbm>>) dst(%arg8 : memref<64xi32, #tpu.memory_space<vmem>>)
        tpu.yield
      }) : () -> ()
      %get3A_531 = arith.constant 0 : index
      %get3A_532 = tpu.vector_load %arg8[%get3A_531] {strides = array<i32>} : memref<64xi32, #tpu.memory_space<vmem>>, vector<16xi32>,
      %get3A_533 = vector.shape_cast %get3A_532 : vector<16xi32> to vector<16xi32>
      %ge3A_534 = vector.broadcast %mul3A_0 : i32 to vector<16xi32>
      %ge3A_535 = arith.cmpi sge, %get3A_533, %ge3A_534 : vector<16xi32>
      %add3A_536 = arith.constant 5000 : i32
      %add3A_537 = arith.addi %mul3A_0, %add3A_536 : i32
      %lt3A_538 = vector.broadcast %add3A_537 : i32 to vector<16xi32>
      %lt3A_539 = arith.cmpi slt, %get3A_533, %lt3A_538 : vector<16xi32>
      %and3A_540 = arith.andi %ge3A_535, %lt3A_539 : vector<16xi1>
      %sub3A_541 = vector.broadcast %mul3A_0 : i32 to vector<16xi32>
      %sub3A_542 = arith.subi %get3A_533, %sub3A_541 : vector<16xi32>
      %mul3A_543 = arith.constant 2 : i32
      %mul3A_544 = vector.broadcast %mul3A_543 : i32 to vector<16xi32>
      %mul3A_545 = arith.muli %sub3A_542, %mul3A_544 : vector<16xi32>
      %jit3A_546 = arith.constant -1 : i32
      %broadcast_in_dim3A_547 = vector.broadcast %jit3A_546 : i32 to vector<16xi32>
      %select_n3A_548 = arith.select %and3A_540, %mul3A_545, %broadcast_in_dim3A_547 : vector<16xi1>, vector<16xi32>
      %swap3A_549 = arith.constant 0 : index
      %swap3A_550 = tpu.vector_load %arg12[%swap3A_549] {strides = array<i32>} : memref<128xi32, #tpu.memory_space<vmem>>, vector<16xi32>,
      %swap3A_551 = vector.shape_cast %swap3A_550 : vector<16xi32> to vector<16xi32>
      %swap3A_552 = vector.shape_cast %select_n3A_548 : vector<16xi32> to vector<16xi32>
      tpu.vector_store %arg12[%swap3A_549], %swap3A_552 {strides = array<i32>} : memref<128xi32, #tpu.memory_space<vmem>>, vector<16xi32>,
      %add3A_553 = arith.constant 1 : i32
      %add3A_554 = vector.broadcast %add3A_553 : i32 to vector<16xi32>
      %add3A_555 = arith.addi %mul3A_545, %add3A_554 : vector<16xi32>
      %jit3A_556 = arith.constant -1 : i32
      %broadcast_in_dim3A_557 = vector.broadcast %jit3A_556 : i32 to vector<16xi32>
      %select_n3A_558 = arith.select %and3A_540, %add3A_555, %broadcast_in_dim3A_557 : vector<16xi1>, vector<16xi32>
      %swap3A_559 = arith.constant 16 : index
      %swap3A_560 = tpu.vector_load %arg12[%swap3A_559] {strides = array<i32>} : memref<128xi32, #tpu.memory_space<vmem>>, vector<16xi32>,
      %swap3A_561 = vector.shape_cast %swap3A_560 : vector<16xi32> to vector<16xi32>
      %swap3A_562 = vector.shape_cast %select_n3A_558 : vector<16xi32> to vector<16xi32>
      tpu.vector_store %arg12[%swap3A_559], %swap3A_562 {strides = array<i32>} : memref<128xi32, #tpu.memory_space<vmem>>, vector<16xi32>,
      %get3A_563 = arith.constant 16 : index
      %get3A_564 = tpu.vector_load %arg8[%get3A_563] {strides = array<i32>} : memref<64xi32, #tpu.memory_space<vmem>>, vector<16xi32>,
      %get3A_565 = vector.shape_cast %get3A_564 : vector<16xi32> to vector<16xi32>
      %ge3A_566 = vector.broadcast %mul3A_0 : i32 to vector<16xi32>
      %ge3A_567 = arith.cmpi sge, %get3A_565, %ge3A_566 : vector<16xi32>
      %add3A_568 = arith.constant 5000 : i32
      %add3A_569 = arith.addi %mul3A_0, %add3A_568 : i32
      %lt3A_570 = vector.broadcast %add3A_569 : i32 to vector<16xi32>
      %lt3A_571 = arith.cmpi slt, %get3A_565, %lt3A_570 : vector<16xi32>
      %and3A_572 = arith.andi %ge3A_567, %lt3A_571 : vector<16xi1>
      %sub3A_573 = vector.broadcast %mul3A_0 : i32 to vector<16xi32>
      %sub3A_574 = arith.subi %get3A_565, %sub3A_573 : vector<16xi32>
      %mul3A_575 = arith.constant 2 : i32
      %mul3A_576 = vector.broadcast %mul3A_575 : i32 to vector<16xi32>
      %mul3A_577 = arith.muli %sub3A_574, %mul3A_576 : vector<16xi32>
      %jit3A_578 = arith.constant -1 : i32
      %broadcast_in_dim3A_579 = vector.broadcast %jit3A_578 : i32 to vector<16xi32>
      %select_n3A_580 = arith.select %and3A_572, %mul3A_577, %broadcast_in_dim3A_579 : vector<16xi1>, vector<16xi32>
      %swap3A_581 = arith.constant 32 : index
      %swap3A_582 = tpu.vector_load %arg12[%swap3A_581] {strides = array<i32>} : memref<128xi32, #tpu.memory_space<vmem>>, vector<16xi32>,
      %swap3A_583 = vector.shape_cast %swap3A_582 : vector<16xi32> to vector<16xi32>
      %swap3A_584 = vector.shape_cast %select_n3A_580 : vector<16xi32> to vector<16xi32>
      tpu.vector_store %arg12[%swap3A_581], %swap3A_584 {strides = array<i32>} : memref<128xi32, #tpu.memory_space<vmem>>, vector<16xi32>,
      %add3A_585 = arith.constant 1 : i32
      %add3A_586 = vector.broadcast %add3A_585 : i32 to vector<16xi32>
      %add3A_587 = arith.addi %mul3A_577, %add3A_586 : vector<16xi32>
      %jit3A_588 = arith.constant -1 : i32
      %broadcast_in_dim3A_589 = vector.broadcast %jit3A_588 : i32 to vector<16xi32>
      %select_n3A_590 = arith.select %and3A_572, %add3A_587, %broadcast_in_dim3A_589 : vector<16xi1>, vector<16xi32>
      %swap3A_591 = arith.constant 48 : index
      %swap3A_592 = tpu.vector_load %arg12[%swap3A_591] {strides = array<i32>} : memref<128xi32, #tpu.memory_space<vmem>>, vector<16xi32>,
      %swap3A_593 = vector.shape_cast %swap3A_592 : vector<16xi32> to vector<16xi32>
      %swap3A_594 = vector.shape_cast %select_n3A_590 : vector<16xi32> to vector<16xi32>
      tpu.vector_store %arg12[%swap3A_591], %swap3A_594 {strides = array<i32>} : memref<128xi32, #tpu.memory_space<vmem>>, vector<16xi32>,
      %get3A_595 = arith.constant 32 : index
      %get3A_596 = tpu.vector_load %arg8[%get3A_595] {strides = array<i32>} : memref<64xi32, #tpu.memory_space<vmem>>, vector<16xi32>,
      %get3A_597 = vector.shape_cast %get3A_596 : vector<16xi32> to vector<16xi32>
      %ge3A_598 = vector.broadcast %mul3A_0 : i32 to vector<16xi32>
      %ge3A_599 = arith.cmpi sge, %get3A_597, %ge3A_598 : vector<16xi32>
      %add3A_600 = arith.constant 5000 : i32
      %add3A_601 = arith.addi %mul3A_0, %add3A_600 : i32
      %lt3A_602 = vector.broadcast %add3A_601 : i32 to vector<16xi32>
      %lt3A_603 = arith.cmpi slt, %get3A_597, %lt3A_602 : vector<16xi32>
      %and3A_604 = arith.andi %ge3A_599, %lt3A_603 : vector<16xi1>
      %sub3A_605 = vector.broadcast %mul3A_0 : i32 to vector<16xi32>
      %sub3A_606 = arith.subi %get3A_597, %sub3A_605 : vector<16xi32>
      %mul3A_607 = arith.constant 2 : i32
      %mul3A_608 = vector.broadcast %mul3A_607 : i32 to vector<16xi32>
      %mul3A_609 = arith.muli %sub3A_606, %mul3A_608 : vector<16xi32>
      %jit3A_610 = arith.constant -1 : i32
      %broadcast_in_dim3A_611 = vector.broadcast %jit3A_610 : i32 to vector<16xi32>
      %select_n3A_612 = arith.select %and3A_604, %mul3A_609, %broadcast_in_dim3A_611 : vector<16xi1>, vector<16xi32>
      %swap3A_613 = arith.constant 64 : index
      %swap3A_614 = tpu.vector_load %arg12[%swap3A_613] {strides = array<i32>} : memref<128xi32, #tpu.memory_space<vmem>>, vector<16xi32>,
      %swap3A_615 = vector.shape_cast %swap3A_614 : vector<16xi32> to vector<16xi32>
      %swap3A_616 = vector.shape_cast %select_n3A_612 : vector<16xi32> to vector<16xi32>
      tpu.vector_store %arg12[%swap3A_613], %swap3A_616 {strides = array<i32>} : memref<128xi32, #tpu.memory_space<vmem>>, vector<16xi32>,
      %add3A_617 = arith.constant 1 : i32
      %add3A_618 = vector.broadcast %add3A_617 : i32 to vector<16xi32>
      %add3A_619 = arith.addi %mul3A_609, %add3A_618 : vector<16xi32>
      %jit3A_620 = arith.constant -1 : i32
      %broadcast_in_dim3A_621 = vector.broadcast %jit3A_620 : i32 to vector<16xi32>
      %select_n3A_622 = arith.select %and3A_604, %add3A_619, %broadcast_in_dim3A_621 : vector<16xi1>, vector<16xi32>
      %swap3A_623 = arith.constant 80 : index
      %swap3A_624 = tpu.vector_load %arg12[%swap3A_623] {strides = array<i32>} : memref<128xi32, #tpu.memory_space<vmem>>, vector<16xi32>,
      %swap3A_625 = vector.shape_cast %swap3A_624 : vector<16xi32> to vector<16xi32>
      %swap3A_626 = vector.shape_cast %select_n3A_622 : vector<16xi32> to vector<16xi32>
      tpu.vector_store %arg12[%swap3A_623], %swap3A_626 {strides = array<i32>} : memref<128xi32, #tpu.memory_space<vmem>>, vector<16xi32>,
      %get3A_627 = arith.constant 48 : index
      %get3A_628 = tpu.vector_load %arg8[%get3A_627] {strides = array<i32>} : memref<64xi32, #tpu.memory_space<vmem>>, vector<16xi32>,
      %get3A_629 = vector.shape_cast %get3A_628 : vector<16xi32> to vector<16xi32>
      %ge3A_630 = vector.broadcast %mul3A_0 : i32 to vector<16xi32>
      %ge3A_631 = arith.cmpi sge, %get3A_629, %ge3A_630 : vector<16xi32>
      %add3A_632 = arith.constant 5000 : i32
      %add3A_633 = arith.addi %mul3A_0, %add3A_632 : i32
      %lt3A_634 = vector.broadcast %add3A_633 : i32 to vector<16xi32>
      %lt3A_635 = arith.cmpi slt, %get3A_629, %lt3A_634 : vector<16xi32>
      %and3A_636 = arith.andi %ge3A_631, %lt3A_635 : vector<16xi1>
      %sub3A_637 = vector.broadcast %mul3A_0 : i32 to vector<16xi32>
      %sub3A_638 = arith.subi %get3A_629, %sub3A_637 : vector<16xi32>
      %mul3A_639 = arith.constant 2 : i32
      %mul3A_640 = vector.broadcast %mul3A_639 : i32 to vector<16xi32>
      %mul3A_641 = arith.muli %sub3A_638, %mul3A_640 : vector<16xi32>
      %jit3A_642 = arith.constant -1 : i32
      %broadcast_in_dim3A_643 = vector.broadcast %jit3A_642 : i32 to vector<16xi32>
      %select_n3A_644 = arith.select %and3A_636, %mul3A_641, %broadcast_in_dim3A_643 : vector<16xi1>, vector<16xi32>
      %swap3A_645 = arith.constant 96 : index
      %swap3A_646 = tpu.vector_load %arg12[%swap3A_645] {strides = array<i32>} : memref<128xi32, #tpu.memory_space<vmem>>, vector<16xi32>,
      %swap3A_647 = vector.shape_cast %swap3A_646 : vector<16xi32> to vector<16xi32>
      %swap3A_648 = vector.shape_cast %select_n3A_644 : vector<16xi32> to vector<16xi32>
      tpu.vector_store %arg12[%swap3A_645], %swap3A_648 {strides = array<i32>} : memref<128xi32, #tpu.memory_space<vmem>>, vector<16xi32>,
      %add3A_649 = arith.constant 1 : i32
      %add3A_650 = vector.broadcast %add3A_649 : i32 to vector<16xi32>
      %add3A_651 = arith.addi %mul3A_641, %add3A_650 : vector<16xi32>
      %jit3A_652 = arith.constant -1 : i32
      %broadcast_in_dim3A_653 = vector.broadcast %jit3A_652 : i32 to vector<16xi32>
      %select_n3A_654 = arith.select %and3A_636, %add3A_651, %broadcast_in_dim3A_653 : vector<16xi1>, vector<16xi32>
      %swap3A_655 = arith.constant 112 : index
      %swap3A_656 = tpu.vector_load %arg12[%swap3A_655] {strides = array<i32>} : memref<128xi32, #tpu.memory_space<vmem>>, vector<16xi32>,
      %swap3A_657 = vector.shape_cast %swap3A_656 : vector<16xi32> to vector<16xi32>
      %swap3A_658 = vector.shape_cast %select_n3A_654 : vector<16xi32> to vector<16xi32>
      tpu.vector_store %arg12[%swap3A_655], %swap3A_658 {strides = array<i32>} : memref<128xi32, #tpu.memory_space<vmem>>, vector<16xi32>,
      "tpu.region"() ({
        %run_scoped3A = tpu.sem_alloc : memref<!tpu.dma_semaphore, #tpu.memory_space<semaphore_mem>>
        %dma_start3A_782 = tpu.memref_slice %arg2[%add3A_530] : memref<161792xi32, #tpu.memory_space<hbm>> -> memref<64xi32, #tpu.memory_space<hbm>>
        %dma_start3A_783 = tpu.memref_slice %arg2[%add3A_530] : memref<161792xi32, #tpu.memory_space<hbm>> -> memref<64xi32, #tpu.memory_space<hbm>>
        tpu.enqueue_dma source(%dma_start3A_783 : memref<64xi32, #tpu.memory_space<hbm>>) target(%arg8 : memref<64xi32, #tpu.memory_space<vmem>>) target_semaphore(%run_scoped3A : memref<!tpu.dma_semaphore, #tpu.memory_space<semaphore_mem>>)
        %dma_wait3A_784 = tpu.memref_slice %arg2[%add3A_530] : memref<161792xi32, #tpu.memory_space<hbm>> -> memref<64xi32, #tpu.memory_space<hbm>>
        %dma_wait3A_785 = tpu.memref_slice %arg2[%add3A_530] : memref<161792xi32, #tpu.memory_space<hbm>> -> memref<64xi32, #tpu.memory_space<hbm>>
        tpu.wait_dma2 semaphore(%run_scoped3A : memref<!tpu.dma_semaphore, #tpu.memory_space<semaphore_mem>>) src(%dma_wait3A_785 : memref<64xi32, #tpu.memory_space<hbm>>) dst(%arg8 : memref<64xi32, #tpu.memory_space<vmem>>)
        tpu.yield
      }) : () -> ()
      %get3A_659 = arith.constant 0 : index
      %get3A_660 = tpu.vector_load %arg12[%get3A_659] {strides = array<i32>} : memref<128xi32, #tpu.memory_space<vmem>>, vector<16xi32>,
      %get3A_661 = vector.shape_cast %get3A_660 : vector<16xi32> to vector<16xi32>
      %ge3A_662 = arith.constant 0 : i32
      %ge3A_663 = vector.broadcast %ge3A_662 : i32 to vector<16xi32>
      %ge3A_664 = arith.cmpi sge, %get3A_661, %ge3A_663 : vector<16xi32>
      %get3A_665 = arith.constant 0 : index
      %get3A_666 = tpu.vector_load %arg8[%get3A_665] {strides = array<i32>} : memref<64xi32, #tpu.memory_space<vmem>>, vector<16xi32>,
      %get3A_667 = vector.shape_cast %get3A_666 : vector<16xi32> to vector<16xi32>
      %mul3A_668 = arith.constant 2 : i32
      %mul3A_669 = vector.broadcast %mul3A_668 : i32 to vector<16xi32>
      %mul3A_670 = arith.muli %get3A_667, %mul3A_669 : vector<16xi32>
      %jit3A_671 = arith.constant -1 : i32
      %broadcast_in_dim3A_672 = vector.broadcast %jit3A_671 : i32 to vector<16xi32>
      %select_n3A_673 = arith.select %ge3A_664, %mul3A_670, %broadcast_in_dim3A_672 : vector<16xi1>, vector<16xi32>
      %swap3A_674 = arith.constant 0 : index
      %swap3A_675 = tpu.vector_load %arg10[%swap3A_674] {strides = array<i32>} : memref<128xi32, #tpu.memory_space<vmem>>, vector<16xi32>,
      %swap3A_676 = vector.shape_cast %swap3A_675 : vector<16xi32> to vector<16xi32>
      %swap3A_677 = vector.shape_cast %select_n3A_673 : vector<16xi32> to vector<16xi32>
      tpu.vector_store %arg10[%swap3A_674], %swap3A_677 {strides = array<i32>} : memref<128xi32, #tpu.memory_space<vmem>>, vector<16xi32>,
      %add3A_678 = arith.constant 1 : i32
      %add3A_679 = vector.broadcast %add3A_678 : i32 to vector<16xi32>
      %add3A_680 = arith.addi %mul3A_670, %add3A_679 : vector<16xi32>
      %jit3A_681 = arith.constant -1 : i32
      %broadcast_in_dim3A_682 = vector.broadcast %jit3A_681 : i32 to vector<16xi32>
      %select_n3A_683 = arith.select %ge3A_664, %add3A_680, %broadcast_in_dim3A_682 : vector<16xi1>, vector<16xi32>
      %swap3A_684 = arith.constant 16 : index
      %swap3A_685 = tpu.vector_load %arg10[%swap3A_684] {strides = array<i32>} : memref<128xi32, #tpu.memory_space<vmem>>, vector<16xi32>,
      %swap3A_686 = vector.shape_cast %swap3A_685 : vector<16xi32> to vector<16xi32>
      %swap3A_687 = vector.shape_cast %select_n3A_683 : vector<16xi32> to vector<16xi32>
      tpu.vector_store %arg10[%swap3A_684], %swap3A_687 {strides = array<i32>} : memref<128xi32, #tpu.memory_space<vmem>>, vector<16xi32>,
      %get3A_688 = arith.constant 32 : index
      %get3A_689 = tpu.vector_load %arg12[%get3A_688] {strides = array<i32>} : memref<128xi32, #tpu.memory_space<vmem>>, vector<16xi32>,
      %get3A_690 = vector.shape_cast %get3A_689 : vector<16xi32> to vector<16xi32>
      %ge3A_691 = arith.constant 0 : i32
      %ge3A_692 = vector.broadcast %ge3A_691 : i32 to vector<16xi32>
      %ge3A_693 = arith.cmpi sge, %get3A_690, %ge3A_692 : vector<16xi32>
      %get3A_694 = arith.constant 16 : index
      %get3A_695 = tpu.vector_load %arg8[%get3A_694] {strides = array<i32>} : memref<64xi32, #tpu.memory_space<vmem>>, vector<16xi32>,
      %get3A_696 = vector.shape_cast %get3A_695 : vector<16xi32> to vector<16xi32>
      %mul3A_697 = arith.constant 2 : i32
      %mul3A_698 = vector.broadcast %mul3A_697 : i32 to vector<16xi32>
      %mul3A_699 = arith.muli %get3A_696, %mul3A_698 : vector<16xi32>
      %jit3A_700 = arith.constant -1 : i32
      %broadcast_in_dim3A_701 = vector.broadcast %jit3A_700 : i32 to vector<16xi32>
      %select_n3A_702 = arith.select %ge3A_693, %mul3A_699, %broadcast_in_dim3A_701 : vector<16xi1>, vector<16xi32>
      %swap3A_703 = arith.constant 32 : index
      %swap3A_704 = tpu.vector_load %arg10[%swap3A_703] {strides = array<i32>} : memref<128xi32, #tpu.memory_space<vmem>>, vector<16xi32>,
      %swap3A_705 = vector.shape_cast %swap3A_704 : vector<16xi32> to vector<16xi32>
      %swap3A_706 = vector.shape_cast %select_n3A_702 : vector<16xi32> to vector<16xi32>
      tpu.vector_store %arg10[%swap3A_703], %swap3A_706 {strides = array<i32>} : memref<128xi32, #tpu.memory_space<vmem>>, vector<16xi32>,
      %add3A_707 = arith.constant 1 : i32
      %add3A_708 = vector.broadcast %add3A_707 : i32 to vector<16xi32>
      %add3A_709 = arith.addi %mul3A_699, %add3A_708 : vector<16xi32>
      %jit3A_710 = arith.constant -1 : i32
      %broadcast_in_dim3A_711 = vector.broadcast %jit3A_710 : i32 to vector<16xi32>
      %select_n3A_712 = arith.select %ge3A_693, %add3A_709, %broadcast_in_dim3A_711 : vector<16xi1>, vector<16xi32>
      %swap3A_713 = arith.constant 48 : index
      %swap3A_714 = tpu.vector_load %arg10[%swap3A_713] {strides = array<i32>} : memref<128xi32, #tpu.memory_space<vmem>>, vector<16xi32>,
      %swap3A_715 = vector.shape_cast %swap3A_714 : vector<16xi32> to vector<16xi32>
      %swap3A_716 = vector.shape_cast %select_n3A_712 : vector<16xi32> to vector<16xi32>
      tpu.vector_store %arg10[%swap3A_713], %swap3A_716 {strides = array<i32>} : memref<128xi32, #tpu.memory_space<vmem>>, vector<16xi32>,
      %get3A_717 = arith.constant 64 : index
      %get3A_718 = tpu.vector_load %arg12[%get3A_717] {strides = array<i32>} : memref<128xi32, #tpu.memory_space<vmem>>, vector<16xi32>,
      %get3A_719 = vector.shape_cast %get3A_718 : vector<16xi32> to vector<16xi32>
      %ge3A_720 = arith.constant 0 : i32
      %ge3A_721 = vector.broadcast %ge3A_720 : i32 to vector<16xi32>
      %ge3A_722 = arith.cmpi sge, %get3A_719, %ge3A_721 : vector<16xi32>
      %get3A_723 = arith.constant 32 : index
      %get3A_724 = tpu.vector_load %arg8[%get3A_723] {strides = array<i32>} : memref<64xi32, #tpu.memory_space<vmem>>, vector<16xi32>,
      %get3A_725 = vector.shape_cast %get3A_724 : vector<16xi32> to vector<16xi32>
      %mul3A_726 = arith.constant 2 : i32
      %mul3A_727 = vector.broadcast %mul3A_726 : i32 to vector<16xi32>
      %mul3A_728 = arith.muli %get3A_725, %mul3A_727 : vector<16xi32>
      %jit3A_729 = arith.constant -1 : i32
      %broadcast_in_dim3A_730 = vector.broadcast %jit3A_729 : i32 to vector<16xi32>
      %select_n3A_731 = arith.select %ge3A_722, %mul3A_728, %broadcast_in_dim3A_730 : vector<16xi1>, vector<16xi32>
      %swap3A_732 = arith.constant 64 : index
      %swap3A_733 = tpu.vector_load %arg10[%swap3A_732] {strides = array<i32>} : memref<128xi32, #tpu.memory_space<vmem>>, vector<16xi32>,
      %swap3A_734 = vector.shape_cast %swap3A_733 : vector<16xi32> to vector<16xi32>
      %swap3A_735 = vector.shape_cast %select_n3A_731 : vector<16xi32> to vector<16xi32>
      tpu.vector_store %arg10[%swap3A_732], %swap3A_735 {strides = array<i32>} : memref<128xi32, #tpu.memory_space<vmem>>, vector<16xi32>,
      %add3A_736 = arith.constant 1 : i32
      %add3A_737 = vector.broadcast %add3A_736 : i32 to vector<16xi32>
      %add3A_738 = arith.addi %mul3A_728, %add3A_737 : vector<16xi32>
      %jit3A_739 = arith.constant -1 : i32
      %broadcast_in_dim3A_740 = vector.broadcast %jit3A_739 : i32 to vector<16xi32>
      %select_n3A_741 = arith.select %ge3A_722, %add3A_738, %broadcast_in_dim3A_740 : vector<16xi1>, vector<16xi32>
      %swap3A_742 = arith.constant 80 : index
      %swap3A_743 = tpu.vector_load %arg10[%swap3A_742] {strides = array<i32>} : memref<128xi32, #tpu.memory_space<vmem>>, vector<16xi32>,
      %swap3A_744 = vector.shape_cast %swap3A_743 : vector<16xi32> to vector<16xi32>
      %swap3A_745 = vector.shape_cast %select_n3A_741 : vector<16xi32> to vector<16xi32>
      tpu.vector_store %arg10[%swap3A_742], %swap3A_745 {strides = array<i32>} : memref<128xi32, #tpu.memory_space<vmem>>, vector<16xi32>,
      %get3A_746 = arith.constant 96 : index
      %get3A_747 = tpu.vector_load %arg12[%get3A_746] {strides = array<i32>} : memref<128xi32, #tpu.memory_space<vmem>>, vector<16xi32>,
      %get3A_748 = vector.shape_cast %get3A_747 : vector<16xi32> to vector<16xi32>
      %ge3A_749 = arith.constant 0 : i32
      %ge3A_750 = vector.broadcast %ge3A_749 : i32 to vector<16xi32>
      %ge3A_751 = arith.cmpi sge, %get3A_748, %ge3A_750 : vector<16xi32>
      %get3A_752 = arith.constant 48 : index
      %get3A_753 = tpu.vector_load %arg8[%get3A_752] {strides = array<i32>} : memref<64xi32, #tpu.memory_space<vmem>>, vector<16xi32>,
      %get3A_754 = vector.shape_cast %get3A_753 : vector<16xi32> to vector<16xi32>
      %mul3A_755 = arith.constant 2 : i32
      %mul3A_756 = vector.broadcast %mul3A_755 : i32 to vector<16xi32>
      %mul3A_757 = arith.muli %get3A_754, %mul3A_756 : vector<16xi32>
      %jit3A_758 = arith.constant -1 : i32
      %broadcast_in_dim3A_759 = vector.broadcast %jit3A_758 : i32 to vector<16xi32>
      %select_n3A_760 = arith.select %ge3A_751, %mul3A_757, %broadcast_in_dim3A_759 : vector<16xi1>, vector<16xi32>
      %swap3A_761 = arith.constant 96 : index
      %swap3A_762 = tpu.vector_load %arg10[%swap3A_761] {strides = array<i32>} : memref<128xi32, #tpu.memory_space<vmem>>, vector<16xi32>,
      %swap3A_763 = vector.shape_cast %swap3A_762 : vector<16xi32> to vector<16xi32>
      %swap3A_764 = vector.shape_cast %select_n3A_760 : vector<16xi32> to vector<16xi32>
      tpu.vector_store %arg10[%swap3A_761], %swap3A_764 {strides = array<i32>} : memref<128xi32, #tpu.memory_space<vmem>>, vector<16xi32>,
      %add3A_765 = arith.constant 1 : i32
      %add3A_766 = vector.broadcast %add3A_765 : i32 to vector<16xi32>
      %add3A_767 = arith.addi %mul3A_757, %add3A_766 : vector<16xi32>
      %jit3A_768 = arith.constant -1 : i32
      %broadcast_in_dim3A_769 = vector.broadcast %jit3A_768 : i32 to vector<16xi32>
      %select_n3A_770 = arith.select %ge3A_751, %add3A_767, %broadcast_in_dim3A_769 : vector<16xi1>, vector<16xi32>
      %swap3A_771 = arith.constant 112 : index
      %swap3A_772 = tpu.vector_load %arg10[%swap3A_771] {strides = array<i32>} : memref<128xi32, #tpu.memory_space<vmem>>, vector<16xi32>,
      %swap3A_773 = vector.shape_cast %swap3A_772 : vector<16xi32> to vector<16xi32>
      %swap3A_774 = vector.shape_cast %select_n3A_770 : vector<16xi32> to vector<16xi32>
      tpu.vector_store %arg10[%swap3A_771], %swap3A_774 {strides = array<i32>} : memref<128xi32, #tpu.memory_space<vmem>>, vector<16xi32>,
      %dma_start3A_775 = arith.constant 0 : i32
      %dma_start3A_776 = arith.constant 0 : i32
      %dma_start3A_777 = tpu.memref_slice %arg4[%dma_start3A_775, %dma_start3A_776] : memref<20000x128xf32, #tpu.memory_space<hbm>> -> memref<20000x128xf32, #tpu.memory_space<hbm>>
      %dma_start3A_778 = arith.constant -1 : i32
      tpu.enqueue_indirect_dma source(%dma_start3A_777 : memref<20000x128xf32, #tpu.memory_space<hbm>>) target(%arg14 : memref<128x128xf32, #tpu.memory_space<vmem>>) offsets(%arg10 : memref<128xi32, #tpu.memory_space<vmem>>) offset_filter(%dma_start3A_778) semaphore(%arg16 : memref<!tpu.dma_semaphore, #tpu.memory_space<semaphore_mem>>)
      %dma_wait3A_779 = arith.constant 0 : i32
      %dma_wait3A_780 = arith.constant 0 : i32
      %dma_wait3A_781 = tpu.memref_slice %arg4[%dma_wait3A_779, %dma_wait3A_780] : memref<20000x128xf32, #tpu.memory_space<hbm>> -> memref<20000x128xf32, #tpu.memory_space<hbm>>
      tpu.wait_indirect_dma semaphore(%arg17 : memref<!tpu.dma_semaphore, #tpu.memory_space<semaphore_mem>>) src(%dma_wait3A_781 : memref<20000x128xf32, #tpu.memory_space<hbm>>) dst(%arg15 : memref<128x128xf32, #tpu.memory_space<vmem>>)
      "tpu.region"() ({
        %run_scoped3A = tpu.sem_alloc : memref<!tpu.dma_semaphore, #tpu.memory_space<semaphore_mem>>
        %dma_start3A_782 = arith.constant 0 : i32
        %dma_start3A_783 = arith.constant 0 : i32
        %dma_start3A_784 = tpu.memref_slice %arg7[%dma_start3A_782, %dma_start3A_783] : memref<10112x128xf32, #tpu.memory_space<vmem_shared>> -> memref<10112x128xf32, #tpu.memory_space<vmem_shared>>
        %dma_start3A_785 = arith.constant -1 : i32
        tpu.enqueue_indirect_dma source(%arg15 : memref<128x128xf32, #tpu.memory_space<vmem>>) target(%dma_start3A_784 : memref<10112x128xf32, #tpu.memory_space<vmem_shared>>) offsets(%arg13 : memref<128xi32, #tpu.memory_space<vmem>>) offset_filter(%dma_start3A_785) semaphore(%run_scoped3A : memref<!tpu.dma_semaphore, #tpu.memory_space<semaphore_mem>>) {add = true}
        %dma_wait3A_786 = arith.constant 0 : i32
        %dma_wait3A_787 = arith.constant 0 : i32
        %dma_wait3A_788 = tpu.memref_slice %arg7[%dma_wait3A_786, %dma_wait3A_787] : memref<10112x128xf32, #tpu.memory_space<vmem_shared>> -> memref<10112x128xf32, #tpu.memory_space<vmem_shared>>
        tpu.wait_indirect_dma semaphore(%run_scoped3A : memref<!tpu.dma_semaphore, #tpu.memory_space<semaphore_mem>>) src(%arg15 : memref<128x128xf32, #tpu.memory_space<vmem>>) dst(%dma_wait3A_788 : memref<10112x128xf32, #tpu.memory_space<vmem_shared>>)
        tpu.yield
      }) : () -> ()
    }
    %scan3A_247 = arith.constant 79 : i32
    %dma_wait3A = arith.constant 0 : i32
    %dma_wait3A_248 = arith.constant 0 : i32
    %dma_wait3A_249 = tpu.memref_slice %arg4[%dma_wait3A, %dma_wait3A_248] : memref<20000x128xf32, #tpu.memory_space<hbm>> -> memref<20000x128xf32, #tpu.memory_space<hbm>>
    tpu.wait_indirect_dma semaphore(%arg16 : memref<!tpu.dma_semaphore, #tpu.memory_space<semaphore_mem>>) src(%dma_wait3A_249 : memref<20000x128xf32, #tpu.memory_space<hbm>>) dst(%arg14 : memref<128x128xf32, #tpu.memory_space<vmem>>)
    %barrier3A_250 = arith.constant 0 : index
    tpu.barrier barrier_id(%barrier3A_250)
    %lt3A_251 = arith.constant 15 : i32
    %lt3A_252 = arith.cmpi slt, %arg1, %lt3A_251 : i32
    %convert_element_type3A = arith.extui %lt3A_252 : i1 to i32
    %cond3A = arith.constant 0 : i32
    %cond3A_253 = arith.cmpi ne, %convert_element_type3A, %cond3A : i32
    scf.if %cond3A_253 {
      %mul3A_258 = arith.constant 624 : i32
      %mul3A_259 = arith.muli %arg1, %mul3A_258 : i32
      %mul3A_260 = arith.constant 10000 : i32
      %mul3A_261 = arith.muli %arg0, %mul3A_260 : i32
      %mul3A_262 = arith.constant 624 : i32
      %mul3A_263 = arith.muli %arg1, %mul3A_262 : i32
      %add3A_264 = arith.addi %mul3A_261, %mul3A_263 : i32
      "tpu.region"() ({
        %run_scoped3A = tpu.sem_alloc : memref<!tpu.dma_semaphore, #tpu.memory_space<semaphore_mem>>
        %dma_start3A_265 = arith.constant 0 : i32
        %dma_start3A_266 = tpu.memref_slice %arg6[%add3A_264, %dma_start3A_265] : memref<20000x128xf32, #tpu.memory_space<hbm>> -> memref<624x128xf32, #tpu.memory_space<hbm>>
        %dma_start3A_267 = arith.constant 0 : i32
        %dma_start3A_268 = tpu.memref_slice %arg7[%mul3A_259, %dma_start3A_267] : memref<10112x128xf32, #tpu.memory_space<vmem_shared>> -> memref<624x128xf32, #tpu.memory_space<vmem_shared>>
        tpu.enqueue_dma source(%dma_start3A_268 : memref<624x128xf32, #tpu.memory_space<vmem_shared>>) target(%dma_start3A_266 : memref<624x128xf32, #tpu.memory_space<hbm>>) target_semaphore(%run_scoped3A : memref<!tpu.dma_semaphore, #tpu.memory_space<semaphore_mem>>)
        %dma_wait3A_269 = arith.constant 0 : i32
        %dma_wait3A_270 = tpu.memref_slice %arg6[%add3A_264, %dma_wait3A_269] : memref<20000x128xf32, #tpu.memory_space<hbm>> -> memref<624x128xf32, #tpu.memory_space<hbm>>
        %dma_wait3A_271 = arith.constant 0 : i32
        %dma_wait3A_272 = tpu.memref_slice %arg7[%mul3A_259, %dma_wait3A_271] : memref<10112x128xf32, #tpu.memory_space<vmem_shared>> -> memref<624x128xf32, #tpu.memory_space<vmem_shared>>
        tpu.wait_dma2 semaphore(%run_scoped3A : memref<!tpu.dma_semaphore, #tpu.memory_space<semaphore_mem>>) src(%dma_wait3A_272 : memref<624x128xf32, #tpu.memory_space<vmem_shared>>) dst(%dma_wait3A_270 : memref<624x128xf32, #tpu.memory_space<hbm>>)
        tpu.yield
      }) : () -> ()
    } else {
    }
    %eq3A = arith.constant 15 : i32
    %eq3A_254 = arith.cmpi eq, %arg1, %eq3A : i32
    %convert_element_type3A_255 = arith.extui %eq3A_254 : i1 to i32
    %cond3A_256 = arith.constant 0 : i32
    %cond3A_257 = arith.cmpi ne, %convert_element_type3A_255, %cond3A_256 : i32
    scf.if %cond3A_257 {
      %mul3A_258 = arith.constant 10000 : i32
      %mul3A_259 = arith.muli %arg0, %mul3A_258 : i32
      %add3A_260 = arith.constant 9360 : i32
      %add3A_261 = arith.addi %mul3A_259, %add3A_260 : i32
      "tpu.region"() ({
        %run_scoped3A = tpu.sem_alloc : memref<!tpu.dma_semaphore, #tpu.memory_space<semaphore_mem>>
        %dma_start3A_262 = arith.constant 0 : i32
        %dma_start3A_263 = tpu.memref_slice %arg6[%add3A_261, %dma_start3A_262] : memref<20000x128xf32, #tpu.memory_space<hbm>> -> memref<640x128xf32, #tpu.memory_space<hbm>>
        %dma_start3A_264 = arith.constant 9360 : i32
        %dma_start3A_265 = arith.constant 0 : i32
        %dma_start3A_266 = tpu.memref_slice %arg7[%dma_start3A_264, %dma_start3A_265] : memref<10112x128xf32, #tpu.memory_space<vmem_shared>> -> memref<640x128xf32, #tpu.memory_space<vmem_shared>>
        tpu.enqueue_dma source(%dma_start3A_266 : memref<640x128xf32, #tpu.memory_space<vmem_shared>>) target(%dma_start3A_263 : memref<640x128xf32, #tpu.memory_space<hbm>>) target_semaphore(%run_scoped3A : memref<!tpu.dma_semaphore, #tpu.memory_space<semaphore_mem>>)
        %dma_wait3A_267 = arith.constant 0 : i32
        %dma_wait3A_268 = tpu.memref_slice %arg6[%add3A_261, %dma_wait3A_267] : memref<20000x128xf32, #tpu.memory_space<hbm>> -> memref<640x128xf32, #tpu.memory_space<hbm>>
        %dma_wait3A_269 = arith.constant 9360 : i32
        %dma_wait3A_270 = arith.constant 0 : i32
        %dma_wait3A_271 = tpu.memref_slice %arg7[%dma_wait3A_269, %dma_wait3A_270] : memref<10112x128xf32, #tpu.memory_space<vmem_shared>> -> memref<640x128xf32, #tpu.memory_space<vmem_shared>>
        tpu.wait_dma2 semaphore(%run_scoped3A : memref<!tpu.dma_semaphore, #tpu.memory_space<semaphore_mem>>) src(%dma_wait3A_271 : memref<640x128xf32, #tpu.memory_space<vmem_shared>>) dst(%dma_wait3A_268 : memref<640x128xf32, #tpu.memory_space<hbm>>)
        tpu.yield
      }) : () -> ()
    } else {
    }
    return
  }
}

module attributes {stable_mosaic.version = 14 : i64} {
  func.func @_tc_pre_body(%arg0: i32, %arg1: memref<2000x1xf32, #tpu.memory_space<vmem>>, %arg2: memref<2000x1xf32, #tpu.memory_space<vmem>>, %arg3: memref<2000x128xf32, #tpu.memory_space<vmem>>, %arg4: memref<1x256xf32, #tpu.memory_space<vmem>>, %arg5: memref<1x256xf32, #tpu.memory_space<vmem>>, %arg6: memref<1x256xf32, #tpu.memory_space<vmem>>, %arg7: memref<256x256xf32, #tpu.memory_space<vmem>>, %arg8: memref<1x256xf32, #tpu.memory_space<vmem>>, %arg9: memref<2000x256xf32, #tpu.memory_space<vmem>>, %arg10: memref<2000x1xf32, #tpu.memory_space<vmem>>) attributes {dimension_semantics = [#tpu.dimension_semantics<arbitrary>], iteration_bounds = array<i64: 5>, scalar_prefetch = 0 : i64, scratch_operands = 0 : i64, tpu.core_type = #tpu.core_type<tc>, window_params = [{transform_indices = @transform_0, window_bounds = array<i64: 2000, 1>}, {transform_indices = @transform_1, window_bounds = array<i64: 2000, 1>}, {transform_indices = @transform_2, window_bounds = array<i64: 2000, 128>}, {pipeline_mode = #tpu.pipeline_mode<synchronous>, transform_indices = @transform_3, window_bounds = array<i64: 1, 256>}, {pipeline_mode = #tpu.pipeline_mode<synchronous>, transform_indices = @transform_4, window_bounds = array<i64: 1, 256>}, {pipeline_mode = #tpu.pipeline_mode<synchronous>, transform_indices = @transform_5, window_bounds = array<i64: 1, 256>}, {pipeline_mode = #tpu.pipeline_mode<synchronous>, transform_indices = @transform_6, window_bounds = array<i64: 256, 256>}, {pipeline_mode = #tpu.pipeline_mode<synchronous>, transform_indices = @transform_7, window_bounds = array<i64: 1, 256>}, {transform_indices = @transform_8, window_bounds = array<i64: 2000, 256>}, {transform_indices = @transform_9, window_bounds = array<i64: 2000, 1>}]} {
    %get3A = arith.constant 0 : index
    %get3A_0 = arith.constant 0 : index
    %get3A_1 = vector.load %arg3[%get3A, %get3A_0] : memref<2000x128xf32, #tpu.memory_space<vmem>>, vector<2000x128xf32>
    %slice3A = vector.extract_strided_slice %get3A_1 {offsets = [0, 0], sizes = [2000, 1], strides = [1, 1]} : vector<2000x128xf32> to vector<2000x1xf32>
    %add3A = arith.constant 2.000000e+00 : f32
    %add3A_2 = vector.broadcast %add3A : f32 to vector<2000x1xf32>
    %add3A_3 = arith.addf %slice3A, %add3A_2 : vector<2000x1xf32>
    %rsqrt3A = math.rsqrt %add3A_3 : vector<2000x1xf32>
    %swap3A = arith.constant 0 : index
    %swap3A_4 = arith.constant 0 : index
    %swap3A_5 = vector.load %arg10[%swap3A, %swap3A_4] : memref<2000x1xf32, #tpu.memory_space<vmem>>, vector<2000x1xf32>
    tpu.vector_store %arg10[%swap3A, %swap3A_4], %rsqrt3A {strides = array<i32>} : memref<2000x1xf32, #tpu.memory_space<vmem>>, vector<2000x1xf32>,
    %get3A_6 = arith.constant 0 : index
    %get3A_7 = arith.constant 0 : index
    %get3A_8 = vector.load %arg1[%get3A_6, %get3A_7] : memref<2000x1xf32, #tpu.memory_space<vmem>>, vector<2000x1xf32>
    %convert_element_type3A = arith.truncf %get3A_8 : vector<2000x1xf32> to vector<2000x1xbf16>
    %convert_element_type3A_9 = arith.extf %convert_element_type3A : vector<2000x1xbf16> to vector<2000x1xf32>
    %get3A_10 = arith.constant 0 : index
    %get3A_11 = arith.constant 0 : index
    %get3A_12 = vector.load %arg4[%get3A_10, %get3A_11] : memref<1x256xf32, #tpu.memory_space<vmem>>, vector<1x256xf32>
    %convert_element_type3A_13 = arith.truncf %get3A_12 : vector<1x256xf32> to vector<1x256xbf16>
    %convert_element_type3A_14 = arith.extf %convert_element_type3A_13 : vector<1x256xbf16> to vector<1x256xf32>
    %mul3A = vector.broadcast %convert_element_type3A_9 : vector<2000x1xf32> to vector<2000x256xf32>
    %mul3A_15 = vector.broadcast %convert_element_type3A_14 : vector<1x256xf32> to vector<2000x256xf32>
    %mul3A_16 = arith.mulf %mul3A, %mul3A_15 : vector<2000x256xf32>
    %get3A_17 = arith.constant 0 : index
    %get3A_18 = arith.constant 0 : index
    %get3A_19 = vector.load %arg2[%get3A_17, %get3A_18] : memref<2000x1xf32, #tpu.memory_space<vmem>>, vector<2000x1xf32>
    %convert_element_type3A_20 = arith.truncf %get3A_19 : vector<2000x1xf32> to vector<2000x1xbf16>
    %convert_element_type3A_21 = arith.extf %convert_element_type3A_20 : vector<2000x1xbf16> to vector<2000x1xf32>
    %get3A_22 = arith.constant 0 : index
    %get3A_23 = arith.constant 0 : index
    %get3A_24 = vector.load %arg5[%get3A_22, %get3A_23] : memref<1x256xf32, #tpu.memory_space<vmem>>, vector<1x256xf32>
    %convert_element_type3A_25 = arith.truncf %get3A_24 : vector<1x256xf32> to vector<1x256xbf16>
    %convert_element_type3A_26 = arith.extf %convert_element_type3A_25 : vector<1x256xbf16> to vector<1x256xf32>
    %mul3A_27 = vector.broadcast %convert_element_type3A_21 : vector<2000x1xf32> to vector<2000x256xf32>
    %mul3A_28 = vector.broadcast %convert_element_type3A_26 : vector<1x256xf32> to vector<2000x256xf32>
    %mul3A_29 = arith.mulf %mul3A_27, %mul3A_28 : vector<2000x256xf32>
    %add3A_30 = arith.addf %mul3A_16, %mul3A_29 : vector<2000x256xf32>
    %get3A_31 = arith.constant 0 : index
    %get3A_32 = arith.constant 0 : index
    %get3A_33 = vector.load %arg6[%get3A_31, %get3A_32] : memref<1x256xf32, #tpu.memory_space<vmem>>, vector<1x256xf32>
    %add3A_34 = vector.broadcast %get3A_33 : vector<1x256xf32> to vector<2000x256xf32>
    %add3A_35 = arith.addf %add3A_30, %add3A_34 : vector<2000x256xf32>
    %get3A_36 = arith.constant 0 : index
    %get3A_37 = arith.constant 0 : index
    %get3A_38 = vector.load %arg7[%get3A_36, %get3A_37] : memref<256x256xf32, #tpu.memory_space<vmem>>, vector<256x256xf32>
    %dot_general3A = arith.constant dense<0.000000e+00> : vector<2000x256xf32>
    %dot_general3A_39 = tpu.matmul %add3A_35, %get3A_38, %dot_general3A {dimension_numbers = #tpu.dot_dimension_numbers<[1], [0], [0], [1], [0, 0, 1, 1], [], []>, transpose_lhs_hint = false} : vector<2000x256xf32>, vector<256x256xf32>, vector<2000x256xf32> -> vector<2000x256xf32>
    %get3A_40 = arith.constant 0 : index
    %get3A_41 = arith.constant 0 : index
    %get3A_42 = vector.load %arg8[%get3A_40, %get3A_41] : memref<1x256xf32, #tpu.memory_space<vmem>>, vector<1x256xf32>
    %add3A_43 = vector.broadcast %get3A_42 : vector<1x256xf32> to vector<2000x256xf32>
    %add3A_44 = arith.addf %dot_general3A_39, %add3A_43 : vector<2000x256xf32>
    %mul3A_45 = vector.broadcast %rsqrt3A : vector<2000x1xf32> to vector<2000x256xf32>
    %mul3A_46 = arith.mulf %mul3A_45, %add3A_44 : vector<2000x256xf32>
    %swap3A_47 = arith.constant 0 : index
    %swap3A_48 = arith.constant 0 : index
    %swap3A_49 = vector.load %arg9[%swap3A_47, %swap3A_48] : memref<2000x256xf32, #tpu.memory_space<vmem>>, vector<2000x256xf32>
    tpu.vector_store %arg9[%swap3A_47, %swap3A_48], %mul3A_46 {strides = array<i32>} : memref<2000x256xf32, #tpu.memory_space<vmem>>, vector<2000x256xf32>,
    return
  }
  func.func @transform_0(%arg0: i32) -> (i32, i32) {
    %c0_i32 = arith.constant 0 : i32
    %c0_i32_0 = arith.constant 0 : i32
    return %arg0, %c0_i32 : i32, i32
  }
  func.func @transform_1(%arg0: i32) -> (i32, i32) {
    %c0_i32 = arith.constant 0 : i32
    %c0_i32_0 = arith.constant 0 : i32
    return %arg0, %c0_i32 : i32, i32
  }
  func.func @transform_2(%arg0: i32) -> (i32, i32) {
    %c0_i32 = arith.constant 0 : i32
    %c0_i32_0 = arith.constant 0 : i32
    return %arg0, %c0_i32 : i32, i32
  }
  func.func @transform_3(%arg0: i32) -> (i32, i32) {
    %c0_i32 = arith.constant 0 : i32
    %c0_i32_0 = arith.constant 0 : i32
    %c0_i32_1 = arith.constant 0 : i32
    return %c0_i32, %c0_i32_0 : i32, i32
  }
  func.func @transform_4(%arg0: i32) -> (i32, i32) {
    %c0_i32 = arith.constant 0 : i32
    %c0_i32_0 = arith.constant 0 : i32
    %c0_i32_1 = arith.constant 0 : i32
    return %c0_i32, %c0_i32_0 : i32, i32
  }
  func.func @transform_5(%arg0: i32) -> (i32, i32) {
    %c0_i32 = arith.constant 0 : i32
    %c0_i32_0 = arith.constant 0 : i32
    %c0_i32_1 = arith.constant 0 : i32
    return %c0_i32, %c0_i32_0 : i32, i32
  }
  func.func @transform_6(%arg0: i32) -> (i32, i32) {
    %c0_i32 = arith.constant 0 : i32
    %c0_i32_0 = arith.constant 0 : i32
    %c0_i32_1 = arith.constant 0 : i32
    return %c0_i32, %c0_i32_0 : i32, i32
  }
  func.func @transform_7(%arg0: i32) -> (i32, i32) {
    %c0_i32 = arith.constant 0 : i32
    %c0_i32_0 = arith.constant 0 : i32
    %c0_i32_1 = arith.constant 0 : i32
    return %c0_i32, %c0_i32_0 : i32, i32
  }
  func.func @transform_8(%arg0: i32) -> (i32, i32) {
    %c0_i32 = arith.constant 0 : i32
    %c0_i32_0 = arith.constant 0 : i32
    return %arg0, %c0_i32 : i32, i32
  }
  func.func @transform_9(%arg0: i32) -> (i32, i32) {
    %c0_i32 = arith.constant 0 : i32
    %c0_i32_0 = arith.constant 0 : i32
    return %arg0, %c0_i32 : i32, i32
  }
}

module attributes {stable_mosaic.version = 14 : i64} {
  func.func @_tc_comb_body(%arg0: i32, %arg1: i32, %arg2: memref<2000x256xf32, #tpu.memory_space<vmem>>, %arg3: memref<2000x256xf32, #tpu.memory_space<vmem>>, %arg4: memref<2000x1xf32, #tpu.memory_space<vmem>>, %arg5: memref<1x256xf32, #tpu.memory_space<vmem>>, %arg6: memref<1x256xf32, #tpu.memory_space<vmem>>, %arg7: memref<256x256xf32, #tpu.memory_space<vmem>>, %arg8: memref<1x256xf32, #tpu.memory_space<vmem>>, %arg9: memref<2000x256xf32, #tpu.memory_space<vmem>>, %arg10: memref<1x256xf32, #tpu.memory_space<vmem>>, %arg11: memref<1x256xf32, #tpu.memory_space<vmem>>) attributes {dimension_semantics = [#tpu.dimension_semantics<arbitrary>, #tpu.dimension_semantics<arbitrary>], iteration_bounds = array<i64: 2, 5>, scalar_prefetch = 0 : i64, scratch_operands = 2 : i64, tpu.core_type = #tpu.core_type<tc>, window_params = [{transform_indices = @transform_0, window_bounds = array<i64: 2000, 256>}, {transform_indices = @transform_1, window_bounds = array<i64: 2000, 256>}, {transform_indices = @transform_2, window_bounds = array<i64: 2000, 1>}, {pipeline_mode = #tpu.pipeline_mode<synchronous>, transform_indices = @transform_3, window_bounds = array<i64: 1, 256>}, {pipeline_mode = #tpu.pipeline_mode<synchronous>, transform_indices = @transform_4, window_bounds = array<i64: 1, 256>}, {pipeline_mode = #tpu.pipeline_mode<synchronous>, transform_indices = @transform_5, window_bounds = array<i64: 256, 256>}, {pipeline_mode = #tpu.pipeline_mode<synchronous>, transform_indices = @transform_6, window_bounds = array<i64: 1, 256>}, {transform_indices = @transform_7, window_bounds = array<i64: 2000, 256>}]} {
    %get3A = arith.constant 0 : index
    %get3A_0 = arith.constant 0 : index
    %get3A_1 = vector.load %arg4[%get3A, %get3A_0] : memref<2000x1xf32, #tpu.memory_space<vmem>>, vector<2000x1xf32>
    %get3A_2 = arith.constant 0 : index
    %get3A_3 = arith.constant 0 : index
    %get3A_4 = vector.load %arg2[%get3A_2, %get3A_3] : memref<2000x256xf32, #tpu.memory_space<vmem>>, vector<2000x256xf32>
    %get3A_5 = arith.constant 0 : index
    %get3A_6 = arith.constant 0 : index
    %get3A_7 = vector.load %arg3[%get3A_5, %get3A_6] : memref<2000x256xf32, #tpu.memory_space<vmem>>, vector<2000x256xf32>
    %add3A = arith.addf %get3A_4, %get3A_7 : vector<2000x256xf32>
    %mul3A = vector.broadcast %get3A_1 : vector<2000x1xf32> to vector<2000x256xf32>
    %mul3A_8 = arith.mulf %mul3A, %add3A : vector<2000x256xf32>
    %eq3A = arith.constant 0 : i32
    %eq3A_9 = arith.cmpi eq, %arg0, %eq3A : i32
    %convert_element_type3A = arith.extui %eq3A_9 : i1 to i32
    %cond3A = arith.constant 0 : i32
    %cond3A_10 = arith.cmpi ne, %convert_element_type3A, %cond3A : i32
    scf.if %cond3A_10 {
      %eq3A_16 = arith.constant 0 : i32
      %eq3A_17 = arith.cmpi eq, %arg1, %eq3A_16 : i32
      %convert_element_type3A_18 = arith.extui %eq3A_17 : i1 to i32
      %cond3A_19 = arith.constant 0 : i32
      %cond3A_20 = arith.cmpi ne, %convert_element_type3A_18, %cond3A_19 : i32
      scf.if %cond3A_20 {
        %broadcast_in_dim3A_39 = arith.constant 0.000000e+00 : f32
        %broadcast_in_dim3A_40 = vector.broadcast %broadcast_in_dim3A_39 : f32 to vector<1x256xf32>
        %swap3A_41 = arith.constant 0 : index
        %swap3A_42 = arith.constant 0 : index
        %swap3A_43 = vector.load %arg10[%swap3A_41, %swap3A_42] : memref<1x256xf32, #tpu.memory_space<vmem>>, vector<1x256xf32>
        tpu.vector_store %arg10[%swap3A_41, %swap3A_42], %broadcast_in_dim3A_40 {strides = array<i32>} : memref<1x256xf32, #tpu.memory_space<vmem>>, vector<1x256xf32>,
        %broadcast_in_dim3A_44 = arith.constant 0.000000e+00 : f32
        %broadcast_in_dim3A_45 = vector.broadcast %broadcast_in_dim3A_44 : f32 to vector<1x256xf32>
        %swap3A_46 = arith.constant 0 : index
        %swap3A_47 = arith.constant 0 : index
        %swap3A_48 = vector.load %arg11[%swap3A_46, %swap3A_47] : memref<1x256xf32, #tpu.memory_space<vmem>>, vector<1x256xf32>
        tpu.vector_store %arg11[%swap3A_46, %swap3A_47], %broadcast_in_dim3A_45 {strides = array<i32>} : memref<1x256xf32, #tpu.memory_space<vmem>>, vector<1x256xf32>,
      } else {
      }
      %get3A_21 = arith.constant 0 : index
      %get3A_22 = arith.constant 0 : index
      %get3A_23 = vector.load %arg10[%get3A_21, %get3A_22] : memref<1x256xf32, #tpu.memory_space<vmem>>, vector<1x256xf32>
      %reduce_sum3A = arith.constant dense<0.000000e+00> : vector<256xf32>
      %reduce_sum3A_24 = vector.multi_reduction <add>, %mul3A_8, %reduce_sum3A [0] : vector<2000x256xf32> to vector<256xf32>
      %broadcast_in_dim3A = vector.shape_cast %reduce_sum3A_24 : vector<256xf32> to vector<1x256xf32>
      %add3A_25 = arith.addf %get3A_23, %broadcast_in_dim3A : vector<1x256xf32>
      %swap3A = arith.constant 0 : index
      %swap3A_26 = arith.constant 0 : index
      %swap3A_27 = vector.load %arg10[%swap3A, %swap3A_26] : memref<1x256xf32, #tpu.memory_space<vmem>>, vector<1x256xf32>
      tpu.vector_store %arg10[%swap3A, %swap3A_26], %add3A_25 {strides = array<i32>} : memref<1x256xf32, #tpu.memory_space<vmem>>, vector<1x256xf32>,
      %get3A_28 = arith.constant 0 : index
      %get3A_29 = arith.constant 0 : index
      %get3A_30 = vector.load %arg11[%get3A_28, %get3A_29] : memref<1x256xf32, #tpu.memory_space<vmem>>, vector<1x256xf32>
      %mul3A_31 = arith.mulf %mul3A_8, %mul3A_8 : vector<2000x256xf32>
      %reduce_sum3A_32 = arith.constant dense<0.000000e+00> : vector<256xf32>
      %reduce_sum3A_33 = vector.multi_reduction <add>, %mul3A_31, %reduce_sum3A_32 [0] : vector<2000x256xf32> to vector<256xf32>
      %broadcast_in_dim3A_34 = vector.shape_cast %reduce_sum3A_33 : vector<256xf32> to vector<1x256xf32>
      %add3A_35 = arith.addf %get3A_30, %broadcast_in_dim3A_34 : vector<1x256xf32>
      %swap3A_36 = arith.constant 0 : index
      %swap3A_37 = arith.constant 0 : index
      %swap3A_38 = vector.load %arg11[%swap3A_36, %swap3A_37] : memref<1x256xf32, #tpu.memory_space<vmem>>, vector<1x256xf32>
      tpu.vector_store %arg11[%swap3A_36, %swap3A_37], %add3A_35 {strides = array<i32>} : memref<1x256xf32, #tpu.memory_space<vmem>>, vector<1x256xf32>,
    } else {
    }
    %eq3A_11 = arith.constant 1 : i32
    %eq3A_12 = arith.cmpi eq, %arg0, %eq3A_11 : i32
    %convert_element_type3A_13 = arith.extui %eq3A_12 : i1 to i32
    %cond3A_14 = arith.constant 0 : i32
    %cond3A_15 = arith.cmpi ne, %convert_element_type3A_13, %cond3A_14 : i32
    scf.if %cond3A_15 {
      %get3A_16 = arith.constant 0 : index
      %get3A_17 = arith.constant 0 : index
      %get3A_18 = vector.load %arg10[%get3A_16, %get3A_17] : memref<1x256xf32, #tpu.memory_space<vmem>>, vector<1x256xf32>
      %div3A = arith.constant 1.000000e+04 : f32
      %div3A_19 = vector.broadcast %div3A : f32 to vector<1x256xf32>
      %div3A_20 = arith.divf %get3A_18, %div3A_19 : vector<1x256xf32>
      %get3A_21 = arith.constant 0 : index
      %get3A_22 = arith.constant 0 : index
      %get3A_23 = vector.load %arg11[%get3A_21, %get3A_22] : memref<1x256xf32, #tpu.memory_space<vmem>>, vector<1x256xf32>
      %div3A_24 = arith.constant 1.000000e+04 : f32
      %div3A_25 = vector.broadcast %div3A_24 : f32 to vector<1x256xf32>
      %div3A_26 = arith.divf %get3A_23, %div3A_25 : vector<1x256xf32>
      %mul3A_27 = arith.mulf %div3A_20, %div3A_20 : vector<1x256xf32>
      %sub3A = arith.subf %div3A_26, %mul3A_27 : vector<1x256xf32>
      %get3A_28 = arith.constant 0 : index
      %get3A_29 = arith.constant 0 : index
      %get3A_30 = vector.load %arg5[%get3A_28, %get3A_29] : memref<1x256xf32, #tpu.memory_space<vmem>>, vector<1x256xf32>
      %sub3A_31 = vector.broadcast %div3A_20 : vector<1x256xf32> to vector<2000x256xf32>
      %sub3A_32 = arith.subf %mul3A_8, %sub3A_31 : vector<2000x256xf32>
      %mul3A_33 = vector.broadcast %get3A_30 : vector<1x256xf32> to vector<2000x256xf32>
      %mul3A_34 = arith.mulf %mul3A_33, %sub3A_32 : vector<2000x256xf32>
      %add3A_35 = arith.constant 9.99999974E-6 : f32
      %add3A_36 = vector.broadcast %add3A_35 : f32 to vector<1x256xf32>
      %add3A_37 = arith.addf %sub3A, %add3A_36 : vector<1x256xf32>
      %rsqrt3A = math.rsqrt %add3A_37 : vector<1x256xf32>
      %mul3A_38 = vector.broadcast %rsqrt3A : vector<1x256xf32> to vector<2000x256xf32>
      %mul3A_39 = arith.mulf %mul3A_34, %mul3A_38 : vector<2000x256xf32>
      %get3A_40 = arith.constant 0 : index
      %get3A_41 = arith.constant 0 : index
      %get3A_42 = vector.load %arg6[%get3A_40, %get3A_41] : memref<1x256xf32, #tpu.memory_space<vmem>>, vector<1x256xf32>
      %add3A_43 = vector.broadcast %get3A_42 : vector<1x256xf32> to vector<2000x256xf32>
      %add3A_44 = arith.addf %mul3A_39, %add3A_43 : vector<2000x256xf32>
      %max3A = arith.constant 0.000000e+00 : f32
      %max3A_45 = vector.broadcast %max3A : f32 to vector<2000x256xf32>
      %max3A_46 = arith.maximumf %add3A_44, %max3A_45 : vector<2000x256xf32>
      %get3A_47 = arith.constant 0 : index
      %get3A_48 = arith.constant 0 : index
      %get3A_49 = vector.load %arg7[%get3A_47, %get3A_48] : memref<256x256xf32, #tpu.memory_space<vmem>>, vector<256x256xf32>
      %dot_general3A = arith.constant dense<0.000000e+00> : vector<2000x256xf32>
      %dot_general3A_50 = tpu.matmul %max3A_46, %get3A_49, %dot_general3A {dimension_numbers = #tpu.dot_dimension_numbers<[1], [0], [0], [1], [0, 0, 1, 1], [], []>, transpose_lhs_hint = false} : vector<2000x256xf32>, vector<256x256xf32>, vector<2000x256xf32> -> vector<2000x256xf32>
      %get3A_51 = arith.constant 0 : index
      %get3A_52 = arith.constant 0 : index
      %get3A_53 = vector.load %arg8[%get3A_51, %get3A_52] : memref<1x256xf32, #tpu.memory_space<vmem>>, vector<1x256xf32>
      %add3A_54 = vector.broadcast %get3A_53 : vector<1x256xf32> to vector<2000x256xf32>
      %add3A_55 = arith.addf %dot_general3A_50, %add3A_54 : vector<2000x256xf32>
      %mul3A_56 = vector.broadcast %get3A_1 : vector<2000x1xf32> to vector<2000x256xf32>
      %mul3A_57 = arith.mulf %mul3A_56, %add3A_55 : vector<2000x256xf32>
      %swap3A = arith.constant 0 : index
      %swap3A_58 = arith.constant 0 : index
      %swap3A_59 = vector.load %arg9[%swap3A, %swap3A_58] : memref<2000x256xf32, #tpu.memory_space<vmem>>, vector<2000x256xf32>
      tpu.vector_store %arg9[%swap3A, %swap3A_58], %mul3A_57 {strides = array<i32>} : memref<2000x256xf32, #tpu.memory_space<vmem>>, vector<2000x256xf32>,
    } else {
    }
    return
  }
  func.func @transform_0(%arg0: i32, %arg1: i32) -> (i32, i32) {
    %c0_i32 = arith.constant 0 : i32
    %c0_i32_0 = arith.constant 0 : i32
    return %arg1, %c0_i32 : i32, i32
  }
  func.func @transform_1(%arg0: i32, %arg1: i32) -> (i32, i32) {
    %c0_i32 = arith.constant 0 : i32
    %c0_i32_0 = arith.constant 0 : i32
    return %arg1, %c0_i32 : i32, i32
  }
  func.func @transform_2(%arg0: i32, %arg1: i32) -> (i32, i32) {
    %c0_i32 = arith.constant 0 : i32
    %c0_i32_0 = arith.constant 0 : i32
    return %arg1, %c0_i32 : i32, i32
  }
  func.func @transform_3(%arg0: i32, %arg1: i32) -> (i32, i32) {
    %c0_i32 = arith.constant 0 : i32
    %c0_i32_0 = arith.constant 0 : i32
    %c0_i32_1 = arith.constant 0 : i32
    return %c0_i32, %c0_i32_0 : i32, i32
  }
  func.func @transform_4(%arg0: i32, %arg1: i32) -> (i32, i32) {
    %c0_i32 = arith.constant 0 : i32
    %c0_i32_0 = arith.constant 0 : i32
    %c0_i32_1 = arith.constant 0 : i32
    return %c0_i32, %c0_i32_0 : i32, i32
  }
  func.func @transform_5(%arg0: i32, %arg1: i32) -> (i32, i32) {
    %c0_i32 = arith.constant 0 : i32
    %c0_i32_0 = arith.constant 0 : i32
    %c0_i32_1 = arith.constant 0 : i32
    return %c0_i32, %c0_i32_0 : i32, i32
  }
  func.func @transform_6(%arg0: i32, %arg1: i32) -> (i32, i32) {
    %c0_i32 = arith.constant 0 : i32
    %c0_i32_0 = arith.constant 0 : i32
    %c0_i32_1 = arith.constant 0 : i32
    return %c0_i32, %c0_i32_0 : i32, i32
  }
  func.func @transform_7(%arg0: i32, %arg1: i32) -> (i32, i32) {
    %c0_i32 = arith.constant 0 : i32
    %c0_i32_0 = arith.constant 0 : i32
    return %arg1, %c0_i32 : i32, i32
  }
}

module attributes {stable_mosaic.version = 14 : i64} {
  func.func @_tc_fin_body(%arg0: i32, %arg1: i32, %arg2: memref<2000x256xf32, #tpu.memory_space<vmem>>, %arg3: memref<2000x256xf32, #tpu.memory_space<vmem>>, %arg4: memref<2000x1xf32, #tpu.memory_space<vmem>>, %arg5: memref<1x256xf32, #tpu.memory_space<vmem>>, %arg6: memref<1x256xf32, #tpu.memory_space<vmem>>, %arg7: memref<2000x256xf32, #tpu.memory_space<vmem>>, %arg8: memref<1x256xf32, #tpu.memory_space<vmem>>, %arg9: memref<1x256xf32, #tpu.memory_space<vmem>>) attributes {dimension_semantics = [#tpu.dimension_semantics<arbitrary>, #tpu.dimension_semantics<arbitrary>], iteration_bounds = array<i64: 2, 5>, scalar_prefetch = 0 : i64, scratch_operands = 2 : i64, tpu.core_type = #tpu.core_type<tc>, window_params = [{transform_indices = @transform_0, window_bounds = array<i64: 2000, 256>}, {transform_indices = @transform_1, window_bounds = array<i64: 2000, 256>}, {transform_indices = @transform_2, window_bounds = array<i64: 2000, 1>}, {pipeline_mode = #tpu.pipeline_mode<synchronous>, transform_indices = @transform_3, window_bounds = array<i64: 1, 256>}, {pipeline_mode = #tpu.pipeline_mode<synchronous>, transform_indices = @transform_4, window_bounds = array<i64: 1, 256>}, {transform_indices = @transform_5, window_bounds = array<i64: 2000, 256>}]} {
    %get3A = arith.constant 0 : index
    %get3A_0 = arith.constant 0 : index
    %get3A_1 = vector.load %arg4[%get3A, %get3A_0] : memref<2000x1xf32, #tpu.memory_space<vmem>>, vector<2000x1xf32>
    %get3A_2 = arith.constant 0 : index
    %get3A_3 = arith.constant 0 : index
    %get3A_4 = vector.load %arg2[%get3A_2, %get3A_3] : memref<2000x256xf32, #tpu.memory_space<vmem>>, vector<2000x256xf32>
    %get3A_5 = arith.constant 0 : index
    %get3A_6 = arith.constant 0 : index
    %get3A_7 = vector.load %arg3[%get3A_5, %get3A_6] : memref<2000x256xf32, #tpu.memory_space<vmem>>, vector<2000x256xf32>
    %add3A = arith.addf %get3A_4, %get3A_7 : vector<2000x256xf32>
    %mul3A = vector.broadcast %get3A_1 : vector<2000x1xf32> to vector<2000x256xf32>
    %mul3A_8 = arith.mulf %mul3A, %add3A : vector<2000x256xf32>
    %eq3A = arith.constant 0 : i32
    %eq3A_9 = arith.cmpi eq, %arg0, %eq3A : i32
    %convert_element_type3A = arith.extui %eq3A_9 : i1 to i32
    %cond3A = arith.constant 0 : i32
    %cond3A_10 = arith.cmpi ne, %convert_element_type3A, %cond3A : i32
    scf.if %cond3A_10 {
      %eq3A_16 = arith.constant 0 : i32
      %eq3A_17 = arith.cmpi eq, %arg1, %eq3A_16 : i32
      %convert_element_type3A_18 = arith.extui %eq3A_17 : i1 to i32
      %cond3A_19 = arith.constant 0 : i32
      %cond3A_20 = arith.cmpi ne, %convert_element_type3A_18, %cond3A_19 : i32
      scf.if %cond3A_20 {
        %broadcast_in_dim3A_39 = arith.constant 0.000000e+00 : f32
        %broadcast_in_dim3A_40 = vector.broadcast %broadcast_in_dim3A_39 : f32 to vector<1x256xf32>
        %swap3A_41 = arith.constant 0 : index
        %swap3A_42 = arith.constant 0 : index
        %swap3A_43 = vector.load %arg8[%swap3A_41, %swap3A_42] : memref<1x256xf32, #tpu.memory_space<vmem>>, vector<1x256xf32>
        tpu.vector_store %arg8[%swap3A_41, %swap3A_42], %broadcast_in_dim3A_40 {strides = array<i32>} : memref<1x256xf32, #tpu.memory_space<vmem>>, vector<1x256xf32>,
        %broadcast_in_dim3A_44 = arith.constant 0.000000e+00 : f32
        %broadcast_in_dim3A_45 = vector.broadcast %broadcast_in_dim3A_44 : f32 to vector<1x256xf32>
        %swap3A_46 = arith.constant 0 : index
        %swap3A_47 = arith.constant 0 : index
        %swap3A_48 = vector.load %arg9[%swap3A_46, %swap3A_47] : memref<1x256xf32, #tpu.memory_space<vmem>>, vector<1x256xf32>
        tpu.vector_store %arg9[%swap3A_46, %swap3A_47], %broadcast_in_dim3A_45 {strides = array<i32>} : memref<1x256xf32, #tpu.memory_space<vmem>>, vector<1x256xf32>,
      } else {
      }
      %get3A_21 = arith.constant 0 : index
      %get3A_22 = arith.constant 0 : index
      %get3A_23 = vector.load %arg8[%get3A_21, %get3A_22] : memref<1x256xf32, #tpu.memory_space<vmem>>, vector<1x256xf32>
      %reduce_sum3A = arith.constant dense<0.000000e+00> : vector<256xf32>
      %reduce_sum3A_24 = vector.multi_reduction <add>, %mul3A_8, %reduce_sum3A [0] : vector<2000x256xf32> to vector<256xf32>
      %broadcast_in_dim3A = vector.shape_cast %reduce_sum3A_24 : vector<256xf32> to vector<1x256xf32>
      %add3A_25 = arith.addf %get3A_23, %broadcast_in_dim3A : vector<1x256xf32>
      %swap3A = arith.constant 0 : index
      %swap3A_26 = arith.constant 0 : index
      %swap3A_27 = vector.load %arg8[%swap3A, %swap3A_26] : memref<1x256xf32, #tpu.memory_space<vmem>>, vector<1x256xf32>
      tpu.vector_store %arg8[%swap3A, %swap3A_26], %add3A_25 {strides = array<i32>} : memref<1x256xf32, #tpu.memory_space<vmem>>, vector<1x256xf32>,
      %get3A_28 = arith.constant 0 : index
      %get3A_29 = arith.constant 0 : index
      %get3A_30 = vector.load %arg9[%get3A_28, %get3A_29] : memref<1x256xf32, #tpu.memory_space<vmem>>, vector<1x256xf32>
      %mul3A_31 = arith.mulf %mul3A_8, %mul3A_8 : vector<2000x256xf32>
      %reduce_sum3A_32 = arith.constant dense<0.000000e+00> : vector<256xf32>
      %reduce_sum3A_33 = vector.multi_reduction <add>, %mul3A_31, %reduce_sum3A_32 [0] : vector<2000x256xf32> to vector<256xf32>
      %broadcast_in_dim3A_34 = vector.shape_cast %reduce_sum3A_33 : vector<256xf32> to vector<1x256xf32>
      %add3A_35 = arith.addf %get3A_30, %broadcast_in_dim3A_34 : vector<1x256xf32>
      %swap3A_36 = arith.constant 0 : index
      %swap3A_37 = arith.constant 0 : index
      %swap3A_38 = vector.load %arg9[%swap3A_36, %swap3A_37] : memref<1x256xf32, #tpu.memory_space<vmem>>, vector<1x256xf32>
      tpu.vector_store %arg9[%swap3A_36, %swap3A_37], %add3A_35 {strides = array<i32>} : memref<1x256xf32, #tpu.memory_space<vmem>>, vector<1x256xf32>,
    } else {
    }
    %eq3A_11 = arith.constant 1 : i32
    %eq3A_12 = arith.cmpi eq, %arg0, %eq3A_11 : i32
    %convert_element_type3A_13 = arith.extui %eq3A_12 : i1 to i32
    %cond3A_14 = arith.constant 0 : i32
    %cond3A_15 = arith.cmpi ne, %convert_element_type3A_13, %cond3A_14 : i32
    scf.if %cond3A_15 {
      %get3A_16 = arith.constant 0 : index
      %get3A_17 = arith.constant 0 : index
      %get3A_18 = vector.load %arg8[%get3A_16, %get3A_17] : memref<1x256xf32, #tpu.memory_space<vmem>>, vector<1x256xf32>
      %div3A = arith.constant 1.000000e+04 : f32
      %div3A_19 = vector.broadcast %div3A : f32 to vector<1x256xf32>
      %div3A_20 = arith.divf %get3A_18, %div3A_19 : vector<1x256xf32>
      %get3A_21 = arith.constant 0 : index
      %get3A_22 = arith.constant 0 : index
      %get3A_23 = vector.load %arg9[%get3A_21, %get3A_22] : memref<1x256xf32, #tpu.memory_space<vmem>>, vector<1x256xf32>
      %div3A_24 = arith.constant 1.000000e+04 : f32
      %div3A_25 = vector.broadcast %div3A_24 : f32 to vector<1x256xf32>
      %div3A_26 = arith.divf %get3A_23, %div3A_25 : vector<1x256xf32>
      %mul3A_27 = arith.mulf %div3A_20, %div3A_20 : vector<1x256xf32>
      %sub3A = arith.subf %div3A_26, %mul3A_27 : vector<1x256xf32>
      %get3A_28 = arith.constant 0 : index
      %get3A_29 = arith.constant 0 : index
      %get3A_30 = vector.load %arg5[%get3A_28, %get3A_29] : memref<1x256xf32, #tpu.memory_space<vmem>>, vector<1x256xf32>
      %sub3A_31 = vector.broadcast %div3A_20 : vector<1x256xf32> to vector<2000x256xf32>
      %sub3A_32 = arith.subf %mul3A_8, %sub3A_31 : vector<2000x256xf32>
      %mul3A_33 = vector.broadcast %get3A_30 : vector<1x256xf32> to vector<2000x256xf32>
      %mul3A_34 = arith.mulf %mul3A_33, %sub3A_32 : vector<2000x256xf32>
      %add3A_35 = arith.constant 9.99999974E-6 : f32
      %add3A_36 = vector.broadcast %add3A_35 : f32 to vector<1x256xf32>
      %add3A_37 = arith.addf %sub3A, %add3A_36 : vector<1x256xf32>
      %rsqrt3A = math.rsqrt %add3A_37 : vector<1x256xf32>
      %mul3A_38 = vector.broadcast %rsqrt3A : vector<1x256xf32> to vector<2000x256xf32>
      %mul3A_39 = arith.mulf %mul3A_34, %mul3A_38 : vector<2000x256xf32>
      %get3A_40 = arith.constant 0 : index
      %get3A_41 = arith.constant 0 : index
      %get3A_42 = vector.load %arg6[%get3A_40, %get3A_41] : memref<1x256xf32, #tpu.memory_space<vmem>>, vector<1x256xf32>
      %add3A_43 = vector.broadcast %get3A_42 : vector<1x256xf32> to vector<2000x256xf32>
      %add3A_44 = arith.addf %mul3A_39, %add3A_43 : vector<2000x256xf32>
      %swap3A = arith.constant 0 : index
      %swap3A_45 = arith.constant 0 : index
      %swap3A_46 = vector.load %arg7[%swap3A, %swap3A_45] : memref<2000x256xf32, #tpu.memory_space<vmem>>, vector<2000x256xf32>
      tpu.vector_store %arg7[%swap3A, %swap3A_45], %add3A_44 {strides = array<i32>} : memref<2000x256xf32, #tpu.memory_space<vmem>>, vector<2000x256xf32>,
    } else {
    }
    return
  }
  func.func @transform_0(%arg0: i32, %arg1: i32) -> (i32, i32) {
    %c0_i32 = arith.constant 0 : i32
    %c0_i32_0 = arith.constant 0 : i32
    return %arg1, %c0_i32 : i32, i32
  }
  func.func @transform_1(%arg0: i32, %arg1: i32) -> (i32, i32) {
    %c0_i32 = arith.constant 0 : i32
    %c0_i32_0 = arith.constant 0 : i32
    return %arg1, %c0_i32 : i32, i32
  }
  func.func @transform_2(%arg0: i32, %arg1: i32) -> (i32, i32) {
    %c0_i32 = arith.constant 0 : i32
    %c0_i32_0 = arith.constant 0 : i32
    return %arg1, %c0_i32 : i32, i32
  }
  func.func @transform_3(%arg0: i32, %arg1: i32) -> (i32, i32) {
    %c0_i32 = arith.constant 0 : i32
    %c0_i32_0 = arith.constant 0 : i32
    %c0_i32_1 = arith.constant 0 : i32
    return %c0_i32, %c0_i32_0 : i32, i32
  }
  func.func @transform_4(%arg0: i32, %arg1: i32) -> (i32, i32) {
    %c0_i32 = arith.constant 0 : i32
    %c0_i32_0 = arith.constant 0 : i32
    %c0_i32_1 = arith.constant 0 : i32
    return %c0_i32, %c0_i32_0 : i32, i32
  }
  func.func @transform_5(%arg0: i32, %arg1: i32) -> (i32, i32) {
    %c0_i32 = arith.constant 0 : i32
    %c0_i32_0 = arith.constant 0 : i32
    return %arg1, %c0_i32 : i32, i32
  }
}

</mosaic_0001>

<sc_bundles>
// kernel: kernel.10.cloned.1.call-start
scs
__scs_entry_jumppad:
0x0: {  	(pc) =	sbr.rel $0x88, $3  }
0x1: {  	(tag) =	ssettag $0x0;
	lr =	simm.s32 $0x1  }
0x2: {  	[smem:$0x3F90] =	sst lr;
	_ =	strace $0xD0000000  }
0x3: {  	_ = 	snop  }
0x4: {  	_ = 	snop  }
0x5: {  	_ = 	snop  }
0x6: {  	_ = 	snop  }
0x7: {  	_ = 	snop  }
__scs_overlays_trampoline_lowered:
0x8: {  	[smem:$0x3F9F] =	sst s0  }
0x9: {  	[smem:$0x3FA0] =	sst s1  }
0xa: {  	[smem:$0x3FA1] =	sst s2  }
0xb: {  	[smem:$0x3FA2] =	sst s3  }
0xc: {  	[smem:$0x3FA3] =	sst s4  }
0xd: {  	[smem:$0x3FA4] =	sst s5  }
0xe: {  	[smem:$0x3FA5] =	sst s6  }
0xf: {  	[smem:$0x3FA6] =	sst s7  }
0x10: {  	[smem:$0x3FA7] =	sst s8  }
0x11: {  	[smem:$0x3FA8] =	sst s9;
	s0 =	simm.s32 @!p0 $0x0  }
0x12: {  	s1 =	sld [smem:$0x3F8E];
	s0 =	simm.s32 @p0 $0x1  }
0x13: {  	[smem:$0x3FA9] =	sst s0;
	s0 =	simm.s32 @!p1 $0x0  }
0x14: {  	s2 =	sld [smem:$0x3F8D];
	s0 =	simm.s32 @p1 $0x1  }
0x15: {  	[smem:$0x3FAA] =	sst s0;
	s0 =	simm.s32 @!p2 $0x0  }
0x16: {  	s3 =	sld [smem:$0x3FDB];
	s0 =	simm.s32 @p2 $0x1  }
0x17: {  	s4 =	simm.s32 $0x1BF5;
	[smem:$0x3FAC] =	sst s0  }
0x18: {  	s0 =	sld [smem:$0x3F8F];
	_ =	swait.ge [sflag:s4], $0x0  }
0x19: {  	s7 =	sld [smem:$0x3F90]  }
0x1a: {  	s8 =	sadd.s32 $0xFFFFE003, lr  }
0x1b: {  	s9 =	sadd.s32 $0xFFFFFEF7, lr;
	s5 =	simm.s32 $0xFFFFFFFF;
	p2 =	slt.u32 s8, $0xFFFFF086  }
0x1c: {  	p1 =	slt.u32 s9, $0xF7A;
	s5 =	simm.s32 @!p2 $0x0  }
0x1d: {  	s5 =	simm.s32 @p1 $0x1;
	p0 =	seq.s32 s7, s2  }
0x1e: {  	s7 =	smul.u32 @!p0 $0xF7A, s2;
	p2 =	seq.s32 @!p0 s5, $0x0  }
0x1f: {  	s9 =	smul.u32 $0xF7A, s1;
	s8 =	simm.s32 @!p0 $0x1BF5;
	p2 =	por !p2, p0  }
0x20: {  	[sflag:s8] =	ssyncset.s32 @!p0 $0xFFFFF086;
	s6 =	sadd.s32 @!p0 s3, s7;
	s7 =	simm.s32 @!p0 $0x108  }
0x21: {  	s3 =	sadd.s32 s3, s9;
	s6 =	sadd.s32 @!p0 $0x88, s6;
	s7 =	simm.s32 @p2 $0x1082  }
0x22: {  	[simem:s7], [sflag:s8] =	dma.local @!p0 [hbm:s6], $0xF7A  }
0x23: {  	s9 =	sor.u32 $0xD0000000, s2;
	s6 =	simm.s32 $0x108;
	_ =	swait.ge @!p0 [sflag:s8], $0x0  }
0x24: {  	s3 =	sadd.s32 $0x88, s3;
	s6 =	simm.s32 @!p1 $0x1082;
	[sflag:s4] =	ssyncset.s32 $0xFFFFF086  }
0x25: {  	[simem:s6], [sflag:s4] =	dma.local [hbm:s3], $0xF7A  }
0x26: {  	[smem:$0x3F90] =	sst s1;
	(tag) =	ssettag s2;
	_ =	strace s9  }
0x27: {  	s1 =	sld [smem:$0x3FA0]  }
0x28: {  	s2 =	sld [smem:$0x3FA1]  }
0x29: {  	s4 =	sld [smem:$0x3FA3]  }
0x2a: {  	p0 =	seq.s32 s5, $0x0;
	s5 =	sld [smem:$0x3FA4]  }
0x2b: {  	s6 =	sld [smem:$0x3FA5]  }
0x2c: {  	s7 =	sld [smem:$0x3FA6]  }
0x2d: {  	s3 =	simm.s32 $0x108;
	s8 =	sld [smem:$0x3FA7]  }
0x2e: {  	s3 =	simm.s32 @!p0 $0x1082;
	s9 =	sld [smem:$0x3FA8]  }
0x2f: {  	lr =	sadd.s32 s0, s3;
	s0 =	sld [smem:$0x3F9F]  }
0x30: {  	s3 =	sld [smem:$0x3FA2]  }
0x31: {  	[smem:$0x3FAB] =	sst s10  }
0x32: {  	s10 =	sld [smem:$0x3FA9];
	_ =	sdelay $0x3  }
0x33: {  	p0 =	seq.s32 s10, $0x1;
	s10 =	sld [smem:$0x3FAB];
	_ =	sdelay $0x3  }
0x34: {  	[smem:$0x3FAB] =	sst s10  }
0x35: {  	s10 =	sld [smem:$0x3FAA];
	_ =	sdelay $0x3  }
0x36: {  	p1 =	seq.s32 s10, $0x1;
	s10 =	sld [smem:$0x3FAB];
	_ =	sdelay $0x3  }
0x37: {  	[smem:$0x3FAB] =	sst s10  }
0x38: {  	s10 =	sld [smem:$0x3FAC]  }
0x39: {  	_ = 	snop;
	(pc) =	sbr.ind lr, $3  }
0x3a: {  	_ = 	snop  }
0x3b: {  	_ = 	snop  }
0x3c: {  	p2 =	seq.s32 s10, $0x1;
	s10 =	sld [smem:$0x3FAB]  }
0x3d: {  	_ =	shalt  }
0x3e: {  	_ =	shalt  }
0x3f: {  	_ =	shalt  }
0x40: {  	_ =	shalt  }
0x41: {  	_ =	shalt  }
0x42: {  	_ =	shalt  }
0x43: {  	_ =	shalt  }
0x44: {  	_ =	shalt  }
0x45: {  	_ =	shalt  }
0x46: {  	_ =	shalt  }
0x47: {  	_ =	shalt  }
0x48: {  	_ =	shalt  }
0x49: {  	_ =	shalt  }
0x4a: {  	_ =	shalt  }
0x4b: {  	_ =	shalt  }
0x4c: {  	_ =	shalt  }
0x4d: {  	_ =	shalt  }
0x4e: {  	_ =	shalt  }
0x4f: {  	_ =	shalt  }
0x50: {  	_ =	shalt  }
0x51: {  	_ =	shalt  }
0x52: {  	_ =	shalt  }
0x53: {  	_ =	shalt  }
0x54: {  	_ =	shalt  }
0x55: {  	_ =	shalt  }
0x56: {  	_ =	shalt  }
0x57: {  	_ =	shalt  }
0x58: {  	_ =	shalt  }
0x59: {  	_ =	shalt  }
0x5a: {  	_ =	shalt  }
0x5b: {  	_ =	shalt  }
0x5c: {  	_ =	shalt  }
0x5d: {  	_ =	shalt  }
0x5e: {  	_ =	shalt  }
0x5f: {  	_ =	shalt  }
0x60: {  	_ =	shalt  }
0x61: {  	_ =	shalt  }
0x62: {  	_ =	shalt  }
0x63: {  	_ =	shalt  }
0x64: {  	_ =	shalt  }
0x65: {  	_ =	shalt  }
0x66: {  	_ =	shalt  }
0x67: {  	_ =	shalt  }
0x68: {  	_ =	shalt  }
0x69: {  	_ =	shalt  }
0x6a: {  	_ =	shalt  }
0x6b: {  	_ =	shalt  }
0x6c: {  	_ =	shalt  }
0x6d: {  	_ =	shalt  }
0x6e: {  	_ =	shalt  }
0x6f: {  	_ =	shalt  }
0x70: {  	_ =	shalt  }
0x71: {  	_ =	shalt  }
0x72: {  	_ =	shalt  }
0x73: {  	_ =	shalt  }
0x74: {  	_ =	shalt  }
0x75: {  	_ =	shalt  }
0x76: {  	_ =	shalt  }
0x77: {  	_ =	shalt  }
0x78: {  	_ =	shalt  }
0x79: {  	_ =	shalt  }
0x7a: {  	_ =	shalt  }
0x7b: {  	_ =	shalt  }
0x7c: {  	_ =	shalt  }
0x7d: {  	_ =	shalt  }
0x7e: {  	_ =	shalt  }
0x7f: {  	_ =	shalt  }
0x80: {  	_ =	shalt  }
0x81: {  	_ =	shalt  }
0x82: {  	_ =	shalt  }
0x83: {  	_ =	shalt  }
0x84: {  	_ =	shalt  }
0x85: {  	_ =	shalt  }
0x86: {  	_ =	shalt  }
0x87: {  	_ =	shalt  }
.Lfunc_end0:
.L_simem_size_0:
called_computation_lowered:
.L_overlay_start_0:
0x88: {  	s2 =	sld [smem:$0x3FD9]  }
0x89: {  	s3 =	sld [smem:$0x3FFE];
	_ =	sdelay $0x1  }
0x8a: {  	s1 =	srdreg.scid  }
0x8b: {  	s0 =	sand.u32 $0x1, s1  }
0x8c: {  	s17 =	sshll.u32 s0, $0xA;
	s2 =	sadd.s32 s3, s2  }
0x8d: {  	s2 =	sadd.s32 s2, s17  }
0x8e: {  	[smem:$0x3FB7] =	sst s2  }
0x8f: {  	_ = 	snop  }
0x90: {  	s2 =	sld [smem:$0x3FD0];
	(tm) =	ssettm $0x1  }
0x91: {  	s18 =	sld [smem:$0x3FFB];
	_ =	sdelay $0x3  }
0x92: {  	_ =	strace s18  }
0x93: {  	s3 =	sld [smem:$0x3FFC];
	_ =	sdelay $0x3  }
0x94: {  	_ =	strace s3  }
0x95: {  	s3 =	sld [smem:$0x3FFD];
	_ =	sdelay $0x3  }
0x96: {  	_ =	strace s3  }
0x97: {  	_ =	strace $0x8FFFFFFF  }
0x98: {  	s19 =	sld [smem:$0x3FDB];
	_ =	sdelay $0x1  }
0x99: {  	s4 =	simm.s32 $_scs_section_size  }
0x9a: {  	s5 =	simm.s32 $_size__tile_overlayer_lowered;
	s6 =	simm.s32 $_tile_overlayer_lowered  }
0x9b: {  	s22 =	simm.s32 $0x1BFF;
	s21 =	sshll.u32 s6, $0x1;
	s3 =	sadd.s32 s4, s19  }
0x9c: {  	s7 =	simm.s32 $0x0;
	s20 =	sshll.u32 s5, $0x1;
	s5 =	sadd.s32 s21, s3  }
0x9d: {  	[timem:s7], [sflag:s22] =	dma.local [hbm:s5], s20  }
0x9e: {  	_ =	swait.ge [sflag:s22], s20  }
0x9f: {  	s4 =	ssub.s32 $0x0, s20;
	[sflag:s22] =	ssyncset.done $0x0  }
0xa0: {  	[sflag:s22] =	ssyncadd.s32 s4;
	_ =	sdelay $0x1  }
0xa1: {  	s23 =	simm.s32 $0x1B8B  }
0xa2: {  	_ =	swait.ge [sflag:s23], $0x1  }
0xa3: {  	[sflag:s23] =	ssyncset.done $0x0  }
0xa4: {  	s25 =	simm.s32 $0x1B8E;
	s24 =	sld [smem:$0x3FFE];
	[sflag:s23] =	ssyncadd.s32 $0xFFFFFFFF  }
0xa5: {  	s26 =	simm.s32 $execute0_lowered;
	[smem:$0x3FD2] =	sst s25  }
0xa6: {  	s5 =	sshll.u32 s26, $0x1;
	_ =	strace $0x80000046;
	[dreg:$0x1] =	wrdreg $0xFFFFFFFF  }
0xa7: {  	s28 =	simm.s32 $_size_execute0_lowered;
	s3 =	sadd.s32 s3, s5;
	[dreg:$0x0] =	wrdreg $0x0  }
0xa8: {  	s5 =	sshll.u32 s28, $0x1;
	[dreg:$0x2] =	wrdreg s3  }
0xa9: {  	[dreg:$0x3] =	wrdreg s5  }
0xaa: {  	[dreg:$0x4] =	wrdreg $0xC0  }
0xab: {  	_ =	task [dreg:s7], $0x5FFFF  }
0xac: {  	[dreg:$0x1] =	wrdreg $0xFFFFFFFF  }
0xad: {  	[dreg:$0x0] =	wrdreg $0x60  }
0xae: {  	[dreg:$0x2] =	wrdreg s24  }
0xaf: {  	[dreg:$0x3] =	wrdreg s2  }
0xb0: {  	[dreg:$0x4] =	wrdreg $0x0  }
0xb1: {  	[dreg:$0x5] =	wrdreg $0x9  }
0xb2: {  	_ =	task.clear_ibuf [dreg:s7], $0x6FFFF;
	_ =	strace $0x90000046  }
0xb3: {  	s29 =	simm.s32 $0x9;
	_ =	strace $0x80000048  }
0xb4: {  	_ =	swait.ge [sflag:s29], $0x1  }
0xb5: {  	[sflag:s29] =	ssyncadd.s32 $0xFFFFFFFF  }
0xb6: {  	_ =	strace $0x90000048  }
0xb7: {  	_ =	sfence  }
0xb8: {  	s30 =	sld [smem:$0x0];
	_ =	sdelay $0x2  }
0xb9: {  	s31 =	sshll.u32 s1, $0xD;
	s1 =	sshrl.u32 s1, $0x2  }
0xba: {  	s3 =	sand.u32 $0x4000, s31;
	s1 =	sadd.s32 s1, s30  }
0xbb: {  	s0 =	sor.u32 s3, s0;
	s1 =	sshll.u32 s1, $0x11  }
0xbc: {  	s0 =	sor.u32 s1, s0  }
0xbd: {  	s0 =	sadd.s32 $0x8F2B, s0  }
0xbe: {  	[sflag:s0] =	ssyncadd.remote.s32 $0x1  }
0xbf: {  	_ =	sfence.sel $0xFFFF  }
0xc0: {  	[dreg:$0x0] =	wrdreg $0xFFFFFFFF;
	(pc) =	sbr.abs _section_cstart, $3  }
0xc1: {  	[dreg:$0x1] =	wrdreg $0xFFFFFFFF  }
0xc2: {  	_ =	task.clear_ibuf [dreg:s7], $0x2FFFF;
	_ =	strace $0x9FFFFFFF  }
0xc3: {  	(tm) =	ssettm $0x7FFFFFFF  }
tec
execute0_lowered:
.L_overlay_start_1:
0x0: {  	(tag) =	ssettag $0x1  }
0x1: {  	s5 =	rddreg [dreg:$0x0]  }
0x2: {  	s8 =	rddreg [dreg:$0x1]  }
0x3: {  	s2 =	rddreg [dreg:$0x2]  }
0x4: {  	s0 =	rddreg [dreg:$0x3];
	s1 =	stileid.u32  }
0x5: {  	s3 =	simm.s32 $0x0;
	s6 =	srdreg.scid;
	s4 =	smul.u32 $0x4F0, s1  }
0x6: {  	s15 =	simm.s32 $0x80;
	[smem:$0x7FF] =	sst s3;
	s11 =	smul.u32 $0x28000, s1  }
0x7: {  	s7 =	sand.u32 $0x1, s6;
	s12 =	smul.u32 $0x27000, s1;
	s26 =	sshll.u32 s1, $0x6  }
0x8: {  	s13 =	smul.u32 $0x138, s1;
	s19 =	sadd.s32 $0x92400, s2;
	p0 =	seq.s32 s1, $0xF  }
0x9: {  	_ =	strace $0x80000047;
	s6 =	ssub.s32 $0x2, s7;
	s16 =	smul.u32 $0x1388, s7  }
0xa: {  	s7 =	smul.u32 $0x9C400, s7;
	s10 =	sadd.s32 s4, s5;
	s4 =	sadd.s32 $0x8A00, s5  }
0xb: {  	s9 =	sshrl.u32 s6, $0x1;
	s5 =	sadd.s32 $0x8200, s5;
	s25 =	sshrl.u32 s11, $0x2  }
0xc: {  	s28 =	sshrl.u32 s12, $0x2;
	s12 =	simm.s32 $0x1;
	s9 =	ssub.s32 s6, s9  }
0xd: {  	s14 =	sadd.s32 s25, s2;
	s6 =	sor.u32 $0x1C01, s26;
	s17 =	sadd.s32 $0x1388, s16  }
0xe: {  	s29 =	sadd.s32 s13, s16;
	s18 =	sadd.s32 s28, s2;
	s31 =	sshrl.u32 s7, $0x3  }
0xf: {  	s10 =	sadd.s32 $0x3200, s10;
	s13 =	simm.s32 $0xA080;
	v0 =	vmov s16;
	s16 =	sshrl.u32 @p0 s19, $0x3  }
0x10: {  	s30 =	sshll.u32 s29, $0x4;
	s9 =	smax.u32 s9, $0x1;
	s11 =	sshrl.u32 s14, $0x3  }
0x11: {  	s14 =	simm.s32 $0xA000;
	s7 =	sadd.s32 s8, s30;
	s8 =	sadd.s32 s8, s31  }
0x12: {  	v1 =	vmov s17;
	s17 =	sshrl.u32 @!p0 s18, $0x3;
	s18 =	simm.s32 $0x0;
	s8 =	sadd.s32 $0x12480, s8  }
.LBB2_1:
0x13: {  	[spmem:s11], [sflag:s6] =	dma.local [hbm:s4], $0x1400  }
0x14: {  	_ =	swait.ge [sflag:s12], $0x1400  }
0x15: {  	[sflag:s12] =	ssyncset.done $0x0  }
0x16: {  	[sflag:s12] =	ssyncadd.s32 $0xFFFFEC00  }
0x17: {  	[tilespmem:s13], [sflag:$0x1] =	stream.linear.gather [hbm4b:s5+s3], $0x4000, $0x38;
	[tilespmem:$0xE080] =	vst v63  }
0x18: {  	_ =	swait.ge [sflag:s12], $0x4000  }
0x19: {  	[sflag:s12] =	ssyncset.done $0x0  }
0x1a: {  	[sflag:s12] =	ssyncadd.s32 $0xFFFFC000  }
0x1b: {  	s19 =	sadd.s32 $0x0, s10;
	[bflag:$0x0] =	sbarrier.arrive $0xFFFF  }
0x1c: {  	[tilespmem:s14], [sflag:$0x1] =	stream.linear.gather [hbm4b:s19+s3], $0x80, $0x38;
	[tilespmem:$0xE080] =	vst v63  }
0x1d: {  	_ =	swait.ge [sflag:s12], $0x80  }
0x1e: {  	[sflag:s12] =	ssyncset.done $0x0  }
0x1f: {  	[sflag:s12] =	ssyncadd.s32 $0xFFFFFF80  }
0x20: {  	v2 =	vld [tilespmem:$0xA070]  }
0x21: {  	v3 =	vld [tilespmem:$0xA060]  }
0x22: {  	v4 =	vld [tilespmem:$0xA010];
	_ =	sdelay $0x1  }
0x23: {  	v5 =	vld [tilespmem:$0xA000]  }
0x24: {  	vm0 =	vge.s32 v2, v0  }
0x25: {  	vm1 =	vlt.s32 v2, v1;
	v9 =	vsub.s32 v2, v0;
	vm2 =	vge.s32 v3, v0  }
0x26: {  	vm3 =	vlt.s32 v3, v1;
	v7 =	vsub.s32 v3, v0;
	v6 =	vsub.s32 v4, v0  }
0x27: {  	v8 =	vld [tilespmem:$0xA020];
	vm4 =	vlt.s32 v4, v1;
	vm2 =	vmand vm2, vm3;
	vm0 =	vmand vm0, vm1  }
0x28: {  	v2 =	vld [tilespmem:$0xA040];
	vm1 =	vlt.s32 v5, v1;
	v10 =	vnsel vm2, $0xFFFFFFFF, v7;
	vm2 =	vge.s32 v5, v0  }
0x29: {  	v3 =	vld [tilespmem:$0xA030];
	vm3 =	vge.s32 v4, v0;
	v4 =	vsub.s32 v5, v0;
	vm1 =	vmand vm2, vm1  }
0x2a: {  	v63 =	vnsel vm1, $0xFFFFFFFF, v4;
	v4 =	vld [tilespmem:$0xA050];
	_ =	sdelay $0x1  }
0x2b: {  	v9 =	vnsel vm0, $0xFFFFFFFF, v9;
	[tilespmem:$0xA060] =	vst v10  }
0x2c: {  	v7 =	vsub.s32 v8, v0;
	[tilespmem:$0xA070] =	vst v9;
	vm2 =	vge.s32 v8, v0;
	vm1 =	vmand vm3, vm4  }
0x2d: {  	s19 =	simm.s32 $0x10;
	vm3 =	vlt.s32 v8, v1;
	v5 =	vsub.s32 v2, v0;
	[tilespmem:$0xA000] =	vst v63;
	vm0 =	vge.s32 v3, v0  }
.LBB2_2:
0x2e: {  	p1 =	sne.s32 s19, $0x4E0;
	v6 =	vnsel vm1, $0xFFFFFFFF, v6;
	vm1 =	vlt.s32 v3, v1;
	vm4 =	vlt.s32 v4, v1;
	s20 =	smov.u32 s19;
	s19 =	sadd.s32 $0x10, s19  }
0x2f: {  	vm2 =	vmand vm2, vm3;
	v3 =	vsub.s32 v3, v0;
	vm3 =	vlt.s32 v2, v1;
	[tilespmem:$0xA010] =	vst v6  }
0x30: {  	v6 =	vnsel vm2, $0xFFFFFFFF, v7;
	vm0 =	vmand vm0, vm1;
	vm1 =	vge.s32 v2, v0  }
0x31: {  	v2 =	vnsel vm0, $0xFFFFFFFF, v3;
	vm0 =	vmand vm1, vm3;
	vm1 =	vge.s32 v4, v0;
	[tilespmem:$0xA020] =	vst v6  }
0x32: {  	v3 =	vsub.s32 v4, v0;
	[tilespmem:$0xA030] =	vst v2;
	v2 =	vnsel vm0, $0xFFFFFFFF, v5;
	vm0 =	vmand vm1, vm4  }
0x33: {  	[tilespmem:$0xA040] =	vst v2;
	v2 =	vnsel vm0, $0xFFFFFFFF, v3  }
0x34: {  	[tilespmem:$0xA050] =	vst v2  }
0x35: {  	(ifvalue) =	ssetifvalue $0xFFFFFFFF  }
0x36: {  	[spmem:s2] =	stream.indirect.scatter.add.f32 [tilespmem:s13], [sflag:$0x1], $0x80, s14, s15, $0x40b8;
	[tilespmem:$0xE080] =	vst v63  }
0x37: {  	_ =	swait.ge [sflag:s12], $0x4000  }
0x38: {  	[sflag:s12] =	ssyncset.done $0x0  }
0x39: {  	s20 =	sadd.s32 s20, s10;
	[sflag:s12] =	ssyncadd.s32 $0xFFFFC000  }
0x3a: {  	[tilespmem:s14], [sflag:$0x1] =	stream.linear.gather [hbm4b:s20+s3], $0x80, $0x38;
	[tilespmem:$0xE080] =	vst v63  }
0x3b: {  	_ =	swait.ge [sflag:s12], $0x80  }
0x3c: {  	[sflag:s12] =	ssyncset.done $0x0  }
0x3d: {  	[sflag:s12] =	ssyncadd.s32 $0xFFFFFF80  }
0x3e: {  	v2 =	vld [tilespmem:$0xA070]  }
0x3f: {  	v4 =	vld [tilespmem:$0xA060]  }
0x40: {  	v5 =	vld [tilespmem:$0xA010]  }
0x41: {  	v8 =	vld [tilespmem:$0xA000]  }
0x42: {  	v9 =	vld [tilespmem:$0xA020]  }
0x43: {  	v3 =	vld [tilespmem:$0xA030];
	vm0 =	vge.s32 v2, v0;
	vm1 =	vlt.s32 v2, v1;
	v10 =	vsub.s32 v2, v0  }
0x44: {  	v2 =	vld [tilespmem:$0xA040];
	vm2 =	vge.s32 v4, v0;
	vm3 =	vlt.s32 v4, v1;
	v7 =	vsub.s32 v4, v0  }
0x45: {  	vm0 =	vmand vm0, vm1;
	v6 =	vsub.s32 v5, v0;
	v4 =	vld [tilespmem:$0xA050];
	vm2 =	vmand vm2, vm3  }
.Ltmp0:
0x46: {  	vm3 =	vge.s32 v5, v0;
	vm1 =	vlt.s32 v8, v1;
	v11 =	vnsel vm2, $0xFFFFFFFF, v7;
	(pc) =	sbr.rel @p1 .LBB2_2-.Ltmp0, $4  }
0x47: {  	vm4 =	vlt.s32 v5, v1;
	vm2 =	vge.s32 v8, v0;
	v7 =	vsub.s32 v9, v0;
	[tilespmem:$0xA060] =	vst v11  }
0x48: {  	v5 =	vsub.s32 v8, v0;
	v8 =	vnsel vm0, $0xFFFFFFFF, v10;
	vm1 =	vmand vm2, vm1  }
0x49: {  	v10 =	vnsel vm1, $0xFFFFFFFF, v5;
	vm1 =	vmand vm3, vm4;
	v5 =	vsub.s32 v2, v0;
	[tilespmem:$0xA070] =	vst v8  }
0x4a: {  	vm2 =	vge.s32 v9, v0;
	vm3 =	vlt.s32 v9, v1;
	vm0 =	vge.s32 v3, v0;
	[tilespmem:$0xA000] =	vst v10  }
0x4b: {  	v6 =	vnsel vm1, $0xFFFFFFFF, v6;
	vm10 =	vlt.s32 v3, v1;
	vm4 =	vlt.s32 v4, v1  }
0x4c: {  	vm2 =	vmand vm2, vm3;
	v3 =	vsub.s32 v3, v0;
	vm11 =	vlt.s32 v2, v1  }
0x4d: {  	vm12 =	vge.s32 v2, v0;
	[tilespmem:$0xA010] =	vst v6;
	v63 =	vnsel vm2, $0xFFFFFFFF, v7;
	vm0 =	vmand vm0, vm10  }
0x4e: {  	vm14 =	vge.s32 v4, v0;
	vm13 =	vmand vm12, vm11;
	[tilespmem:$0xA020] =	vst v63;
	v2 =	vnsel vm0, $0xFFFFFFFF, v3  }
0x4f: {  	vm15 =	vmand vm14, vm4;
	v3 =	vsub.s32 v4, v0;
	[tilespmem:$0xA030] =	vst v2;
	v2 =	vnsel vm13, $0xFFFFFFFF, v5  }
0x50: {  	[tilespmem:$0xA040] =	vst v2;
	v2 =	vnsel vm15, $0xFFFFFFFF, v3  }
0x51: {  	[tilespmem:$0xA050] =	vst v2;
	(ifvalue) =	ssetifvalue $0xFFFFFFFF  }
0x52: {  	[spmem:s2] =	stream.indirect.scatter.add.f32 [tilespmem:s13], [sflag:$0x1], $0x80, s14, s15, $0x40b8;
	[tilespmem:$0xE080] =	vst v63  }
0x53: {  	_ =	swait.ge [sflag:s12], $0x4000  }
0x54: {  	[sflag:s12] =	ssyncset.done $0x0  }
0x55: {  	[sflag:s12] =	ssyncadd.s32 $0xFFFFC000  }
0x56: {  	s19 =	simm.s32 @p0 $0x1;
	[bflag:$0x0] =	sbarrier.arrive $0xFFFF  }
0x57: {  	[hbm:s8], [sflag:s6] =	dma.local @p0 [spmem:s16], $0x1400  }
0x58: {  	s18 =	sadd.s32 $0x1, s18;
	_ =	swait.ge @p0 [sflag:s19], $0x1400  }
0x59: {  	p1 =	sne.s32 s18, s9;
	[sflag:s19] =	ssyncset.done @p0 $0x0  }
.Ltmp1:
0x5a: {  	[sflag:s19] =	ssyncadd.s32 @p0 $0xFFFFEC00;
	s19 =	simm.s32 @!p0 $0x1;
	(pc) =	sbr.rel @p1 .LBB2_1-.Ltmp1, $4  }
0x5b: {  	[hbm:s7], [sflag:s6] =	dma.local @!p0 [spmem:s17], $0x1380  }
0x5c: {  	_ =	swait.ge @!p0 [sflag:s19], $0x1380  }
0x5d: {  	[sflag:s19] =	ssyncset.done @!p0 $0x0  }
0x5e: {  	[sflag:s19] =	ssyncadd.s32 @!p0 $0xFFFFEC80  }
0x5f: {  	_ =	sfence.sel $0x180000  }
0x60: {  	[bflag:$0x0] =	sbarrier.arrive $0xFFFF  }
0x61: {  	p0 =	sne.s32 s1, $0x0;
	_ =	strace $0x90000047  }
0x62: {  	s0 =	sadd.s32 @!p0 $0x100000, s0;
	[bflag:$0x2] =	sbarrier.arrive $0xFFFF  }
0x63: {  	[sflag:s0] =	ssyncadd.tile.s32 @!p0 $0x1;
	_ =	shalt  }
.Lfunc_end2:
_tile_overlayer_lowered:
.L_overlay_start_2:
0x64: {  	(tag) =	ssettag $0x2  }
0x65: {  	s0 =	rddreg [dreg:$0x0];
	s2 =	stileid.u32  }
0x66: {  	s1 =	rddreg [dreg:$0x1];
	p0 =	sne.s32 s2, $0x0  }
0x67: {  	s3 =	rddreg [dreg:$0x2];
	[bflag:$0x3] =	sbarrier.arrive $0xFFFF;
	s2 =	simm.s32 @!p0 $0x1C01  }
0x68: {  	[timem:s3], [sflag:s2] =	dma.local @!p0 [hbm:s0], s1  }
0x69: {  	s0 =	simm.s32 @!p0 $0x1  }
0x6a: {  	_ =	swait.ge @!p0 [sflag:s0], s1  }
0x6b: {  	s1 =	ssub.s32 @!p0 $0x0, s1;
	[sflag:s0] =	ssyncset.done @!p0 $0x0  }
0x6c: {  	[sflag:s0] =	ssyncadd.s32 @!p0 s1  }
0x6d: {  	[bflag:$0x3] =	sbarrier.arrive $0xFFFF  }
0x6e: {  	_ =	shalt  }

// kernel: kernel.13.cloned.1.call-start
scs
__scs_entry_jumppad:
0x0: {  	(pc) =	sbr.rel $0x88, $3  }
0x1: {  	(tag) =	ssettag $0x0;
	lr =	simm.s32 $0x1  }
0x2: {  	[smem:$0x3F90] =	sst lr;
	_ =	strace $0xD0000000  }
0x3: {  	_ = 	snop  }
0x4: {  	_ = 	snop  }
0x5: {  	_ = 	snop  }
0x6: {  	_ = 	snop  }
0x7: {  	_ = 	snop  }
__scs_overlays_trampoline_lowered:
0x8: {  	[smem:$0x3F9F] =	sst s0  }
0x9: {  	[smem:$0x3FA0] =	sst s1  }
0xa: {  	[smem:$0x3FA1] =	sst s2  }
0xb: {  	[smem:$0x3FA2] =	sst s3  }
0xc: {  	[smem:$0x3FA3] =	sst s4  }
0xd: {  	[smem:$0x3FA4] =	sst s5  }
0xe: {  	[smem:$0x3FA5] =	sst s6  }
0xf: {  	[smem:$0x3FA6] =	sst s7  }
0x10: {  	[smem:$0x3FA7] =	sst s8  }
0x11: {  	[smem:$0x3FA8] =	sst s9;
	s0 =	simm.s32 @!p0 $0x0  }
0x12: {  	s1 =	sld [smem:$0x3F8E];
	s0 =	simm.s32 @p0 $0x1  }
0x13: {  	[smem:$0x3FA9] =	sst s0;
	s0 =	simm.s32 @!p1 $0x0  }
0x14: {  	s2 =	sld [smem:$0x3F8D];
	s0 =	simm.s32 @p1 $0x1  }
0x15: {  	[smem:$0x3FAA] =	sst s0;
	s0 =	simm.s32 @!p2 $0x0  }
0x16: {  	s3 =	sld [smem:$0x3FDB];
	s0 =	simm.s32 @p2 $0x1  }
0x17: {  	s4 =	simm.s32 $0x1BF5;
	[smem:$0x3FAC] =	sst s0  }
0x18: {  	s0 =	sld [smem:$0x3F8F];
	_ =	swait.ge [sflag:s4], $0x0  }
0x19: {  	s7 =	sld [smem:$0x3F90]  }
0x1a: {  	s8 =	sadd.s32 $0xFFFFE003, lr  }
0x1b: {  	s9 =	sadd.s32 $0xFFFFFEF7, lr;
	s5 =	simm.s32 $0xFFFFFFFF;
	p2 =	slt.u32 s8, $0xFFFFF086  }
0x1c: {  	p1 =	slt.u32 s9, $0xF7A;
	s5 =	simm.s32 @!p2 $0x0  }
0x1d: {  	s5 =	simm.s32 @p1 $0x1;
	p0 =	seq.s32 s7, s2  }
0x1e: {  	s7 =	smul.u32 @!p0 $0xF7A, s2;
	p2 =	seq.s32 @!p0 s5, $0x0  }
0x1f: {  	s9 =	smul.u32 $0xF7A, s1;
	s8 =	simm.s32 @!p0 $0x1BF5;
	p2 =	por !p2, p0  }
0x20: {  	[sflag:s8] =	ssyncset.s32 @!p0 $0xFFFFF086;
	s6 =	sadd.s32 @!p0 s3, s7;
	s7 =	simm.s32 @!p0 $0x108  }
0x21: {  	s3 =	sadd.s32 s3, s9;
	s6 =	sadd.s32 @!p0 $0x88, s6;
	s7 =	simm.s32 @p2 $0x1082  }
0x22: {  	[simem:s7], [sflag:s8] =	dma.local @!p0 [hbm:s6], $0xF7A  }
0x23: {  	s9 =	sor.u32 $0xD0000000, s2;
	s6 =	simm.s32 $0x108;
	_ =	swait.ge @!p0 [sflag:s8], $0x0  }
0x24: {  	s3 =	sadd.s32 $0x88, s3;
	s6 =	simm.s32 @!p1 $0x1082;
	[sflag:s4] =	ssyncset.s32 $0xFFFFF086  }
0x25: {  	[simem:s6], [sflag:s4] =	dma.local [hbm:s3], $0xF7A  }
0x26: {  	[smem:$0x3F90] =	sst s1;
	(tag) =	ssettag s2;
	_ =	strace s9  }
0x27: {  	s1 =	sld [smem:$0x3FA0]  }
0x28: {  	s2 =	sld [smem:$0x3FA1]  }
0x29: {  	s4 =	sld [smem:$0x3FA3]  }
0x2a: {  	p0 =	seq.s32 s5, $0x0;
	s5 =	sld [smem:$0x3FA4]  }
0x2b: {  	s6 =	sld [smem:$0x3FA5]  }
0x2c: {  	s7 =	sld [smem:$0x3FA6]  }
0x2d: {  	s3 =	simm.s32 $0x108;
	s8 =	sld [smem:$0x3FA7]  }
0x2e: {  	s3 =	simm.s32 @!p0 $0x1082;
	s9 =	sld [smem:$0x3FA8]  }
0x2f: {  	lr =	sadd.s32 s0, s3;
	s0 =	sld [smem:$0x3F9F]  }
0x30: {  	s3 =	sld [smem:$0x3FA2]  }
0x31: {  	[smem:$0x3FAB] =	sst s10  }
0x32: {  	s10 =	sld [smem:$0x3FA9];
	_ =	sdelay $0x3  }
0x33: {  	p0 =	seq.s32 s10, $0x1;
	s10 =	sld [smem:$0x3FAB];
	_ =	sdelay $0x3  }
0x34: {  	[smem:$0x3FAB] =	sst s10  }
0x35: {  	s10 =	sld [smem:$0x3FAA];
	_ =	sdelay $0x3  }
0x36: {  	p1 =	seq.s32 s10, $0x1;
	s10 =	sld [smem:$0x3FAB];
	_ =	sdelay $0x3  }
0x37: {  	[smem:$0x3FAB] =	sst s10  }
0x38: {  	s10 =	sld [smem:$0x3FAC]  }
0x39: {  	_ = 	snop;
	(pc) =	sbr.ind lr, $3  }
0x3a: {  	_ = 	snop  }
0x3b: {  	_ = 	snop  }
0x3c: {  	p2 =	seq.s32 s10, $0x1;
	s10 =	sld [smem:$0x3FAB]  }
0x3d: {  	_ =	shalt  }
0x3e: {  	_ =	shalt  }
0x3f: {  	_ =	shalt  }
0x40: {  	_ =	shalt  }
0x41: {  	_ =	shalt  }
0x42: {  	_ =	shalt  }
0x43: {  	_ =	shalt  }
0x44: {  	_ =	shalt  }
0x45: {  	_ =	shalt  }
0x46: {  	_ =	shalt  }
0x47: {  	_ =	shalt  }
0x48: {  	_ =	shalt  }
0x49: {  	_ =	shalt  }
0x4a: {  	_ =	shalt  }
0x4b: {  	_ =	shalt  }
0x4c: {  	_ =	shalt  }
0x4d: {  	_ =	shalt  }
0x4e: {  	_ =	shalt  }
0x4f: {  	_ =	shalt  }
0x50: {  	_ =	shalt  }
0x51: {  	_ =	shalt  }
0x52: {  	_ =	shalt  }
0x53: {  	_ =	shalt  }
0x54: {  	_ =	shalt  }
0x55: {  	_ =	shalt  }
0x56: {  	_ =	shalt  }
0x57: {  	_ =	shalt  }
0x58: {  	_ =	shalt  }
0x59: {  	_ =	shalt  }
0x5a: {  	_ =	shalt  }
0x5b: {  	_ =	shalt  }
0x5c: {  	_ =	shalt  }
0x5d: {  	_ =	shalt  }
0x5e: {  	_ =	shalt  }
0x5f: {  	_ =	shalt  }
0x60: {  	_ =	shalt  }
0x61: {  	_ =	shalt  }
0x62: {  	_ =	shalt  }
0x63: {  	_ =	shalt  }
0x64: {  	_ =	shalt  }
0x65: {  	_ =	shalt  }
0x66: {  	_ =	shalt  }
0x67: {  	_ =	shalt  }
0x68: {  	_ =	shalt  }
0x69: {  	_ =	shalt  }
0x6a: {  	_ =	shalt  }
0x6b: {  	_ =	shalt  }
0x6c: {  	_ =	shalt  }
0x6d: {  	_ =	shalt  }
0x6e: {  	_ =	shalt  }
0x6f: {  	_ =	shalt  }
0x70: {  	_ =	shalt  }
0x71: {  	_ =	shalt  }
0x72: {  	_ =	shalt  }
0x73: {  	_ =	shalt  }
0x74: {  	_ =	shalt  }
0x75: {  	_ =	shalt  }
0x76: {  	_ =	shalt  }
0x77: {  	_ =	shalt  }
0x78: {  	_ =	shalt  }
0x79: {  	_ =	shalt  }
0x7a: {  	_ =	shalt  }
0x7b: {  	_ =	shalt  }
0x7c: {  	_ =	shalt  }
0x7d: {  	_ =	shalt  }
0x7e: {  	_ =	shalt  }
0x7f: {  	_ =	shalt  }
0x80: {  	_ =	shalt  }
0x81: {  	_ =	shalt  }
0x82: {  	_ =	shalt  }
0x83: {  	_ =	shalt  }
0x84: {  	_ =	shalt  }
0x85: {  	_ =	shalt  }
0x86: {  	_ =	shalt  }
0x87: {  	_ =	shalt  }
.Lfunc_end0:
.L_simem_size_0:
called_computation.1_lowered:
.L_overlay_start_0:
0x88: {  	s2 =	sld [smem:$0x3FD9]  }
0x89: {  	s3 =	sld [smem:$0x3FFE];
	_ =	sdelay $0x1  }
0x8a: {  	s1 =	srdreg.scid  }
0x8b: {  	s0 =	sand.u32 $0x1, s1  }
0x8c: {  	s16 =	sshll.u32 s0, $0xA;
	s2 =	sadd.s32 s3, s2  }
0x8d: {  	s2 =	sadd.s32 s2, s16  }
0x8e: {  	[smem:$0x3FB7] =	sst s2  }
0x8f: {  	_ = 	snop  }
0x90: {  	(tm) =	ssettm $0x1  }
0x91: {  	s17 =	sld [smem:$0x3FFB];
	_ =	sdelay $0x3  }
0x92: {  	_ =	strace s17  }
0x93: {  	s2 =	sld [smem:$0x3FFC];
	_ =	sdelay $0x3  }
0x94: {  	_ =	strace s2  }
0x95: {  	s2 =	sld [smem:$0x3FFD];
	_ =	sdelay $0x3  }
0x96: {  	_ =	strace s2  }
0x97: {  	_ =	strace $0x8FFFFFFF  }
0x98: {  	s18 =	sld [smem:$0x3FDB];
	_ =	sdelay $0x1  }
0x99: {  	s19 =	simm.s32 $_scs_section_size  }
0x9a: {  	s4 =	simm.s32 $_size__tile_overlayer_lowered;
	s5 =	simm.s32 $_tile_overlayer_lowered  }
0x9b: {  	s22 =	simm.s32 $0x1BFF;
	s21 =	sshll.u32 s5, $0x1;
	s2 =	sadd.s32 s19, s18  }
0x9c: {  	s6 =	simm.s32 $0x0;
	s20 =	sshll.u32 s4, $0x1;
	s4 =	sadd.s32 s21, s2  }
0x9d: {  	[timem:s6], [sflag:s22] =	dma.local [hbm:s4], s20  }
0x9e: {  	_ =	swait.ge [sflag:s22], s20  }
0x9f: {  	s3 =	ssub.s32 $0x0, s20;
	[sflag:s22] =	ssyncset.done $0x0  }
0xa0: {  	[sflag:s22] =	ssyncadd.s32 s3;
	_ =	sdelay $0x1  }
0xa1: {  	s23 =	simm.s32 $0x1B8B  }
0xa2: {  	_ =	swait.ge [sflag:s23], $0x1  }
0xa3: {  	[sflag:s23] =	ssyncset.done $0x0  }
0xa4: {  	s25 =	simm.s32 $0x1B8E;
	s24 =	sld [smem:$0x3FFE];
	[sflag:s23] =	ssyncadd.s32 $0xFFFFFFFF  }
0xa5: {  	s26 =	simm.s32 $execute0_lowered;
	[smem:$0x3FD2] =	sst s25  }
0xa6: {  	s4 =	sshll.u32 s26, $0x1;
	_ =	strace $0x80000049;
	[dreg:$0x1] =	wrdreg $0xFFFFFFFF  }
0xa7: {  	s28 =	simm.s32 $_size_execute0_lowered;
	s2 =	sadd.s32 s2, s4;
	[dreg:$0x0] =	wrdreg $0x0  }
0xa8: {  	s4 =	sshll.u32 s28, $0x1;
	[dreg:$0x2] =	wrdreg s2  }
0xa9: {  	[dreg:$0x3] =	wrdreg s4  }
0xaa: {  	[dreg:$0x4] =	wrdreg $0xC0  }
0xab: {  	_ =	task [dreg:s6], $0x5FFFF  }
0xac: {  	[dreg:$0x1] =	wrdreg $0xFFFFFFFF  }
0xad: {  	[dreg:$0x0] =	wrdreg $0x60  }
0xae: {  	[dreg:$0x2] =	wrdreg s24  }
0xaf: {  	[dreg:$0x3] =	wrdreg $0x0  }
0xb0: {  	[dreg:$0x4] =	wrdreg $0x9  }
0xb1: {  	_ =	task.clear_ibuf [dreg:s6], $0x5FFFF;
	_ =	strace $0x90000049  }
0xb2: {  	s29 =	simm.s32 $0x9;
	_ =	strace $0x8000004B  }
0xb3: {  	_ =	swait.ge [sflag:s29], $0x1  }
0xb4: {  	[sflag:s29] =	ssyncadd.s32 $0xFFFFFFFF  }
0xb5: {  	_ =	strace $0x9000004B  }
0xb6: {  	_ =	sfence  }
0xb7: {  	s30 =	sld [smem:$0x0];
	_ =	sdelay $0x2  }
0xb8: {  	s31 =	sshll.u32 s1, $0xD;
	s1 =	sshrl.u32 s1, $0x2  }
0xb9: {  	s3 =	sand.u32 $0x4000, s31;
	s1 =	sadd.s32 s1, s30  }
0xba: {  	s0 =	sor.u32 s3, s0;
	s1 =	sshll.u32 s1, $0x11  }
0xbb: {  	s0 =	sor.u32 s1, s0  }
0xbc: {  	s0 =	sadd.s32 $0x8F2B, s0  }
0xbd: {  	[sflag:s0] =	ssyncadd.remote.s32 $0x1  }
0xbe: {  	_ =	sfence.sel $0xFFFF  }
0xbf: {  	[dreg:$0x0] =	wrdreg $0xFFFFFFFF;
	(pc) =	sbr.abs _section_cstart, $3  }
0xc0: {  	[dreg:$0x1] =	wrdreg $0xFFFFFFFF  }
0xc1: {  	_ =	task.clear_ibuf [dreg:s6], $0x2FFFF;
	_ =	strace $0x9FFFFFFF  }
0xc2: {  	(tm) =	ssettm $0x7FFFFFFF  }
0xc3: {  	_ =	shalt  }
tec
execute0_lowered:
.L_overlay_start_1:
0x0: {  	(tag) =	ssettag $0x1  }
0x1: {  	s0 =	rddreg [dreg:$0x0]  }
0x2: {  	s1 =	rddreg [dreg:$0x1]  }
0x3: {  	s2 =	simm.s32 $0x0;
	s3 =	srdreg.scid;
	s21 =	stileid.u32  }
0x4: {  	s28 =	simm.s32 $0x17F00;
	s29 =	simm.s32 $0x1;
	s30 =	simm.s32 $0x13E00  }
0x5: {  	[smem:$0x7FF] =	sst s2;
	s4 =	sadd.s32 $0x3200, s0;
	s7 =	smul.u32 $0x4F000, s21  }
0x6: {  	s5 =	sadd.s32 $0xB200, s0;
	s6 =	sadd.s32 $0x10200, s0;
	s9 =	smul.u32 $0x2780, s21  }
0x7: {  	s3 =	sand.u32 $0x1, s3;
	s8 =	sadd.s32 $0x8A00, s0;
	s12 =	smul.u32 $0x4E000, s21  }
0x8: {  	s0 =	sadd.s32 $0x5E400, s0;
	s18 =	sshll.u32 s21, $0x6;
	s14 =	smul.u32 $0x2700, s21  }
0x9: {  	p0 =	seq.s32 s21, $0xF;
	_ =	strace $0x8000004A;
	s15 =	smul.u32 $0x1388, s3  }
0xa: {  	[dreg:$0x3] =	wrdreg s8;
	s17 =	ssub.s32 $0x2, s3;
	s13 =	smul.u32 $0x27100, s3  }
0xb: {  	s8 =	sor.u32 $0x1C03, s18;
	s3 =	smul.u32 $0x138800, s3;
	s18 =	simm.s32 $0x3  }
0xc: {  	s10 =	sshrl.u32 s17, $0x1;
	s7 =	sshrl.u32 s7, $0x2;
	s19 =	sshrl.u32 s9, $0x3  }
0xd: {  	s20 =	sshrl.u32 s12, $0x2;
	s10 =	ssub.s32 s17, s10;
	s16 =	sadd.s32 s7, s1  }
0xe: {  	s11 =	sadd.s32 s5, s19;
	s31 =	sadd.s32 $0x1388, s15;
	s7 =	sadd.s32 s4, s19  }
0xf: {  	s22 =	sadd.s32 s14, s13;
	s3 =	sshrl.u32 s3, $0x3;
	s17 =	smul.u32 $0x4F0, s21  }
0x10: {  	s23 =	sadd.s32 s20, s1;
	s19 =	simm.s32 $0x13C00;
	[dreg:$0x4] =	wrdreg s11  }
0x11: {  	s20 =	simm.s32 $0x80;
	s21 =	simm.s32 $0x13D00;
	[dreg:$0x5] =	wrdreg s7  }
0x12: {  	s11 =	sadd.s32 $0x80, s9;
	s24 =	sadd.s32 s0, s22;
	s0 =	sadd.s32 s0, s3  }
0x13: {  	s3 =	sadd.s32 $0x124800, s1;
	s14 =	smax.u32 s10, $0x1;
	s23 =	sshrl.u32 @!p0 s23, $0x3  }
0x14: {  	v1 =	vmov s31;
	s31 =	simm.s32 $0x2;
	[dreg:$0x6] =	wrdreg s24;
	s0 =	sadd.s32 $0x24900, s0  }
0x15: {  	s25 =	sadd.s32 s17, s4;
	s26 =	sadd.s32 s17, s5;
	s17 =	sshrl.u32 s16, $0x3  }
0x16: {  	s22 =	sshrl.u32 @p0 s3, $0x3;
	s24 =	simm.s32 $0x13F00;
	s3 =	simm.s32 $0x0  }
0x17: {  	[dreg:$0x7] =	wrdreg s0;
	s9 =	sadd.s32 $0x8, s25;
	s7 =	sadd.s32 $0x8, s26  }
0x18: {  	v0 =	vmov s15;
	s25 =	simm.s32 $0x13C80;
	s26 =	simm.s32 $0x13D80;
	s0 =	simm.s32 $0x13E80  }
.LBB2_1:
0x19: {  	s10 =	rddreg [dreg:$0x3]  }
0x1a: {  	[spmem:s17], [sflag:s8] =	dma.local [hbm:s10], $0x2780  }
0x1b: {  	_ =	swait.ge [sflag:s18], $0x2780  }
0x1c: {  	[sflag:s18] =	ssyncset.done $0x0  }
0x1d: {  	[sflag:s18] =	ssyncadd.s32 $0xFFFFD880  }
0x1e: {  	[bflag:$0x0] =	sbarrier.arrive $0xFFFF  }
0x1f: {  	s15 =	rddreg [dreg:$0x4]  }
0x20: {  	[tilespmem:s19], [sflag:$0x3] =	stream.linear.gather [hbm4b:s15+s2], $0x40, $0x38;
	[tilespmem:$0x1BF00] =	vst v63  }
0x21: {  	_ =	swait.ge [sflag:s18], $0x40  }
0x22: {  	[sflag:s18] =	ssyncset.done $0x0  }
0x23: {  	[sflag:s18] =	ssyncadd.s32 $0xFFFFFFC0  }
0x24: {  	v2 =	vld [tilespmem:$0x13C00]  }
0x25: {  	v3 =	vld [tilespmem:$0x13C10]  }
0x26: {  	v4 =	vld [tilespmem:$0x13C20];
	_ =	sdelay $0x2  }
0x27: {  	v6 =	vld [tilespmem:$0x13C30];
	vm0 =	vge.s32 v2, v0;
	vm1 =	vlt.s32 v2, v1  }
0x28: {  	v2 =	vsub.s32 v2, v0;
	vm6 =	vge.s32 v3, v0;
	vm2 =	vlt.s32 v3, v1  }
0x29: {  	v3 =	vsub.s32 v3, v0;
	vm7 =	vge.s32 v4, v0;
	vm8 =	vlt.s32 v4, v1  }
0x2a: {  	vm0 =	vmand vm0, vm1;
	v2 =	vshll.u32 v2, $0x1;
	vm1 =	vmand vm6, vm2  }
0x2b: {  	v3 =	vshll.u32 v3, $0x1;
	v5 =	vor.u32 $0x1, v2;
	v2 =	vnsel vm0, $0xFFFFFFFF, v2  }
0x2c: {  	vm9 =	vge.s32 v6, v0;
	vm10 =	vlt.s32 v6, v1;
	v7 =	vnsel vm1, $0xFFFFFFFF, v3;
	[tilespmem:$0x13E00] =	vst v2  }
0x2d: {  	v3 =	vor.u32 $0x1, v3;
	v5 =	vnsel vm0, $0xFFFFFFFF, v5;
	v2 =	vsub.s32 v4, v0;
	[tilespmem:$0x13E20] =	vst v7  }
0x2e: {  	vm0 =	vmand vm7, vm8;
	v3 =	vnsel vm1, $0xFFFFFFFF, v3;
	[tilespmem:$0x13E10] =	vst v5;
	v2 =	vshll.u32 v2, $0x1  }
0x2f: {  	[tilespmem:$0x13E30] =	vst v3;
	v3 =	vsub.s32 v6, v0;
	v57 =	vnsel vm0, $0xFFFFFFFF, v2;
	v2 =	vor.u32 $0x1, v2  }
0x30: {  	vm11 =	vmand vm9, vm10;
	v3 =	vshll.u32 v3, $0x1;
	v2 =	vnsel vm0, $0xFFFFFFFF, v2;
	[tilespmem:$0x13E40] =	vst v57  }
0x31: {  	[tilespmem:$0x13E50] =	vst v2;
	v2 =	vnsel vm11, $0xFFFFFFFF, v3;
	v3 =	vor.u32 $0x1, v3  }
0x32: {  	[tilespmem:$0x13E60] =	vst v2;
	v2 =	vnsel vm11, $0xFFFFFFFF, v3  }
0x33: {  	s16 =	rddreg [dreg:$0x5];
	[tilespmem:$0x13E70] =	vst v2  }
0x34: {  	[tilespmem:s19], [sflag:$0x3] =	stream.linear.gather [hbm4b:s16+s2], $0x40, $0x38;
	[tilespmem:$0x1BF00] =	vst v63  }
0x35: {  	_ =	swait.ge [sflag:s18], $0x40  }
0x36: {  	[sflag:s18] =	ssyncset.done $0x0  }
0x37: {  	[sflag:s18] =	ssyncadd.s32 $0xFFFFFFC0  }
0x38: {  	v2 =	vld [tilespmem:$0x13E00]  }
0x39: {  	v3 =	vld [tilespmem:$0x13C00]  }
0x3a: {  	v58 =	vld [tilespmem:$0x13E20]  }
0x3b: {  	v59 =	vld [tilespmem:$0x13C10]  }
0x3c: {  	v60 =	vld [tilespmem:$0x13E40]  }
0x3d: {  	v61 =	vld [tilespmem:$0x13C20]  }
0x3e: {  	v9 =	vld [tilespmem:$0x13C30];
	vm12 =	vgt.s32 v2, $0xFFFFFFFF;
	v2 =	vshll.u32 v3, $0x1  }
0x3f: {  	v3 =	vld [tilespmem:$0x13E60];
	v8 =	vnsel vm12, $0xFFFFFFFF, v2;
	v2 =	vor.u32 $0x1, v2  }
0x40: {  	vm13 =	vgt.s32 v58, $0xFFFFFFFF;
	v62 =	vshll.u32 v59, $0x1;
	[tilespmem:$0x13D00] =	vst v8;
	v2 =	vnsel vm12, $0xFFFFFFFF, v2  }
0x41: {  	v4 =	vor.u32 $0x1, v62;
	[tilespmem:$0x13D10] =	vst v2;
	v2 =	vnsel vm13, $0xFFFFFFFF, v62  }
0x42: {  	vm14 =	vgt.s32 v60, $0xFFFFFFFF;
	v63 =	vshll.u32 v61, $0x1;
	[tilespmem:$0x13D20] =	vst v2;
	v2 =	vnsel vm13, $0xFFFFFFFF, v4  }
0x43: {  	v4 =	vor.u32 $0x1, v63;
	[tilespmem:$0x13D30] =	vst v2;
	v2 =	vnsel vm14, $0xFFFFFFFF, v63  }
0x44: {  	vm15 =	vgt.s32 v3, $0xFFFFFFFF;
	v3 =	vshll.u32 v9, $0x1;
	[tilespmem:$0x13D40] =	vst v2;
	v2 =	vnsel vm14, $0xFFFFFFFF, v4  }
0x45: {  	[tilespmem:$0x13D50] =	vst v2;
	v2 =	vnsel vm15, $0xFFFFFFFF, v3;
	v3 =	vor.u32 $0x1, v3  }
0x46: {  	[tilespmem:$0x13D60] =	vst v2;
	v2 =	vnsel vm15, $0xFFFFFFFF, v3  }
0x47: {  	s10 =	simm.s32 $0x0;
	[tilespmem:$0x13D70] =	vst v2;
	(ifvalue) =	ssetifvalue $0xFFFFFFFF  }
0x48: {  	s15 =	smov.u32 s9;
	s16 =	smov.u32 s7;
	(ifvalue) =	ssetifvalue $0xFFFFFFFF  }
0x49: {  	[tilespmem:s24], [sflag:$0x1] =	stream.indirect.gather [hbm4b:s6+s20], $0x80, s21, s20, $0x40b8;
	[tilespmem:$0x1BF00] =	vst v63  }
.LBB2_2:
0x4a: {  	[tilespmem:s25], [sflag:$0x3] =	stream.linear.gather [hbm4b:s16+s2], $0x40, $0x38;
	[tilespmem:$0x1BF00] =	vst v63  }
0x4b: {  	_ =	swait.ge [sflag:s18], $0x40  }
0x4c: {  	[sflag:s18] =	ssyncset.done $0x0  }
0x4d: {  	[sflag:s18] =	ssyncadd.s32 $0xFFFFFFC0  }
0x4e: {  	v2 =	vld [tilespmem:$0x13C80]  }
0x4f: {  	v3 =	vld [tilespmem:$0x13C90]  }
0x50: {  	v4 =	vld [tilespmem:$0x13CA0];
	_ =	sdelay $0x2  }
0x51: {  	v6 =	vld [tilespmem:$0x13CB0];
	vm0 =	vge.s32 v2, v0;
	vm1 =	vlt.s32 v2, v1  }
0x52: {  	v2 =	vsub.s32 v2, v0;
	vm5 =	vge.s32 v3, v0;
	vm2 =	vlt.s32 v3, v1  }
0x53: {  	v3 =	vsub.s32 v3, v0;
	vm6 =	vge.s32 v4, v0;
	vm7 =	vlt.s32 v4, v1  }
0x54: {  	vm0 =	vmand vm0, vm1;
	v2 =	vshll.u32 v2, $0x1;
	vm1 =	vmand vm5, vm2  }
0x55: {  	v3 =	vshll.u32 v3, $0x1;
	v5 =	vor.u32 $0x1, v2;
	v2 =	vnsel vm0, $0xFFFFFFFF, v2  }
0x56: {  	vm8 =	vge.s32 v6, v0;
	vm9 =	vlt.s32 v6, v1;
	v7 =	vnsel vm1, $0xFFFFFFFF, v3;
	[tilespmem:$0x13E80] =	vst v2  }
0x57: {  	v3 =	vor.u32 $0x1, v3;
	v5 =	vnsel vm0, $0xFFFFFFFF, v5;
	v2 =	vsub.s32 v4, v0;
	[tilespmem:$0x13EA0] =	vst v7  }
0x58: {  	vm0 =	vmand vm6, vm7;
	v3 =	vnsel vm1, $0xFFFFFFFF, v3;
	[tilespmem:$0x13E90] =	vst v5;
	v2 =	vshll.u32 v2, $0x1  }
0x59: {  	[tilespmem:$0x13EB0] =	vst v3;
	v3 =	vsub.s32 v6, v0;
	v44 =	vnsel vm0, $0xFFFFFFFF, v2;
	v2 =	vor.u32 $0x1, v2  }
0x5a: {  	vm10 =	vmand vm8, vm9;
	v3 =	vshll.u32 v3, $0x1;
	[tilespmem:$0x13EC0] =	vst v44;
	v2 =	vnsel vm0, $0xFFFFFFFF, v2  }
0x5b: {  	[tilespmem:$0x13ED0] =	vst v2;
	v2 =	vnsel vm10, $0xFFFFFFFF, v3;
	v3 =	vor.u32 $0x1, v3  }
0x5c: {  	[tilespmem:$0x13EE0] =	vst v2;
	v2 =	vnsel vm10, $0xFFFFFFFF, v3  }
0x5d: {  	[tilespmem:$0x13EF0] =	vst v2  }
0x5e: {  	[tilespmem:s25], [sflag:$0x3] =	stream.linear.gather [hbm4b:s15+s2], $0x40, $0x38;
	[tilespmem:$0x1BF00] =	vst v63  }
0x5f: {  	_ =	swait.ge [sflag:s18], $0x40  }
0x60: {  	[sflag:s18] =	ssyncset.done $0x0  }
0x61: {  	[sflag:s18] =	ssyncadd.s32 $0xFFFFFFC0  }
0x62: {  	v2 =	vld [tilespmem:$0x13E80]  }
0x63: {  	v3 =	vld [tilespmem:$0x13C80]  }
0x64: {  	v45 =	vld [tilespmem:$0x13EA0]  }
0x65: {  	v46 =	vld [tilespmem:$0x13C90]  }
0x66: {  	v47 =	vld [tilespmem:$0x13EC0]  }
0x67: {  	v48 =	vld [tilespmem:$0x13CA0]  }
0x68: {  	v9 =	vld [tilespmem:$0x13CB0];
	vm11 =	vgt.s32 v2, $0xFFFFFFFF;
	v2 =	vshll.u32 v3, $0x1  }
0x69: {  	v3 =	vld [tilespmem:$0x13EE0];
	v8 =	vnsel vm11, $0xFFFFFFFF, v2;
	v2 =	vor.u32 $0x1, v2  }
0x6a: {  	vm12 =	vgt.s32 v45, $0xFFFFFFFF;
	v49 =	vshll.u32 v46, $0x1;
	[tilespmem:$0x13D80] =	vst v8;
	v2 =	vnsel vm11, $0xFFFFFFFF, v2  }
0x6b: {  	v4 =	vor.u32 $0x1, v49;
	[tilespmem:$0x13D90] =	vst v2;
	v2 =	vnsel vm12, $0xFFFFFFFF, v49  }
0x6c: {  	vm13 =	vgt.s32 v47, $0xFFFFFFFF;
	v50 =	vshll.u32 v48, $0x1;
	[tilespmem:$0x13DA0] =	vst v2;
	v2 =	vnsel vm12, $0xFFFFFFFF, v4  }
0x6d: {  	v4 =	vor.u32 $0x1, v50;
	[tilespmem:$0x13DB0] =	vst v2;
	v2 =	vnsel vm13, $0xFFFFFFFF, v50  }
0x6e: {  	vm14 =	vgt.s32 v3, $0xFFFFFFFF;
	v3 =	vshll.u32 v9, $0x1;
	[tilespmem:$0x13DC0] =	vst v2;
	v2 =	vnsel vm13, $0xFFFFFFFF, v4  }
0x6f: {  	[tilespmem:$0x13DD0] =	vst v2;
	v2 =	vnsel vm14, $0xFFFFFFFF, v3;
	v3 =	vor.u32 $0x1, v3  }
0x70: {  	[tilespmem:$0x13DE0] =	vst v2;
	v2 =	vnsel vm14, $0xFFFFFFFF, v3  }
0x71: {  	[tilespmem:$0x13DF0] =	vst v2;
	(ifvalue) =	ssetifvalue $0xFFFFFFFF  }
0x72: {  	(ifvalue) =	ssetifvalue $0xFFFFFFFF  }
0x73: {  	[tilespmem:s28], [sflag:$0x2] =	stream.indirect.gather [hbm4b:s6+s20], $0x80, s26, s20, $0x40b8;
	[tilespmem:$0x1BF00] =	vst v63  }
0x74: {  	_ =	swait.ge [sflag:s29], $0x4000  }
0x75: {  	s12 =	smin.u32 s10, $0x9B;
	[sflag:s29] =	ssyncset.done $0x0  }
0x76: {  	s12 =	sshll.u32 s12, $0x6;
	[sflag:s29] =	ssyncadd.s32 $0xFFFFC000;
	(ifvalue) =	ssetifvalue $0xFFFFFFFF  }
0x77: {  	[spmem:s1] =	stream.indirect.scatter.add.f32 [tilespmem:s24], [sflag:$0x3], $0x80, s30, s20, $0x40b8;
	[tilespmem:$0x1BF00] =	vst v63  }
0x78: {  	s12 =	sadd.s32 s12, s11;
	_ =	swait.ge [sflag:s18], $0x4000  }
0x79: {  	s12 =	sshrl.u32 s12, $0x3;
	[sflag:s18] =	ssyncset.done $0x0  }
0x7a: {  	s13 =	sadd.s32 s5, s12;
	[sflag:s18] =	ssyncadd.s32 $0xFFFFC000  }
0x7b: {  	[tilespmem:s19], [sflag:$0x3] =	stream.linear.gather [hbm4b:s13+s2], $0x40, $0x38;
	[tilespmem:$0x1BF00] =	vst v63  }
0x7c: {  	_ =	swait.ge [sflag:s18], $0x40  }
0x7d: {  	[sflag:s18] =	ssyncset.done $0x0  }
0x7e: {  	[sflag:s18] =	ssyncadd.s32 $0xFFFFFFC0  }
0x7f: {  	v2 =	vld [tilespmem:$0x13C00]  }
0x80: {  	v3 =	vld [tilespmem:$0x13C10]  }
0x81: {  	v51 =	vld [tilespmem:$0x13C20];
	_ =	sdelay $0x2  }
0x82: {  	v53 =	vld [tilespmem:$0x13C30];
	vm15 =	vge.s32 v2, v0;
	vm4 =	vlt.s32 v2, v1  }
0x83: {  	v2 =	vsub.s32 v2, v0;
	vm5 =	vge.s32 v3, v0;
	vm6 =	vlt.s32 v3, v1  }
0x84: {  	v3 =	vsub.s32 v3, v0;
	vm7 =	vge.s32 v51, v0;
	vm8 =	vlt.s32 v51, v1  }
0x85: {  	vm0 =	vmand vm15, vm4;
	v2 =	vshll.u32 v2, $0x1;
	vm1 =	vmand vm5, vm6  }
0x86: {  	v3 =	vshll.u32 v3, $0x1;
	v52 =	vor.u32 $0x1, v2;
	v2 =	vnsel vm0, $0xFFFFFFFF, v2  }
0x87: {  	vm9 =	vge.s32 v53, v0;
	vm10 =	vlt.s32 v53, v1;
	v54 =	vnsel vm1, $0xFFFFFFFF, v3;
	[tilespmem:$0x13E00] =	vst v2  }
0x88: {  	v3 =	vor.u32 $0x1, v3;
	v5 =	vnsel vm0, $0xFFFFFFFF, v52;
	v2 =	vsub.s32 v51, v0;
	[tilespmem:$0x13E20] =	vst v54  }
0x89: {  	vm0 =	vmand vm7, vm8;
	v3 =	vnsel vm1, $0xFFFFFFFF, v3;
	[tilespmem:$0x13E10] =	vst v5;
	v2 =	vshll.u32 v2, $0x1  }
0x8a: {  	[tilespmem:$0x13E30] =	vst v3;
	v3 =	vsub.s32 v53, v0;
	v55 =	vnsel vm0, $0xFFFFFFFF, v2;
	v2 =	vor.u32 $0x1, v2  }
0x8b: {  	vm11 =	vmand vm9, vm10;
	v3 =	vshll.u32 v3, $0x1;
	v2 =	vnsel vm0, $0xFFFFFFFF, v2;
	[tilespmem:$0x13E40] =	vst v55  }
0x8c: {  	[tilespmem:$0x13E50] =	vst v2;
	v2 =	vnsel vm11, $0xFFFFFFFF, v3;
	v3 =	vor.u32 $0x1, v3  }
0x8d: {  	[tilespmem:$0x13E60] =	vst v2;
	v2 =	vnsel vm11, $0xFFFFFFFF, v3  }
0x8e: {  	s12 =	sadd.s32 s4, s12;
	[tilespmem:$0x13E70] =	vst v2  }
0x8f: {  	[tilespmem:s19], [sflag:$0x3] =	stream.linear.gather [hbm4b:s12+s2], $0x40, $0x38;
	[tilespmem:$0x1BF00] =	vst v63  }
0x90: {  	_ =	swait.ge [sflag:s18], $0x40  }
0x91: {  	[sflag:s18] =	ssyncset.done $0x0  }
0x92: {  	[sflag:s18] =	ssyncadd.s32 $0xFFFFFFC0  }
0x93: {  	v2 =	vld [tilespmem:$0x13E00]  }
0x94: {  	v3 =	vld [tilespmem:$0x13C00]  }
0x95: {  	v56 =	vld [tilespmem:$0x13E20]  }
0x96: {  	v57 =	vld [tilespmem:$0x13C10]  }
0x97: {  	v58 =	vld [tilespmem:$0x13E40]  }
0x98: {  	v59 =	vld [tilespmem:$0x13C20]  }
0x99: {  	v61 =	vld [tilespmem:$0x13C30];
	vm12 =	vgt.s32 v2, $0xFFFFFFFF;
	v2 =	vshll.u32 v3, $0x1  }
0x9a: {  	v3 =	vld [tilespmem:$0x13E60];
	v60 =	vnsel vm12, $0xFFFFFFFF, v2;
	v2 =	vor.u32 $0x1, v2  }
0x9b: {  	vm13 =	vgt.s32 v56, $0xFFFFFFFF;
	v62 =	vshll.u32 v57, $0x1;
	[tilespmem:$0x13D00] =	vst v60;
	v2 =	vnsel vm12, $0xFFFFFFFF, v2  }
0x9c: {  	v4 =	vor.u32 $0x1, v62;
	[tilespmem:$0x13D10] =	vst v2;
	v2 =	vnsel vm13, $0xFFFFFFFF, v62  }
0x9d: {  	vm14 =	vgt.s32 v58, $0xFFFFFFFF;
	v63 =	vshll.u32 v59, $0x1;
	[tilespmem:$0x13D20] =	vst v2;
	v2 =	vnsel vm13, $0xFFFFFFFF, v4  }
0x9e: {  	v4 =	vor.u32 $0x1, v63;
	[tilespmem:$0x13D30] =	vst v2;
	v2 =	vnsel vm14, $0xFFFFFFFF, v63  }
0x9f: {  	vm15 =	vgt.s32 v3, $0xFFFFFFFF;
	v3 =	vshll.u32 v61, $0x1;
	[tilespmem:$0x13D40] =	vst v2;
	v2 =	vnsel vm14, $0xFFFFFFFF, v4  }
0xa0: {  	[tilespmem:$0x13D50] =	vst v2;
	v2 =	vnsel vm15, $0xFFFFFFFF, v3;
	v3 =	vor.u32 $0x1, v3  }
0xa1: {  	[tilespmem:$0x13D60] =	vst v2;
	v2 =	vnsel vm15, $0xFFFFFFFF, v3  }
0xa2: {  	[tilespmem:$0x13D70] =	vst v2;
	(ifvalue) =	ssetifvalue $0xFFFFFFFF  }
0xa3: {  	(ifvalue) =	ssetifvalue $0xFFFFFFFF  }
0xa4: {  	[tilespmem:s24], [sflag:$0x1] =	stream.indirect.gather [hbm4b:s6+s20], $0x80, s21, s20, $0x40b8;
	[tilespmem:$0x1BF00] =	vst v63  }
0xa5: {  	_ =	swait.ge [sflag:s31], $0x4000  }
0xa6: {  	p1 =	sne.s32 s10, $0x9C;
	[sflag:s31] =	ssyncset.done $0x0  }
.Ltmp0:
0xa7: {  	[sflag:s31] =	ssyncadd.s32 $0xFFFFC000;
	(ifvalue) =	ssetifvalue $0xFFFFFFFF;
	(pc) =	sbr.rel @p1 .LBB2_2-.Ltmp0, $4  }
0xa8: {  	[spmem:s1] =	stream.indirect.scatter.add.f32 [tilespmem:s28], [sflag:$0x3], $0x80, s0, s20, $0x40b8;
	[tilespmem:$0x1BF00] =	vst v63  }
0xa9: {  	_ =	swait.ge [sflag:s18], $0x4000  }
0xaa: {  	s16 =	sadd.s32 $0x10, s16;
	[sflag:s18] =	ssyncset.done $0x0  }
0xab: {  	s10 =	sadd.s32 $0x2, s10;
	s15 =	sadd.s32 $0x10, s15;
	[sflag:s18] =	ssyncadd.s32 $0xFFFFC000  }
0xac: {  	_ =	swait.ge [sflag:s29], $0x4000  }
0xad: {  	[sflag:s29] =	ssyncset.done $0x0  }
0xae: {  	[sflag:s29] =	ssyncadd.s32 $0xFFFFC000  }
0xaf: {  	[bflag:$0x0] =	sbarrier.arrive $0xFFFF  }
0xb0: {  	s10 =	rddreg [dreg:$0x7]  }
0xb1: {  	[hbm:s10], [sflag:s8] =	dma.local @p0 [spmem:s22], $0x2800  }
0xb2: {  	s10 =	simm.s32 @p0 $0x3  }
0xb3: {  	_ =	swait.ge @p0 [sflag:s10], $0x2800  }
0xb4: {  	s3 =	sadd.s32 $0x1, s3;
	[sflag:s10] =	ssyncset.done @p0 $0x0  }
0xb5: {  	p1 =	sne.s32 s3, s14;
	[sflag:s10] =	ssyncadd.s32 @p0 $0xFFFFD800;
	s10 =	rddreg [dreg:$0x6]  }
0xb6: {  	[hbm:s10], [sflag:s8] =	dma.local @!p0 [spmem:s23], $0x2700  }
.Ltmp1:
0xb7: {  	_ = 	snop;
	(pc) =	sbr.rel @p1 .LBB2_1-.Ltmp1, $4  }
0xb8: {  	s10 =	simm.s32 @!p0 $0x3  }
0xb9: {  	_ =	swait.ge @!p0 [sflag:s10], $0x2700  }
0xba: {  	[sflag:s10] =	ssyncset.done @!p0 $0x0  }
0xbb: {  	[sflag:s10] =	ssyncadd.s32 @!p0 $0xFFFFD900  }
0xbc: {  	_ =	sfence.sel $0x180000  }
0xbd: {  	[bflag:$0x0] =	sbarrier.arrive $0xFFFF  }
0xbe: {  	_ =	strace $0x9000004A  }
0xbf: {  	s0 =	stileid.u32;
	[bflag:$0x2] =	sbarrier.arrive $0xFFFF  }
0xc0: {  	p0 =	sne.s32 s0, $0x0;
	s0 =	rddreg [dreg:$0x2]  }
0xc1: {  	s0 =	sadd.s32 @!p0 $0x100000, s0  }
0xc2: {  	[sflag:s0] =	ssyncadd.tile.s32 @!p0 $0x1;
	_ =	shalt  }
.Lfunc_end2:
_tile_overlayer_lowered:
.L_overlay_start_2:
0xc3: {  	(tag) =	ssettag $0x2  }
0xc4: {  	s0 =	rddreg [dreg:$0x0];
	s2 =	stileid.u32  }
0xc5: {  	s1 =	rddreg [dreg:$0x1];
	p0 =	sne.s32 s2, $0x0  }
0xc6: {  	s3 =	rddreg [dreg:$0x2];
	[bflag:$0x3] =	sbarrier.arrive $0xFFFF;
	s2 =	simm.s32 @!p0 $0x1C03  }
0xc7: {  	[timem:s3], [sflag:s2] =	dma.local @!p0 [hbm:s0], s1  }
0xc8: {  	s0 =	simm.s32 @!p0 $0x3  }
0xc9: {  	_ =	swait.ge @!p0 [sflag:s0], s1  }
0xca: {  	s1 =	ssub.s32 @!p0 $0x0, s1;
	[sflag:s0] =	ssyncset.done @!p0 $0x0  }
0xcb: {  	[sflag:s0] =	ssyncadd.s32 @!p0 s1  }
0xcc: {  	[bflag:$0x3] =	sbarrier.arrive $0xFFFF  }
0xcd: {  	_ =	shalt  }

// kernel: kernel.16.cloned.1.call-start
scs
__scs_entry_jumppad:
0x0: {  	(pc) =	sbr.rel $0x88, $3  }
0x1: {  	(tag) =	ssettag $0x0;
	lr =	simm.s32 $0x1  }
0x2: {  	[smem:$0x3F90] =	sst lr;
	_ =	strace $0xD0000000  }
0x3: {  	_ = 	snop  }
0x4: {  	_ = 	snop  }
0x5: {  	_ = 	snop  }
0x6: {  	_ = 	snop  }
0x7: {  	_ = 	snop  }
__scs_overlays_trampoline_lowered:
0x8: {  	[smem:$0x3F9F] =	sst s0  }
0x9: {  	[smem:$0x3FA0] =	sst s1  }
0xa: {  	[smem:$0x3FA1] =	sst s2  }
0xb: {  	[smem:$0x3FA2] =	sst s3  }
0xc: {  	[smem:$0x3FA3] =	sst s4  }
0xd: {  	[smem:$0x3FA4] =	sst s5  }
0xe: {  	[smem:$0x3FA5] =	sst s6  }
0xf: {  	[smem:$0x3FA6] =	sst s7  }
0x10: {  	[smem:$0x3FA7] =	sst s8  }
0x11: {  	[smem:$0x3FA8] =	sst s9;
	s0 =	simm.s32 @!p0 $0x0  }
0x12: {  	s1 =	sld [smem:$0x3F8E];
	s0 =	simm.s32 @p0 $0x1  }
0x13: {  	[smem:$0x3FA9] =	sst s0;
	s0 =	simm.s32 @!p1 $0x0  }
0x14: {  	s2 =	sld [smem:$0x3F8D];
	s0 =	simm.s32 @p1 $0x1  }
0x15: {  	[smem:$0x3FAA] =	sst s0;
	s0 =	simm.s32 @!p2 $0x0  }
0x16: {  	s3 =	sld [smem:$0x3FDB];
	s0 =	simm.s32 @p2 $0x1  }
0x17: {  	s4 =	simm.s32 $0x1BF5;
	[smem:$0x3FAC] =	sst s0  }
0x18: {  	s0 =	sld [smem:$0x3F8F];
	_ =	swait.ge [sflag:s4], $0x0  }
0x19: {  	s7 =	sld [smem:$0x3F90]  }
0x1a: {  	s8 =	sadd.s32 $0xFFFFE003, lr  }
0x1b: {  	s9 =	sadd.s32 $0xFFFFFEF7, lr;
	s5 =	simm.s32 $0xFFFFFFFF;
	p2 =	slt.u32 s8, $0xFFFFF086  }
0x1c: {  	p1 =	slt.u32 s9, $0xF7A;
	s5 =	simm.s32 @!p2 $0x0  }
0x1d: {  	s5 =	simm.s32 @p1 $0x1;
	p0 =	seq.s32 s7, s2  }
0x1e: {  	s7 =	smul.u32 @!p0 $0xF7A, s2;
	p2 =	seq.s32 @!p0 s5, $0x0  }
0x1f: {  	s9 =	smul.u32 $0xF7A, s1;
	s8 =	simm.s32 @!p0 $0x1BF5;
	p2 =	por !p2, p0  }
0x20: {  	[sflag:s8] =	ssyncset.s32 @!p0 $0xFFFFF086;
	s6 =	sadd.s32 @!p0 s3, s7;
	s7 =	simm.s32 @!p0 $0x108  }
0x21: {  	s3 =	sadd.s32 s3, s9;
	s6 =	sadd.s32 @!p0 $0x88, s6;
	s7 =	simm.s32 @p2 $0x1082  }
0x22: {  	[simem:s7], [sflag:s8] =	dma.local @!p0 [hbm:s6], $0xF7A  }
0x23: {  	s9 =	sor.u32 $0xD0000000, s2;
	s6 =	simm.s32 $0x108;
	_ =	swait.ge @!p0 [sflag:s8], $0x0  }
0x24: {  	s3 =	sadd.s32 $0x88, s3;
	s6 =	simm.s32 @!p1 $0x1082;
	[sflag:s4] =	ssyncset.s32 $0xFFFFF086  }
0x25: {  	[simem:s6], [sflag:s4] =	dma.local [hbm:s3], $0xF7A  }
0x26: {  	[smem:$0x3F90] =	sst s1;
	(tag) =	ssettag s2;
	_ =	strace s9  }
0x27: {  	s1 =	sld [smem:$0x3FA0]  }
0x28: {  	s2 =	sld [smem:$0x3FA1]  }
0x29: {  	s4 =	sld [smem:$0x3FA3]  }
0x2a: {  	p0 =	seq.s32 s5, $0x0;
	s5 =	sld [smem:$0x3FA4]  }
0x2b: {  	s6 =	sld [smem:$0x3FA5]  }
0x2c: {  	s7 =	sld [smem:$0x3FA6]  }
0x2d: {  	s3 =	simm.s32 $0x108;
	s8 =	sld [smem:$0x3FA7]  }
0x2e: {  	s3 =	simm.s32 @!p0 $0x1082;
	s9 =	sld [smem:$0x3FA8]  }
0x2f: {  	lr =	sadd.s32 s0, s3;
	s0 =	sld [smem:$0x3F9F]  }
0x30: {  	s3 =	sld [smem:$0x3FA2]  }
0x31: {  	[smem:$0x3FAB] =	sst s10  }
0x32: {  	s10 =	sld [smem:$0x3FA9];
	_ =	sdelay $0x3  }
0x33: {  	p0 =	seq.s32 s10, $0x1;
	s10 =	sld [smem:$0x3FAB];
	_ =	sdelay $0x3  }
0x34: {  	[smem:$0x3FAB] =	sst s10  }
0x35: {  	s10 =	sld [smem:$0x3FAA];
	_ =	sdelay $0x3  }
0x36: {  	p1 =	seq.s32 s10, $0x1;
	s10 =	sld [smem:$0x3FAB];
	_ =	sdelay $0x3  }
0x37: {  	[smem:$0x3FAB] =	sst s10  }
0x38: {  	s10 =	sld [smem:$0x3FAC]  }
0x39: {  	_ = 	snop;
	(pc) =	sbr.ind lr, $3  }
0x3a: {  	_ = 	snop  }
0x3b: {  	_ = 	snop  }
0x3c: {  	p2 =	seq.s32 s10, $0x1;
	s10 =	sld [smem:$0x3FAB]  }
0x3d: {  	_ =	shalt  }
0x3e: {  	_ =	shalt  }
0x3f: {  	_ =	shalt  }
0x40: {  	_ =	shalt  }
0x41: {  	_ =	shalt  }
0x42: {  	_ =	shalt  }
0x43: {  	_ =	shalt  }
0x44: {  	_ =	shalt  }
0x45: {  	_ =	shalt  }
0x46: {  	_ =	shalt  }
0x47: {  	_ =	shalt  }
0x48: {  	_ =	shalt  }
0x49: {  	_ =	shalt  }
0x4a: {  	_ =	shalt  }
0x4b: {  	_ =	shalt  }
0x4c: {  	_ =	shalt  }
0x4d: {  	_ =	shalt  }
0x4e: {  	_ =	shalt  }
0x4f: {  	_ =	shalt  }
0x50: {  	_ =	shalt  }
0x51: {  	_ =	shalt  }
0x52: {  	_ =	shalt  }
0x53: {  	_ =	shalt  }
0x54: {  	_ =	shalt  }
0x55: {  	_ =	shalt  }
0x56: {  	_ =	shalt  }
0x57: {  	_ =	shalt  }
0x58: {  	_ =	shalt  }
0x59: {  	_ =	shalt  }
0x5a: {  	_ =	shalt  }
0x5b: {  	_ =	shalt  }
0x5c: {  	_ =	shalt  }
0x5d: {  	_ =	shalt  }
0x5e: {  	_ =	shalt  }
0x5f: {  	_ =	shalt  }
0x60: {  	_ =	shalt  }
0x61: {  	_ =	shalt  }
0x62: {  	_ =	shalt  }
0x63: {  	_ =	shalt  }
0x64: {  	_ =	shalt  }
0x65: {  	_ =	shalt  }
0x66: {  	_ =	shalt  }
0x67: {  	_ =	shalt  }
0x68: {  	_ =	shalt  }
0x69: {  	_ =	shalt  }
0x6a: {  	_ =	shalt  }
0x6b: {  	_ =	shalt  }
0x6c: {  	_ =	shalt  }
0x6d: {  	_ =	shalt  }
0x6e: {  	_ =	shalt  }
0x6f: {  	_ =	shalt  }
0x70: {  	_ =	shalt  }
0x71: {  	_ =	shalt  }
0x72: {  	_ =	shalt  }
0x73: {  	_ =	shalt  }
0x74: {  	_ =	shalt  }
0x75: {  	_ =	shalt  }
0x76: {  	_ =	shalt  }
0x77: {  	_ =	shalt  }
0x78: {  	_ =	shalt  }
0x79: {  	_ =	shalt  }
0x7a: {  	_ =	shalt  }
0x7b: {  	_ =	shalt  }
0x7c: {  	_ =	shalt  }
0x7d: {  	_ =	shalt  }
0x7e: {  	_ =	shalt  }
0x7f: {  	_ =	shalt  }
0x80: {  	_ =	shalt  }
0x81: {  	_ =	shalt  }
0x82: {  	_ =	shalt  }
0x83: {  	_ =	shalt  }
0x84: {  	_ =	shalt  }
0x85: {  	_ =	shalt  }
0x86: {  	_ =	shalt  }
0x87: {  	_ =	shalt  }
.Lfunc_end0:
.L_simem_size_0:
called_computation.2_lowered:
.L_overlay_start_0:
0x88: {  	s2 =	sld [smem:$0x3FD9]  }
0x89: {  	s3 =	sld [smem:$0x3FFE];
	_ =	sdelay $0x1  }
0x8a: {  	s1 =	srdreg.scid  }
0x8b: {  	s0 =	sand.u32 $0x1, s1  }
0x8c: {  	s17 =	sshll.u32 s0, $0xA;
	s2 =	sadd.s32 s3, s2  }
0x8d: {  	s2 =	sadd.s32 s2, s17  }
0x8e: {  	[smem:$0x3FB7] =	sst s2  }
0x8f: {  	_ = 	snop  }
0x90: {  	s2 =	sld [smem:$0x3FD0];
	(tm) =	ssettm $0x1  }
0x91: {  	s18 =	sld [smem:$0x3FFB];
	_ =	sdelay $0x3  }
0x92: {  	_ =	strace s18  }
0x93: {  	s3 =	sld [smem:$0x3FFC];
	_ =	sdelay $0x3  }
0x94: {  	_ =	strace s3  }
0x95: {  	s3 =	sld [smem:$0x3FFD];
	_ =	sdelay $0x3  }
0x96: {  	_ =	strace s3  }
0x97: {  	_ =	strace $0x8FFFFFFF  }
0x98: {  	s19 =	sld [smem:$0x3FDB];
	_ =	sdelay $0x1  }
0x99: {  	s4 =	simm.s32 $_scs_section_size  }
0x9a: {  	s5 =	simm.s32 $_size__tile_overlayer_lowered;
	s6 =	simm.s32 $_tile_overlayer_lowered  }
0x9b: {  	s22 =	simm.s32 $0x1BFF;
	s21 =	sshll.u32 s6, $0x1;
	s3 =	sadd.s32 s4, s19  }
0x9c: {  	s7 =	simm.s32 $0x0;
	s20 =	sshll.u32 s5, $0x1;
	s5 =	sadd.s32 s21, s3  }
0x9d: {  	[timem:s7], [sflag:s22] =	dma.local [hbm:s5], s20  }
0x9e: {  	_ =	swait.ge [sflag:s22], s20  }
0x9f: {  	s4 =	ssub.s32 $0x0, s20;
	[sflag:s22] =	ssyncset.done $0x0  }
0xa0: {  	[sflag:s22] =	ssyncadd.s32 s4;
	_ =	sdelay $0x1  }
0xa1: {  	s23 =	simm.s32 $0x1B8B  }
0xa2: {  	_ =	swait.ge [sflag:s23], $0x1  }
0xa3: {  	[sflag:s23] =	ssyncset.done $0x0  }
0xa4: {  	s25 =	simm.s32 $0x1B8E;
	s24 =	sld [smem:$0x3FFE];
	[sflag:s23] =	ssyncadd.s32 $0xFFFFFFFF  }
0xa5: {  	s26 =	simm.s32 $execute0_lowered;
	[smem:$0x3FD2] =	sst s25  }
0xa6: {  	s5 =	sshll.u32 s26, $0x1;
	_ =	strace $0x8000004C;
	[dreg:$0x1] =	wrdreg $0xFFFFFFFF  }
0xa7: {  	s28 =	simm.s32 $_size_execute0_lowered;
	s3 =	sadd.s32 s3, s5;
	[dreg:$0x0] =	wrdreg $0x0  }
0xa8: {  	s5 =	sshll.u32 s28, $0x1;
	[dreg:$0x2] =	wrdreg s3  }
0xa9: {  	[dreg:$0x3] =	wrdreg s5  }
0xaa: {  	[dreg:$0x4] =	wrdreg $0xC0  }
0xab: {  	_ =	task [dreg:s7], $0x5FFFF  }
0xac: {  	[dreg:$0x1] =	wrdreg $0xFFFFFFFF  }
0xad: {  	[dreg:$0x0] =	wrdreg $0x60  }
0xae: {  	[dreg:$0x2] =	wrdreg s24  }
0xaf: {  	[dreg:$0x3] =	wrdreg s2  }
0xb0: {  	[dreg:$0x4] =	wrdreg $0x0  }
0xb1: {  	[dreg:$0x5] =	wrdreg $0x9  }
0xb2: {  	_ =	task.clear_ibuf [dreg:s7], $0x6FFFF;
	_ =	strace $0x9000004C  }
0xb3: {  	s29 =	simm.s32 $0x9;
	_ =	strace $0x8000004E  }
0xb4: {  	_ =	swait.ge [sflag:s29], $0x1  }
0xb5: {  	[sflag:s29] =	ssyncadd.s32 $0xFFFFFFFF  }
0xb6: {  	_ =	strace $0x9000004E  }
0xb7: {  	_ =	sfence  }
0xb8: {  	s30 =	sld [smem:$0x0];
	_ =	sdelay $0x2  }
0xb9: {  	s31 =	sshll.u32 s1, $0xD;
	s1 =	sshrl.u32 s1, $0x2  }
0xba: {  	s3 =	sand.u32 $0x4000, s31;
	s1 =	sadd.s32 s1, s30  }
0xbb: {  	s0 =	sor.u32 s3, s0;
	s1 =	sshll.u32 s1, $0x11  }
0xbc: {  	s0 =	sor.u32 s1, s0  }
0xbd: {  	s0 =	sadd.s32 $0x8F2B, s0  }
0xbe: {  	[sflag:s0] =	ssyncadd.remote.s32 $0x1  }
0xbf: {  	_ =	sfence.sel $0xFFFF  }
0xc0: {  	[dreg:$0x0] =	wrdreg $0xFFFFFFFF;
	(pc) =	sbr.abs _section_cstart, $3  }
0xc1: {  	[dreg:$0x1] =	wrdreg $0xFFFFFFFF  }
0xc2: {  	_ =	task.clear_ibuf [dreg:s7], $0x2FFFF;
	_ =	strace $0x9FFFFFFF  }
0xc3: {  	(tm) =	ssettm $0x7FFFFFFF  }
tec
execute0_lowered:
.L_overlay_start_1:
0x0: {  	(tag) =	ssettag $0x1  }
0x1: {  	s0 =	rddreg [dreg:$0x0]  }
0x2: {  	s1 =	rddreg [dreg:$0x1]  }
0x3: {  	s2 =	rddreg [dreg:$0x2];
	s3 =	simm.s32 $0x0;
	s4 =	srdreg.scid  }
0x4: {  	s21 =	stileid.u32;
	s28 =	simm.s32 $0x17F00;
	s29 =	simm.s32 $0x1  }
0x5: {  	s30 =	simm.s32 $0x13E00;
	[smem:$0x7FF] =	sst s3;
	s7 =	smul.u32 $0x4F000, s21  }
0x6: {  	s5 =	sadd.s32 $0x3200, s0;
	s6 =	sadd.s32 $0xB200, s0;
	s9 =	smul.u32 $0x2780, s21  }
0x7: {  	s4 =	sand.u32 $0x1, s4;
	s8 =	sadd.s32 $0x8A00, s0;
	s12 =	smul.u32 $0x4E000, s21  }
0x8: {  	s0 =	sadd.s32 $0x5E400, s0;
	s18 =	sshll.u32 s21, $0x6;
	s14 =	smul.u32 $0x2700, s21  }
0x9: {  	p0 =	seq.s32 s21, $0xF;
	_ =	strace $0x8000004D;
	s15 =	smul.u32 $0x1388, s4  }
0xa: {  	[dreg:$0x4] =	wrdreg s8;
	s17 =	ssub.s32 $0x2, s4;
	s13 =	smul.u32 $0x27100, s4  }
0xb: {  	s8 =	sor.u32 $0x1C03, s18;
	s4 =	smul.u32 $0x138800, s4;
	s18 =	simm.s32 $0x3  }
0xc: {  	s10 =	sshrl.u32 s17, $0x1;
	s7 =	sshrl.u32 s7, $0x2;
	s19 =	sshrl.u32 s9, $0x3  }
0xd: {  	s20 =	sshrl.u32 s12, $0x2;
	s10 =	ssub.s32 s17, s10;
	s16 =	sadd.s32 s7, s2  }
0xe: {  	s11 =	sadd.s32 s6, s19;
	s31 =	sadd.s32 $0x1388, s15;
	s7 =	sadd.s32 s5, s19  }
0xf: {  	s22 =	sadd.s32 s14, s13;
	s4 =	sshrl.u32 s4, $0x3;
	s17 =	smul.u32 $0x4F0, s21  }
0x10: {  	s23 =	sadd.s32 s20, s2;
	s19 =	simm.s32 $0x13C00;
	[dreg:$0x5] =	wrdreg s11  }
0x11: {  	s20 =	simm.s32 $0x80;
	s21 =	simm.s32 $0x13D00;
	[dreg:$0x6] =	wrdreg s7  }
0x12: {  	s11 =	sadd.s32 $0x80, s9;
	s24 =	sadd.s32 s0, s22;
	s0 =	sadd.s32 s0, s4  }
0x13: {  	s4 =	sadd.s32 $0x124800, s2;
	s14 =	smax.u32 s10, $0x1;
	s23 =	sshrl.u32 @!p0 s23, $0x3  }
0x14: {  	v1 =	vmov s31;
	s31 =	simm.s32 $0x2;
	[dreg:$0x7] =	wrdreg s24;
	s0 =	sadd.s32 $0x24900, s0  }
0x15: {  	s25 =	sadd.s32 s17, s5;
	s26 =	sadd.s32 s17, s6;
	s17 =	sshrl.u32 s16, $0x3  }
0x16: {  	s22 =	sshrl.u32 @p0 s4, $0x3;
	s24 =	simm.s32 $0x13F00;
	s4 =	simm.s32 $0x0  }
0x17: {  	[dreg:$0x8] =	wrdreg s0;
	s9 =	sadd.s32 $0x8, s25;
	s7 =	sadd.s32 $0x8, s26  }
0x18: {  	v0 =	vmov s15;
	s25 =	simm.s32 $0x13C80;
	s26 =	simm.s32 $0x13D80;
	s0 =	simm.s32 $0x13E80  }
.LBB2_1:
0x19: {  	s10 =	rddreg [dreg:$0x4]  }
0x1a: {  	[spmem:s17], [sflag:s8] =	dma.local [hbm:s10], $0x2780  }
0x1b: {  	_ =	swait.ge [sflag:s18], $0x2780  }
0x1c: {  	[sflag:s18] =	ssyncset.done $0x0  }
0x1d: {  	[sflag:s18] =	ssyncadd.s32 $0xFFFFD880  }
0x1e: {  	[bflag:$0x0] =	sbarrier.arrive $0xFFFF  }
0x1f: {  	s15 =	rddreg [dreg:$0x5]  }
0x20: {  	[tilespmem:s19], [sflag:$0x3] =	stream.linear.gather [hbm4b:s15+s3], $0x40, $0x38;
	[tilespmem:$0x1BF00] =	vst v63  }
0x21: {  	_ =	swait.ge [sflag:s18], $0x40  }
0x22: {  	[sflag:s18] =	ssyncset.done $0x0  }
0x23: {  	[sflag:s18] =	ssyncadd.s32 $0xFFFFFFC0  }
0x24: {  	v2 =	vld [tilespmem:$0x13C00]  }
0x25: {  	v3 =	vld [tilespmem:$0x13C10]  }
0x26: {  	v4 =	vld [tilespmem:$0x13C20];
	_ =	sdelay $0x2  }
0x27: {  	v6 =	vld [tilespmem:$0x13C30];
	vm0 =	vge.s32 v2, v0;
	vm1 =	vlt.s32 v2, v1  }
0x28: {  	v2 =	vsub.s32 v2, v0;
	vm6 =	vge.s32 v3, v0;
	vm2 =	vlt.s32 v3, v1  }
0x29: {  	v3 =	vsub.s32 v3, v0;
	vm7 =	vge.s32 v4, v0;
	vm8 =	vlt.s32 v4, v1  }
0x2a: {  	vm0 =	vmand vm0, vm1;
	v2 =	vshll.u32 v2, $0x1;
	vm1 =	vmand vm6, vm2  }
0x2b: {  	v3 =	vshll.u32 v3, $0x1;
	v5 =	vor.u32 $0x1, v2;
	v2 =	vnsel vm0, $0xFFFFFFFF, v2  }
0x2c: {  	vm9 =	vge.s32 v6, v0;
	vm10 =	vlt.s32 v6, v1;
	v7 =	vnsel vm1, $0xFFFFFFFF, v3;
	[tilespmem:$0x13E00] =	vst v2  }
0x2d: {  	v3 =	vor.u32 $0x1, v3;
	v5 =	vnsel vm0, $0xFFFFFFFF, v5;
	v2 =	vsub.s32 v4, v0;
	[tilespmem:$0x13E20] =	vst v7  }
0x2e: {  	vm0 =	vmand vm7, vm8;
	v3 =	vnsel vm1, $0xFFFFFFFF, v3;
	[tilespmem:$0x13E10] =	vst v5;
	v2 =	vshll.u32 v2, $0x1  }
0x2f: {  	[tilespmem:$0x13E30] =	vst v3;
	v3 =	vsub.s32 v6, v0;
	v57 =	vnsel vm0, $0xFFFFFFFF, v2;
	v2 =	vor.u32 $0x1, v2  }
0x30: {  	vm11 =	vmand vm9, vm10;
	v3 =	vshll.u32 v3, $0x1;
	v2 =	vnsel vm0, $0xFFFFFFFF, v2;
	[tilespmem:$0x13E40] =	vst v57  }
0x31: {  	[tilespmem:$0x13E50] =	vst v2;
	v2 =	vnsel vm11, $0xFFFFFFFF, v3;
	v3 =	vor.u32 $0x1, v3  }
0x32: {  	[tilespmem:$0x13E60] =	vst v2;
	v2 =	vnsel vm11, $0xFFFFFFFF, v3  }
0x33: {  	s16 =	rddreg [dreg:$0x6];
	[tilespmem:$0x13E70] =	vst v2  }
0x34: {  	[tilespmem:s19], [sflag:$0x3] =	stream.linear.gather [hbm4b:s16+s3], $0x40, $0x38;
	[tilespmem:$0x1BF00] =	vst v63  }
0x35: {  	_ =	swait.ge [sflag:s18], $0x40  }
0x36: {  	[sflag:s18] =	ssyncset.done $0x0  }
0x37: {  	[sflag:s18] =	ssyncadd.s32 $0xFFFFFFC0  }
0x38: {  	v2 =	vld [tilespmem:$0x13E00]  }
0x39: {  	v3 =	vld [tilespmem:$0x13C00]  }
0x3a: {  	v58 =	vld [tilespmem:$0x13E20]  }
0x3b: {  	v59 =	vld [tilespmem:$0x13C10]  }
0x3c: {  	v60 =	vld [tilespmem:$0x13E40]  }
0x3d: {  	v61 =	vld [tilespmem:$0x13C20]  }
0x3e: {  	v9 =	vld [tilespmem:$0x13C30];
	vm12 =	vgt.s32 v2, $0xFFFFFFFF;
	v2 =	vshll.u32 v3, $0x1  }
0x3f: {  	v3 =	vld [tilespmem:$0x13E60];
	v8 =	vnsel vm12, $0xFFFFFFFF, v2;
	v2 =	vor.u32 $0x1, v2  }
0x40: {  	vm13 =	vgt.s32 v58, $0xFFFFFFFF;
	v62 =	vshll.u32 v59, $0x1;
	[tilespmem:$0x13D00] =	vst v8;
	v2 =	vnsel vm12, $0xFFFFFFFF, v2  }
0x41: {  	v4 =	vor.u32 $0x1, v62;
	[tilespmem:$0x13D10] =	vst v2;
	v2 =	vnsel vm13, $0xFFFFFFFF, v62  }
0x42: {  	vm14 =	vgt.s32 v60, $0xFFFFFFFF;
	v63 =	vshll.u32 v61, $0x1;
	[tilespmem:$0x13D20] =	vst v2;
	v2 =	vnsel vm13, $0xFFFFFFFF, v4  }
0x43: {  	v4 =	vor.u32 $0x1, v63;
	[tilespmem:$0x13D30] =	vst v2;
	v2 =	vnsel vm14, $0xFFFFFFFF, v63  }
0x44: {  	vm15 =	vgt.s32 v3, $0xFFFFFFFF;
	v3 =	vshll.u32 v9, $0x1;
	[tilespmem:$0x13D40] =	vst v2;
	v2 =	vnsel vm14, $0xFFFFFFFF, v4  }
0x45: {  	[tilespmem:$0x13D50] =	vst v2;
	v2 =	vnsel vm15, $0xFFFFFFFF, v3;
	v3 =	vor.u32 $0x1, v3  }
0x46: {  	[tilespmem:$0x13D60] =	vst v2;
	v2 =	vnsel vm15, $0xFFFFFFFF, v3  }
0x47: {  	s10 =	simm.s32 $0x0;
	[tilespmem:$0x13D70] =	vst v2;
	(ifvalue) =	ssetifvalue $0xFFFFFFFF  }
0x48: {  	s15 =	smov.u32 s9;
	s16 =	smov.u32 s7;
	(ifvalue) =	ssetifvalue $0xFFFFFFFF  }
0x49: {  	[tilespmem:s24], [sflag:$0x1] =	stream.indirect.gather [hbm4b:s1+s20], $0x80, s21, s20, $0x40b8;
	[tilespmem:$0x1BF00] =	vst v63  }
.LBB2_2:
0x4a: {  	[tilespmem:s25], [sflag:$0x3] =	stream.linear.gather [hbm4b:s16+s3], $0x40, $0x38;
	[tilespmem:$0x1BF00] =	vst v63  }
0x4b: {  	_ =	swait.ge [sflag:s18], $0x40  }
0x4c: {  	[sflag:s18] =	ssyncset.done $0x0  }
0x4d: {  	[sflag:s18] =	ssyncadd.s32 $0xFFFFFFC0  }
0x4e: {  	v2 =	vld [tilespmem:$0x13C80]  }
0x4f: {  	v3 =	vld [tilespmem:$0x13C90]  }
0x50: {  	v4 =	vld [tilespmem:$0x13CA0];
	_ =	sdelay $0x2  }
0x51: {  	v6 =	vld [tilespmem:$0x13CB0];
	vm0 =	vge.s32 v2, v0;
	vm1 =	vlt.s32 v2, v1  }
0x52: {  	v2 =	vsub.s32 v2, v0;
	vm5 =	vge.s32 v3, v0;
	vm2 =	vlt.s32 v3, v1  }
0x53: {  	v3 =	vsub.s32 v3, v0;
	vm6 =	vge.s32 v4, v0;
	vm7 =	vlt.s32 v4, v1  }
0x54: {  	vm0 =	vmand vm0, vm1;
	v2 =	vshll.u32 v2, $0x1;
	vm1 =	vmand vm5, vm2  }
0x55: {  	v3 =	vshll.u32 v3, $0x1;
	v5 =	vor.u32 $0x1, v2;
	v2 =	vnsel vm0, $0xFFFFFFFF, v2  }
0x56: {  	vm8 =	vge.s32 v6, v0;
	vm9 =	vlt.s32 v6, v1;
	v7 =	vnsel vm1, $0xFFFFFFFF, v3;
	[tilespmem:$0x13E80] =	vst v2  }
0x57: {  	v3 =	vor.u32 $0x1, v3;
	v5 =	vnsel vm0, $0xFFFFFFFF, v5;
	v2 =	vsub.s32 v4, v0;
	[tilespmem:$0x13EA0] =	vst v7  }
0x58: {  	vm0 =	vmand vm6, vm7;
	v3 =	vnsel vm1, $0xFFFFFFFF, v3;
	[tilespmem:$0x13E90] =	vst v5;
	v2 =	vshll.u32 v2, $0x1  }
0x59: {  	[tilespmem:$0x13EB0] =	vst v3;
	v3 =	vsub.s32 v6, v0;
	v44 =	vnsel vm0, $0xFFFFFFFF, v2;
	v2 =	vor.u32 $0x1, v2  }
0x5a: {  	vm10 =	vmand vm8, vm9;
	v3 =	vshll.u32 v3, $0x1;
	[tilespmem:$0x13EC0] =	vst v44;
	v2 =	vnsel vm0, $0xFFFFFFFF, v2  }
0x5b: {  	[tilespmem:$0x13ED0] =	vst v2;
	v2 =	vnsel vm10, $0xFFFFFFFF, v3;
	v3 =	vor.u32 $0x1, v3  }
0x5c: {  	[tilespmem:$0x13EE0] =	vst v2;
	v2 =	vnsel vm10, $0xFFFFFFFF, v3  }
0x5d: {  	[tilespmem:$0x13EF0] =	vst v2  }
0x5e: {  	[tilespmem:s25], [sflag:$0x3] =	stream.linear.gather [hbm4b:s15+s3], $0x40, $0x38;
	[tilespmem:$0x1BF00] =	vst v63  }
0x5f: {  	_ =	swait.ge [sflag:s18], $0x40  }
0x60: {  	[sflag:s18] =	ssyncset.done $0x0  }
0x61: {  	[sflag:s18] =	ssyncadd.s32 $0xFFFFFFC0  }
0x62: {  	v2 =	vld [tilespmem:$0x13E80]  }
0x63: {  	v3 =	vld [tilespmem:$0x13C80]  }
0x64: {  	v45 =	vld [tilespmem:$0x13EA0]  }
0x65: {  	v46 =	vld [tilespmem:$0x13C90]  }
0x66: {  	v47 =	vld [tilespmem:$0x13EC0]  }
0x67: {  	v48 =	vld [tilespmem:$0x13CA0]  }
0x68: {  	v9 =	vld [tilespmem:$0x13CB0];
	vm11 =	vgt.s32 v2, $0xFFFFFFFF;
	v2 =	vshll.u32 v3, $0x1  }
0x69: {  	v3 =	vld [tilespmem:$0x13EE0];
	v8 =	vnsel vm11, $0xFFFFFFFF, v2;
	v2 =	vor.u32 $0x1, v2  }
0x6a: {  	vm12 =	vgt.s32 v45, $0xFFFFFFFF;
	v49 =	vshll.u32 v46, $0x1;
	[tilespmem:$0x13D80] =	vst v8;
	v2 =	vnsel vm11, $0xFFFFFFFF, v2  }
0x6b: {  	v4 =	vor.u32 $0x1, v49;
	[tilespmem:$0x13D90] =	vst v2;
	v2 =	vnsel vm12, $0xFFFFFFFF, v49  }
0x6c: {  	vm13 =	vgt.s32 v47, $0xFFFFFFFF;
	v50 =	vshll.u32 v48, $0x1;
	[tilespmem:$0x13DA0] =	vst v2;
	v2 =	vnsel vm12, $0xFFFFFFFF, v4  }
0x6d: {  	v4 =	vor.u32 $0x1, v50;
	[tilespmem:$0x13DB0] =	vst v2;
	v2 =	vnsel vm13, $0xFFFFFFFF, v50  }
0x6e: {  	vm14 =	vgt.s32 v3, $0xFFFFFFFF;
	v3 =	vshll.u32 v9, $0x1;
	[tilespmem:$0x13DC0] =	vst v2;
	v2 =	vnsel vm13, $0xFFFFFFFF, v4  }
0x6f: {  	[tilespmem:$0x13DD0] =	vst v2;
	v2 =	vnsel vm14, $0xFFFFFFFF, v3;
	v3 =	vor.u32 $0x1, v3  }
0x70: {  	[tilespmem:$0x13DE0] =	vst v2;
	v2 =	vnsel vm14, $0xFFFFFFFF, v3  }
0x71: {  	[tilespmem:$0x13DF0] =	vst v2;
	(ifvalue) =	ssetifvalue $0xFFFFFFFF  }
0x72: {  	(ifvalue) =	ssetifvalue $0xFFFFFFFF  }
0x73: {  	[tilespmem:s28], [sflag:$0x2] =	stream.indirect.gather [hbm4b:s1+s20], $0x80, s26, s20, $0x40b8;
	[tilespmem:$0x1BF00] =	vst v63  }
0x74: {  	_ =	swait.ge [sflag:s29], $0x4000  }
0x75: {  	s12 =	smin.u32 s10, $0x9B;
	[sflag:s29] =	ssyncset.done $0x0  }
0x76: {  	s12 =	sshll.u32 s12, $0x6;
	[sflag:s29] =	ssyncadd.s32 $0xFFFFC000;
	(ifvalue) =	ssetifvalue $0xFFFFFFFF  }
0x77: {  	[spmem:s2] =	stream.indirect.scatter.add.f32 [tilespmem:s24], [sflag:$0x3], $0x80, s30, s20, $0x40b8;
	[tilespmem:$0x1BF00] =	vst v63  }
0x78: {  	s12 =	sadd.s32 s12, s11;
	_ =	swait.ge [sflag:s18], $0x4000  }
0x79: {  	s12 =	sshrl.u32 s12, $0x3;
	[sflag:s18] =	ssyncset.done $0x0  }
0x7a: {  	s13 =	sadd.s32 s6, s12;
	[sflag:s18] =	ssyncadd.s32 $0xFFFFC000  }
0x7b: {  	[tilespmem:s19], [sflag:$0x3] =	stream.linear.gather [hbm4b:s13+s3], $0x40, $0x38;
	[tilespmem:$0x1BF00] =	vst v63  }
0x7c: {  	_ =	swait.ge [sflag:s18], $0x40  }
0x7d: {  	[sflag:s18] =	ssyncset.done $0x0  }
0x7e: {  	[sflag:s18] =	ssyncadd.s32 $0xFFFFFFC0  }
0x7f: {  	v2 =	vld [tilespmem:$0x13C00]  }
0x80: {  	v3 =	vld [tilespmem:$0x13C10]  }
0x81: {  	v51 =	vld [tilespmem:$0x13C20];
	_ =	sdelay $0x2  }
0x82: {  	v53 =	vld [tilespmem:$0x13C30];
	vm15 =	vge.s32 v2, v0;
	vm4 =	vlt.s32 v2, v1  }
0x83: {  	v2 =	vsub.s32 v2, v0;
	vm5 =	vge.s32 v3, v0;
	vm6 =	vlt.s32 v3, v1  }
0x84: {  	v3 =	vsub.s32 v3, v0;
	vm7 =	vge.s32 v51, v0;
	vm8 =	vlt.s32 v51, v1  }
0x85: {  	vm0 =	vmand vm15, vm4;
	v2 =	vshll.u32 v2, $0x1;
	vm1 =	vmand vm5, vm6  }
0x86: {  	v3 =	vshll.u32 v3, $0x1;
	v52 =	vor.u32 $0x1, v2;
	v2 =	vnsel vm0, $0xFFFFFFFF, v2  }
0x87: {  	vm9 =	vge.s32 v53, v0;
	vm10 =	vlt.s32 v53, v1;
	v54 =	vnsel vm1, $0xFFFFFFFF, v3;
	[tilespmem:$0x13E00] =	vst v2  }
0x88: {  	v3 =	vor.u32 $0x1, v3;
	v5 =	vnsel vm0, $0xFFFFFFFF, v52;
	v2 =	vsub.s32 v51, v0;
	[tilespmem:$0x13E20] =	vst v54  }
0x89: {  	vm0 =	vmand vm7, vm8;
	v3 =	vnsel vm1, $0xFFFFFFFF, v3;
	[tilespmem:$0x13E10] =	vst v5;
	v2 =	vshll.u32 v2, $0x1  }
0x8a: {  	[tilespmem:$0x13E30] =	vst v3;
	v3 =	vsub.s32 v53, v0;
	v55 =	vnsel vm0, $0xFFFFFFFF, v2;
	v2 =	vor.u32 $0x1, v2  }
0x8b: {  	vm11 =	vmand vm9, vm10;
	v3 =	vshll.u32 v3, $0x1;
	v2 =	vnsel vm0, $0xFFFFFFFF, v2;
	[tilespmem:$0x13E40] =	vst v55  }
0x8c: {  	[tilespmem:$0x13E50] =	vst v2;
	v2 =	vnsel vm11, $0xFFFFFFFF, v3;
	v3 =	vor.u32 $0x1, v3  }
0x8d: {  	[tilespmem:$0x13E60] =	vst v2;
	v2 =	vnsel vm11, $0xFFFFFFFF, v3  }
0x8e: {  	s12 =	sadd.s32 s5, s12;
	[tilespmem:$0x13E70] =	vst v2  }
0x8f: {  	[tilespmem:s19], [sflag:$0x3] =	stream.linear.gather [hbm4b:s12+s3], $0x40, $0x38;
	[tilespmem:$0x1BF00] =	vst v63  }
0x90: {  	_ =	swait.ge [sflag:s18], $0x40  }
0x91: {  	[sflag:s18] =	ssyncset.done $0x0  }
0x92: {  	[sflag:s18] =	ssyncadd.s32 $0xFFFFFFC0  }
0x93: {  	v2 =	vld [tilespmem:$0x13E00]  }
0x94: {  	v3 =	vld [tilespmem:$0x13C00]  }
0x95: {  	v56 =	vld [tilespmem:$0x13E20]  }
0x96: {  	v57 =	vld [tilespmem:$0x13C10]  }
0x97: {  	v58 =	vld [tilespmem:$0x13E40]  }
0x98: {  	v59 =	vld [tilespmem:$0x13C20]  }
0x99: {  	v61 =	vld [tilespmem:$0x13C30];
	vm12 =	vgt.s32 v2, $0xFFFFFFFF;
	v2 =	vshll.u32 v3, $0x1  }
0x9a: {  	v3 =	vld [tilespmem:$0x13E60];
	v60 =	vnsel vm12, $0xFFFFFFFF, v2;
	v2 =	vor.u32 $0x1, v2  }
0x9b: {  	vm13 =	vgt.s32 v56, $0xFFFFFFFF;
	v62 =	vshll.u32 v57, $0x1;
	[tilespmem:$0x13D00] =	vst v60;
	v2 =	vnsel vm12, $0xFFFFFFFF, v2  }
0x9c: {  	v4 =	vor.u32 $0x1, v62;
	[tilespmem:$0x13D10] =	vst v2;
	v2 =	vnsel vm13, $0xFFFFFFFF, v62  }
0x9d: {  	vm14 =	vgt.s32 v58, $0xFFFFFFFF;
	v63 =	vshll.u32 v59, $0x1;
	[tilespmem:$0x13D20] =	vst v2;
	v2 =	vnsel vm13, $0xFFFFFFFF, v4  }
0x9e: {  	v4 =	vor.u32 $0x1, v63;
	[tilespmem:$0x13D30] =	vst v2;
	v2 =	vnsel vm14, $0xFFFFFFFF, v63  }
0x9f: {  	vm15 =	vgt.s32 v3, $0xFFFFFFFF;
	v3 =	vshll.u32 v61, $0x1;
	[tilespmem:$0x13D40] =	vst v2;
	v2 =	vnsel vm14, $0xFFFFFFFF, v4  }
0xa0: {  	[tilespmem:$0x13D50] =	vst v2;
	v2 =	vnsel vm15, $0xFFFFFFFF, v3;
	v3 =	vor.u32 $0x1, v3  }
0xa1: {  	[tilespmem:$0x13D60] =	vst v2;
	v2 =	vnsel vm15, $0xFFFFFFFF, v3  }
0xa2: {  	[tilespmem:$0x13D70] =	vst v2;
	(ifvalue) =	ssetifvalue $0xFFFFFFFF  }
0xa3: {  	(ifvalue) =	ssetifvalue $0xFFFFFFFF  }
0xa4: {  	[tilespmem:s24], [sflag:$0x1] =	stream.indirect.gather [hbm4b:s1+s20], $0x80, s21, s20, $0x40b8;
	[tilespmem:$0x1BF00] =	vst v63  }
0xa5: {  	_ =	swait.ge [sflag:s31], $0x4000  }
0xa6: {  	p1 =	sne.s32 s10, $0x9C;
	[sflag:s31] =	ssyncset.done $0x0  }
.Ltmp0:
0xa7: {  	[sflag:s31] =	ssyncadd.s32 $0xFFFFC000;
	(ifvalue) =	ssetifvalue $0xFFFFFFFF;
	(pc) =	sbr.rel @p1 .LBB2_2-.Ltmp0, $4  }
0xa8: {  	[spmem:s2] =	stream.indirect.scatter.add.f32 [tilespmem:s28], [sflag:$0x3], $0x80, s0, s20, $0x40b8;
	[tilespmem:$0x1BF00] =	vst v63  }
0xa9: {  	_ =	swait.ge [sflag:s18], $0x4000  }
0xaa: {  	s16 =	sadd.s32 $0x10, s16;
	[sflag:s18] =	ssyncset.done $0x0  }
0xab: {  	s10 =	sadd.s32 $0x2, s10;
	s15 =	sadd.s32 $0x10, s15;
	[sflag:s18] =	ssyncadd.s32 $0xFFFFC000  }
0xac: {  	_ =	swait.ge [sflag:s29], $0x4000  }
0xad: {  	[sflag:s29] =	ssyncset.done $0x0  }
0xae: {  	[sflag:s29] =	ssyncadd.s32 $0xFFFFC000  }
0xaf: {  	[bflag:$0x0] =	sbarrier.arrive $0xFFFF  }
0xb0: {  	s10 =	rddreg [dreg:$0x8]  }
0xb1: {  	[hbm:s10], [sflag:s8] =	dma.local @p0 [spmem:s22], $0x2800  }
0xb2: {  	s10 =	simm.s32 @p0 $0x3  }
0xb3: {  	_ =	swait.ge @p0 [sflag:s10], $0x2800  }
0xb4: {  	s4 =	sadd.s32 $0x1, s4;
	[sflag:s10] =	ssyncset.done @p0 $0x0  }
0xb5: {  	p1 =	sne.s32 s4, s14;
	[sflag:s10] =	ssyncadd.s32 @p0 $0xFFFFD800;
	s10 =	rddreg [dreg:$0x7]  }
0xb6: {  	[hbm:s10], [sflag:s8] =	dma.local @!p0 [spmem:s23], $0x2700  }
.Ltmp1:
0xb7: {  	_ = 	snop;
	(pc) =	sbr.rel @p1 .LBB2_1-.Ltmp1, $4  }
0xb8: {  	s10 =	simm.s32 @!p0 $0x3  }
0xb9: {  	_ =	swait.ge @!p0 [sflag:s10], $0x2700  }
0xba: {  	[sflag:s10] =	ssyncset.done @!p0 $0x0  }
0xbb: {  	[sflag:s10] =	ssyncadd.s32 @!p0 $0xFFFFD900  }
0xbc: {  	_ =	sfence.sel $0x180000  }
0xbd: {  	[bflag:$0x0] =	sbarrier.arrive $0xFFFF  }
0xbe: {  	_ =	strace $0x9000004D  }
0xbf: {  	s0 =	stileid.u32;
	[bflag:$0x2] =	sbarrier.arrive $0xFFFF  }
0xc0: {  	p0 =	sne.s32 s0, $0x0;
	s0 =	rddreg [dreg:$0x3]  }
0xc1: {  	s0 =	sadd.s32 @!p0 $0x100000, s0  }
0xc2: {  	[sflag:s0] =	ssyncadd.tile.s32 @!p0 $0x1;
	_ =	shalt  }
.Lfunc_end2:
_tile_overlayer_lowered:
.L_overlay_start_2:
0xc3: {  	(tag) =	ssettag $0x2  }
0xc4: {  	s0 =	rddreg [dreg:$0x0];
	s2 =	stileid.u32  }
0xc5: {  	s1 =	rddreg [dreg:$0x1];
	p0 =	sne.s32 s2, $0x0  }
0xc6: {  	s3 =	rddreg [dreg:$0x2];
	[bflag:$0x3] =	sbarrier.arrive $0xFFFF;
	s2 =	simm.s32 @!p0 $0x1C03  }
0xc7: {  	[timem:s3], [sflag:s2] =	dma.local @!p0 [hbm:s0], s1  }
0xc8: {  	s0 =	simm.s32 @!p0 $0x3  }
0xc9: {  	_ =	swait.ge @!p0 [sflag:s0], s1  }
0xca: {  	s1 =	ssub.s32 @!p0 $0x0, s1;
	[sflag:s0] =	ssyncset.done @!p0 $0x0  }
0xcb: {  	[sflag:s0] =	ssyncadd.s32 @!p0 s1  }
0xcc: {  	[bflag:$0x3] =	sbarrier.arrive $0xFFFF  }
0xcd: {  	_ =	shalt  }

// kernel: kernel.19.cloned.1.call-start
scs
__scs_entry_jumppad:
0x0: {  	(pc) =	sbr.rel $0x88, $3  }
0x1: {  	(tag) =	ssettag $0x0;
	lr =	simm.s32 $0x1  }
0x2: {  	[smem:$0x3F90] =	sst lr;
	_ =	strace $0xD0000000  }
0x3: {  	_ = 	snop  }
0x4: {  	_ = 	snop  }
0x5: {  	_ = 	snop  }
0x6: {  	_ = 	snop  }
0x7: {  	_ = 	snop  }
__scs_overlays_trampoline_lowered:
0x8: {  	[smem:$0x3F9F] =	sst s0  }
0x9: {  	[smem:$0x3FA0] =	sst s1  }
0xa: {  	[smem:$0x3FA1] =	sst s2  }
0xb: {  	[smem:$0x3FA2] =	sst s3  }
0xc: {  	[smem:$0x3FA3] =	sst s4  }
0xd: {  	[smem:$0x3FA4] =	sst s5  }
0xe: {  	[smem:$0x3FA5] =	sst s6  }
0xf: {  	[smem:$0x3FA6] =	sst s7  }
0x10: {  	[smem:$0x3FA7] =	sst s8  }
0x11: {  	[smem:$0x3FA8] =	sst s9;
	s0 =	simm.s32 @!p0 $0x0  }
0x12: {  	s1 =	sld [smem:$0x3F8E];
	s0 =	simm.s32 @p0 $0x1  }
0x13: {  	[smem:$0x3FA9] =	sst s0;
	s0 =	simm.s32 @!p1 $0x0  }
0x14: {  	s2 =	sld [smem:$0x3F8D];
	s0 =	simm.s32 @p1 $0x1  }
0x15: {  	[smem:$0x3FAA] =	sst s0;
	s0 =	simm.s32 @!p2 $0x0  }
0x16: {  	s3 =	sld [smem:$0x3FDB];
	s0 =	simm.s32 @p2 $0x1  }
0x17: {  	s4 =	simm.s32 $0x1BF5;
	[smem:$0x3FAC] =	sst s0  }
0x18: {  	s0 =	sld [smem:$0x3F8F];
	_ =	swait.ge [sflag:s4], $0x0  }
0x19: {  	s7 =	sld [smem:$0x3F90]  }
0x1a: {  	s8 =	sadd.s32 $0xFFFFE003, lr  }
0x1b: {  	s9 =	sadd.s32 $0xFFFFFEF7, lr;
	s5 =	simm.s32 $0xFFFFFFFF;
	p2 =	slt.u32 s8, $0xFFFFF086  }
0x1c: {  	p1 =	slt.u32 s9, $0xF7A;
	s5 =	simm.s32 @!p2 $0x0  }
0x1d: {  	s5 =	simm.s32 @p1 $0x1;
	p0 =	seq.s32 s7, s2  }
0x1e: {  	s7 =	smul.u32 @!p0 $0xF7A, s2;
	p2 =	seq.s32 @!p0 s5, $0x0  }
0x1f: {  	s9 =	smul.u32 $0xF7A, s1;
	s8 =	simm.s32 @!p0 $0x1BF5;
	p2 =	por !p2, p0  }
0x20: {  	[sflag:s8] =	ssyncset.s32 @!p0 $0xFFFFF086;
	s6 =	sadd.s32 @!p0 s3, s7;
	s7 =	simm.s32 @!p0 $0x108  }
0x21: {  	s3 =	sadd.s32 s3, s9;
	s6 =	sadd.s32 @!p0 $0x88, s6;
	s7 =	simm.s32 @p2 $0x1082  }
0x22: {  	[simem:s7], [sflag:s8] =	dma.local @!p0 [hbm:s6], $0xF7A  }
0x23: {  	s9 =	sor.u32 $0xD0000000, s2;
	s6 =	simm.s32 $0x108;
	_ =	swait.ge @!p0 [sflag:s8], $0x0  }
0x24: {  	s3 =	sadd.s32 $0x88, s3;
	s6 =	simm.s32 @!p1 $0x1082;
	[sflag:s4] =	ssyncset.s32 $0xFFFFF086  }
0x25: {  	[simem:s6], [sflag:s4] =	dma.local [hbm:s3], $0xF7A  }
0x26: {  	[smem:$0x3F90] =	sst s1;
	(tag) =	ssettag s2;
	_ =	strace s9  }
0x27: {  	s1 =	sld [smem:$0x3FA0]  }
0x28: {  	s2 =	sld [smem:$0x3FA1]  }
0x29: {  	s4 =	sld [smem:$0x3FA3]  }
0x2a: {  	p0 =	seq.s32 s5, $0x0;
	s5 =	sld [smem:$0x3FA4]  }
0x2b: {  	s6 =	sld [smem:$0x3FA5]  }
0x2c: {  	s7 =	sld [smem:$0x3FA6]  }
0x2d: {  	s3 =	simm.s32 $0x108;
	s8 =	sld [smem:$0x3FA7]  }
0x2e: {  	s3 =	simm.s32 @!p0 $0x1082;
	s9 =	sld [smem:$0x3FA8]  }
0x2f: {  	lr =	sadd.s32 s0, s3;
	s0 =	sld [smem:$0x3F9F]  }
0x30: {  	s3 =	sld [smem:$0x3FA2]  }
0x31: {  	[smem:$0x3FAB] =	sst s10  }
0x32: {  	s10 =	sld [smem:$0x3FA9];
	_ =	sdelay $0x3  }
0x33: {  	p0 =	seq.s32 s10, $0x1;
	s10 =	sld [smem:$0x3FAB];
	_ =	sdelay $0x3  }
0x34: {  	[smem:$0x3FAB] =	sst s10  }
0x35: {  	s10 =	sld [smem:$0x3FAA];
	_ =	sdelay $0x3  }
0x36: {  	p1 =	seq.s32 s10, $0x1;
	s10 =	sld [smem:$0x3FAB];
	_ =	sdelay $0x3  }
0x37: {  	[smem:$0x3FAB] =	sst s10  }
0x38: {  	s10 =	sld [smem:$0x3FAC]  }
0x39: {  	_ = 	snop;
	(pc) =	sbr.ind lr, $3  }
0x3a: {  	_ = 	snop  }
0x3b: {  	_ = 	snop  }
0x3c: {  	p2 =	seq.s32 s10, $0x1;
	s10 =	sld [smem:$0x3FAB]  }
0x3d: {  	_ =	shalt  }
0x3e: {  	_ =	shalt  }
0x3f: {  	_ =	shalt  }
0x40: {  	_ =	shalt  }
0x41: {  	_ =	shalt  }
0x42: {  	_ =	shalt  }
0x43: {  	_ =	shalt  }
0x44: {  	_ =	shalt  }
0x45: {  	_ =	shalt  }
0x46: {  	_ =	shalt  }
0x47: {  	_ =	shalt  }
0x48: {  	_ =	shalt  }
0x49: {  	_ =	shalt  }
0x4a: {  	_ =	shalt  }
0x4b: {  	_ =	shalt  }
0x4c: {  	_ =	shalt  }
0x4d: {  	_ =	shalt  }
0x4e: {  	_ =	shalt  }
0x4f: {  	_ =	shalt  }
0x50: {  	_ =	shalt  }
0x51: {  	_ =	shalt  }
0x52: {  	_ =	shalt  }
0x53: {  	_ =	shalt  }
0x54: {  	_ =	shalt  }
0x55: {  	_ =	shalt  }
0x56: {  	_ =	shalt  }
0x57: {  	_ =	shalt  }
0x58: {  	_ =	shalt  }
0x59: {  	_ =	shalt  }
0x5a: {  	_ =	shalt  }
0x5b: {  	_ =	shalt  }
0x5c: {  	_ =	shalt  }
0x5d: {  	_ =	shalt  }
0x5e: {  	_ =	shalt  }
0x5f: {  	_ =	shalt  }
0x60: {  	_ =	shalt  }
0x61: {  	_ =	shalt  }
0x62: {  	_ =	shalt  }
0x63: {  	_ =	shalt  }
0x64: {  	_ =	shalt  }
0x65: {  	_ =	shalt  }
0x66: {  	_ =	shalt  }
0x67: {  	_ =	shalt  }
0x68: {  	_ =	shalt  }
0x69: {  	_ =	shalt  }
0x6a: {  	_ =	shalt  }
0x6b: {  	_ =	shalt  }
0x6c: {  	_ =	shalt  }
0x6d: {  	_ =	shalt  }
0x6e: {  	_ =	shalt  }
0x6f: {  	_ =	shalt  }
0x70: {  	_ =	shalt  }
0x71: {  	_ =	shalt  }
0x72: {  	_ =	shalt  }
0x73: {  	_ =	shalt  }
0x74: {  	_ =	shalt  }
0x75: {  	_ =	shalt  }
0x76: {  	_ =	shalt  }
0x77: {  	_ =	shalt  }
0x78: {  	_ =	shalt  }
0x79: {  	_ =	shalt  }
0x7a: {  	_ =	shalt  }
0x7b: {  	_ =	shalt  }
0x7c: {  	_ =	shalt  }
0x7d: {  	_ =	shalt  }
0x7e: {  	_ =	shalt  }
0x7f: {  	_ =	shalt  }
0x80: {  	_ =	shalt  }
0x81: {  	_ =	shalt  }
0x82: {  	_ =	shalt  }
0x83: {  	_ =	shalt  }
0x84: {  	_ =	shalt  }
0x85: {  	_ =	shalt  }
0x86: {  	_ =	shalt  }
0x87: {  	_ =	shalt  }
.Lfunc_end0:
.L_simem_size_0:
called_computation.3_lowered:
.L_overlay_start_0:
0x88: {  	s2 =	sld [smem:$0x3FD9]  }
0x89: {  	s3 =	sld [smem:$0x3FFE];
	_ =	sdelay $0x1  }
0x8a: {  	s1 =	srdreg.scid  }
0x8b: {  	s0 =	sand.u32 $0x1, s1  }
0x8c: {  	s17 =	sshll.u32 s0, $0xA;
	s2 =	sadd.s32 s3, s2  }
0x8d: {  	s2 =	sadd.s32 s2, s17  }
0x8e: {  	[smem:$0x3FB7] =	sst s2  }
0x8f: {  	_ = 	snop  }
0x90: {  	s2 =	sld [smem:$0x3FD0];
	(tm) =	ssettm $0x1  }
0x91: {  	s18 =	sld [smem:$0x3FFB];
	_ =	sdelay $0x3  }
0x92: {  	_ =	strace s18  }
0x93: {  	s3 =	sld [smem:$0x3FFC];
	_ =	sdelay $0x3  }
0x94: {  	_ =	strace s3  }
0x95: {  	s3 =	sld [smem:$0x3FFD];
	_ =	sdelay $0x3  }
0x96: {  	_ =	strace s3  }
0x97: {  	_ =	strace $0x8FFFFFFF  }
0x98: {  	s19 =	sld [smem:$0x3FDB];
	_ =	sdelay $0x1  }
0x99: {  	s4 =	simm.s32 $_scs_section_size  }
0x9a: {  	s5 =	simm.s32 $_size__tile_overlayer_lowered;
	s6 =	simm.s32 $_tile_overlayer_lowered  }
0x9b: {  	s22 =	simm.s32 $0x1BFF;
	s21 =	sshll.u32 s6, $0x1;
	s3 =	sadd.s32 s4, s19  }
0x9c: {  	s7 =	simm.s32 $0x0;
	s20 =	sshll.u32 s5, $0x1;
	s5 =	sadd.s32 s21, s3  }
0x9d: {  	[timem:s7], [sflag:s22] =	dma.local [hbm:s5], s20  }
0x9e: {  	_ =	swait.ge [sflag:s22], s20  }
0x9f: {  	s4 =	ssub.s32 $0x0, s20;
	[sflag:s22] =	ssyncset.done $0x0  }
0xa0: {  	[sflag:s22] =	ssyncadd.s32 s4;
	_ =	sdelay $0x1  }
0xa1: {  	s23 =	simm.s32 $0x1B8B  }
0xa2: {  	_ =	swait.ge [sflag:s23], $0x1  }
0xa3: {  	[sflag:s23] =	ssyncset.done $0x0  }
0xa4: {  	s25 =	simm.s32 $0x1B8E;
	s24 =	sld [smem:$0x3FFE];
	[sflag:s23] =	ssyncadd.s32 $0xFFFFFFFF  }
0xa5: {  	s26 =	simm.s32 $execute0_lowered;
	[smem:$0x3FD2] =	sst s25  }
0xa6: {  	s5 =	sshll.u32 s26, $0x1;
	_ =	strace $0x8000004F;
	[dreg:$0x1] =	wrdreg $0xFFFFFFFF  }
0xa7: {  	s28 =	simm.s32 $_size_execute0_lowered;
	s3 =	sadd.s32 s3, s5;
	[dreg:$0x0] =	wrdreg $0x0  }
0xa8: {  	s5 =	sshll.u32 s28, $0x1;
	[dreg:$0x2] =	wrdreg s3  }
0xa9: {  	[dreg:$0x3] =	wrdreg s5  }
0xaa: {  	[dreg:$0x4] =	wrdreg $0xC0  }
0xab: {  	_ =	task [dreg:s7], $0x5FFFF  }
0xac: {  	[dreg:$0x1] =	wrdreg $0xFFFFFFFF  }
0xad: {  	[dreg:$0x0] =	wrdreg $0x60  }
0xae: {  	[dreg:$0x2] =	wrdreg s24  }
0xaf: {  	[dreg:$0x3] =	wrdreg s2  }
0xb0: {  	[dreg:$0x4] =	wrdreg $0x0  }
0xb1: {  	[dreg:$0x5] =	wrdreg $0x9  }
0xb2: {  	_ =	task.clear_ibuf [dreg:s7], $0x6FFFF;
	_ =	strace $0x9000004F  }
0xb3: {  	s29 =	simm.s32 $0x9;
	_ =	strace $0x80000051  }
0xb4: {  	_ =	swait.ge [sflag:s29], $0x1  }
0xb5: {  	[sflag:s29] =	ssyncadd.s32 $0xFFFFFFFF  }
0xb6: {  	_ =	strace $0x90000051  }
0xb7: {  	_ =	sfence  }
0xb8: {  	s30 =	sld [smem:$0x0];
	_ =	sdelay $0x2  }
0xb9: {  	s31 =	sshll.u32 s1, $0xD;
	s1 =	sshrl.u32 s1, $0x2  }
0xba: {  	s3 =	sand.u32 $0x4000, s31;
	s1 =	sadd.s32 s1, s30  }
0xbb: {  	s0 =	sor.u32 s3, s0;
	s1 =	sshll.u32 s1, $0x11  }
0xbc: {  	s0 =	sor.u32 s1, s0  }
0xbd: {  	s0 =	sadd.s32 $0x8F2B, s0  }
0xbe: {  	[sflag:s0] =	ssyncadd.remote.s32 $0x1  }
0xbf: {  	_ =	sfence.sel $0xFFFF  }
0xc0: {  	[dreg:$0x0] =	wrdreg $0xFFFFFFFF;
	(pc) =	sbr.abs _section_cstart, $3  }
0xc1: {  	[dreg:$0x1] =	wrdreg $0xFFFFFFFF  }
0xc2: {  	_ =	task.clear_ibuf [dreg:s7], $0x2FFFF;
	_ =	strace $0x9FFFFFFF  }
0xc3: {  	(tm) =	ssettm $0x7FFFFFFF  }
tec
execute0_lowered:
.L_overlay_start_1:
0x0: {  	(tag) =	ssettag $0x1  }
0x1: {  	s0 =	rddreg [dreg:$0x0]  }
0x2: {  	s1 =	rddreg [dreg:$0x1]  }
0x3: {  	s2 =	rddreg [dreg:$0x2];
	s3 =	simm.s32 $0x0;
	s4 =	srdreg.scid  }
0x4: {  	s21 =	stileid.u32;
	s28 =	simm.s32 $0x17F00;
	s29 =	simm.s32 $0x1  }
0x5: {  	s30 =	simm.s32 $0x13E00;
	[smem:$0x7FF] =	sst s3;
	s7 =	smul.u32 $0x4F000, s21  }
0x6: {  	s5 =	sadd.s32 $0x3200, s0;
	s6 =	sadd.s32 $0xB200, s0;
	s9 =	smul.u32 $0x2780, s21  }
0x7: {  	s4 =	sand.u32 $0x1, s4;
	s8 =	sadd.s32 $0x8A00, s0;
	s12 =	smul.u32 $0x4E000, s21  }
0x8: {  	s0 =	sadd.s32 $0x5E400, s0;
	s18 =	sshll.u32 s21, $0x6;
	s14 =	smul.u32 $0x2700, s21  }
0x9: {  	p0 =	seq.s32 s21, $0xF;
	_ =	strace $0x80000050;
	s15 =	smul.u32 $0x1388, s4  }
0xa: {  	[dreg:$0x4] =	wrdreg s8;
	s17 =	ssub.s32 $0x2, s4;
	s13 =	smul.u32 $0x27100, s4  }
0xb: {  	s8 =	sor.u32 $0x1C03, s18;
	s4 =	smul.u32 $0x138800, s4;
	s18 =	simm.s32 $0x3  }
0xc: {  	s10 =	sshrl.u32 s17, $0x1;
	s7 =	sshrl.u32 s7, $0x2;
	s19 =	sshrl.u32 s9, $0x3  }
0xd: {  	s20 =	sshrl.u32 s12, $0x2;
	s10 =	ssub.s32 s17, s10;
	s16 =	sadd.s32 s7, s2  }
0xe: {  	s11 =	sadd.s32 s6, s19;
	s31 =	sadd.s32 $0x1388, s15;
	s7 =	sadd.s32 s5, s19  }
0xf: {  	s22 =	sadd.s32 s14, s13;
	s4 =	sshrl.u32 s4, $0x3;
	s17 =	smul.u32 $0x4F0, s21  }
0x10: {  	s23 =	sadd.s32 s20, s2;
	s19 =	simm.s32 $0x13C00;
	[dreg:$0x5] =	wrdreg s11  }
0x11: {  	s20 =	simm.s32 $0x80;
	s21 =	simm.s32 $0x13D00;
	[dreg:$0x6] =	wrdreg s7  }
0x12: {  	s11 =	sadd.s32 $0x80, s9;
	s24 =	sadd.s32 s0, s22;
	s0 =	sadd.s32 s0, s4  }
0x13: {  	s4 =	sadd.s32 $0x124800, s2;
	s14 =	smax.u32 s10, $0x1;
	s23 =	sshrl.u32 @!p0 s23, $0x3  }
0x14: {  	v1 =	vmov s31;
	s31 =	simm.s32 $0x2;
	[dreg:$0x7] =	wrdreg s24;
	s0 =	sadd.s32 $0x24900, s0  }
0x15: {  	s25 =	sadd.s32 s17, s5;
	s26 =	sadd.s32 s17, s6;
	s17 =	sshrl.u32 s16, $0x3  }
0x16: {  	s22 =	sshrl.u32 @p0 s4, $0x3;
	s24 =	simm.s32 $0x13F00;
	s4 =	simm.s32 $0x0  }
0x17: {  	[dreg:$0x8] =	wrdreg s0;
	s9 =	sadd.s32 $0x8, s25;
	s7 =	sadd.s32 $0x8, s26  }
0x18: {  	v0 =	vmov s15;
	s25 =	simm.s32 $0x13C80;
	s26 =	simm.s32 $0x13D80;
	s0 =	simm.s32 $0x13E80  }
.LBB2_1:
0x19: {  	s10 =	rddreg [dreg:$0x4]  }
0x1a: {  	[spmem:s17], [sflag:s8] =	dma.local [hbm:s10], $0x2780  }
0x1b: {  	_ =	swait.ge [sflag:s18], $0x2780  }
0x1c: {  	[sflag:s18] =	ssyncset.done $0x0  }
0x1d: {  	[sflag:s18] =	ssyncadd.s32 $0xFFFFD880  }
0x1e: {  	[bflag:$0x0] =	sbarrier.arrive $0xFFFF  }
0x1f: {  	s15 =	rddreg [dreg:$0x5]  }
0x20: {  	[tilespmem:s19], [sflag:$0x3] =	stream.linear.gather [hbm4b:s15+s3], $0x40, $0x38;
	[tilespmem:$0x1BF00] =	vst v63  }
0x21: {  	_ =	swait.ge [sflag:s18], $0x40  }
0x22: {  	[sflag:s18] =	ssyncset.done $0x0  }
0x23: {  	[sflag:s18] =	ssyncadd.s32 $0xFFFFFFC0  }
0x24: {  	v2 =	vld [tilespmem:$0x13C00]  }
0x25: {  	v3 =	vld [tilespmem:$0x13C10]  }
0x26: {  	v4 =	vld [tilespmem:$0x13C20];
	_ =	sdelay $0x2  }
0x27: {  	v6 =	vld [tilespmem:$0x13C30];
	vm0 =	vge.s32 v2, v0;
	vm1 =	vlt.s32 v2, v1  }
0x28: {  	v2 =	vsub.s32 v2, v0;
	vm6 =	vge.s32 v3, v0;
	vm2 =	vlt.s32 v3, v1  }
0x29: {  	v3 =	vsub.s32 v3, v0;
	vm7 =	vge.s32 v4, v0;
	vm8 =	vlt.s32 v4, v1  }
0x2a: {  	vm0 =	vmand vm0, vm1;
	v2 =	vshll.u32 v2, $0x1;
	vm1 =	vmand vm6, vm2  }
0x2b: {  	v3 =	vshll.u32 v3, $0x1;
	v5 =	vor.u32 $0x1, v2;
	v2 =	vnsel vm0, $0xFFFFFFFF, v2  }
0x2c: {  	vm9 =	vge.s32 v6, v0;
	vm10 =	vlt.s32 v6, v1;
	v7 =	vnsel vm1, $0xFFFFFFFF, v3;
	[tilespmem:$0x13E00] =	vst v2  }
0x2d: {  	v3 =	vor.u32 $0x1, v3;
	v5 =	vnsel vm0, $0xFFFFFFFF, v5;
	v2 =	vsub.s32 v4, v0;
	[tilespmem:$0x13E20] =	vst v7  }
0x2e: {  	vm0 =	vmand vm7, vm8;
	v3 =	vnsel vm1, $0xFFFFFFFF, v3;
	[tilespmem:$0x13E10] =	vst v5;
	v2 =	vshll.u32 v2, $0x1  }
0x2f: {  	[tilespmem:$0x13E30] =	vst v3;
	v3 =	vsub.s32 v6, v0;
	v57 =	vnsel vm0, $0xFFFFFFFF, v2;
	v2 =	vor.u32 $0x1, v2  }
0x30: {  	vm11 =	vmand vm9, vm10;
	v3 =	vshll.u32 v3, $0x1;
	v2 =	vnsel vm0, $0xFFFFFFFF, v2;
	[tilespmem:$0x13E40] =	vst v57  }
0x31: {  	[tilespmem:$0x13E50] =	vst v2;
	v2 =	vnsel vm11, $0xFFFFFFFF, v3;
	v3 =	vor.u32 $0x1, v3  }
0x32: {  	[tilespmem:$0x13E60] =	vst v2;
	v2 =	vnsel vm11, $0xFFFFFFFF, v3  }
0x33: {  	s16 =	rddreg [dreg:$0x6];
	[tilespmem:$0x13E70] =	vst v2  }
0x34: {  	[tilespmem:s19], [sflag:$0x3] =	stream.linear.gather [hbm4b:s16+s3], $0x40, $0x38;
	[tilespmem:$0x1BF00] =	vst v63  }
0x35: {  	_ =	swait.ge [sflag:s18], $0x40  }
0x36: {  	[sflag:s18] =	ssyncset.done $0x0  }
0x37: {  	[sflag:s18] =	ssyncadd.s32 $0xFFFFFFC0  }
0x38: {  	v2 =	vld [tilespmem:$0x13E00]  }
0x39: {  	v3 =	vld [tilespmem:$0x13C00]  }
0x3a: {  	v58 =	vld [tilespmem:$0x13E20]  }
0x3b: {  	v59 =	vld [tilespmem:$0x13C10]  }
0x3c: {  	v60 =	vld [tilespmem:$0x13E40]  }
0x3d: {  	v61 =	vld [tilespmem:$0x13C20]  }
0x3e: {  	v9 =	vld [tilespmem:$0x13C30];
	vm12 =	vgt.s32 v2, $0xFFFFFFFF;
	v2 =	vshll.u32 v3, $0x1  }
0x3f: {  	v3 =	vld [tilespmem:$0x13E60];
	v8 =	vnsel vm12, $0xFFFFFFFF, v2;
	v2 =	vor.u32 $0x1, v2  }
0x40: {  	vm13 =	vgt.s32 v58, $0xFFFFFFFF;
	v62 =	vshll.u32 v59, $0x1;
	[tilespmem:$0x13D00] =	vst v8;
	v2 =	vnsel vm12, $0xFFFFFFFF, v2  }
0x41: {  	v4 =	vor.u32 $0x1, v62;
	[tilespmem:$0x13D10] =	vst v2;
	v2 =	vnsel vm13, $0xFFFFFFFF, v62  }
0x42: {  	vm14 =	vgt.s32 v60, $0xFFFFFFFF;
	v63 =	vshll.u32 v61, $0x1;
	[tilespmem:$0x13D20] =	vst v2;
	v2 =	vnsel vm13, $0xFFFFFFFF, v4  }
0x43: {  	v4 =	vor.u32 $0x1, v63;
	[tilespmem:$0x13D30] =	vst v2;
	v2 =	vnsel vm14, $0xFFFFFFFF, v63  }
0x44: {  	vm15 =	vgt.s32 v3, $0xFFFFFFFF;
	v3 =	vshll.u32 v9, $0x1;
	[tilespmem:$0x13D40] =	vst v2;
	v2 =	vnsel vm14, $0xFFFFFFFF, v4  }
0x45: {  	[tilespmem:$0x13D50] =	vst v2;
	v2 =	vnsel vm15, $0xFFFFFFFF, v3;
	v3 =	vor.u32 $0x1, v3  }
0x46: {  	[tilespmem:$0x13D60] =	vst v2;
	v2 =	vnsel vm15, $0xFFFFFFFF, v3  }
0x47: {  	s10 =	simm.s32 $0x0;
	[tilespmem:$0x13D70] =	vst v2;
	(ifvalue) =	ssetifvalue $0xFFFFFFFF  }
0x48: {  	s15 =	smov.u32 s9;
	s16 =	smov.u32 s7;
	(ifvalue) =	ssetifvalue $0xFFFFFFFF  }
0x49: {  	[tilespmem:s24], [sflag:$0x1] =	stream.indirect.gather [hbm4b:s1+s20], $0x80, s21, s20, $0x40b8;
	[tilespmem:$0x1BF00] =	vst v63  }
.LBB2_2:
0x4a: {  	[tilespmem:s25], [sflag:$0x3] =	stream.linear.gather [hbm4b:s16+s3], $0x40, $0x38;
	[tilespmem:$0x1BF00] =	vst v63  }
0x4b: {  	_ =	swait.ge [sflag:s18], $0x40  }
0x4c: {  	[sflag:s18] =	ssyncset.done $0x0  }
0x4d: {  	[sflag:s18] =	ssyncadd.s32 $0xFFFFFFC0  }
0x4e: {  	v2 =	vld [tilespmem:$0x13C80]  }
0x4f: {  	v3 =	vld [tilespmem:$0x13C90]  }
0x50: {  	v4 =	vld [tilespmem:$0x13CA0];
	_ =	sdelay $0x2  }
0x51: {  	v6 =	vld [tilespmem:$0x13CB0];
	vm0 =	vge.s32 v2, v0;
	vm1 =	vlt.s32 v2, v1  }
0x52: {  	v2 =	vsub.s32 v2, v0;
	vm5 =	vge.s32 v3, v0;
	vm2 =	vlt.s32 v3, v1  }
0x53: {  	v3 =	vsub.s32 v3, v0;
	vm6 =	vge.s32 v4, v0;
	vm7 =	vlt.s32 v4, v1  }
0x54: {  	vm0 =	vmand vm0, vm1;
	v2 =	vshll.u32 v2, $0x1;
	vm1 =	vmand vm5, vm2  }
0x55: {  	v3 =	vshll.u32 v3, $0x1;
	v5 =	vor.u32 $0x1, v2;
	v2 =	vnsel vm0, $0xFFFFFFFF, v2  }
0x56: {  	vm8 =	vge.s32 v6, v0;
	vm9 =	vlt.s32 v6, v1;
	v7 =	vnsel vm1, $0xFFFFFFFF, v3;
	[tilespmem:$0x13E80] =	vst v2  }
0x57: {  	v3 =	vor.u32 $0x1, v3;
	v5 =	vnsel vm0, $0xFFFFFFFF, v5;
	v2 =	vsub.s32 v4, v0;
	[tilespmem:$0x13EA0] =	vst v7  }
0x58: {  	vm0 =	vmand vm6, vm7;
	v3 =	vnsel vm1, $0xFFFFFFFF, v3;
	[tilespmem:$0x13E90] =	vst v5;
	v2 =	vshll.u32 v2, $0x1  }
0x59: {  	[tilespmem:$0x13EB0] =	vst v3;
	v3 =	vsub.s32 v6, v0;
	v44 =	vnsel vm0, $0xFFFFFFFF, v2;
	v2 =	vor.u32 $0x1, v2  }
0x5a: {  	vm10 =	vmand vm8, vm9;
	v3 =	vshll.u32 v3, $0x1;
	[tilespmem:$0x13EC0] =	vst v44;
	v2 =	vnsel vm0, $0xFFFFFFFF, v2  }
0x5b: {  	[tilespmem:$0x13ED0] =	vst v2;
	v2 =	vnsel vm10, $0xFFFFFFFF, v3;
	v3 =	vor.u32 $0x1, v3  }
0x5c: {  	[tilespmem:$0x13EE0] =	vst v2;
	v2 =	vnsel vm10, $0xFFFFFFFF, v3  }
0x5d: {  	[tilespmem:$0x13EF0] =	vst v2  }
0x5e: {  	[tilespmem:s25], [sflag:$0x3] =	stream.linear.gather [hbm4b:s15+s3], $0x40, $0x38;
	[tilespmem:$0x1BF00] =	vst v63  }
0x5f: {  	_ =	swait.ge [sflag:s18], $0x40  }
0x60: {  	[sflag:s18] =	ssyncset.done $0x0  }
0x61: {  	[sflag:s18] =	ssyncadd.s32 $0xFFFFFFC0  }
0x62: {  	v2 =	vld [tilespmem:$0x13E80]  }
0x63: {  	v3 =	vld [tilespmem:$0x13C80]  }
0x64: {  	v45 =	vld [tilespmem:$0x13EA0]  }
0x65: {  	v46 =	vld [tilespmem:$0x13C90]  }
0x66: {  	v47 =	vld [tilespmem:$0x13EC0]  }
0x67: {  	v48 =	vld [tilespmem:$0x13CA0]  }
0x68: {  	v9 =	vld [tilespmem:$0x13CB0];
	vm11 =	vgt.s32 v2, $0xFFFFFFFF;
	v2 =	vshll.u32 v3, $0x1  }
0x69: {  	v3 =	vld [tilespmem:$0x13EE0];
	v8 =	vnsel vm11, $0xFFFFFFFF, v2;
	v2 =	vor.u32 $0x1, v2  }
0x6a: {  	vm12 =	vgt.s32 v45, $0xFFFFFFFF;
	v49 =	vshll.u32 v46, $0x1;
	[tilespmem:$0x13D80] =	vst v8;
	v2 =	vnsel vm11, $0xFFFFFFFF, v2  }
0x6b: {  	v4 =	vor.u32 $0x1, v49;
	[tilespmem:$0x13D90] =	vst v2;
	v2 =	vnsel vm12, $0xFFFFFFFF, v49  }
0x6c: {  	vm13 =	vgt.s32 v47, $0xFFFFFFFF;
	v50 =	vshll.u32 v48, $0x1;
	[tilespmem:$0x13DA0] =	vst v2;
	v2 =	vnsel vm12, $0xFFFFFFFF, v4  }
0x6d: {  	v4 =	vor.u32 $0x1, v50;
	[tilespmem:$0x13DB0] =	vst v2;
	v2 =	vnsel vm13, $0xFFFFFFFF, v50  }
0x6e: {  	vm14 =	vgt.s32 v3, $0xFFFFFFFF;
	v3 =	vshll.u32 v9, $0x1;
	[tilespmem:$0x13DC0] =	vst v2;
	v2 =	vnsel vm13, $0xFFFFFFFF, v4  }
0x6f: {  	[tilespmem:$0x13DD0] =	vst v2;
	v2 =	vnsel vm14, $0xFFFFFFFF, v3;
	v3 =	vor.u32 $0x1, v3  }
0x70: {  	[tilespmem:$0x13DE0] =	vst v2;
	v2 =	vnsel vm14, $0xFFFFFFFF, v3  }
0x71: {  	[tilespmem:$0x13DF0] =	vst v2;
	(ifvalue) =	ssetifvalue $0xFFFFFFFF  }
0x72: {  	(ifvalue) =	ssetifvalue $0xFFFFFFFF  }
0x73: {  	[tilespmem:s28], [sflag:$0x2] =	stream.indirect.gather [hbm4b:s1+s20], $0x80, s26, s20, $0x40b8;
	[tilespmem:$0x1BF00] =	vst v63  }
0x74: {  	_ =	swait.ge [sflag:s29], $0x4000  }
0x75: {  	s12 =	smin.u32 s10, $0x9B;
	[sflag:s29] =	ssyncset.done $0x0  }
0x76: {  	s12 =	sshll.u32 s12, $0x6;
	[sflag:s29] =	ssyncadd.s32 $0xFFFFC000;
	(ifvalue) =	ssetifvalue $0xFFFFFFFF  }
0x77: {  	[spmem:s2] =	stream.indirect.scatter.add.f32 [tilespmem:s24], [sflag:$0x3], $0x80, s30, s20, $0x40b8;
	[tilespmem:$0x1BF00] =	vst v63  }
0x78: {  	s12 =	sadd.s32 s12, s11;
	_ =	swait.ge [sflag:s18], $0x4000  }
0x79: {  	s12 =	sshrl.u32 s12, $0x3;
	[sflag:s18] =	ssyncset.done $0x0  }
0x7a: {  	s13 =	sadd.s32 s6, s12;
	[sflag:s18] =	ssyncadd.s32 $0xFFFFC000  }
0x7b: {  	[tilespmem:s19], [sflag:$0x3] =	stream.linear.gather [hbm4b:s13+s3], $0x40, $0x38;
	[tilespmem:$0x1BF00] =	vst v63  }
0x7c: {  	_ =	swait.ge [sflag:s18], $0x40  }
0x7d: {  	[sflag:s18] =	ssyncset.done $0x0  }
0x7e: {  	[sflag:s18] =	ssyncadd.s32 $0xFFFFFFC0  }
0x7f: {  	v2 =	vld [tilespmem:$0x13C00]  }
0x80: {  	v3 =	vld [tilespmem:$0x13C10]  }
0x81: {  	v51 =	vld [tilespmem:$0x13C20];
	_ =	sdelay $0x2  }
0x82: {  	v53 =	vld [tilespmem:$0x13C30];
	vm15 =	vge.s32 v2, v0;
	vm4 =	vlt.s32 v2, v1  }
0x83: {  	v2 =	vsub.s32 v2, v0;
	vm5 =	vge.s32 v3, v0;
	vm6 =	vlt.s32 v3, v1  }
0x84: {  	v3 =	vsub.s32 v3, v0;
	vm7 =	vge.s32 v51, v0;
	vm8 =	vlt.s32 v51, v1  }
0x85: {  	vm0 =	vmand vm15, vm4;
	v2 =	vshll.u32 v2, $0x1;
	vm1 =	vmand vm5, vm6  }
0x86: {  	v3 =	vshll.u32 v3, $0x1;
	v52 =	vor.u32 $0x1, v2;
	v2 =	vnsel vm0, $0xFFFFFFFF, v2  }
0x87: {  	vm9 =	vge.s32 v53, v0;
	vm10 =	vlt.s32 v53, v1;
	v54 =	vnsel vm1, $0xFFFFFFFF, v3;
	[tilespmem:$0x13E00] =	vst v2  }
0x88: {  	v3 =	vor.u32 $0x1, v3;
	v5 =	vnsel vm0, $0xFFFFFFFF, v52;
	v2 =	vsub.s32 v51, v0;
	[tilespmem:$0x13E20] =	vst v54  }
0x89: {  	vm0 =	vmand vm7, vm8;
	v3 =	vnsel vm1, $0xFFFFFFFF, v3;
	[tilespmem:$0x13E10] =	vst v5;
	v2 =	vshll.u32 v2, $0x1  }
0x8a: {  	[tilespmem:$0x13E30] =	vst v3;
	v3 =	vsub.s32 v53, v0;
	v55 =	vnsel vm0, $0xFFFFFFFF, v2;
	v2 =	vor.u32 $0x1, v2  }
0x8b: {  	vm11 =	vmand vm9, vm10;
	v3 =	vshll.u32 v3, $0x1;
	v2 =	vnsel vm0, $0xFFFFFFFF, v2;
	[tilespmem:$0x13E40] =	vst v55  }
0x8c: {  	[tilespmem:$0x13E50] =	vst v2;
	v2 =	vnsel vm11, $0xFFFFFFFF, v3;
	v3 =	vor.u32 $0x1, v3  }
0x8d: {  	[tilespmem:$0x13E60] =	vst v2;
	v2 =	vnsel vm11, $0xFFFFFFFF, v3  }
0x8e: {  	s12 =	sadd.s32 s5, s12;
	[tilespmem:$0x13E70] =	vst v2  }
0x8f: {  	[tilespmem:s19], [sflag:$0x3] =	stream.linear.gather [hbm4b:s12+s3], $0x40, $0x38;
	[tilespmem:$0x1BF00] =	vst v63  }
0x90: {  	_ =	swait.ge [sflag:s18], $0x40  }
0x91: {  	[sflag:s18] =	ssyncset.done $0x0  }
0x92: {  	[sflag:s18] =	ssyncadd.s32 $0xFFFFFFC0  }
0x93: {  	v2 =	vld [tilespmem:$0x13E00]  }
0x94: {  	v3 =	vld [tilespmem:$0x13C00]  }
0x95: {  	v56 =	vld [tilespmem:$0x13E20]  }
0x96: {  	v57 =	vld [tilespmem:$0x13C10]  }
0x97: {  	v58 =	vld [tilespmem:$0x13E40]  }
0x98: {  	v59 =	vld [tilespmem:$0x13C20]  }
0x99: {  	v61 =	vld [tilespmem:$0x13C30];
	vm12 =	vgt.s32 v2, $0xFFFFFFFF;
	v2 =	vshll.u32 v3, $0x1  }
0x9a: {  	v3 =	vld [tilespmem:$0x13E60];
	v60 =	vnsel vm12, $0xFFFFFFFF, v2;
	v2 =	vor.u32 $0x1, v2  }
0x9b: {  	vm13 =	vgt.s32 v56, $0xFFFFFFFF;
	v62 =	vshll.u32 v57, $0x1;
	[tilespmem:$0x13D00] =	vst v60;
	v2 =	vnsel vm12, $0xFFFFFFFF, v2  }
0x9c: {  	v4 =	vor.u32 $0x1, v62;
	[tilespmem:$0x13D10] =	vst v2;
	v2 =	vnsel vm13, $0xFFFFFFFF, v62  }
0x9d: {  	vm14 =	vgt.s32 v58, $0xFFFFFFFF;
	v63 =	vshll.u32 v59, $0x1;
	[tilespmem:$0x13D20] =	vst v2;
	v2 =	vnsel vm13, $0xFFFFFFFF, v4  }
0x9e: {  	v4 =	vor.u32 $0x1, v63;
	[tilespmem:$0x13D30] =	vst v2;
	v2 =	vnsel vm14, $0xFFFFFFFF, v63  }
0x9f: {  	vm15 =	vgt.s32 v3, $0xFFFFFFFF;
	v3 =	vshll.u32 v61, $0x1;
	[tilespmem:$0x13D40] =	vst v2;
	v2 =	vnsel vm14, $0xFFFFFFFF, v4  }
0xa0: {  	[tilespmem:$0x13D50] =	vst v2;
	v2 =	vnsel vm15, $0xFFFFFFFF, v3;
	v3 =	vor.u32 $0x1, v3  }
0xa1: {  	[tilespmem:$0x13D60] =	vst v2;
	v2 =	vnsel vm15, $0xFFFFFFFF, v3  }
0xa2: {  	[tilespmem:$0x13D70] =	vst v2;
	(ifvalue) =	ssetifvalue $0xFFFFFFFF  }
0xa3: {  	(ifvalue) =	ssetifvalue $0xFFFFFFFF  }
0xa4: {  	[tilespmem:s24], [sflag:$0x1] =	stream.indirect.gather [hbm4b:s1+s20], $0x80, s21, s20, $0x40b8;
	[tilespmem:$0x1BF00] =	vst v63  }
0xa5: {  	_ =	swait.ge [sflag:s31], $0x4000  }
0xa6: {  	p1 =	sne.s32 s10, $0x9C;
	[sflag:s31] =	ssyncset.done $0x0  }
.Ltmp0:
0xa7: {  	[sflag:s31] =	ssyncadd.s32 $0xFFFFC000;
	(ifvalue) =	ssetifvalue $0xFFFFFFFF;
	(pc) =	sbr.rel @p1 .LBB2_2-.Ltmp0, $4  }
0xa8: {  	[spmem:s2] =	stream.indirect.scatter.add.f32 [tilespmem:s28], [sflag:$0x3], $0x80, s0, s20, $0x40b8;
	[tilespmem:$0x1BF00] =	vst v63  }
0xa9: {  	_ =	swait.ge [sflag:s18], $0x4000  }
0xaa: {  	s16 =	sadd.s32 $0x10, s16;
	[sflag:s18] =	ssyncset.done $0x0  }
0xab: {  	s10 =	sadd.s32 $0x2, s10;
	s15 =	sadd.s32 $0x10, s15;
	[sflag:s18] =	ssyncadd.s32 $0xFFFFC000  }
0xac: {  	_ =	swait.ge [sflag:s29], $0x4000  }
0xad: {  	[sflag:s29] =	ssyncset.done $0x0  }
0xae: {  	[sflag:s29] =	ssyncadd.s32 $0xFFFFC000  }
0xaf: {  	[bflag:$0x0] =	sbarrier.arrive $0xFFFF  }
0xb0: {  	s10 =	rddreg [dreg:$0x8]  }
0xb1: {  	[hbm:s10], [sflag:s8] =	dma.local @p0 [spmem:s22], $0x2800  }
0xb2: {  	s10 =	simm.s32 @p0 $0x3  }
0xb3: {  	_ =	swait.ge @p0 [sflag:s10], $0x2800  }
0xb4: {  	s4 =	sadd.s32 $0x1, s4;
	[sflag:s10] =	ssyncset.done @p0 $0x0  }
0xb5: {  	p1 =	sne.s32 s4, s14;
	[sflag:s10] =	ssyncadd.s32 @p0 $0xFFFFD800;
	s10 =	rddreg [dreg:$0x7]  }
0xb6: {  	[hbm:s10], [sflag:s8] =	dma.local @!p0 [spmem:s23], $0x2700  }
.Ltmp1:
0xb7: {  	_ = 	snop;
	(pc) =	sbr.rel @p1 .LBB2_1-.Ltmp1, $4  }
0xb8: {  	s10 =	simm.s32 @!p0 $0x3  }
0xb9: {  	_ =	swait.ge @!p0 [sflag:s10], $0x2700  }
0xba: {  	[sflag:s10] =	ssyncset.done @!p0 $0x0  }
0xbb: {  	[sflag:s10] =	ssyncadd.s32 @!p0 $0xFFFFD900  }
0xbc: {  	_ =	sfence.sel $0x180000  }
0xbd: {  	[bflag:$0x0] =	sbarrier.arrive $0xFFFF  }
0xbe: {  	_ =	strace $0x90000050  }
0xbf: {  	s0 =	stileid.u32;
	[bflag:$0x2] =	sbarrier.arrive $0xFFFF  }
0xc0: {  	p0 =	sne.s32 s0, $0x0;
	s0 =	rddreg [dreg:$0x3]  }
0xc1: {  	s0 =	sadd.s32 @!p0 $0x100000, s0  }
0xc2: {  	[sflag:s0] =	ssyncadd.tile.s32 @!p0 $0x1;
	_ =	shalt  }
.Lfunc_end2:
_tile_overlayer_lowered:
.L_overlay_start_2:
0xc3: {  	(tag) =	ssettag $0x2  }
0xc4: {  	s0 =	rddreg [dreg:$0x0];
	s2 =	stileid.u32  }
0xc5: {  	s1 =	rddreg [dreg:$0x1];
	p0 =	sne.s32 s2, $0x0  }
0xc6: {  	s3 =	rddreg [dreg:$0x2];
	[bflag:$0x3] =	sbarrier.arrive $0xFFFF;
	s2 =	simm.s32 @!p0 $0x1C03  }
0xc7: {  	[timem:s3], [sflag:s2] =	dma.local @!p0 [hbm:s0], s1  }
0xc8: {  	s0 =	simm.s32 @!p0 $0x3  }
0xc9: {  	_ =	swait.ge @!p0 [sflag:s0], s1  }
0xca: {  	s1 =	ssub.s32 @!p0 $0x0, s1;
	[sflag:s0] =	ssyncset.done @!p0 $0x0  }
0xcb: {  	[sflag:s0] =	ssyncadd.s32 @!p0 s1  }
0xcc: {  	[bflag:$0x3] =	sbarrier.arrive $0xFFFF  }
0xcd: {  	_ =	shalt  }

</sc_bundles>
